<compile_context>
chip_gen: v7x
topology: tpu7x:2x2x1
jax: 0.10.2.dev20260603
libtpu: 0.0.44.dev20260713+nightly
codegen_flags: <defaults>
</compile_context>

<pallas_src>
import functools

import jax
import jax.numpy as jnp
from jax import lax
from jax.experimental import pallas as pl
from jax.experimental.pallas import tpu as pltpu
from jax.experimental.pallas import tpu_sc as plsc

_N_NODES = 50000
_N_GRAPHS = 512
_N_SPECIES = 119
_NW = 16
_CHUNK = 3136
_TAIL = _N_NODES - (_NW - 1) * _CHUNK
_EXTRA = _CHUNK - _TAIL
_ROW = 529
_LANES = 16
_ACC = 8512
_GPW = _N_GRAPHS // _NW

_SOFTPLUS_C = 0.5413248546129181


def _ln_1to2(x):
    z = (x - 1.0) / (x + 1.0)
    z2 = z * z
    return 2.0 * z * (1.0 + z2 * (1.0 / 3.0 + z2 * (0.2 + z2 * (1.0 / 7.0 + z2 * (1.0 / 9.0)))))


def _softplus(v):
    t = jnp.exp(-jnp.abs(v))
    return jnp.maximum(v, 0.0) + _ln_1to2(1.0 + t)


def _sc_body(e_hbm, sp_hbm, g_hbm, scale_hbm, shift_hbm, gs_hbm, gsh_hbm, nn_hbm,
             out_hbm,
             e_v, sp_v, g_v, scale_v, shift_v, gs_v, gsh_v, nn_v,
             acc_sc, acc_sh, acc_e, res_sc, res_sh, res_e,
             gat_v, fin_v, shared, sem_in, sem_out):
    wid = lax.axis_index("s")
    base = wid * _CHUNK
    not_last = wid != _NW - 1

    pltpu.async_copy(e_hbm.at[pl.ds(base, _TAIL)], e_v.at[pl.ds(0, _TAIL)], sem_in)
    pltpu.async_copy(sp_hbm.at[pl.ds(base, _TAIL)], sp_v.at[pl.ds(0, _TAIL)], sem_in)
    pltpu.async_copy(g_hbm.at[pl.ds(base, _TAIL)], g_v.at[pl.ds(0, _TAIL)], sem_in)
    pltpu.async_copy(scale_hbm, scale_v, sem_in)
    pltpu.async_copy(shift_hbm, shift_v, sem_in)
    pltpu.async_copy(gs_hbm, gs_v.at[pl.ds(0, 1)], sem_in)
    pltpu.async_copy(gsh_hbm, gsh_v.at[pl.ds(0, 1)], sem_in)
    pltpu.async_copy(nn_hbm, nn_v, sem_in)

    @pl.when(not_last)
    def _fire_extra():
        pltpu.async_copy(e_hbm.at[pl.ds(base + _TAIL, _EXTRA)],
                         e_v.at[pl.ds(_TAIL, _EXTRA)], sem_in)
        pltpu.async_copy(sp_hbm.at[pl.ds(base + _TAIL, _EXTRA)],
                         sp_v.at[pl.ds(_TAIL, _EXTRA)], sem_in)
        pltpu.async_copy(g_hbm.at[pl.ds(base + _TAIL, _EXTRA)],
                         g_v.at[pl.ds(_TAIL, _EXTRA)], sem_in)

    zero = jnp.zeros((_LANES,), jnp.float32)

    @plsc.parallel_loop(0, _ACC // _LANES, unroll=4)
    def _zero(j):
        sl = pl.ds(j * _LANES, _LANES)
        acc_sc[sl] = zero
        acc_sh[sl] = zero
        acc_e[sl] = zero

    pltpu.make_async_copy(e_hbm.at[pl.ds(base, _TAIL)], e_v.at[pl.ds(0, _TAIL)], sem_in).wait()
    pltpu.make_async_copy(sp_hbm.at[pl.ds(base, _TAIL)], sp_v.at[pl.ds(0, _TAIL)], sem_in).wait()
    pltpu.make_async_copy(g_hbm.at[pl.ds(base, _TAIL)], g_v.at[pl.ds(0, _TAIL)], sem_in).wait()
    pltpu.make_async_copy(scale_hbm, scale_v, sem_in).wait()
    pltpu.make_async_copy(shift_hbm, shift_v, sem_in).wait()
    pltpu.make_async_copy(gs_hbm, gs_v.at[pl.ds(0, 1)], sem_in).wait()
    pltpu.make_async_copy(gsh_hbm, gsh_v.at[pl.ds(0, 1)], sem_in).wait()
    pltpu.make_async_copy(nn_hbm, nn_v, sem_in).wait()

    @pl.when(not_last)
    def _drain_extra():
        pltpu.make_async_copy(e_hbm.at[pl.ds(base + _TAIL, _EXTRA)],
                              e_v.at[pl.ds(_TAIL, _EXTRA)], sem_in).wait()
        pltpu.make_async_copy(sp_hbm.at[pl.ds(base + _TAIL, _EXTRA)],
                              sp_v.at[pl.ds(_TAIL, _EXTRA)], sem_in).wait()
        pltpu.make_async_copy(g_hbm.at[pl.ds(base + _TAIL, _EXTRA)],
                              g_v.at[pl.ds(_TAIL, _EXTRA)], sem_in).wait()

    lane_off = lax.iota(jnp.int32, _LANES) * _ROW

    def do_group(gi):
        sl = pl.ds(gi * _LANES, _LANES)
        addr = lane_off + g_v[sl]
        plsc.addupdate_scatter(acc_sc, [addr], plsc.load_gather(scale_v, [sp_v[sl]]))
        plsc.addupdate_scatter(acc_sh, [addr], plsc.load_gather(shift_v, [sp_v[sl]]))
        plsc.addupdate_scatter(acc_e, [addr], e_v[sl])

    g_tail = _TAIL // _LANES
    g_all = _CHUNK // _LANES

    @plsc.parallel_loop(0, g_tail - 1, unroll=4)
    def _main(gi):
        do_group(gi)

    do_group(g_tail - 1)

    @pl.when(not_last)
    def _steps_extra():
        @plsc.parallel_loop(g_tail, g_all, unroll=1)
        def _main_extra(gi):
            do_group(gi)

    for q, (acc, res) in enumerate(
        ((acc_sc, res_sc), (acc_sh, res_sh), (acc_e, res_e))
    ):
        @plsc.parallel_loop(0, _N_GRAPHS // _LANES, unroll=2)
        def _reduce(j, acc=acc, res=res):
            off = j * _LANES
            vals = [acc[pl.ds(lane * _ROW + off, _LANES)] for lane in range(_LANES)]
            while len(vals) > 1:
                vals = [a + b for a, b in zip(vals[::2], vals[1::2])]
            res[pl.ds(off, _LANES)] = vals[0]

        pltpu.sync_copy(res, shared.at[q, wid])

    plsc.subcore_barrier()

    col = wid * _GPW
    lane0 = lax.iota(jnp.int32, _LANES) == 0
    ones = jnp.ones((_LANES,), jnp.float32)
    gs = jnp.sum(jnp.where(lane0, gs_v[pl.ds(0, _LANES)], 0.0)) * ones
    gsh = jnp.sum(jnp.where(lane0, gsh_v[pl.ds(0, _LANES)], 0.0)) * ones
    tgs = _softplus(gs + _SOFTPLUS_C)

    sums = []
    for q in range(3):
        for w2 in range(_NW):
            pltpu.async_copy(shared.at[q, w2, pl.ds(col, _GPW)],
                             gat_v.at[q, w2], sem_in)
    for q in range(3):
        for w2 in range(_NW):
            pltpu.make_async_copy(shared.at[q, w2, pl.ds(col, _GPW)],
                                  gat_v.at[q, w2], sem_in).wait()
    for q in range(3):
        vecs = []
        for j in range(_GPW // _LANES):
            vals = [gat_v[q, lane, pl.ds(j * _LANES, _LANES)] for lane in range(_NW)]
            while len(vals) > 1:
                vals = [a + b for a, b in zip(vals[::2], vals[1::2])]
            vecs.append(vals[0])
        sums.append(vecs)

    for j in range(_GPW // _LANES):
        nn = nn_v[pl.ds(col + j * _LANES, _LANES)]
        na = jnp.maximum(nn.astype(jnp.float32), 1.0)
        sc = _softplus(sums[0][j] + _SOFTPLUS_C) / na * tgs
        sh = sums[1][j] / na + gsh
        fin_v[pl.ds(j * _LANES, _LANES)] = (sums[2][j] / na) * sc + sh

    pltpu.async_copy(fin_v, out_hbm.at[pl.ds(col, _GPW)], sem_out)
    pltpu.make_async_copy(fin_v, out_hbm.at[pl.ds(col, _GPW)], sem_out).wait()


@functools.cache
def _build_sc():
    mesh = plsc.VectorSubcoreMesh(
        core_axis_name="c", subcore_axis_name="s", num_cores=1
    )
    return pl.kernel(
        _sc_body,
        out_type=jax.ShapeDtypeStruct((_N_GRAPHS,), jnp.float32),
        mesh=mesh,
        compiler_params=pltpu.CompilerParams(
            needs_layout_passes=False, use_tc_tiling_on_sc=False
        ),
        scratch_types=[
            pltpu.VMEM((_CHUNK,), jnp.float32),
            pltpu.VMEM((_CHUNK,), jnp.int32),
            pltpu.VMEM((_CHUNK,), jnp.int32),
            pltpu.VMEM((_N_SPECIES,), jnp.float32),
            pltpu.VMEM((_N_SPECIES,), jnp.float32),
            pltpu.VMEM((_LANES,), jnp.float32),
            pltpu.VMEM((_LANES,), jnp.float32),
            pltpu.VMEM((_N_GRAPHS,), jnp.int32),
            pltpu.VMEM((_ACC,), jnp.float32),
            pltpu.VMEM((_ACC,), jnp.float32),
            pltpu.VMEM((_ACC,), jnp.float32),
            pltpu.VMEM((_N_GRAPHS,), jnp.float32),
            pltpu.VMEM((_N_GRAPHS,), jnp.float32),
            pltpu.VMEM((_N_GRAPHS,), jnp.float32),
            pltpu.VMEM((3, _NW, _GPW), jnp.float32),
            pltpu.VMEM((_GPW,), jnp.float32),
            pltpu.VMEM_SHARED((3, _NW, _N_GRAPHS), jnp.float32),
            pltpu.SemaphoreType.DMA,
            pltpu.SemaphoreType.DMA,
        ],
    )


def kernel(energies, scale, shift, global_scale, global_shift, species, graph_i, n_node):
    out = _build_sc()(
        energies, species.astype(jnp.int32), graph_i.astype(jnp.int32),
        scale, shift, global_scale, global_shift, n_node.astype(jnp.int32),
    )
    return out[:, None]

# --- scband reference (transcript-rebuilt; emitter-appended) ---
"""Pipeline reference for scband-species-wise-rescale-74406013436579 (READ-ONLY COPY).

The authoritative reference and input builder live on the scoring server;
editing this copy changes nothing except your own understanding.
"""

import jax, jax.numpy as jnp
import numpy as np

N_NODES = 50000
N_GRAPHS = 512
N_SPECIES = 119


def setup_inputs(seed: int = 0) -> dict:
    key = jax.random.key(seed)
    k1, k2, k3, k4, k5 = jax.random.split(key, 5)
    energies = jax.random.normal(k1, (N_NODES,), dtype=jnp.float32)
    species = jax.random.randint(k2, (N_NODES,), 0, N_SPECIES)
    graph_i = jnp.sort(jax.random.randint(k3, (N_NODES,), 0, N_GRAPHS))
    # per-graph node counts, consistent with graph_i (cg.n_node)
    n_node = jnp.bincount(graph_i, length=N_GRAPHS).astype(jnp.int32)
    # learned parameters (atomwise scale/shift tables initialized from metadata)
    scale = jax.random.normal(k4, (N_SPECIES,), dtype=jnp.float32) * 0.1
    shift = jax.random.normal(k5, (N_SPECIES,), dtype=jnp.float32) * 0.1
    global_scale = jnp.array([1.0], dtype=jnp.float32)
    global_shift = jnp.array([0.0], dtype=jnp.float32)
    return {
        'energies': energies,
        'scale': scale,
        'shift': shift,
        'global_scale': global_scale,
        'global_shift': global_shift,
        'species': species,
        'graph_i': graph_i,
        'n_node': n_node,
    }


def reference(energies, scale, shift, global_scale, global_shift, species, graph_i, n_node):
    num_atoms = jnp.clip(n_node.astype(jnp.float32), 1.0, None)
    sc = jax.ops.segment_sum(jnp.take(scale, species), graph_i, N_GRAPHS)
    softplus_intercept = jnp.log(jnp.e - 1)
    transform = lambda x: jax.nn.softplus(x + softplus_intercept)
    sc = transform(sc) / num_atoms * transform(global_scale)
    sh = jax.ops.segment_sum(jnp.take(shift, species), graph_i, N_GRAPHS)
    sh = sh / num_atoms + global_shift
    # SegmentReduction('mean')
    graph_energies = jax.ops.segment_sum(energies, graph_i, N_GRAPHS) / num_atoms
    scaled_outs = graph_energies * sc + sh
    return scaled_outs[..., None]

if __name__ == "__main__":
    import jax
    _d = setup_inputs()
    print(jax.jit(kernel)(*tuple(_d.values())))

</pallas_src>

<mosaic_0001>
#map = affine_map<(d0, d1) -> (0)>
module attributes {stable_mosaic.version = 14 : i64} {
  func.func @_sc_body(%arg0: i32, %arg1: i32, %arg2: memref<50000xf32, #tpu.memory_space<hbm>>, %arg3: memref<50000xi32, #tpu.memory_space<hbm>>, %arg4: memref<50000xi32, #tpu.memory_space<hbm>>, %arg5: memref<119xf32, #tpu.memory_space<hbm>>, %arg6: memref<119xf32, #tpu.memory_space<hbm>>, %arg7: memref<1xf32, #tpu.memory_space<hbm>>, %arg8: memref<1xf32, #tpu.memory_space<hbm>>, %arg9: memref<512xi32, #tpu.memory_space<hbm>>, %arg10: memref<512xf32, #tpu.memory_space<hbm>>, %arg11: memref<3136xf32, #tpu.memory_space<vmem>>, %arg12: memref<3136xi32, #tpu.memory_space<vmem>>, %arg13: memref<3136xi32, #tpu.memory_space<vmem>>, %arg14: memref<119xf32, #tpu.memory_space<vmem>>, %arg15: memref<119xf32, #tpu.memory_space<vmem>>, %arg16: memref<16xf32, #tpu.memory_space<vmem>>, %arg17: memref<16xf32, #tpu.memory_space<vmem>>, %arg18: memref<512xi32, #tpu.memory_space<vmem>>, %arg19: memref<8512xf32, #tpu.memory_space<vmem>>, %arg20: memref<8512xf32, #tpu.memory_space<vmem>>, %arg21: memref<8512xf32, #tpu.memory_space<vmem>>, %arg22: memref<512xf32, #tpu.memory_space<vmem>>, %arg23: memref<512xf32, #tpu.memory_space<vmem>>, %arg24: memref<512xf32, #tpu.memory_space<vmem>>, %arg25: memref<3x16x32xf32, #tpu.memory_space<vmem>>, %arg26: memref<32xf32, #tpu.memory_space<vmem>>, %arg27: memref<3x16x512xf32, #tpu.memory_space<vmem_shared>>, %arg28: memref<!tpu.dma_semaphore, #tpu.memory_space<semaphore_mem>>, %arg29: memref<!tpu.dma_semaphore, #tpu.memory_space<semaphore_mem>>) attributes {dimension_semantics = [#tpu.dimension_semantics<core_parallel>, #tpu.dimension_semantics<subcore_parallel>], iteration_bounds = array<i64: 1, 16>, scalar_prefetch = 0 : i64, scratch_operands = 19 : i64, tpu.core_type = #tpu.core_type<sc_vector_subcore>, window_params = [{transform_indices = #map}, {transform_indices = #map}, {transform_indices = #map}, {transform_indices = #map}, {transform_indices = #map}, {transform_indices = #map}, {transform_indices = #map}, {transform_indices = #map}, {transform_indices = #map}]} {
    %mul3A = arith.constant 3136 : i32
    %mul3A_0 = arith.muli %arg1, %mul3A : i32
    %ne3A = arith.constant 15 : i32
    %ne3A_1 = arith.cmpi ne, %arg1, %ne3A : i32
    %dma_start3A = arith.constant 0 : i32
    %dma_start3A_2 = tpu.memref_slice %arg11[%dma_start3A] : memref<3136xf32, #tpu.memory_space<vmem>> -> memref<2960xf32, #tpu.memory_space<vmem>>
    %dma_start3A_3 = tpu.memref_slice %arg2[%mul3A_0] : memref<50000xf32, #tpu.memory_space<hbm>> -> memref<2960xf32, #tpu.memory_space<hbm>>
    %dma_start3A_4 = arith.constant 0 : i32
    %dma_start3A_5 = tpu.memref_slice %arg11[%dma_start3A_4] : memref<3136xf32, #tpu.memory_space<vmem>> -> memref<2960xf32, #tpu.memory_space<vmem>>
    %dma_start3A_6 = tpu.memref_slice %arg2[%mul3A_0] : memref<50000xf32, #tpu.memory_space<hbm>> -> memref<2960xf32, #tpu.memory_space<hbm>>
    tpu.enqueue_dma source(%dma_start3A_6 : memref<2960xf32, #tpu.memory_space<hbm>>) target(%dma_start3A_5 : memref<2960xf32, #tpu.memory_space<vmem>>) target_semaphore(%arg28 : memref<!tpu.dma_semaphore, #tpu.memory_space<semaphore_mem>>)
    %dma_start3A_7 = arith.constant 0 : i32
    %dma_start3A_8 = tpu.memref_slice %arg12[%dma_start3A_7] : memref<3136xi32, #tpu.memory_space<vmem>> -> memref<2960xi32, #tpu.memory_space<vmem>>
    %dma_start3A_9 = tpu.memref_slice %arg3[%mul3A_0] : memref<50000xi32, #tpu.memory_space<hbm>> -> memref<2960xi32, #tpu.memory_space<hbm>>
    %dma_start3A_10 = arith.constant 0 : i32
    %dma_start3A_11 = tpu.memref_slice %arg12[%dma_start3A_10] : memref<3136xi32, #tpu.memory_space<vmem>> -> memref<2960xi32, #tpu.memory_space<vmem>>
    %dma_start3A_12 = tpu.memref_slice %arg3[%mul3A_0] : memref<50000xi32, #tpu.memory_space<hbm>> -> memref<2960xi32, #tpu.memory_space<hbm>>
    tpu.enqueue_dma source(%dma_start3A_12 : memref<2960xi32, #tpu.memory_space<hbm>>) target(%dma_start3A_11 : memref<2960xi32, #tpu.memory_space<vmem>>) target_semaphore(%arg28 : memref<!tpu.dma_semaphore, #tpu.memory_space<semaphore_mem>>)
    %dma_start3A_13 = arith.constant 0 : i32
    %dma_start3A_14 = tpu.memref_slice %arg13[%dma_start3A_13] : memref<3136xi32, #tpu.memory_space<vmem>> -> memref<2960xi32, #tpu.memory_space<vmem>>
    %dma_start3A_15 = tpu.memref_slice %arg4[%mul3A_0] : memref<50000xi32, #tpu.memory_space<hbm>> -> memref<2960xi32, #tpu.memory_space<hbm>>
    %dma_start3A_16 = arith.constant 0 : i32
    %dma_start3A_17 = tpu.memref_slice %arg13[%dma_start3A_16] : memref<3136xi32, #tpu.memory_space<vmem>> -> memref<2960xi32, #tpu.memory_space<vmem>>
    %dma_start3A_18 = tpu.memref_slice %arg4[%mul3A_0] : memref<50000xi32, #tpu.memory_space<hbm>> -> memref<2960xi32, #tpu.memory_space<hbm>>
    tpu.enqueue_dma source(%dma_start3A_18 : memref<2960xi32, #tpu.memory_space<hbm>>) target(%dma_start3A_17 : memref<2960xi32, #tpu.memory_space<vmem>>) target_semaphore(%arg28 : memref<!tpu.dma_semaphore, #tpu.memory_space<semaphore_mem>>)
    tpu.enqueue_dma source(%arg5 : memref<119xf32, #tpu.memory_space<hbm>>) target(%arg14 : memref<119xf32, #tpu.memory_space<vmem>>) target_semaphore(%arg28 : memref<!tpu.dma_semaphore, #tpu.memory_space<semaphore_mem>>)
    tpu.enqueue_dma source(%arg6 : memref<119xf32, #tpu.memory_space<hbm>>) target(%arg15 : memref<119xf32, #tpu.memory_space<vmem>>) target_semaphore(%arg28 : memref<!tpu.dma_semaphore, #tpu.memory_space<semaphore_mem>>)
    %dma_start3A_19 = arith.constant 0 : i32
    %dma_start3A_20 = tpu.memref_slice %arg16[%dma_start3A_19] : memref<16xf32, #tpu.memory_space<vmem>> -> memref<1xf32, #tpu.memory_space<vmem>>
    %dma_start3A_21 = arith.constant 0 : i32
    %dma_start3A_22 = tpu.memref_slice %arg16[%dma_start3A_21] : memref<16xf32, #tpu.memory_space<vmem>> -> memref<1xf32, #tpu.memory_space<vmem>>
    tpu.enqueue_dma source(%arg7 : memref<1xf32, #tpu.memory_space<hbm>>) target(%dma_start3A_22 : memref<1xf32, #tpu.memory_space<vmem>>) target_semaphore(%arg28 : memref<!tpu.dma_semaphore, #tpu.memory_space<semaphore_mem>>)
    %dma_start3A_23 = arith.constant 0 : i32
    %dma_start3A_24 = tpu.memref_slice %arg17[%dma_start3A_23] : memref<16xf32, #tpu.memory_space<vmem>> -> memref<1xf32, #tpu.memory_space<vmem>>
    %dma_start3A_25 = arith.constant 0 : i32
    %dma_start3A_26 = tpu.memref_slice %arg17[%dma_start3A_25] : memref<16xf32, #tpu.memory_space<vmem>> -> memref<1xf32, #tpu.memory_space<vmem>>
    tpu.enqueue_dma source(%arg8 : memref<1xf32, #tpu.memory_space<hbm>>) target(%dma_start3A_26 : memref<1xf32, #tpu.memory_space<vmem>>) target_semaphore(%arg28 : memref<!tpu.dma_semaphore, #tpu.memory_space<semaphore_mem>>)
    tpu.enqueue_dma source(%arg9 : memref<512xi32, #tpu.memory_space<hbm>>) target(%arg18 : memref<512xi32, #tpu.memory_space<vmem>>) target_semaphore(%arg28 : memref<!tpu.dma_semaphore, #tpu.memory_space<semaphore_mem>>)
    %convert_element_type3A = arith.extui %ne3A_1 : i1 to i32
    %cond3A = arith.constant 0 : i32
    %cond3A_27 = arith.cmpi ne, %convert_element_type3A, %cond3A : i32
    scf.if %cond3A_27 {
      %add3A_2289 = arith.constant 2960 : i32
      %add3A_2290 = arith.addi %mul3A_0, %add3A_2289 : i32
      %dma_start3A_2291 = arith.constant 2960 : i32
      %dma_start3A_2292 = tpu.memref_slice %arg11[%dma_start3A_2291] : memref<3136xf32, #tpu.memory_space<vmem>> -> memref<176xf32, #tpu.memory_space<vmem>>
      %dma_start3A_2293 = tpu.memref_slice %arg2[%add3A_2290] : memref<50000xf32, #tpu.memory_space<hbm>> -> memref<176xf32, #tpu.memory_space<hbm>>
      %dma_start3A_2294 = arith.constant 2960 : i32
      %dma_start3A_2295 = tpu.memref_slice %arg11[%dma_start3A_2294] : memref<3136xf32, #tpu.memory_space<vmem>> -> memref<176xf32, #tpu.memory_space<vmem>>
      %dma_start3A_2296 = tpu.memref_slice %arg2[%add3A_2290] : memref<50000xf32, #tpu.memory_space<hbm>> -> memref<176xf32, #tpu.memory_space<hbm>>
      tpu.enqueue_dma source(%dma_start3A_2296 : memref<176xf32, #tpu.memory_space<hbm>>) target(%dma_start3A_2295 : memref<176xf32, #tpu.memory_space<vmem>>) target_semaphore(%arg28 : memref<!tpu.dma_semaphore, #tpu.memory_space<semaphore_mem>>)
      %add3A_2297 = arith.constant 2960 : i32
      %add3A_2298 = arith.addi %mul3A_0, %add3A_2297 : i32
      %dma_start3A_2299 = arith.constant 2960 : i32
      %dma_start3A_2300 = tpu.memref_slice %arg12[%dma_start3A_2299] : memref<3136xi32, #tpu.memory_space<vmem>> -> memref<176xi32, #tpu.memory_space<vmem>>
      %dma_start3A_2301 = tpu.memref_slice %arg3[%add3A_2298] : memref<50000xi32, #tpu.memory_space<hbm>> -> memref<176xi32, #tpu.memory_space<hbm>>
      %dma_start3A_2302 = arith.constant 2960 : i32
      %dma_start3A_2303 = tpu.memref_slice %arg12[%dma_start3A_2302] : memref<3136xi32, #tpu.memory_space<vmem>> -> memref<176xi32, #tpu.memory_space<vmem>>
      %dma_start3A_2304 = tpu.memref_slice %arg3[%add3A_2298] : memref<50000xi32, #tpu.memory_space<hbm>> -> memref<176xi32, #tpu.memory_space<hbm>>
      tpu.enqueue_dma source(%dma_start3A_2304 : memref<176xi32, #tpu.memory_space<hbm>>) target(%dma_start3A_2303 : memref<176xi32, #tpu.memory_space<vmem>>) target_semaphore(%arg28 : memref<!tpu.dma_semaphore, #tpu.memory_space<semaphore_mem>>)
      %add3A_2305 = arith.constant 2960 : i32
      %add3A_2306 = arith.addi %mul3A_0, %add3A_2305 : i32
      %dma_start3A_2307 = arith.constant 2960 : i32
      %dma_start3A_2308 = tpu.memref_slice %arg13[%dma_start3A_2307] : memref<3136xi32, #tpu.memory_space<vmem>> -> memref<176xi32, #tpu.memory_space<vmem>>
      %dma_start3A_2309 = tpu.memref_slice %arg4[%add3A_2306] : memref<50000xi32, #tpu.memory_space<hbm>> -> memref<176xi32, #tpu.memory_space<hbm>>
      %dma_start3A_2310 = arith.constant 2960 : i32
      %dma_start3A_2311 = tpu.memref_slice %arg13[%dma_start3A_2310] : memref<3136xi32, #tpu.memory_space<vmem>> -> memref<176xi32, #tpu.memory_space<vmem>>
      %dma_start3A_2312 = tpu.memref_slice %arg4[%add3A_2306] : memref<50000xi32, #tpu.memory_space<hbm>> -> memref<176xi32, #tpu.memory_space<hbm>>
      tpu.enqueue_dma source(%dma_start3A_2312 : memref<176xi32, #tpu.memory_space<hbm>>) target(%dma_start3A_2311 : memref<176xi32, #tpu.memory_space<vmem>>) target_semaphore(%arg28 : memref<!tpu.dma_semaphore, #tpu.memory_space<semaphore_mem>>)
    } else {
    }
    %broadcast_in_dim3A = arith.constant 0.000000e+00 : f32
    %broadcast_in_dim3A_28 = vector.broadcast %broadcast_in_dim3A : f32 to vector<16xf32>
    %parallel_loop3A = arith.constant 0 : i32
    %parallel_loop3A_29 = arith.constant 532 : i32
    %parallel_loop3A_30 = arith.constant 1 : i32
    scf.for %parallel_loop3A_2289 = %parallel_loop3A to %parallel_loop3A_29 step %parallel_loop3A_30  : i32 {
      %parallel_loop3A_2290 = arith.constant 16 : i32
      %parallel_loop3A_2291 = arith.muli %parallel_loop3A_2289, %parallel_loop3A_2290 : i32
      %parallel_loop3A_2292 = arith.index_cast %parallel_loop3A_2291 : i32 to index
      %parallel_loop3A_2293 = tpu.vector_load %arg19[%parallel_loop3A_2292] {strides = array<i32>} : memref<8512xf32, #tpu.memory_space<vmem>>, vector<16xf32>,
      tpu.vector_store %arg19[%parallel_loop3A_2292], %broadcast_in_dim3A_28 {strides = array<i32>} : memref<8512xf32, #tpu.memory_space<vmem>>, vector<16xf32>,
      %parallel_loop3A_2294 = arith.index_cast %parallel_loop3A_2291 : i32 to index
      %parallel_loop3A_2295 = tpu.vector_load %arg20[%parallel_loop3A_2294] {strides = array<i32>} : memref<8512xf32, #tpu.memory_space<vmem>>, vector<16xf32>,
      tpu.vector_store %arg20[%parallel_loop3A_2294], %broadcast_in_dim3A_28 {strides = array<i32>} : memref<8512xf32, #tpu.memory_space<vmem>>, vector<16xf32>,
      %parallel_loop3A_2296 = arith.index_cast %parallel_loop3A_2291 : i32 to index
      %parallel_loop3A_2297 = tpu.vector_load %arg21[%parallel_loop3A_2296] {strides = array<i32>} : memref<8512xf32, #tpu.memory_space<vmem>>, vector<16xf32>,
      tpu.vector_store %arg21[%parallel_loop3A_2296], %broadcast_in_dim3A_28 {strides = array<i32>} : memref<8512xf32, #tpu.memory_space<vmem>>, vector<16xf32>,
    } {sc.loop_unroll_factor = 4 : i64, sc.parallel_access}
    %dma_wait3A = arith.constant 0 : i32
    %dma_wait3A_31 = tpu.memref_slice %arg11[%dma_wait3A] : memref<3136xf32, #tpu.memory_space<vmem>> -> memref<2960xf32, #tpu.memory_space<vmem>>
    %dma_wait3A_32 = tpu.memref_slice %arg2[%mul3A_0] : memref<50000xf32, #tpu.memory_space<hbm>> -> memref<2960xf32, #tpu.memory_space<hbm>>
    %dma_wait3A_33 = arith.constant 0 : i32
    %dma_wait3A_34 = tpu.memref_slice %arg11[%dma_wait3A_33] : memref<3136xf32, #tpu.memory_space<vmem>> -> memref<2960xf32, #tpu.memory_space<vmem>>
    %dma_wait3A_35 = tpu.memref_slice %arg2[%mul3A_0] : memref<50000xf32, #tpu.memory_space<hbm>> -> memref<2960xf32, #tpu.memory_space<hbm>>
    tpu.wait_dma2 semaphore(%arg28 : memref<!tpu.dma_semaphore, #tpu.memory_space<semaphore_mem>>) src(%dma_wait3A_35 : memref<2960xf32, #tpu.memory_space<hbm>>) dst(%dma_wait3A_34 : memref<2960xf32, #tpu.memory_space<vmem>>)
    %dma_wait3A_36 = arith.constant 0 : i32
    %dma_wait3A_37 = tpu.memref_slice %arg12[%dma_wait3A_36] : memref<3136xi32, #tpu.memory_space<vmem>> -> memref<2960xi32, #tpu.memory_space<vmem>>
    %dma_wait3A_38 = tpu.memref_slice %arg3[%mul3A_0] : memref<50000xi32, #tpu.memory_space<hbm>> -> memref<2960xi32, #tpu.memory_space<hbm>>
    %dma_wait3A_39 = arith.constant 0 : i32
    %dma_wait3A_40 = tpu.memref_slice %arg12[%dma_wait3A_39] : memref<3136xi32, #tpu.memory_space<vmem>> -> memref<2960xi32, #tpu.memory_space<vmem>>
    %dma_wait3A_41 = tpu.memref_slice %arg3[%mul3A_0] : memref<50000xi32, #tpu.memory_space<hbm>> -> memref<2960xi32, #tpu.memory_space<hbm>>
    tpu.wait_dma2 semaphore(%arg28 : memref<!tpu.dma_semaphore, #tpu.memory_space<semaphore_mem>>) src(%dma_wait3A_41 : memref<2960xi32, #tpu.memory_space<hbm>>) dst(%dma_wait3A_40 : memref<2960xi32, #tpu.memory_space<vmem>>)
    %dma_wait3A_42 = arith.constant 0 : i32
    %dma_wait3A_43 = tpu.memref_slice %arg13[%dma_wait3A_42] : memref<3136xi32, #tpu.memory_space<vmem>> -> memref<2960xi32, #tpu.memory_space<vmem>>
    %dma_wait3A_44 = tpu.memref_slice %arg4[%mul3A_0] : memref<50000xi32, #tpu.memory_space<hbm>> -> memref<2960xi32, #tpu.memory_space<hbm>>
    %dma_wait3A_45 = arith.constant 0 : i32
    %dma_wait3A_46 = tpu.memref_slice %arg13[%dma_wait3A_45] : memref<3136xi32, #tpu.memory_space<vmem>> -> memref<2960xi32, #tpu.memory_space<vmem>>
    %dma_wait3A_47 = tpu.memref_slice %arg4[%mul3A_0] : memref<50000xi32, #tpu.memory_space<hbm>> -> memref<2960xi32, #tpu.memory_space<hbm>>
    tpu.wait_dma2 semaphore(%arg28 : memref<!tpu.dma_semaphore, #tpu.memory_space<semaphore_mem>>) src(%dma_wait3A_47 : memref<2960xi32, #tpu.memory_space<hbm>>) dst(%dma_wait3A_46 : memref<2960xi32, #tpu.memory_space<vmem>>)
    tpu.wait_dma2 semaphore(%arg28 : memref<!tpu.dma_semaphore, #tpu.memory_space<semaphore_mem>>) src(%arg5 : memref<119xf32, #tpu.memory_space<hbm>>) dst(%arg14 : memref<119xf32, #tpu.memory_space<vmem>>)
    tpu.wait_dma2 semaphore(%arg28 : memref<!tpu.dma_semaphore, #tpu.memory_space<semaphore_mem>>) src(%arg6 : memref<119xf32, #tpu.memory_space<hbm>>) dst(%arg15 : memref<119xf32, #tpu.memory_space<vmem>>)
    %dma_wait3A_48 = arith.constant 0 : i32
    %dma_wait3A_49 = tpu.memref_slice %arg16[%dma_wait3A_48] : memref<16xf32, #tpu.memory_space<vmem>> -> memref<1xf32, #tpu.memory_space<vmem>>
    %dma_wait3A_50 = arith.constant 0 : i32
    %dma_wait3A_51 = tpu.memref_slice %arg16[%dma_wait3A_50] : memref<16xf32, #tpu.memory_space<vmem>> -> memref<1xf32, #tpu.memory_space<vmem>>
    tpu.wait_dma2 semaphore(%arg28 : memref<!tpu.dma_semaphore, #tpu.memory_space<semaphore_mem>>) src(%arg7 : memref<1xf32, #tpu.memory_space<hbm>>) dst(%dma_wait3A_51 : memref<1xf32, #tpu.memory_space<vmem>>)
    %dma_wait3A_52 = arith.constant 0 : i32
    %dma_wait3A_53 = tpu.memref_slice %arg17[%dma_wait3A_52] : memref<16xf32, #tpu.memory_space<vmem>> -> memref<1xf32, #tpu.memory_space<vmem>>
    %dma_wait3A_54 = arith.constant 0 : i32
    %dma_wait3A_55 = tpu.memref_slice %arg17[%dma_wait3A_54] : memref<16xf32, #tpu.memory_space<vmem>> -> memref<1xf32, #tpu.memory_space<vmem>>
    tpu.wait_dma2 semaphore(%arg28 : memref<!tpu.dma_semaphore, #tpu.memory_space<semaphore_mem>>) src(%arg8 : memref<1xf32, #tpu.memory_space<hbm>>) dst(%dma_wait3A_55 : memref<1xf32, #tpu.memory_space<vmem>>)
    tpu.wait_dma2 semaphore(%arg28 : memref<!tpu.dma_semaphore, #tpu.memory_space<semaphore_mem>>) src(%arg9 : memref<512xi32, #tpu.memory_space<hbm>>) dst(%arg18 : memref<512xi32, #tpu.memory_space<vmem>>)
    %convert_element_type3A_56 = arith.extui %ne3A_1 : i1 to i32
    %cond3A_57 = arith.constant 0 : i32
    %cond3A_58 = arith.cmpi ne, %convert_element_type3A_56, %cond3A_57 : i32
    scf.if %cond3A_58 {
      %add3A_2289 = arith.constant 2960 : i32
      %add3A_2290 = arith.addi %mul3A_0, %add3A_2289 : i32
      %dma_wait3A_2291 = arith.constant 2960 : i32
      %dma_wait3A_2292 = tpu.memref_slice %arg11[%dma_wait3A_2291] : memref<3136xf32, #tpu.memory_space<vmem>> -> memref<176xf32, #tpu.memory_space<vmem>>
      %dma_wait3A_2293 = tpu.memref_slice %arg2[%add3A_2290] : memref<50000xf32, #tpu.memory_space<hbm>> -> memref<176xf32, #tpu.memory_space<hbm>>
      %dma_wait3A_2294 = arith.constant 2960 : i32
      %dma_wait3A_2295 = tpu.memref_slice %arg11[%dma_wait3A_2294] : memref<3136xf32, #tpu.memory_space<vmem>> -> memref<176xf32, #tpu.memory_space<vmem>>
      %dma_wait3A_2296 = tpu.memref_slice %arg2[%add3A_2290] : memref<50000xf32, #tpu.memory_space<hbm>> -> memref<176xf32, #tpu.memory_space<hbm>>
      tpu.wait_dma2 semaphore(%arg28 : memref<!tpu.dma_semaphore, #tpu.memory_space<semaphore_mem>>) src(%dma_wait3A_2296 : memref<176xf32, #tpu.memory_space<hbm>>) dst(%dma_wait3A_2295 : memref<176xf32, #tpu.memory_space<vmem>>)
      %add3A_2297 = arith.constant 2960 : i32
      %add3A_2298 = arith.addi %mul3A_0, %add3A_2297 : i32
      %dma_wait3A_2299 = arith.constant 2960 : i32
      %dma_wait3A_2300 = tpu.memref_slice %arg12[%dma_wait3A_2299] : memref<3136xi32, #tpu.memory_space<vmem>> -> memref<176xi32, #tpu.memory_space<vmem>>
      %dma_wait3A_2301 = tpu.memref_slice %arg3[%add3A_2298] : memref<50000xi32, #tpu.memory_space<hbm>> -> memref<176xi32, #tpu.memory_space<hbm>>
      %dma_wait3A_2302 = arith.constant 2960 : i32
      %dma_wait3A_2303 = tpu.memref_slice %arg12[%dma_wait3A_2302] : memref<3136xi32, #tpu.memory_space<vmem>> -> memref<176xi32, #tpu.memory_space<vmem>>
      %dma_wait3A_2304 = tpu.memref_slice %arg3[%add3A_2298] : memref<50000xi32, #tpu.memory_space<hbm>> -> memref<176xi32, #tpu.memory_space<hbm>>
      tpu.wait_dma2 semaphore(%arg28 : memref<!tpu.dma_semaphore, #tpu.memory_space<semaphore_mem>>) src(%dma_wait3A_2304 : memref<176xi32, #tpu.memory_space<hbm>>) dst(%dma_wait3A_2303 : memref<176xi32, #tpu.memory_space<vmem>>)
      %add3A_2305 = arith.constant 2960 : i32
      %add3A_2306 = arith.addi %mul3A_0, %add3A_2305 : i32
      %dma_wait3A_2307 = arith.constant 2960 : i32
      %dma_wait3A_2308 = tpu.memref_slice %arg13[%dma_wait3A_2307] : memref<3136xi32, #tpu.memory_space<vmem>> -> memref<176xi32, #tpu.memory_space<vmem>>
      %dma_wait3A_2309 = tpu.memref_slice %arg4[%add3A_2306] : memref<50000xi32, #tpu.memory_space<hbm>> -> memref<176xi32, #tpu.memory_space<hbm>>
      %dma_wait3A_2310 = arith.constant 2960 : i32
      %dma_wait3A_2311 = tpu.memref_slice %arg13[%dma_wait3A_2310] : memref<3136xi32, #tpu.memory_space<vmem>> -> memref<176xi32, #tpu.memory_space<vmem>>
      %dma_wait3A_2312 = tpu.memref_slice %arg4[%add3A_2306] : memref<50000xi32, #tpu.memory_space<hbm>> -> memref<176xi32, #tpu.memory_space<hbm>>
      tpu.wait_dma2 semaphore(%arg28 : memref<!tpu.dma_semaphore, #tpu.memory_space<semaphore_mem>>) src(%dma_wait3A_2312 : memref<176xi32, #tpu.memory_space<hbm>>) dst(%dma_wait3A_2311 : memref<176xi32, #tpu.memory_space<vmem>>)
    } else {
    }
    %iota3A = tpu.iota {dimensions = array<i32: 0>} : vector<16xi32>
    %mul3A_59 = arith.constant 529 : i32
    %mul3A_60 = vector.broadcast %mul3A_59 : i32 to vector<16xi32>
    %mul3A_61 = arith.muli %iota3A, %mul3A_60 : vector<16xi32>
    %parallel_loop3A_62 = arith.constant 0 : i32
    %parallel_loop3A_63 = arith.constant 184 : i32
    %parallel_loop3A_64 = arith.constant 1 : i32
    scf.for %parallel_loop3A_2289 = %parallel_loop3A_62 to %parallel_loop3A_63 step %parallel_loop3A_64  : i32 {
      %parallel_loop3A_2290 = arith.constant 16 : i32
      %parallel_loop3A_2291 = arith.muli %parallel_loop3A_2289, %parallel_loop3A_2290 : i32
      %parallel_loop3A_2292 = arith.index_cast %parallel_loop3A_2291 : i32 to index
      %parallel_loop3A_2293 = tpu.vector_load %arg13[%parallel_loop3A_2292] {strides = array<i32>} : memref<3136xi32, #tpu.memory_space<vmem>>, vector<16xi32>,
      %parallel_loop3A_2294 = arith.addi %mul3A_61, %parallel_loop3A_2293 : vector<16xi32>
      %parallel_loop3A_2295 = arith.index_cast %parallel_loop3A_2291 : i32 to index
      %parallel_loop3A_2296 = tpu.vector_load %arg12[%parallel_loop3A_2295] {strides = array<i32>} : memref<3136xi32, #tpu.memory_space<vmem>>, vector<16xi32>,
      %parallel_loop3A_2297 = tpu.vector_load_idx %arg14[%parallel_loop3A_2296] : memref<119xf32, #tpu.memory_space<vmem>>[vector<16xi32>], vector<16xf32>,
      tpu.vector_store_idx %arg19[%parallel_loop3A_2294], %parallel_loop3A_2297 {add = true} : memref<8512xf32, #tpu.memory_space<vmem>>[vector<16xi32>], vector<16xf32>,
      %parallel_loop3A_2298 = arith.index_cast %parallel_loop3A_2291 : i32 to index
      %parallel_loop3A_2299 = tpu.vector_load %arg12[%parallel_loop3A_2298] {strides = array<i32>} : memref<3136xi32, #tpu.memory_space<vmem>>, vector<16xi32>,
      %parallel_loop3A_2300 = tpu.vector_load_idx %arg15[%parallel_loop3A_2299] : memref<119xf32, #tpu.memory_space<vmem>>[vector<16xi32>], vector<16xf32>,
      tpu.vector_store_idx %arg20[%parallel_loop3A_2294], %parallel_loop3A_2300 {add = true} : memref<8512xf32, #tpu.memory_space<vmem>>[vector<16xi32>], vector<16xf32>,
      %parallel_loop3A_2301 = arith.index_cast %parallel_loop3A_2291 : i32 to index
      %parallel_loop3A_2302 = tpu.vector_load %arg11[%parallel_loop3A_2301] {strides = array<i32>} : memref<3136xf32, #tpu.memory_space<vmem>>, vector<16xf32>,
      tpu.vector_store_idx %arg21[%parallel_loop3A_2294], %parallel_loop3A_2302 {add = true} : memref<8512xf32, #tpu.memory_space<vmem>>[vector<16xi32>], vector<16xf32>,
    } {sc.loop_unroll_factor = 4 : i64, sc.parallel_access}
    %get3A = arith.constant 2944 : index
    %get3A_65 = tpu.vector_load %arg13[%get3A] {strides = array<i32>} : memref<3136xi32, #tpu.memory_space<vmem>>, vector<16xi32>,
    %add3A = arith.addi %mul3A_61, %get3A_65 : vector<16xi32>
    %get3A_66 = arith.constant 2944 : index
    %get3A_67 = tpu.vector_load %arg12[%get3A_66] {strides = array<i32>} : memref<3136xi32, #tpu.memory_space<vmem>>, vector<16xi32>,
    %gather3A = tpu.vector_load_idx %arg14[%get3A_67] : memref<119xf32, #tpu.memory_space<vmem>>[vector<16xi32>], vector<16xf32>,
    tpu.vector_store_idx %arg19[%add3A], %gather3A {add = true} : memref<8512xf32, #tpu.memory_space<vmem>>[vector<16xi32>], vector<16xf32>,
    %get3A_68 = arith.constant 2944 : index
    %get3A_69 = tpu.vector_load %arg12[%get3A_68] {strides = array<i32>} : memref<3136xi32, #tpu.memory_space<vmem>>, vector<16xi32>,
    %gather3A_70 = tpu.vector_load_idx %arg15[%get3A_69] : memref<119xf32, #tpu.memory_space<vmem>>[vector<16xi32>], vector<16xf32>,
    tpu.vector_store_idx %arg20[%add3A], %gather3A_70 {add = true} : memref<8512xf32, #tpu.memory_space<vmem>>[vector<16xi32>], vector<16xf32>,
    %get3A_71 = arith.constant 2944 : index
    %get3A_72 = tpu.vector_load %arg11[%get3A_71] {strides = array<i32>} : memref<3136xf32, #tpu.memory_space<vmem>>, vector<16xf32>,
    tpu.vector_store_idx %arg21[%add3A], %get3A_72 {add = true} : memref<8512xf32, #tpu.memory_space<vmem>>[vector<16xi32>], vector<16xf32>,
    %convert_element_type3A_73 = arith.extui %ne3A_1 : i1 to i32
    %cond3A_74 = arith.constant 0 : i32
    %cond3A_75 = arith.cmpi ne, %convert_element_type3A_73, %cond3A_74 : i32
    scf.if %cond3A_75 {
      %parallel_loop3A_2289 = arith.constant 185 : i32
      %parallel_loop3A_2290 = arith.constant 196 : i32
      %parallel_loop3A_2291 = arith.constant 1 : i32
      scf.for %parallel_loop3A_2292 = %parallel_loop3A_2289 to %parallel_loop3A_2290 step %parallel_loop3A_2291  : i32 {
        %parallel_loop3A_2293 = arith.constant 16 : i32
        %parallel_loop3A_2294 = arith.muli %parallel_loop3A_2292, %parallel_loop3A_2293 : i32
        %parallel_loop3A_2295 = arith.index_cast %parallel_loop3A_2294 : i32 to index
        %parallel_loop3A_2296 = tpu.vector_load %arg13[%parallel_loop3A_2295] {strides = array<i32>} : memref<3136xi32, #tpu.memory_space<vmem>>, vector<16xi32>,
        %parallel_loop3A_2297 = arith.addi %mul3A_61, %parallel_loop3A_2296 : vector<16xi32>
        %parallel_loop3A_2298 = arith.index_cast %parallel_loop3A_2294 : i32 to index
        %parallel_loop3A_2299 = tpu.vector_load %arg12[%parallel_loop3A_2298] {strides = array<i32>} : memref<3136xi32, #tpu.memory_space<vmem>>, vector<16xi32>,
        %parallel_loop3A_2300 = tpu.vector_load_idx %arg14[%parallel_loop3A_2299] : memref<119xf32, #tpu.memory_space<vmem>>[vector<16xi32>], vector<16xf32>,
        tpu.vector_store_idx %arg19[%parallel_loop3A_2297], %parallel_loop3A_2300 {add = true} : memref<8512xf32, #tpu.memory_space<vmem>>[vector<16xi32>], vector<16xf32>,
        %parallel_loop3A_2301 = arith.index_cast %parallel_loop3A_2294 : i32 to index
        %parallel_loop3A_2302 = tpu.vector_load %arg12[%parallel_loop3A_2301] {strides = array<i32>} : memref<3136xi32, #tpu.memory_space<vmem>>, vector<16xi32>,
        %parallel_loop3A_2303 = tpu.vector_load_idx %arg15[%parallel_loop3A_2302] : memref<119xf32, #tpu.memory_space<vmem>>[vector<16xi32>], vector<16xf32>,
        tpu.vector_store_idx %arg20[%parallel_loop3A_2297], %parallel_loop3A_2303 {add = true} : memref<8512xf32, #tpu.memory_space<vmem>>[vector<16xi32>], vector<16xf32>,
        %parallel_loop3A_2304 = arith.index_cast %parallel_loop3A_2294 : i32 to index
        %parallel_loop3A_2305 = tpu.vector_load %arg11[%parallel_loop3A_2304] {strides = array<i32>} : memref<3136xf32, #tpu.memory_space<vmem>>, vector<16xf32>,
        tpu.vector_store_idx %arg21[%parallel_loop3A_2297], %parallel_loop3A_2305 {add = true} : memref<8512xf32, #tpu.memory_space<vmem>>[vector<16xi32>], vector<16xf32>,
      } {sc.loop_unroll_factor = 1 : i64, sc.parallel_access}
    } else {
    }
    %parallel_loop3A_76 = arith.constant 0 : i32
    %parallel_loop3A_77 = arith.constant 32 : i32
    %parallel_loop3A_78 = arith.constant 1 : i32
    scf.for %parallel_loop3A_2289 = %parallel_loop3A_76 to %parallel_loop3A_77 step %parallel_loop3A_78  : i32 {
      %parallel_loop3A_2290 = arith.constant 16 : i32
      %parallel_loop3A_2291 = arith.muli %parallel_loop3A_2289, %parallel_loop3A_2290 : i32
      %parallel_loop3A_2292 = arith.constant 0 : i32
      %parallel_loop3A_2293 = arith.addi %parallel_loop3A_2292, %parallel_loop3A_2291 : i32
      %parallel_loop3A_2294 = arith.index_cast %parallel_loop3A_2293 : i32 to index
      %parallel_loop3A_2295 = tpu.vector_load %arg19[%parallel_loop3A_2294] {strides = array<i32>} : memref<8512xf32, #tpu.memory_space<vmem>>, vector<16xf32>,
      %parallel_loop3A_2296 = arith.constant 529 : i32
      %parallel_loop3A_2297 = arith.addi %parallel_loop3A_2296, %parallel_loop3A_2291 : i32
      %parallel_loop3A_2298 = arith.index_cast %parallel_loop3A_2297 : i32 to index
      %parallel_loop3A_2299 = tpu.vector_load %arg19[%parallel_loop3A_2298] {strides = array<i32>} : memref<8512xf32, #tpu.memory_space<vmem>>, vector<16xf32>,
      %parallel_loop3A_2300 = arith.constant 1058 : i32
      %parallel_loop3A_2301 = arith.addi %parallel_loop3A_2300, %parallel_loop3A_2291 : i32
      %parallel_loop3A_2302 = arith.index_cast %parallel_loop3A_2301 : i32 to index
      %parallel_loop3A_2303 = tpu.vector_load %arg19[%parallel_loop3A_2302] {strides = array<i32>} : memref<8512xf32, #tpu.memory_space<vmem>>, vector<16xf32>,
      %parallel_loop3A_2304 = arith.constant 1587 : i32
      %parallel_loop3A_2305 = arith.addi %parallel_loop3A_2304, %parallel_loop3A_2291 : i32
      %parallel_loop3A_2306 = arith.index_cast %parallel_loop3A_2305 : i32 to index
      %parallel_loop3A_2307 = tpu.vector_load %arg19[%parallel_loop3A_2306] {strides = array<i32>} : memref<8512xf32, #tpu.memory_space<vmem>>, vector<16xf32>,
      %parallel_loop3A_2308 = arith.constant 2116 : i32
      %parallel_loop3A_2309 = arith.addi %parallel_loop3A_2308, %parallel_loop3A_2291 : i32
      %parallel_loop3A_2310 = arith.index_cast %parallel_loop3A_2309 : i32 to index
      %parallel_loop3A_2311 = tpu.vector_load %arg19[%parallel_loop3A_2310] {strides = array<i32>} : memref<8512xf32, #tpu.memory_space<vmem>>, vector<16xf32>,
      %parallel_loop3A_2312 = arith.constant 2645 : i32
      %parallel_loop3A_2313 = arith.addi %parallel_loop3A_2312, %parallel_loop3A_2291 : i32
      %parallel_loop3A_2314 = arith.index_cast %parallel_loop3A_2313 : i32 to index
      %parallel_loop3A_2315 = tpu.vector_load %arg19[%parallel_loop3A_2314] {strides = array<i32>} : memref<8512xf32, #tpu.memory_space<vmem>>, vector<16xf32>,
      %parallel_loop3A_2316 = arith.constant 3174 : i32
      %parallel_loop3A_2317 = arith.addi %parallel_loop3A_2316, %parallel_loop3A_2291 : i32
      %parallel_loop3A_2318 = arith.index_cast %parallel_loop3A_2317 : i32 to index
      %parallel_loop3A_2319 = tpu.vector_load %arg19[%parallel_loop3A_2318] {strides = array<i32>} : memref<8512xf32, #tpu.memory_space<vmem>>, vector<16xf32>,
      %parallel_loop3A_2320 = arith.constant 3703 : i32
      %parallel_loop3A_2321 = arith.addi %parallel_loop3A_2320, %parallel_loop3A_2291 : i32
      %parallel_loop3A_2322 = arith.index_cast %parallel_loop3A_2321 : i32 to index
      %parallel_loop3A_2323 = tpu.vector_load %arg19[%parallel_loop3A_2322] {strides = array<i32>} : memref<8512xf32, #tpu.memory_space<vmem>>, vector<16xf32>,
      %parallel_loop3A_2324 = arith.constant 4232 : i32
      %parallel_loop3A_2325 = arith.addi %parallel_loop3A_2324, %parallel_loop3A_2291 : i32
      %parallel_loop3A_2326 = arith.index_cast %parallel_loop3A_2325 : i32 to index
      %parallel_loop3A_2327 = tpu.vector_load %arg19[%parallel_loop3A_2326] {strides = array<i32>} : memref<8512xf32, #tpu.memory_space<vmem>>, vector<16xf32>,
      %parallel_loop3A_2328 = arith.constant 4761 : i32
      %parallel_loop3A_2329 = arith.addi %parallel_loop3A_2328, %parallel_loop3A_2291 : i32
      %parallel_loop3A_2330 = arith.index_cast %parallel_loop3A_2329 : i32 to index
      %parallel_loop3A_2331 = tpu.vector_load %arg19[%parallel_loop3A_2330] {strides = array<i32>} : memref<8512xf32, #tpu.memory_space<vmem>>, vector<16xf32>,
      %parallel_loop3A_2332 = arith.constant 5290 : i32
      %parallel_loop3A_2333 = arith.addi %parallel_loop3A_2332, %parallel_loop3A_2291 : i32
      %parallel_loop3A_2334 = arith.index_cast %parallel_loop3A_2333 : i32 to index
      %parallel_loop3A_2335 = tpu.vector_load %arg19[%parallel_loop3A_2334] {strides = array<i32>} : memref<8512xf32, #tpu.memory_space<vmem>>, vector<16xf32>,
      %parallel_loop3A_2336 = arith.constant 5819 : i32
      %parallel_loop3A_2337 = arith.addi %parallel_loop3A_2336, %parallel_loop3A_2291 : i32
      %parallel_loop3A_2338 = arith.index_cast %parallel_loop3A_2337 : i32 to index
      %parallel_loop3A_2339 = tpu.vector_load %arg19[%parallel_loop3A_2338] {strides = array<i32>} : memref<8512xf32, #tpu.memory_space<vmem>>, vector<16xf32>,
      %parallel_loop3A_2340 = arith.constant 6348 : i32
      %parallel_loop3A_2341 = arith.addi %parallel_loop3A_2340, %parallel_loop3A_2291 : i32
      %parallel_loop3A_2342 = arith.index_cast %parallel_loop3A_2341 : i32 to index
      %parallel_loop3A_2343 = tpu.vector_load %arg19[%parallel_loop3A_2342] {strides = array<i32>} : memref<8512xf32, #tpu.memory_space<vmem>>, vector<16xf32>,
      %parallel_loop3A_2344 = arith.constant 6877 : i32
      %parallel_loop3A_2345 = arith.addi %parallel_loop3A_2344, %parallel_loop3A_2291 : i32
      %parallel_loop3A_2346 = arith.index_cast %parallel_loop3A_2345 : i32 to index
      %parallel_loop3A_2347 = tpu.vector_load %arg19[%parallel_loop3A_2346] {strides = array<i32>} : memref<8512xf32, #tpu.memory_space<vmem>>, vector<16xf32>,
      %parallel_loop3A_2348 = arith.constant 7406 : i32
      %parallel_loop3A_2349 = arith.addi %parallel_loop3A_2348, %parallel_loop3A_2291 : i32
      %parallel_loop3A_2350 = arith.index_cast %parallel_loop3A_2349 : i32 to index
      %parallel_loop3A_2351 = tpu.vector_load %arg19[%parallel_loop3A_2350] {strides = array<i32>} : memref<8512xf32, #tpu.memory_space<vmem>>, vector<16xf32>,
      %parallel_loop3A_2352 = arith.constant 7935 : i32
      %parallel_loop3A_2353 = arith.addi %parallel_loop3A_2352, %parallel_loop3A_2291 : i32
      %parallel_loop3A_2354 = arith.index_cast %parallel_loop3A_2353 : i32 to index
      %parallel_loop3A_2355 = tpu.vector_load %arg19[%parallel_loop3A_2354] {strides = array<i32>} : memref<8512xf32, #tpu.memory_space<vmem>>, vector<16xf32>,
      %parallel_loop3A_2356 = arith.addf %parallel_loop3A_2295, %parallel_loop3A_2299 : vector<16xf32>
      %parallel_loop3A_2357 = arith.addf %parallel_loop3A_2303, %parallel_loop3A_2307 : vector<16xf32>
      %parallel_loop3A_2358 = arith.addf %parallel_loop3A_2311, %parallel_loop3A_2315 : vector<16xf32>
      %parallel_loop3A_2359 = arith.addf %parallel_loop3A_2319, %parallel_loop3A_2323 : vector<16xf32>
      %parallel_loop3A_2360 = arith.addf %parallel_loop3A_2327, %parallel_loop3A_2331 : vector<16xf32>
      %parallel_loop3A_2361 = arith.addf %parallel_loop3A_2335, %parallel_loop3A_2339 : vector<16xf32>
      %parallel_loop3A_2362 = arith.addf %parallel_loop3A_2343, %parallel_loop3A_2347 : vector<16xf32>
      %parallel_loop3A_2363 = arith.addf %parallel_loop3A_2351, %parallel_loop3A_2355 : vector<16xf32>
      %parallel_loop3A_2364 = arith.addf %parallel_loop3A_2356, %parallel_loop3A_2357 : vector<16xf32>
      %parallel_loop3A_2365 = arith.addf %parallel_loop3A_2358, %parallel_loop3A_2359 : vector<16xf32>
      %parallel_loop3A_2366 = arith.addf %parallel_loop3A_2360, %parallel_loop3A_2361 : vector<16xf32>
      %parallel_loop3A_2367 = arith.addf %parallel_loop3A_2362, %parallel_loop3A_2363 : vector<16xf32>
      %parallel_loop3A_2368 = arith.addf %parallel_loop3A_2364, %parallel_loop3A_2365 : vector<16xf32>
      %parallel_loop3A_2369 = arith.addf %parallel_loop3A_2366, %parallel_loop3A_2367 : vector<16xf32>
      %parallel_loop3A_2370 = arith.addf %parallel_loop3A_2368, %parallel_loop3A_2369 : vector<16xf32>
      %parallel_loop3A_2371 = arith.index_cast %parallel_loop3A_2291 : i32 to index
      %parallel_loop3A_2372 = tpu.vector_load %arg22[%parallel_loop3A_2371] {strides = array<i32>} : memref<512xf32, #tpu.memory_space<vmem>>, vector<16xf32>,
      tpu.vector_store %arg22[%parallel_loop3A_2371], %parallel_loop3A_2370 {strides = array<i32>} : memref<512xf32, #tpu.memory_space<vmem>>, vector<16xf32>,
    } {sc.loop_unroll_factor = 2 : i64, sc.parallel_access}
    %run_scoped3A = arith.constant 0 : i32
    "tpu.region"() ({
      %run_scoped3A_2289 = tpu.sem_alloc : memref<!tpu.dma_semaphore, #tpu.memory_space<semaphore_mem>>
      %dma_start3A_2290 = arith.constant 0 : i32
      %dma_start3A_2291 = tpu.memref_slice %arg27[%run_scoped3A, %arg1, %dma_start3A_2290] : memref<3x16x512xf32, #tpu.memory_space<vmem_shared>> -> memref<1x1x512xf32, #tpu.memory_space<vmem_shared>>
      %dma_start3A_2292 = tpu.memref_squeeze %dma_start3A_2291 : memref<1x1x512xf32, #tpu.memory_space<vmem_shared>> -> memref<512xf32, #tpu.memory_space<vmem_shared>>
      %dma_start3A_2293 = arith.constant 0 : i32
      %dma_start3A_2294 = tpu.memref_slice %arg27[%run_scoped3A, %arg1, %dma_start3A_2293] : memref<3x16x512xf32, #tpu.memory_space<vmem_shared>> -> memref<1x1x512xf32, #tpu.memory_space<vmem_shared>>
      %dma_start3A_2295 = tpu.memref_squeeze %dma_start3A_2294 : memref<1x1x512xf32, #tpu.memory_space<vmem_shared>> -> memref<512xf32, #tpu.memory_space<vmem_shared>>
      tpu.enqueue_dma source(%arg22 : memref<512xf32, #tpu.memory_space<vmem>>) target(%dma_start3A_2295 : memref<512xf32, #tpu.memory_space<vmem_shared>>) target_semaphore(%run_scoped3A_2289 : memref<!tpu.dma_semaphore, #tpu.memory_space<semaphore_mem>>)
      %dma_wait3A_2296 = arith.constant 0 : i32
      %dma_wait3A_2297 = tpu.memref_slice %arg27[%run_scoped3A, %arg1, %dma_wait3A_2296] : memref<3x16x512xf32, #tpu.memory_space<vmem_shared>> -> memref<1x1x512xf32, #tpu.memory_space<vmem_shared>>
      %dma_wait3A_2298 = tpu.memref_squeeze %dma_wait3A_2297 : memref<1x1x512xf32, #tpu.memory_space<vmem_shared>> -> memref<512xf32, #tpu.memory_space<vmem_shared>>
      %dma_wait3A_2299 = arith.constant 0 : i32
      %dma_wait3A_2300 = tpu.memref_slice %arg27[%run_scoped3A, %arg1, %dma_wait3A_2299] : memref<3x16x512xf32, #tpu.memory_space<vmem_shared>> -> memref<1x1x512xf32, #tpu.memory_space<vmem_shared>>
      %dma_wait3A_2301 = tpu.memref_squeeze %dma_wait3A_2300 : memref<1x1x512xf32, #tpu.memory_space<vmem_shared>> -> memref<512xf32, #tpu.memory_space<vmem_shared>>
      tpu.wait_dma2 semaphore(%run_scoped3A_2289 : memref<!tpu.dma_semaphore, #tpu.memory_space<semaphore_mem>>) src(%arg22 : memref<512xf32, #tpu.memory_space<vmem>>) dst(%dma_wait3A_2301 : memref<512xf32, #tpu.memory_space<vmem_shared>>)
      tpu.yield
    }) : () -> ()
    %parallel_loop3A_79 = arith.constant 0 : i32
    %parallel_loop3A_80 = arith.constant 32 : i32
    %parallel_loop3A_81 = arith.constant 1 : i32
    scf.for %parallel_loop3A_2289 = %parallel_loop3A_79 to %parallel_loop3A_80 step %parallel_loop3A_81  : i32 {
      %parallel_loop3A_2290 = arith.constant 16 : i32
      %parallel_loop3A_2291 = arith.muli %parallel_loop3A_2289, %parallel_loop3A_2290 : i32
      %parallel_loop3A_2292 = arith.constant 0 : i32
      %parallel_loop3A_2293 = arith.addi %parallel_loop3A_2292, %parallel_loop3A_2291 : i32
      %parallel_loop3A_2294 = arith.index_cast %parallel_loop3A_2293 : i32 to index
      %parallel_loop3A_2295 = tpu.vector_load %arg20[%parallel_loop3A_2294] {strides = array<i32>} : memref<8512xf32, #tpu.memory_space<vmem>>, vector<16xf32>,
      %parallel_loop3A_2296 = arith.constant 529 : i32
      %parallel_loop3A_2297 = arith.addi %parallel_loop3A_2296, %parallel_loop3A_2291 : i32
      %parallel_loop3A_2298 = arith.index_cast %parallel_loop3A_2297 : i32 to index
      %parallel_loop3A_2299 = tpu.vector_load %arg20[%parallel_loop3A_2298] {strides = array<i32>} : memref<8512xf32, #tpu.memory_space<vmem>>, vector<16xf32>,
      %parallel_loop3A_2300 = arith.constant 1058 : i32
      %parallel_loop3A_2301 = arith.addi %parallel_loop3A_2300, %parallel_loop3A_2291 : i32
      %parallel_loop3A_2302 = arith.index_cast %parallel_loop3A_2301 : i32 to index
      %parallel_loop3A_2303 = tpu.vector_load %arg20[%parallel_loop3A_2302] {strides = array<i32>} : memref<8512xf32, #tpu.memory_space<vmem>>, vector<16xf32>,
      %parallel_loop3A_2304 = arith.constant 1587 : i32
      %parallel_loop3A_2305 = arith.addi %parallel_loop3A_2304, %parallel_loop3A_2291 : i32
      %parallel_loop3A_2306 = arith.index_cast %parallel_loop3A_2305 : i32 to index
      %parallel_loop3A_2307 = tpu.vector_load %arg20[%parallel_loop3A_2306] {strides = array<i32>} : memref<8512xf32, #tpu.memory_space<vmem>>, vector<16xf32>,
      %parallel_loop3A_2308 = arith.constant 2116 : i32
      %parallel_loop3A_2309 = arith.addi %parallel_loop3A_2308, %parallel_loop3A_2291 : i32
      %parallel_loop3A_2310 = arith.index_cast %parallel_loop3A_2309 : i32 to index
      %parallel_loop3A_2311 = tpu.vector_load %arg20[%parallel_loop3A_2310] {strides = array<i32>} : memref<8512xf32, #tpu.memory_space<vmem>>, vector<16xf32>,
      %parallel_loop3A_2312 = arith.constant 2645 : i32
      %parallel_loop3A_2313 = arith.addi %parallel_loop3A_2312, %parallel_loop3A_2291 : i32
      %parallel_loop3A_2314 = arith.index_cast %parallel_loop3A_2313 : i32 to index
      %parallel_loop3A_2315 = tpu.vector_load %arg20[%parallel_loop3A_2314] {strides = array<i32>} : memref<8512xf32, #tpu.memory_space<vmem>>, vector<16xf32>,
      %parallel_loop3A_2316 = arith.constant 3174 : i32
      %parallel_loop3A_2317 = arith.addi %parallel_loop3A_2316, %parallel_loop3A_2291 : i32
      %parallel_loop3A_2318 = arith.index_cast %parallel_loop3A_2317 : i32 to index
      %parallel_loop3A_2319 = tpu.vector_load %arg20[%parallel_loop3A_2318] {strides = array<i32>} : memref<8512xf32, #tpu.memory_space<vmem>>, vector<16xf32>,
      %parallel_loop3A_2320 = arith.constant 3703 : i32
      %parallel_loop3A_2321 = arith.addi %parallel_loop3A_2320, %parallel_loop3A_2291 : i32
      %parallel_loop3A_2322 = arith.index_cast %parallel_loop3A_2321 : i32 to index
      %parallel_loop3A_2323 = tpu.vector_load %arg20[%parallel_loop3A_2322] {strides = array<i32>} : memref<8512xf32, #tpu.memory_space<vmem>>, vector<16xf32>,
      %parallel_loop3A_2324 = arith.constant 4232 : i32
      %parallel_loop3A_2325 = arith.addi %parallel_loop3A_2324, %parallel_loop3A_2291 : i32
      %parallel_loop3A_2326 = arith.index_cast %parallel_loop3A_2325 : i32 to index
      %parallel_loop3A_2327 = tpu.vector_load %arg20[%parallel_loop3A_2326] {strides = array<i32>} : memref<8512xf32, #tpu.memory_space<vmem>>, vector<16xf32>,
      %parallel_loop3A_2328 = arith.constant 4761 : i32
      %parallel_loop3A_2329 = arith.addi %parallel_loop3A_2328, %parallel_loop3A_2291 : i32
      %parallel_loop3A_2330 = arith.index_cast %parallel_loop3A_2329 : i32 to index
      %parallel_loop3A_2331 = tpu.vector_load %arg20[%parallel_loop3A_2330] {strides = array<i32>} : memref<8512xf32, #tpu.memory_space<vmem>>, vector<16xf32>,
      %parallel_loop3A_2332 = arith.constant 5290 : i32
      %parallel_loop3A_2333 = arith.addi %parallel_loop3A_2332, %parallel_loop3A_2291 : i32
      %parallel_loop3A_2334 = arith.index_cast %parallel_loop3A_2333 : i32 to index
      %parallel_loop3A_2335 = tpu.vector_load %arg20[%parallel_loop3A_2334] {strides = array<i32>} : memref<8512xf32, #tpu.memory_space<vmem>>, vector<16xf32>,
      %parallel_loop3A_2336 = arith.constant 5819 : i32
      %parallel_loop3A_2337 = arith.addi %parallel_loop3A_2336, %parallel_loop3A_2291 : i32
      %parallel_loop3A_2338 = arith.index_cast %parallel_loop3A_2337 : i32 to index
      %parallel_loop3A_2339 = tpu.vector_load %arg20[%parallel_loop3A_2338] {strides = array<i32>} : memref<8512xf32, #tpu.memory_space<vmem>>, vector<16xf32>,
      %parallel_loop3A_2340 = arith.constant 6348 : i32
      %parallel_loop3A_2341 = arith.addi %parallel_loop3A_2340, %parallel_loop3A_2291 : i32
      %parallel_loop3A_2342 = arith.index_cast %parallel_loop3A_2341 : i32 to index
      %parallel_loop3A_2343 = tpu.vector_load %arg20[%parallel_loop3A_2342] {strides = array<i32>} : memref<8512xf32, #tpu.memory_space<vmem>>, vector<16xf32>,
      %parallel_loop3A_2344 = arith.constant 6877 : i32
      %parallel_loop3A_2345 = arith.addi %parallel_loop3A_2344, %parallel_loop3A_2291 : i32
      %parallel_loop3A_2346 = arith.index_cast %parallel_loop3A_2345 : i32 to index
      %parallel_loop3A_2347 = tpu.vector_load %arg20[%parallel_loop3A_2346] {strides = array<i32>} : memref<8512xf32, #tpu.memory_space<vmem>>, vector<16xf32>,
      %parallel_loop3A_2348 = arith.constant 7406 : i32
      %parallel_loop3A_2349 = arith.addi %parallel_loop3A_2348, %parallel_loop3A_2291 : i32
      %parallel_loop3A_2350 = arith.index_cast %parallel_loop3A_2349 : i32 to index
      %parallel_loop3A_2351 = tpu.vector_load %arg20[%parallel_loop3A_2350] {strides = array<i32>} : memref<8512xf32, #tpu.memory_space<vmem>>, vector<16xf32>,
      %parallel_loop3A_2352 = arith.constant 7935 : i32
      %parallel_loop3A_2353 = arith.addi %parallel_loop3A_2352, %parallel_loop3A_2291 : i32
      %parallel_loop3A_2354 = arith.index_cast %parallel_loop3A_2353 : i32 to index
      %parallel_loop3A_2355 = tpu.vector_load %arg20[%parallel_loop3A_2354] {strides = array<i32>} : memref<8512xf32, #tpu.memory_space<vmem>>, vector<16xf32>,
      %parallel_loop3A_2356 = arith.addf %parallel_loop3A_2295, %parallel_loop3A_2299 : vector<16xf32>
      %parallel_loop3A_2357 = arith.addf %parallel_loop3A_2303, %parallel_loop3A_2307 : vector<16xf32>
      %parallel_loop3A_2358 = arith.addf %parallel_loop3A_2311, %parallel_loop3A_2315 : vector<16xf32>
      %parallel_loop3A_2359 = arith.addf %parallel_loop3A_2319, %parallel_loop3A_2323 : vector<16xf32>
      %parallel_loop3A_2360 = arith.addf %parallel_loop3A_2327, %parallel_loop3A_2331 : vector<16xf32>
      %parallel_loop3A_2361 = arith.addf %parallel_loop3A_2335, %parallel_loop3A_2339 : vector<16xf32>
      %parallel_loop3A_2362 = arith.addf %parallel_loop3A_2343, %parallel_loop3A_2347 : vector<16xf32>
      %parallel_loop3A_2363 = arith.addf %parallel_loop3A_2351, %parallel_loop3A_2355 : vector<16xf32>
      %parallel_loop3A_2364 = arith.addf %parallel_loop3A_2356, %parallel_loop3A_2357 : vector<16xf32>
      %parallel_loop3A_2365 = arith.addf %parallel_loop3A_2358, %parallel_loop3A_2359 : vector<16xf32>
      %parallel_loop3A_2366 = arith.addf %parallel_loop3A_2360, %parallel_loop3A_2361 : vector<16xf32>
      %parallel_loop3A_2367 = arith.addf %parallel_loop3A_2362, %parallel_loop3A_2363 : vector<16xf32>
      %parallel_loop3A_2368 = arith.addf %parallel_loop3A_2364, %parallel_loop3A_2365 : vector<16xf32>
      %parallel_loop3A_2369 = arith.addf %parallel_loop3A_2366, %parallel_loop3A_2367 : vector<16xf32>
      %parallel_loop3A_2370 = arith.addf %parallel_loop3A_2368, %parallel_loop3A_2369 : vector<16xf32>
      %parallel_loop3A_2371 = arith.index_cast %parallel_loop3A_2291 : i32 to index
      %parallel_loop3A_2372 = tpu.vector_load %arg23[%parallel_loop3A_2371] {strides = array<i32>} : memref<512xf32, #tpu.memory_space<vmem>>, vector<16xf32>,
      tpu.vector_store %arg23[%parallel_loop3A_2371], %parallel_loop3A_2370 {strides = array<i32>} : memref<512xf32, #tpu.memory_space<vmem>>, vector<16xf32>,
    } {sc.loop_unroll_factor = 2 : i64, sc.parallel_access}
    %run_scoped3A_82 = arith.constant 1 : i32
    "tpu.region"() ({
      %run_scoped3A_2289 = tpu.sem_alloc : memref<!tpu.dma_semaphore, #tpu.memory_space<semaphore_mem>>
      %dma_start3A_2290 = arith.constant 0 : i32
      %dma_start3A_2291 = tpu.memref_slice %arg27[%run_scoped3A_82, %arg1, %dma_start3A_2290] : memref<3x16x512xf32, #tpu.memory_space<vmem_shared>> -> memref<1x1x512xf32, #tpu.memory_space<vmem_shared>>
      %dma_start3A_2292 = tpu.memref_squeeze %dma_start3A_2291 : memref<1x1x512xf32, #tpu.memory_space<vmem_shared>> -> memref<512xf32, #tpu.memory_space<vmem_shared>>
      %dma_start3A_2293 = arith.constant 0 : i32
      %dma_start3A_2294 = tpu.memref_slice %arg27[%run_scoped3A_82, %arg1, %dma_start3A_2293] : memref<3x16x512xf32, #tpu.memory_space<vmem_shared>> -> memref<1x1x512xf32, #tpu.memory_space<vmem_shared>>
      %dma_start3A_2295 = tpu.memref_squeeze %dma_start3A_2294 : memref<1x1x512xf32, #tpu.memory_space<vmem_shared>> -> memref<512xf32, #tpu.memory_space<vmem_shared>>
      tpu.enqueue_dma source(%arg23 : memref<512xf32, #tpu.memory_space<vmem>>) target(%dma_start3A_2295 : memref<512xf32, #tpu.memory_space<vmem_shared>>) target_semaphore(%run_scoped3A_2289 : memref<!tpu.dma_semaphore, #tpu.memory_space<semaphore_mem>>)
      %dma_wait3A_2296 = arith.constant 0 : i32
      %dma_wait3A_2297 = tpu.memref_slice %arg27[%run_scoped3A_82, %arg1, %dma_wait3A_2296] : memref<3x16x512xf32, #tpu.memory_space<vmem_shared>> -> memref<1x1x512xf32, #tpu.memory_space<vmem_shared>>
      %dma_wait3A_2298 = tpu.memref_squeeze %dma_wait3A_2297 : memref<1x1x512xf32, #tpu.memory_space<vmem_shared>> -> memref<512xf32, #tpu.memory_space<vmem_shared>>
      %dma_wait3A_2299 = arith.constant 0 : i32
      %dma_wait3A_2300 = tpu.memref_slice %arg27[%run_scoped3A_82, %arg1, %dma_wait3A_2299] : memref<3x16x512xf32, #tpu.memory_space<vmem_shared>> -> memref<1x1x512xf32, #tpu.memory_space<vmem_shared>>
      %dma_wait3A_2301 = tpu.memref_squeeze %dma_wait3A_2300 : memref<1x1x512xf32, #tpu.memory_space<vmem_shared>> -> memref<512xf32, #tpu.memory_space<vmem_shared>>
      tpu.wait_dma2 semaphore(%run_scoped3A_2289 : memref<!tpu.dma_semaphore, #tpu.memory_space<semaphore_mem>>) src(%arg23 : memref<512xf32, #tpu.memory_space<vmem>>) dst(%dma_wait3A_2301 : memref<512xf32, #tpu.memory_space<vmem_shared>>)
      tpu.yield
    }) : () -> ()
    %parallel_loop3A_83 = arith.constant 0 : i32
    %parallel_loop3A_84 = arith.constant 32 : i32
    %parallel_loop3A_85 = arith.constant 1 : i32
    scf.for %parallel_loop3A_2289 = %parallel_loop3A_83 to %parallel_loop3A_84 step %parallel_loop3A_85  : i32 {
      %parallel_loop3A_2290 = arith.constant 16 : i32
      %parallel_loop3A_2291 = arith.muli %parallel_loop3A_2289, %parallel_loop3A_2290 : i32
      %parallel_loop3A_2292 = arith.constant 0 : i32
      %parallel_loop3A_2293 = arith.addi %parallel_loop3A_2292, %parallel_loop3A_2291 : i32
      %parallel_loop3A_2294 = arith.index_cast %parallel_loop3A_2293 : i32 to index
      %parallel_loop3A_2295 = tpu.vector_load %arg21[%parallel_loop3A_2294] {strides = array<i32>} : memref<8512xf32, #tpu.memory_space<vmem>>, vector<16xf32>,
      %parallel_loop3A_2296 = arith.constant 529 : i32
      %parallel_loop3A_2297 = arith.addi %parallel_loop3A_2296, %parallel_loop3A_2291 : i32
      %parallel_loop3A_2298 = arith.index_cast %parallel_loop3A_2297 : i32 to index
      %parallel_loop3A_2299 = tpu.vector_load %arg21[%parallel_loop3A_2298] {strides = array<i32>} : memref<8512xf32, #tpu.memory_space<vmem>>, vector<16xf32>,
      %parallel_loop3A_2300 = arith.constant 1058 : i32
      %parallel_loop3A_2301 = arith.addi %parallel_loop3A_2300, %parallel_loop3A_2291 : i32
      %parallel_loop3A_2302 = arith.index_cast %parallel_loop3A_2301 : i32 to index
      %parallel_loop3A_2303 = tpu.vector_load %arg21[%parallel_loop3A_2302] {strides = array<i32>} : memref<8512xf32, #tpu.memory_space<vmem>>, vector<16xf32>,
      %parallel_loop3A_2304 = arith.constant 1587 : i32
      %parallel_loop3A_2305 = arith.addi %parallel_loop3A_2304, %parallel_loop3A_2291 : i32
      %parallel_loop3A_2306 = arith.index_cast %parallel_loop3A_2305 : i32 to index
      %parallel_loop3A_2307 = tpu.vector_load %arg21[%parallel_loop3A_2306] {strides = array<i32>} : memref<8512xf32, #tpu.memory_space<vmem>>, vector<16xf32>,
      %parallel_loop3A_2308 = arith.constant 2116 : i32
      %parallel_loop3A_2309 = arith.addi %parallel_loop3A_2308, %parallel_loop3A_2291 : i32
      %parallel_loop3A_2310 = arith.index_cast %parallel_loop3A_2309 : i32 to index
      %parallel_loop3A_2311 = tpu.vector_load %arg21[%parallel_loop3A_2310] {strides = array<i32>} : memref<8512xf32, #tpu.memory_space<vmem>>, vector<16xf32>,
      %parallel_loop3A_2312 = arith.constant 2645 : i32
      %parallel_loop3A_2313 = arith.addi %parallel_loop3A_2312, %parallel_loop3A_2291 : i32
      %parallel_loop3A_2314 = arith.index_cast %parallel_loop3A_2313 : i32 to index
      %parallel_loop3A_2315 = tpu.vector_load %arg21[%parallel_loop3A_2314] {strides = array<i32>} : memref<8512xf32, #tpu.memory_space<vmem>>, vector<16xf32>,
      %parallel_loop3A_2316 = arith.constant 3174 : i32
      %parallel_loop3A_2317 = arith.addi %parallel_loop3A_2316, %parallel_loop3A_2291 : i32
      %parallel_loop3A_2318 = arith.index_cast %parallel_loop3A_2317 : i32 to index
      %parallel_loop3A_2319 = tpu.vector_load %arg21[%parallel_loop3A_2318] {strides = array<i32>} : memref<8512xf32, #tpu.memory_space<vmem>>, vector<16xf32>,
      %parallel_loop3A_2320 = arith.constant 3703 : i32
      %parallel_loop3A_2321 = arith.addi %parallel_loop3A_2320, %parallel_loop3A_2291 : i32
      %parallel_loop3A_2322 = arith.index_cast %parallel_loop3A_2321 : i32 to index
      %parallel_loop3A_2323 = tpu.vector_load %arg21[%parallel_loop3A_2322] {strides = array<i32>} : memref<8512xf32, #tpu.memory_space<vmem>>, vector<16xf32>,
      %parallel_loop3A_2324 = arith.constant 4232 : i32
      %parallel_loop3A_2325 = arith.addi %parallel_loop3A_2324, %parallel_loop3A_2291 : i32
      %parallel_loop3A_2326 = arith.index_cast %parallel_loop3A_2325 : i32 to index
      %parallel_loop3A_2327 = tpu.vector_load %arg21[%parallel_loop3A_2326] {strides = array<i32>} : memref<8512xf32, #tpu.memory_space<vmem>>, vector<16xf32>,
      %parallel_loop3A_2328 = arith.constant 4761 : i32
      %parallel_loop3A_2329 = arith.addi %parallel_loop3A_2328, %parallel_loop3A_2291 : i32
      %parallel_loop3A_2330 = arith.index_cast %parallel_loop3A_2329 : i32 to index
      %parallel_loop3A_2331 = tpu.vector_load %arg21[%parallel_loop3A_2330] {strides = array<i32>} : memref<8512xf32, #tpu.memory_space<vmem>>, vector<16xf32>,
      %parallel_loop3A_2332 = arith.constant 5290 : i32
      %parallel_loop3A_2333 = arith.addi %parallel_loop3A_2332, %parallel_loop3A_2291 : i32
      %parallel_loop3A_2334 = arith.index_cast %parallel_loop3A_2333 : i32 to index
      %parallel_loop3A_2335 = tpu.vector_load %arg21[%parallel_loop3A_2334] {strides = array<i32>} : memref<8512xf32, #tpu.memory_space<vmem>>, vector<16xf32>,
      %parallel_loop3A_2336 = arith.constant 5819 : i32
      %parallel_loop3A_2337 = arith.addi %parallel_loop3A_2336, %parallel_loop3A_2291 : i32
      %parallel_loop3A_2338 = arith.index_cast %parallel_loop3A_2337 : i32 to index
      %parallel_loop3A_2339 = tpu.vector_load %arg21[%parallel_loop3A_2338] {strides = array<i32>} : memref<8512xf32, #tpu.memory_space<vmem>>, vector<16xf32>,
      %parallel_loop3A_2340 = arith.constant 6348 : i32
      %parallel_loop3A_2341 = arith.addi %parallel_loop3A_2340, %parallel_loop3A_2291 : i32
      %parallel_loop3A_2342 = arith.index_cast %parallel_loop3A_2341 : i32 to index
      %parallel_loop3A_2343 = tpu.vector_load %arg21[%parallel_loop3A_2342] {strides = array<i32>} : memref<8512xf32, #tpu.memory_space<vmem>>, vector<16xf32>,
      %parallel_loop3A_2344 = arith.constant 6877 : i32
      %parallel_loop3A_2345 = arith.addi %parallel_loop3A_2344, %parallel_loop3A_2291 : i32
      %parallel_loop3A_2346 = arith.index_cast %parallel_loop3A_2345 : i32 to index
      %parallel_loop3A_2347 = tpu.vector_load %arg21[%parallel_loop3A_2346] {strides = array<i32>} : memref<8512xf32, #tpu.memory_space<vmem>>, vector<16xf32>,
      %parallel_loop3A_2348 = arith.constant 7406 : i32
      %parallel_loop3A_2349 = arith.addi %parallel_loop3A_2348, %parallel_loop3A_2291 : i32
      %parallel_loop3A_2350 = arith.index_cast %parallel_loop3A_2349 : i32 to index
      %parallel_loop3A_2351 = tpu.vector_load %arg21[%parallel_loop3A_2350] {strides = array<i32>} : memref<8512xf32, #tpu.memory_space<vmem>>, vector<16xf32>,
      %parallel_loop3A_2352 = arith.constant 7935 : i32
      %parallel_loop3A_2353 = arith.addi %parallel_loop3A_2352, %parallel_loop3A_2291 : i32
      %parallel_loop3A_2354 = arith.index_cast %parallel_loop3A_2353 : i32 to index
      %parallel_loop3A_2355 = tpu.vector_load %arg21[%parallel_loop3A_2354] {strides = array<i32>} : memref<8512xf32, #tpu.memory_space<vmem>>, vector<16xf32>,
      %parallel_loop3A_2356 = arith.addf %parallel_loop3A_2295, %parallel_loop3A_2299 : vector<16xf32>
      %parallel_loop3A_2357 = arith.addf %parallel_loop3A_2303, %parallel_loop3A_2307 : vector<16xf32>
      %parallel_loop3A_2358 = arith.addf %parallel_loop3A_2311, %parallel_loop3A_2315 : vector<16xf32>
      %parallel_loop3A_2359 = arith.addf %parallel_loop3A_2319, %parallel_loop3A_2323 : vector<16xf32>
      %parallel_loop3A_2360 = arith.addf %parallel_loop3A_2327, %parallel_loop3A_2331 : vector<16xf32>
      %parallel_loop3A_2361 = arith.addf %parallel_loop3A_2335, %parallel_loop3A_2339 : vector<16xf32>
      %parallel_loop3A_2362 = arith.addf %parallel_loop3A_2343, %parallel_loop3A_2347 : vector<16xf32>
      %parallel_loop3A_2363 = arith.addf %parallel_loop3A_2351, %parallel_loop3A_2355 : vector<16xf32>
      %parallel_loop3A_2364 = arith.addf %parallel_loop3A_2356, %parallel_loop3A_2357 : vector<16xf32>
      %parallel_loop3A_2365 = arith.addf %parallel_loop3A_2358, %parallel_loop3A_2359 : vector<16xf32>
      %parallel_loop3A_2366 = arith.addf %parallel_loop3A_2360, %parallel_loop3A_2361 : vector<16xf32>
      %parallel_loop3A_2367 = arith.addf %parallel_loop3A_2362, %parallel_loop3A_2363 : vector<16xf32>
      %parallel_loop3A_2368 = arith.addf %parallel_loop3A_2364, %parallel_loop3A_2365 : vector<16xf32>
      %parallel_loop3A_2369 = arith.addf %parallel_loop3A_2366, %parallel_loop3A_2367 : vector<16xf32>
      %parallel_loop3A_2370 = arith.addf %parallel_loop3A_2368, %parallel_loop3A_2369 : vector<16xf32>
      %parallel_loop3A_2371 = arith.index_cast %parallel_loop3A_2291 : i32 to index
      %parallel_loop3A_2372 = tpu.vector_load %arg24[%parallel_loop3A_2371] {strides = array<i32>} : memref<512xf32, #tpu.memory_space<vmem>>, vector<16xf32>,
      tpu.vector_store %arg24[%parallel_loop3A_2371], %parallel_loop3A_2370 {strides = array<i32>} : memref<512xf32, #tpu.memory_space<vmem>>, vector<16xf32>,
    } {sc.loop_unroll_factor = 2 : i64, sc.parallel_access}
    %run_scoped3A_86 = arith.constant 2 : i32
    "tpu.region"() ({
      %run_scoped3A_2289 = tpu.sem_alloc : memref<!tpu.dma_semaphore, #tpu.memory_space<semaphore_mem>>
      %dma_start3A_2290 = arith.constant 0 : i32
      %dma_start3A_2291 = tpu.memref_slice %arg27[%run_scoped3A_86, %arg1, %dma_start3A_2290] : memref<3x16x512xf32, #tpu.memory_space<vmem_shared>> -> memref<1x1x512xf32, #tpu.memory_space<vmem_shared>>
      %dma_start3A_2292 = tpu.memref_squeeze %dma_start3A_2291 : memref<1x1x512xf32, #tpu.memory_space<vmem_shared>> -> memref<512xf32, #tpu.memory_space<vmem_shared>>
      %dma_start3A_2293 = arith.constant 0 : i32
      %dma_start3A_2294 = tpu.memref_slice %arg27[%run_scoped3A_86, %arg1, %dma_start3A_2293] : memref<3x16x512xf32, #tpu.memory_space<vmem_shared>> -> memref<1x1x512xf32, #tpu.memory_space<vmem_shared>>
      %dma_start3A_2295 = tpu.memref_squeeze %dma_start3A_2294 : memref<1x1x512xf32, #tpu.memory_space<vmem_shared>> -> memref<512xf32, #tpu.memory_space<vmem_shared>>
      tpu.enqueue_dma source(%arg24 : memref<512xf32, #tpu.memory_space<vmem>>) target(%dma_start3A_2295 : memref<512xf32, #tpu.memory_space<vmem_shared>>) target_semaphore(%run_scoped3A_2289 : memref<!tpu.dma_semaphore, #tpu.memory_space<semaphore_mem>>)
      %dma_wait3A_2296 = arith.constant 0 : i32
      %dma_wait3A_2297 = tpu.memref_slice %arg27[%run_scoped3A_86, %arg1, %dma_wait3A_2296] : memref<3x16x512xf32, #tpu.memory_space<vmem_shared>> -> memref<1x1x512xf32, #tpu.memory_space<vmem_shared>>
      %dma_wait3A_2298 = tpu.memref_squeeze %dma_wait3A_2297 : memref<1x1x512xf32, #tpu.memory_space<vmem_shared>> -> memref<512xf32, #tpu.memory_space<vmem_shared>>
      %dma_wait3A_2299 = arith.constant 0 : i32
      %dma_wait3A_2300 = tpu.memref_slice %arg27[%run_scoped3A_86, %arg1, %dma_wait3A_2299] : memref<3x16x512xf32, #tpu.memory_space<vmem_shared>> -> memref<1x1x512xf32, #tpu.memory_space<vmem_shared>>
      %dma_wait3A_2301 = tpu.memref_squeeze %dma_wait3A_2300 : memref<1x1x512xf32, #tpu.memory_space<vmem_shared>> -> memref<512xf32, #tpu.memory_space<vmem_shared>>
      tpu.wait_dma2 semaphore(%run_scoped3A_2289 : memref<!tpu.dma_semaphore, #tpu.memory_space<semaphore_mem>>) src(%arg24 : memref<512xf32, #tpu.memory_space<vmem>>) dst(%dma_wait3A_2301 : memref<512xf32, #tpu.memory_space<vmem_shared>>)
      tpu.yield
    }) : () -> ()
    %barrier3A = arith.constant 0 : index
    tpu.barrier barrier_id(%barrier3A)
    %mul3A_87 = arith.constant 32 : i32
    %mul3A_88 = arith.muli %arg1, %mul3A_87 : i32
    %iota3A_89 = tpu.iota {dimensions = array<i32: 0>} : vector<16xi32>
    %eq3A = arith.constant 0 : i32
    %eq3A_90 = vector.broadcast %eq3A : i32 to vector<16xi32>
    %eq3A_91 = arith.cmpi eq, %iota3A_89, %eq3A_90 : vector<16xi32>
    %broadcast_in_dim3A_92 = arith.constant 1.000000e+00 : f32
    %broadcast_in_dim3A_93 = vector.broadcast %broadcast_in_dim3A_92 : f32 to vector<16xf32>
    %get3A_94 = arith.constant 0 : index
    %get3A_95 = tpu.vector_load %arg16[%get3A_94] {strides = array<i32>} : memref<16xf32, #tpu.memory_space<vmem>>, vector<16xf32>,
    %jit3A = arith.constant 0.000000e+00 : f32
    %broadcast_in_dim3A_96 = vector.broadcast %jit3A : f32 to vector<16xf32>
    %select_n3A = arith.select %eq3A_91, %get3A_95, %broadcast_in_dim3A_96 : vector<16xi1>, vector<16xf32>
    %reduce_sum3A = arith.constant true
    %reduce_sum3A_97 = vector.broadcast %reduce_sum3A : i1 to vector<16xi1>
    %reduce_sum3A_98 = tpu.scan <sum>, %select_n3A masked %reduce_sum3A_97 : vector<16xf32>, vector<16xi1> -> vector<16xf32>
    %reduce_sum3A_99 = vector.extract %reduce_sum3A_98[15] : f32 from vector<16xf32>
    %mul3A_100 = vector.broadcast %reduce_sum3A_99 : f32 to vector<16xf32>
    %mul3A_101 = arith.mulf %mul3A_100, %broadcast_in_dim3A_93 : vector<16xf32>
    %get3A_102 = arith.constant 0 : index
    %get3A_103 = tpu.vector_load %arg17[%get3A_102] {strides = array<i32>} : memref<16xf32, #tpu.memory_space<vmem>>, vector<16xf32>,
    %jit3A_104 = arith.constant 0.000000e+00 : f32
    %broadcast_in_dim3A_105 = vector.broadcast %jit3A_104 : f32 to vector<16xf32>
    %select_n3A_106 = arith.select %eq3A_91, %get3A_103, %broadcast_in_dim3A_105 : vector<16xi1>, vector<16xf32>
    %reduce_sum3A_107 = arith.constant true
    %reduce_sum3A_108 = vector.broadcast %reduce_sum3A_107 : i1 to vector<16xi1>
    %reduce_sum3A_109 = tpu.scan <sum>, %select_n3A_106 masked %reduce_sum3A_108 : vector<16xf32>, vector<16xi1> -> vector<16xf32>
    %reduce_sum3A_110 = vector.extract %reduce_sum3A_109[15] : f32 from vector<16xf32>
    %mul3A_111 = vector.broadcast %reduce_sum3A_110 : f32 to vector<16xf32>
    %mul3A_112 = arith.mulf %mul3A_111, %broadcast_in_dim3A_93 : vector<16xf32>
    %add3A_113 = arith.constant 0.541324854 : f32
    %add3A_114 = vector.broadcast %add3A_113 : f32 to vector<16xf32>
    %add3A_115 = arith.addf %mul3A_101, %add3A_114 : vector<16xf32>
    %abs3A = math.absf %add3A_115 : vector<16xf32>
    %neg3A = arith.constant 0.000000e+00 : f32
    %neg3A_116 = vector.broadcast %neg3A : f32 to vector<16xf32>
    %neg3A_117 = arith.subf %neg3A_116, %abs3A : vector<16xf32>
    %exp3A = math.exp %neg3A_117 : vector<16xf32>
    %max3A = arith.constant 0.000000e+00 : f32
    %max3A_118 = vector.broadcast %max3A : f32 to vector<16xf32>
    %max3A_119 = arith.maximumf %add3A_115, %max3A_118 : vector<16xf32>
    %add3A_120 = arith.constant 1.000000e+00 : f32
    %add3A_121 = vector.broadcast %add3A_120 : f32 to vector<16xf32>
    %add3A_122 = arith.addf %add3A_121, %exp3A : vector<16xf32>
    %sub3A = arith.constant 1.000000e+00 : f32
    %sub3A_123 = vector.broadcast %sub3A : f32 to vector<16xf32>
    %sub3A_124 = arith.subf %add3A_122, %sub3A_123 : vector<16xf32>
    %add3A_125 = arith.constant 1.000000e+00 : f32
    %add3A_126 = vector.broadcast %add3A_125 : f32 to vector<16xf32>
    %add3A_127 = arith.addf %add3A_122, %add3A_126 : vector<16xf32>
    %div3A = arith.divf %sub3A_124, %add3A_127 : vector<16xf32>
    %mul3A_128 = arith.mulf %div3A, %div3A : vector<16xf32>
    %mul3A_129 = arith.constant 2.000000e+00 : f32
    %mul3A_130 = vector.broadcast %mul3A_129 : f32 to vector<16xf32>
    %mul3A_131 = arith.mulf %mul3A_130, %div3A : vector<16xf32>
    %mul3A_132 = arith.constant 0.111111112 : f32
    %mul3A_133 = vector.broadcast %mul3A_132 : f32 to vector<16xf32>
    %mul3A_134 = arith.mulf %mul3A_128, %mul3A_133 : vector<16xf32>
    %add3A_135 = arith.constant 0.142857149 : f32
    %add3A_136 = vector.broadcast %add3A_135 : f32 to vector<16xf32>
    %add3A_137 = arith.addf %add3A_136, %mul3A_134 : vector<16xf32>
    %mul3A_138 = arith.mulf %mul3A_128, %add3A_137 : vector<16xf32>
    %add3A_139 = arith.constant 2.000000e-01 : f32
    %add3A_140 = vector.broadcast %add3A_139 : f32 to vector<16xf32>
    %add3A_141 = arith.addf %add3A_140, %mul3A_138 : vector<16xf32>
    %mul3A_142 = arith.mulf %mul3A_128, %add3A_141 : vector<16xf32>
    %add3A_143 = arith.constant 0.333333343 : f32
    %add3A_144 = vector.broadcast %add3A_143 : f32 to vector<16xf32>
    %add3A_145 = arith.addf %add3A_144, %mul3A_142 : vector<16xf32>
    %mul3A_146 = arith.mulf %mul3A_128, %add3A_145 : vector<16xf32>
    %add3A_147 = arith.constant 1.000000e+00 : f32
    %add3A_148 = vector.broadcast %add3A_147 : f32 to vector<16xf32>
    %add3A_149 = arith.addf %add3A_148, %mul3A_146 : vector<16xf32>
    %mul3A_150 = arith.mulf %mul3A_131, %add3A_149 : vector<16xf32>
    %add3A_151 = arith.addf %max3A_119, %mul3A_150 : vector<16xf32>
    %dma_start3A_152 = arith.constant 0 : i32
    %dma_start3A_153 = arith.constant 0 : i32
    %dma_start3A_154 = arith.constant 0 : i32
    %dma_start3A_155 = arith.constant 0 : i32
    %dma_start3A_156 = arith.constant 0 : i32
    %dma_start3A_157 = tpu.memref_slice %arg25[%dma_start3A_154, %dma_start3A_155, %dma_start3A_156] : memref<3x16x32xf32, #tpu.memory_space<vmem>> -> memref<1x1x32xf32, #tpu.memory_space<vmem>>
    %dma_start3A_158 = tpu.memref_squeeze %dma_start3A_157 : memref<1x1x32xf32, #tpu.memory_space<vmem>> -> memref<32xf32, #tpu.memory_space<vmem>>
    %dma_start3A_159 = tpu.memref_slice %arg27[%dma_start3A_152, %dma_start3A_153, %mul3A_88] : memref<3x16x512xf32, #tpu.memory_space<vmem_shared>> -> memref<1x1x32xf32, #tpu.memory_space<vmem_shared>>
    %dma_start3A_160 = tpu.memref_squeeze %dma_start3A_159 : memref<1x1x32xf32, #tpu.memory_space<vmem_shared>> -> memref<32xf32, #tpu.memory_space<vmem_shared>>
    %dma_start3A_161 = arith.constant 0 : i32
    %dma_start3A_162 = tpu.memref_slice %arg25[%dma_start3A_154, %dma_start3A_155, %dma_start3A_161] : memref<3x16x32xf32, #tpu.memory_space<vmem>> -> memref<1x1x32xf32, #tpu.memory_space<vmem>>
    %dma_start3A_163 = tpu.memref_squeeze %dma_start3A_162 : memref<1x1x32xf32, #tpu.memory_space<vmem>> -> memref<32xf32, #tpu.memory_space<vmem>>
    %dma_start3A_164 = tpu.memref_slice %arg27[%dma_start3A_152, %dma_start3A_153, %mul3A_88] : memref<3x16x512xf32, #tpu.memory_space<vmem_shared>> -> memref<1x1x32xf32, #tpu.memory_space<vmem_shared>>
    %dma_start3A_165 = tpu.memref_squeeze %dma_start3A_164 : memref<1x1x32xf32, #tpu.memory_space<vmem_shared>> -> memref<32xf32, #tpu.memory_space<vmem_shared>>
    tpu.enqueue_dma source(%dma_start3A_165 : memref<32xf32, #tpu.memory_space<vmem_shared>>) target(%dma_start3A_163 : memref<32xf32, #tpu.memory_space<vmem>>) target_semaphore(%arg28 : memref<!tpu.dma_semaphore, #tpu.memory_space<semaphore_mem>>)
    %dma_start3A_166 = arith.constant 0 : i32
    %dma_start3A_167 = arith.constant 1 : i32
    %dma_start3A_168 = arith.constant 0 : i32
    %dma_start3A_169 = arith.constant 1 : i32
    %dma_start3A_170 = arith.constant 0 : i32
    %dma_start3A_171 = tpu.memref_slice %arg25[%dma_start3A_168, %dma_start3A_169, %dma_start3A_170] : memref<3x16x32xf32, #tpu.memory_space<vmem>> -> memref<1x1x32xf32, #tpu.memory_space<vmem>>
    %dma_start3A_172 = tpu.memref_squeeze %dma_start3A_171 : memref<1x1x32xf32, #tpu.memory_space<vmem>> -> memref<32xf32, #tpu.memory_space<vmem>>
    %dma_start3A_173 = tpu.memref_slice %arg27[%dma_start3A_166, %dma_start3A_167, %mul3A_88] : memref<3x16x512xf32, #tpu.memory_space<vmem_shared>> -> memref<1x1x32xf32, #tpu.memory_space<vmem_shared>>
    %dma_start3A_174 = tpu.memref_squeeze %dma_start3A_173 : memref<1x1x32xf32, #tpu.memory_space<vmem_shared>> -> memref<32xf32, #tpu.memory_space<vmem_shared>>
    %dma_start3A_175 = arith.constant 0 : i32
    %dma_start3A_176 = tpu.memref_slice %arg25[%dma_start3A_168, %dma_start3A_169, %dma_start3A_175] : memref<3x16x32xf32, #tpu.memory_space<vmem>> -> memref<1x1x32xf32, #tpu.memory_space<vmem>>
    %dma_start3A_177 = tpu.memref_squeeze %dma_start3A_176 : memref<1x1x32xf32, #tpu.memory_space<vmem>> -> memref<32xf32, #tpu.memory_space<vmem>>
    %dma_start3A_178 = tpu.memref_slice %arg27[%dma_start3A_166, %dma_start3A_167, %mul3A_88] : memref<3x16x512xf32, #tpu.memory_space<vmem_shared>> -> memref<1x1x32xf32, #tpu.memory_space<vmem_shared>>
    %dma_start3A_179 = tpu.memref_squeeze %dma_start3A_178 : memref<1x1x32xf32, #tpu.memory_space<vmem_shared>> -> memref<32xf32, #tpu.memory_space<vmem_shared>>
    tpu.enqueue_dma source(%dma_start3A_179 : memref<32xf32, #tpu.memory_space<vmem_shared>>) target(%dma_start3A_177 : memref<32xf32, #tpu.memory_space<vmem>>) target_semaphore(%arg28 : memref<!tpu.dma_semaphore, #tpu.memory_space<semaphore_mem>>)
    %dma_start3A_180 = arith.constant 0 : i32
    %dma_start3A_181 = arith.constant 2 : i32
    %dma_start3A_182 = arith.constant 0 : i32
    %dma_start3A_183 = arith.constant 2 : i32
    %dma_start3A_184 = arith.constant 0 : i32
    %dma_start3A_185 = tpu.memref_slice %arg25[%dma_start3A_182, %dma_start3A_183, %dma_start3A_184] : memref<3x16x32xf32, #tpu.memory_space<vmem>> -> memref<1x1x32xf32, #tpu.memory_space<vmem>>
    %dma_start3A_186 = tpu.memref_squeeze %dma_start3A_185 : memref<1x1x32xf32, #tpu.memory_space<vmem>> -> memref<32xf32, #tpu.memory_space<vmem>>
    %dma_start3A_187 = tpu.memref_slice %arg27[%dma_start3A_180, %dma_start3A_181, %mul3A_88] : memref<3x16x512xf32, #tpu.memory_space<vmem_shared>> -> memref<1x1x32xf32, #tpu.memory_space<vmem_shared>>
    %dma_start3A_188 = tpu.memref_squeeze %dma_start3A_187 : memref<1x1x32xf32, #tpu.memory_space<vmem_shared>> -> memref<32xf32, #tpu.memory_space<vmem_shared>>
    %dma_start3A_189 = arith.constant 0 : i32
    %dma_start3A_190 = tpu.memref_slice %arg25[%dma_start3A_182, %dma_start3A_183, %dma_start3A_189] : memref<3x16x32xf32, #tpu.memory_space<vmem>> -> memref<1x1x32xf32, #tpu.memory_space<vmem>>
    %dma_start3A_191 = tpu.memref_squeeze %dma_start3A_190 : memref<1x1x32xf32, #tpu.memory_space<vmem>> -> memref<32xf32, #tpu.memory_space<vmem>>
    %dma_start3A_192 = tpu.memref_slice %arg27[%dma_start3A_180, %dma_start3A_181, %mul3A_88] : memref<3x16x512xf32, #tpu.memory_space<vmem_shared>> -> memref<1x1x32xf32, #tpu.memory_space<vmem_shared>>
    %dma_start3A_193 = tpu.memref_squeeze %dma_start3A_192 : memref<1x1x32xf32, #tpu.memory_space<vmem_shared>> -> memref<32xf32, #tpu.memory_space<vmem_shared>>
    tpu.enqueue_dma source(%dma_start3A_193 : memref<32xf32, #tpu.memory_space<vmem_shared>>) target(%dma_start3A_191 : memref<32xf32, #tpu.memory_space<vmem>>) target_semaphore(%arg28 : memref<!tpu.dma_semaphore, #tpu.memory_space<semaphore_mem>>)
    %dma_start3A_194 = arith.constant 0 : i32
    %dma_start3A_195 = arith.constant 3 : i32
    %dma_start3A_196 = arith.constant 0 : i32
    %dma_start3A_197 = arith.constant 3 : i32
    %dma_start3A_198 = arith.constant 0 : i32
    %dma_start3A_199 = tpu.memref_slice %arg25[%dma_start3A_196, %dma_start3A_197, %dma_start3A_198] : memref<3x16x32xf32, #tpu.memory_space<vmem>> -> memref<1x1x32xf32, #tpu.memory_space<vmem>>
    %dma_start3A_200 = tpu.memref_squeeze %dma_start3A_199 : memref<1x1x32xf32, #tpu.memory_space<vmem>> -> memref<32xf32, #tpu.memory_space<vmem>>
    %dma_start3A_201 = tpu.memref_slice %arg27[%dma_start3A_194, %dma_start3A_195, %mul3A_88] : memref<3x16x512xf32, #tpu.memory_space<vmem_shared>> -> memref<1x1x32xf32, #tpu.memory_space<vmem_shared>>
    %dma_start3A_202 = tpu.memref_squeeze %dma_start3A_201 : memref<1x1x32xf32, #tpu.memory_space<vmem_shared>> -> memref<32xf32, #tpu.memory_space<vmem_shared>>
    %dma_start3A_203 = arith.constant 0 : i32
    %dma_start3A_204 = tpu.memref_slice %arg25[%dma_start3A_196, %dma_start3A_197, %dma_start3A_203] : memref<3x16x32xf32, #tpu.memory_space<vmem>> -> memref<1x1x32xf32, #tpu.memory_space<vmem>>
    %dma_start3A_205 = tpu.memref_squeeze %dma_start3A_204 : memref<1x1x32xf32, #tpu.memory_space<vmem>> -> memref<32xf32, #tpu.memory_space<vmem>>
    %dma_start3A_206 = tpu.memref_slice %arg27[%dma_start3A_194, %dma_start3A_195, %mul3A_88] : memref<3x16x512xf32, #tpu.memory_space<vmem_shared>> -> memref<1x1x32xf32, #tpu.memory_space<vmem_shared>>
    %dma_start3A_207 = tpu.memref_squeeze %dma_start3A_206 : memref<1x1x32xf32, #tpu.memory_space<vmem_shared>> -> memref<32xf32, #tpu.memory_space<vmem_shared>>
    tpu.enqueue_dma source(%dma_start3A_207 : memref<32xf32, #tpu.memory_space<vmem_shared>>) target(%dma_start3A_205 : memref<32xf32, #tpu.memory_space<vmem>>) target_semaphore(%arg28 : memref<!tpu.dma_semaphore, #tpu.memory_space<semaphore_mem>>)
    %dma_start3A_208 = arith.constant 0 : i32
    %dma_start3A_209 = arith.constant 4 : i32
    %dma_start3A_210 = arith.constant 0 : i32
    %dma_start3A_211 = arith.constant 4 : i32
    %dma_start3A_212 = arith.constant 0 : i32
    %dma_start3A_213 = tpu.memref_slice %arg25[%dma_start3A_210, %dma_start3A_211, %dma_start3A_212] : memref<3x16x32xf32, #tpu.memory_space<vmem>> -> memref<1x1x32xf32, #tpu.memory_space<vmem>>
    %dma_start3A_214 = tpu.memref_squeeze %dma_start3A_213 : memref<1x1x32xf32, #tpu.memory_space<vmem>> -> memref<32xf32, #tpu.memory_space<vmem>>
    %dma_start3A_215 = tpu.memref_slice %arg27[%dma_start3A_208, %dma_start3A_209, %mul3A_88] : memref<3x16x512xf32, #tpu.memory_space<vmem_shared>> -> memref<1x1x32xf32, #tpu.memory_space<vmem_shared>>
    %dma_start3A_216 = tpu.memref_squeeze %dma_start3A_215 : memref<1x1x32xf32, #tpu.memory_space<vmem_shared>> -> memref<32xf32, #tpu.memory_space<vmem_shared>>
    %dma_start3A_217 = arith.constant 0 : i32
    %dma_start3A_218 = tpu.memref_slice %arg25[%dma_start3A_210, %dma_start3A_211, %dma_start3A_217] : memref<3x16x32xf32, #tpu.memory_space<vmem>> -> memref<1x1x32xf32, #tpu.memory_space<vmem>>
    %dma_start3A_219 = tpu.memref_squeeze %dma_start3A_218 : memref<1x1x32xf32, #tpu.memory_space<vmem>> -> memref<32xf32, #tpu.memory_space<vmem>>
    %dma_start3A_220 = tpu.memref_slice %arg27[%dma_start3A_208, %dma_start3A_209, %mul3A_88] : memref<3x16x512xf32, #tpu.memory_space<vmem_shared>> -> memref<1x1x32xf32, #tpu.memory_space<vmem_shared>>
    %dma_start3A_221 = tpu.memref_squeeze %dma_start3A_220 : memref<1x1x32xf32, #tpu.memory_space<vmem_shared>> -> memref<32xf32, #tpu.memory_space<vmem_shared>>
    tpu.enqueue_dma source(%dma_start3A_221 : memref<32xf32, #tpu.memory_space<vmem_shared>>) target(%dma_start3A_219 : memref<32xf32, #tpu.memory_space<vmem>>) target_semaphore(%arg28 : memref<!tpu.dma_semaphore, #tpu.memory_space<semaphore_mem>>)
    %dma_start3A_222 = arith.constant 0 : i32
    %dma_start3A_223 = arith.constant 5 : i32
    %dma_start3A_224 = arith.constant 0 : i32
    %dma_start3A_225 = arith.constant 5 : i32
    %dma_start3A_226 = arith.constant 0 : i32
    %dma_start3A_227 = tpu.memref_slice %arg25[%dma_start3A_224, %dma_start3A_225, %dma_start3A_226] : memref<3x16x32xf32, #tpu.memory_space<vmem>> -> memref<1x1x32xf32, #tpu.memory_space<vmem>>
    %dma_start3A_228 = tpu.memref_squeeze %dma_start3A_227 : memref<1x1x32xf32, #tpu.memory_space<vmem>> -> memref<32xf32, #tpu.memory_space<vmem>>
    %dma_start3A_229 = tpu.memref_slice %arg27[%dma_start3A_222, %dma_start3A_223, %mul3A_88] : memref<3x16x512xf32, #tpu.memory_space<vmem_shared>> -> memref<1x1x32xf32, #tpu.memory_space<vmem_shared>>
    %dma_start3A_230 = tpu.memref_squeeze %dma_start3A_229 : memref<1x1x32xf32, #tpu.memory_space<vmem_shared>> -> memref<32xf32, #tpu.memory_space<vmem_shared>>
    %dma_start3A_231 = arith.constant 0 : i32
    %dma_start3A_232 = tpu.memref_slice %arg25[%dma_start3A_224, %dma_start3A_225, %dma_start3A_231] : memref<3x16x32xf32, #tpu.memory_space<vmem>> -> memref<1x1x32xf32, #tpu.memory_space<vmem>>
    %dma_start3A_233 = tpu.memref_squeeze %dma_start3A_232 : memref<1x1x32xf32, #tpu.memory_space<vmem>> -> memref<32xf32, #tpu.memory_space<vmem>>
    %dma_start3A_234 = tpu.memref_slice %arg27[%dma_start3A_222, %dma_start3A_223, %mul3A_88] : memref<3x16x512xf32, #tpu.memory_space<vmem_shared>> -> memref<1x1x32xf32, #tpu.memory_space<vmem_shared>>
    %dma_start3A_235 = tpu.memref_squeeze %dma_start3A_234 : memref<1x1x32xf32, #tpu.memory_space<vmem_shared>> -> memref<32xf32, #tpu.memory_space<vmem_shared>>
    tpu.enqueue_dma source(%dma_start3A_235 : memref<32xf32, #tpu.memory_space<vmem_shared>>) target(%dma_start3A_233 : memref<32xf32, #tpu.memory_space<vmem>>) target_semaphore(%arg28 : memref<!tpu.dma_semaphore, #tpu.memory_space<semaphore_mem>>)
    %dma_start3A_236 = arith.constant 0 : i32
    %dma_start3A_237 = arith.constant 6 : i32
    %dma_start3A_238 = arith.constant 0 : i32
    %dma_start3A_239 = arith.constant 6 : i32
    %dma_start3A_240 = arith.constant 0 : i32
    %dma_start3A_241 = tpu.memref_slice %arg25[%dma_start3A_238, %dma_start3A_239, %dma_start3A_240] : memref<3x16x32xf32, #tpu.memory_space<vmem>> -> memref<1x1x32xf32, #tpu.memory_space<vmem>>
    %dma_start3A_242 = tpu.memref_squeeze %dma_start3A_241 : memref<1x1x32xf32, #tpu.memory_space<vmem>> -> memref<32xf32, #tpu.memory_space<vmem>>
    %dma_start3A_243 = tpu.memref_slice %arg27[%dma_start3A_236, %dma_start3A_237, %mul3A_88] : memref<3x16x512xf32, #tpu.memory_space<vmem_shared>> -> memref<1x1x32xf32, #tpu.memory_space<vmem_shared>>
    %dma_start3A_244 = tpu.memref_squeeze %dma_start3A_243 : memref<1x1x32xf32, #tpu.memory_space<vmem_shared>> -> memref<32xf32, #tpu.memory_space<vmem_shared>>
    %dma_start3A_245 = arith.constant 0 : i32
    %dma_start3A_246 = tpu.memref_slice %arg25[%dma_start3A_238, %dma_start3A_239, %dma_start3A_245] : memref<3x16x32xf32, #tpu.memory_space<vmem>> -> memref<1x1x32xf32, #tpu.memory_space<vmem>>
    %dma_start3A_247 = tpu.memref_squeeze %dma_start3A_246 : memref<1x1x32xf32, #tpu.memory_space<vmem>> -> memref<32xf32, #tpu.memory_space<vmem>>
    %dma_start3A_248 = tpu.memref_slice %arg27[%dma_start3A_236, %dma_start3A_237, %mul3A_88] : memref<3x16x512xf32, #tpu.memory_space<vmem_shared>> -> memref<1x1x32xf32, #tpu.memory_space<vmem_shared>>
    %dma_start3A_249 = tpu.memref_squeeze %dma_start3A_248 : memref<1x1x32xf32, #tpu.memory_space<vmem_shared>> -> memref<32xf32, #tpu.memory_space<vmem_shared>>
    tpu.enqueue_dma source(%dma_start3A_249 : memref<32xf32, #tpu.memory_space<vmem_shared>>) target(%dma_start3A_247 : memref<32xf32, #tpu.memory_space<vmem>>) target_semaphore(%arg28 : memref<!tpu.dma_semaphore, #tpu.memory_space<semaphore_mem>>)
    %dma_start3A_250 = arith.constant 0 : i32
    %dma_start3A_251 = arith.constant 7 : i32
    %dma_start3A_252 = arith.constant 0 : i32
    %dma_start3A_253 = arith.constant 7 : i32
    %dma_start3A_254 = arith.constant 0 : i32
    %dma_start3A_255 = tpu.memref_slice %arg25[%dma_start3A_252, %dma_start3A_253, %dma_start3A_254] : memref<3x16x32xf32, #tpu.memory_space<vmem>> -> memref<1x1x32xf32, #tpu.memory_space<vmem>>
    %dma_start3A_256 = tpu.memref_squeeze %dma_start3A_255 : memref<1x1x32xf32, #tpu.memory_space<vmem>> -> memref<32xf32, #tpu.memory_space<vmem>>
    %dma_start3A_257 = tpu.memref_slice %arg27[%dma_start3A_250, %dma_start3A_251, %mul3A_88] : memref<3x16x512xf32, #tpu.memory_space<vmem_shared>> -> memref<1x1x32xf32, #tpu.memory_space<vmem_shared>>
    %dma_start3A_258 = tpu.memref_squeeze %dma_start3A_257 : memref<1x1x32xf32, #tpu.memory_space<vmem_shared>> -> memref<32xf32, #tpu.memory_space<vmem_shared>>
    %dma_start3A_259 = arith.constant 0 : i32
    %dma_start3A_260 = tpu.memref_slice %arg25[%dma_start3A_252, %dma_start3A_253, %dma_start3A_259] : memref<3x16x32xf32, #tpu.memory_space<vmem>> -> memref<1x1x32xf32, #tpu.memory_space<vmem>>
    %dma_start3A_261 = tpu.memref_squeeze %dma_start3A_260 : memref<1x1x32xf32, #tpu.memory_space<vmem>> -> memref<32xf32, #tpu.memory_space<vmem>>
    %dma_start3A_262 = tpu.memref_slice %arg27[%dma_start3A_250, %dma_start3A_251, %mul3A_88] : memref<3x16x512xf32, #tpu.memory_space<vmem_shared>> -> memref<1x1x32xf32, #tpu.memory_space<vmem_shared>>
    %dma_start3A_263 = tpu.memref_squeeze %dma_start3A_262 : memref<1x1x32xf32, #tpu.memory_space<vmem_shared>> -> memref<32xf32, #tpu.memory_space<vmem_shared>>
    tpu.enqueue_dma source(%dma_start3A_263 : memref<32xf32, #tpu.memory_space<vmem_shared>>) target(%dma_start3A_261 : memref<32xf32, #tpu.memory_space<vmem>>) target_semaphore(%arg28 : memref<!tpu.dma_semaphore, #tpu.memory_space<semaphore_mem>>)
    %dma_start3A_264 = arith.constant 0 : i32
    %dma_start3A_265 = arith.constant 8 : i32
    %dma_start3A_266 = arith.constant 0 : i32
    %dma_start3A_267 = arith.constant 8 : i32
    %dma_start3A_268 = arith.constant 0 : i32
    %dma_start3A_269 = tpu.memref_slice %arg25[%dma_start3A_266, %dma_start3A_267, %dma_start3A_268] : memref<3x16x32xf32, #tpu.memory_space<vmem>> -> memref<1x1x32xf32, #tpu.memory_space<vmem>>
    %dma_start3A_270 = tpu.memref_squeeze %dma_start3A_269 : memref<1x1x32xf32, #tpu.memory_space<vmem>> -> memref<32xf32, #tpu.memory_space<vmem>>
    %dma_start3A_271 = tpu.memref_slice %arg27[%dma_start3A_264, %dma_start3A_265, %mul3A_88] : memref<3x16x512xf32, #tpu.memory_space<vmem_shared>> -> memref<1x1x32xf32, #tpu.memory_space<vmem_shared>>
    %dma_start3A_272 = tpu.memref_squeeze %dma_start3A_271 : memref<1x1x32xf32, #tpu.memory_space<vmem_shared>> -> memref<32xf32, #tpu.memory_space<vmem_shared>>
    %dma_start3A_273 = arith.constant 0 : i32
    %dma_start3A_274 = tpu.memref_slice %arg25[%dma_start3A_266, %dma_start3A_267, %dma_start3A_273] : memref<3x16x32xf32, #tpu.memory_space<vmem>> -> memref<1x1x32xf32, #tpu.memory_space<vmem>>
    %dma_start3A_275 = tpu.memref_squeeze %dma_start3A_274 : memref<1x1x32xf32, #tpu.memory_space<vmem>> -> memref<32xf32, #tpu.memory_space<vmem>>
    %dma_start3A_276 = tpu.memref_slice %arg27[%dma_start3A_264, %dma_start3A_265, %mul3A_88] : memref<3x16x512xf32, #tpu.memory_space<vmem_shared>> -> memref<1x1x32xf32, #tpu.memory_space<vmem_shared>>
    %dma_start3A_277 = tpu.memref_squeeze %dma_start3A_276 : memref<1x1x32xf32, #tpu.memory_space<vmem_shared>> -> memref<32xf32, #tpu.memory_space<vmem_shared>>
    tpu.enqueue_dma source(%dma_start3A_277 : memref<32xf32, #tpu.memory_space<vmem_shared>>) target(%dma_start3A_275 : memref<32xf32, #tpu.memory_space<vmem>>) target_semaphore(%arg28 : memref<!tpu.dma_semaphore, #tpu.memory_space<semaphore_mem>>)
    %dma_start3A_278 = arith.constant 0 : i32
    %dma_start3A_279 = arith.constant 9 : i32
    %dma_start3A_280 = arith.constant 0 : i32
    %dma_start3A_281 = arith.constant 9 : i32
    %dma_start3A_282 = arith.constant 0 : i32
    %dma_start3A_283 = tpu.memref_slice %arg25[%dma_start3A_280, %dma_start3A_281, %dma_start3A_282] : memref<3x16x32xf32, #tpu.memory_space<vmem>> -> memref<1x1x32xf32, #tpu.memory_space<vmem>>
    %dma_start3A_284 = tpu.memref_squeeze %dma_start3A_283 : memref<1x1x32xf32, #tpu.memory_space<vmem>> -> memref<32xf32, #tpu.memory_space<vmem>>
    %dma_start3A_285 = tpu.memref_slice %arg27[%dma_start3A_278, %dma_start3A_279, %mul3A_88] : memref<3x16x512xf32, #tpu.memory_space<vmem_shared>> -> memref<1x1x32xf32, #tpu.memory_space<vmem_shared>>
    %dma_start3A_286 = tpu.memref_squeeze %dma_start3A_285 : memref<1x1x32xf32, #tpu.memory_space<vmem_shared>> -> memref<32xf32, #tpu.memory_space<vmem_shared>>
    %dma_start3A_287 = arith.constant 0 : i32
    %dma_start3A_288 = tpu.memref_slice %arg25[%dma_start3A_280, %dma_start3A_281, %dma_start3A_287] : memref<3x16x32xf32, #tpu.memory_space<vmem>> -> memref<1x1x32xf32, #tpu.memory_space<vmem>>
    %dma_start3A_289 = tpu.memref_squeeze %dma_start3A_288 : memref<1x1x32xf32, #tpu.memory_space<vmem>> -> memref<32xf32, #tpu.memory_space<vmem>>
    %dma_start3A_290 = tpu.memref_slice %arg27[%dma_start3A_278, %dma_start3A_279, %mul3A_88] : memref<3x16x512xf32, #tpu.memory_space<vmem_shared>> -> memref<1x1x32xf32, #tpu.memory_space<vmem_shared>>
    %dma_start3A_291 = tpu.memref_squeeze %dma_start3A_290 : memref<1x1x32xf32, #tpu.memory_space<vmem_shared>> -> memref<32xf32, #tpu.memory_space<vmem_shared>>
    tpu.enqueue_dma source(%dma_start3A_291 : memref<32xf32, #tpu.memory_space<vmem_shared>>) target(%dma_start3A_289 : memref<32xf32, #tpu.memory_space<vmem>>) target_semaphore(%arg28 : memref<!tpu.dma_semaphore, #tpu.memory_space<semaphore_mem>>)
    %dma_start3A_292 = arith.constant 0 : i32
    %dma_start3A_293 = arith.constant 10 : i32
    %dma_start3A_294 = arith.constant 0 : i32
    %dma_start3A_295 = arith.constant 10 : i32
    %dma_start3A_296 = arith.constant 0 : i32
    %dma_start3A_297 = tpu.memref_slice %arg25[%dma_start3A_294, %dma_start3A_295, %dma_start3A_296] : memref<3x16x32xf32, #tpu.memory_space<vmem>> -> memref<1x1x32xf32, #tpu.memory_space<vmem>>
    %dma_start3A_298 = tpu.memref_squeeze %dma_start3A_297 : memref<1x1x32xf32, #tpu.memory_space<vmem>> -> memref<32xf32, #tpu.memory_space<vmem>>
    %dma_start3A_299 = tpu.memref_slice %arg27[%dma_start3A_292, %dma_start3A_293, %mul3A_88] : memref<3x16x512xf32, #tpu.memory_space<vmem_shared>> -> memref<1x1x32xf32, #tpu.memory_space<vmem_shared>>
    %dma_start3A_300 = tpu.memref_squeeze %dma_start3A_299 : memref<1x1x32xf32, #tpu.memory_space<vmem_shared>> -> memref<32xf32, #tpu.memory_space<vmem_shared>>
    %dma_start3A_301 = arith.constant 0 : i32
    %dma_start3A_302 = tpu.memref_slice %arg25[%dma_start3A_294, %dma_start3A_295, %dma_start3A_301] : memref<3x16x32xf32, #tpu.memory_space<vmem>> -> memref<1x1x32xf32, #tpu.memory_space<vmem>>
    %dma_start3A_303 = tpu.memref_squeeze %dma_start3A_302 : memref<1x1x32xf32, #tpu.memory_space<vmem>> -> memref<32xf32, #tpu.memory_space<vmem>>
    %dma_start3A_304 = tpu.memref_slice %arg27[%dma_start3A_292, %dma_start3A_293, %mul3A_88] : memref<3x16x512xf32, #tpu.memory_space<vmem_shared>> -> memref<1x1x32xf32, #tpu.memory_space<vmem_shared>>
    %dma_start3A_305 = tpu.memref_squeeze %dma_start3A_304 : memref<1x1x32xf32, #tpu.memory_space<vmem_shared>> -> memref<32xf32, #tpu.memory_space<vmem_shared>>
    tpu.enqueue_dma source(%dma_start3A_305 : memref<32xf32, #tpu.memory_space<vmem_shared>>) target(%dma_start3A_303 : memref<32xf32, #tpu.memory_space<vmem>>) target_semaphore(%arg28 : memref<!tpu.dma_semaphore, #tpu.memory_space<semaphore_mem>>)
    %dma_start3A_306 = arith.constant 0 : i32
    %dma_start3A_307 = arith.constant 11 : i32
    %dma_start3A_308 = arith.constant 0 : i32
    %dma_start3A_309 = arith.constant 11 : i32
    %dma_start3A_310 = arith.constant 0 : i32
    %dma_start3A_311 = tpu.memref_slice %arg25[%dma_start3A_308, %dma_start3A_309, %dma_start3A_310] : memref<3x16x32xf32, #tpu.memory_space<vmem>> -> memref<1x1x32xf32, #tpu.memory_space<vmem>>
    %dma_start3A_312 = tpu.memref_squeeze %dma_start3A_311 : memref<1x1x32xf32, #tpu.memory_space<vmem>> -> memref<32xf32, #tpu.memory_space<vmem>>
    %dma_start3A_313 = tpu.memref_slice %arg27[%dma_start3A_306, %dma_start3A_307, %mul3A_88] : memref<3x16x512xf32, #tpu.memory_space<vmem_shared>> -> memref<1x1x32xf32, #tpu.memory_space<vmem_shared>>
    %dma_start3A_314 = tpu.memref_squeeze %dma_start3A_313 : memref<1x1x32xf32, #tpu.memory_space<vmem_shared>> -> memref<32xf32, #tpu.memory_space<vmem_shared>>
    %dma_start3A_315 = arith.constant 0 : i32
    %dma_start3A_316 = tpu.memref_slice %arg25[%dma_start3A_308, %dma_start3A_309, %dma_start3A_315] : memref<3x16x32xf32, #tpu.memory_space<vmem>> -> memref<1x1x32xf32, #tpu.memory_space<vmem>>
    %dma_start3A_317 = tpu.memref_squeeze %dma_start3A_316 : memref<1x1x32xf32, #tpu.memory_space<vmem>> -> memref<32xf32, #tpu.memory_space<vmem>>
    %dma_start3A_318 = tpu.memref_slice %arg27[%dma_start3A_306, %dma_start3A_307, %mul3A_88] : memref<3x16x512xf32, #tpu.memory_space<vmem_shared>> -> memref<1x1x32xf32, #tpu.memory_space<vmem_shared>>
    %dma_start3A_319 = tpu.memref_squeeze %dma_start3A_318 : memref<1x1x32xf32, #tpu.memory_space<vmem_shared>> -> memref<32xf32, #tpu.memory_space<vmem_shared>>
    tpu.enqueue_dma source(%dma_start3A_319 : memref<32xf32, #tpu.memory_space<vmem_shared>>) target(%dma_start3A_317 : memref<32xf32, #tpu.memory_space<vmem>>) target_semaphore(%arg28 : memref<!tpu.dma_semaphore, #tpu.memory_space<semaphore_mem>>)
    %dma_start3A_320 = arith.constant 0 : i32
    %dma_start3A_321 = arith.constant 12 : i32
    %dma_start3A_322 = arith.constant 0 : i32
    %dma_start3A_323 = arith.constant 12 : i32
    %dma_start3A_324 = arith.constant 0 : i32
    %dma_start3A_325 = tpu.memref_slice %arg25[%dma_start3A_322, %dma_start3A_323, %dma_start3A_324] : memref<3x16x32xf32, #tpu.memory_space<vmem>> -> memref<1x1x32xf32, #tpu.memory_space<vmem>>
    %dma_start3A_326 = tpu.memref_squeeze %dma_start3A_325 : memref<1x1x32xf32, #tpu.memory_space<vmem>> -> memref<32xf32, #tpu.memory_space<vmem>>
    %dma_start3A_327 = tpu.memref_slice %arg27[%dma_start3A_320, %dma_start3A_321, %mul3A_88] : memref<3x16x512xf32, #tpu.memory_space<vmem_shared>> -> memref<1x1x32xf32, #tpu.memory_space<vmem_shared>>
    %dma_start3A_328 = tpu.memref_squeeze %dma_start3A_327 : memref<1x1x32xf32, #tpu.memory_space<vmem_shared>> -> memref<32xf32, #tpu.memory_space<vmem_shared>>
    %dma_start3A_329 = arith.constant 0 : i32
    %dma_start3A_330 = tpu.memref_slice %arg25[%dma_start3A_322, %dma_start3A_323, %dma_start3A_329] : memref<3x16x32xf32, #tpu.memory_space<vmem>> -> memref<1x1x32xf32, #tpu.memory_space<vmem>>
    %dma_start3A_331 = tpu.memref_squeeze %dma_start3A_330 : memref<1x1x32xf32, #tpu.memory_space<vmem>> -> memref<32xf32, #tpu.memory_space<vmem>>
    %dma_start3A_332 = tpu.memref_slice %arg27[%dma_start3A_320, %dma_start3A_321, %mul3A_88] : memref<3x16x512xf32, #tpu.memory_space<vmem_shared>> -> memref<1x1x32xf32, #tpu.memory_space<vmem_shared>>
    %dma_start3A_333 = tpu.memref_squeeze %dma_start3A_332 : memref<1x1x32xf32, #tpu.memory_space<vmem_shared>> -> memref<32xf32, #tpu.memory_space<vmem_shared>>
    tpu.enqueue_dma source(%dma_start3A_333 : memref<32xf32, #tpu.memory_space<vmem_shared>>) target(%dma_start3A_331 : memref<32xf32, #tpu.memory_space<vmem>>) target_semaphore(%arg28 : memref<!tpu.dma_semaphore, #tpu.memory_space<semaphore_mem>>)
    %dma_start3A_334 = arith.constant 0 : i32
    %dma_start3A_335 = arith.constant 13 : i32
    %dma_start3A_336 = arith.constant 0 : i32
    %dma_start3A_337 = arith.constant 13 : i32
    %dma_start3A_338 = arith.constant 0 : i32
    %dma_start3A_339 = tpu.memref_slice %arg25[%dma_start3A_336, %dma_start3A_337, %dma_start3A_338] : memref<3x16x32xf32, #tpu.memory_space<vmem>> -> memref<1x1x32xf32, #tpu.memory_space<vmem>>
    %dma_start3A_340 = tpu.memref_squeeze %dma_start3A_339 : memref<1x1x32xf32, #tpu.memory_space<vmem>> -> memref<32xf32, #tpu.memory_space<vmem>>
    %dma_start3A_341 = tpu.memref_slice %arg27[%dma_start3A_334, %dma_start3A_335, %mul3A_88] : memref<3x16x512xf32, #tpu.memory_space<vmem_shared>> -> memref<1x1x32xf32, #tpu.memory_space<vmem_shared>>
    %dma_start3A_342 = tpu.memref_squeeze %dma_start3A_341 : memref<1x1x32xf32, #tpu.memory_space<vmem_shared>> -> memref<32xf32, #tpu.memory_space<vmem_shared>>
    %dma_start3A_343 = arith.constant 0 : i32
    %dma_start3A_344 = tpu.memref_slice %arg25[%dma_start3A_336, %dma_start3A_337, %dma_start3A_343] : memref<3x16x32xf32, #tpu.memory_space<vmem>> -> memref<1x1x32xf32, #tpu.memory_space<vmem>>
    %dma_start3A_345 = tpu.memref_squeeze %dma_start3A_344 : memref<1x1x32xf32, #tpu.memory_space<vmem>> -> memref<32xf32, #tpu.memory_space<vmem>>
    %dma_start3A_346 = tpu.memref_slice %arg27[%dma_start3A_334, %dma_start3A_335, %mul3A_88] : memref<3x16x512xf32, #tpu.memory_space<vmem_shared>> -> memref<1x1x32xf32, #tpu.memory_space<vmem_shared>>
    %dma_start3A_347 = tpu.memref_squeeze %dma_start3A_346 : memref<1x1x32xf32, #tpu.memory_space<vmem_shared>> -> memref<32xf32, #tpu.memory_space<vmem_shared>>
    tpu.enqueue_dma source(%dma_start3A_347 : memref<32xf32, #tpu.memory_space<vmem_shared>>) target(%dma_start3A_345 : memref<32xf32, #tpu.memory_space<vmem>>) target_semaphore(%arg28 : memref<!tpu.dma_semaphore, #tpu.memory_space<semaphore_mem>>)
    %dma_start3A_348 = arith.constant 0 : i32
    %dma_start3A_349 = arith.constant 14 : i32
    %dma_start3A_350 = arith.constant 0 : i32
    %dma_start3A_351 = arith.constant 14 : i32
    %dma_start3A_352 = arith.constant 0 : i32
    %dma_start3A_353 = tpu.memref_slice %arg25[%dma_start3A_350, %dma_start3A_351, %dma_start3A_352] : memref<3x16x32xf32, #tpu.memory_space<vmem>> -> memref<1x1x32xf32, #tpu.memory_space<vmem>>
    %dma_start3A_354 = tpu.memref_squeeze %dma_start3A_353 : memref<1x1x32xf32, #tpu.memory_space<vmem>> -> memref<32xf32, #tpu.memory_space<vmem>>
    %dma_start3A_355 = tpu.memref_slice %arg27[%dma_start3A_348, %dma_start3A_349, %mul3A_88] : memref<3x16x512xf32, #tpu.memory_space<vmem_shared>> -> memref<1x1x32xf32, #tpu.memory_space<vmem_shared>>
    %dma_start3A_356 = tpu.memref_squeeze %dma_start3A_355 : memref<1x1x32xf32, #tpu.memory_space<vmem_shared>> -> memref<32xf32, #tpu.memory_space<vmem_shared>>
    %dma_start3A_357 = arith.constant 0 : i32
    %dma_start3A_358 = tpu.memref_slice %arg25[%dma_start3A_350, %dma_start3A_351, %dma_start3A_357] : memref<3x16x32xf32, #tpu.memory_space<vmem>> -> memref<1x1x32xf32, #tpu.memory_space<vmem>>
    %dma_start3A_359 = tpu.memref_squeeze %dma_start3A_358 : memref<1x1x32xf32, #tpu.memory_space<vmem>> -> memref<32xf32, #tpu.memory_space<vmem>>
    %dma_start3A_360 = tpu.memref_slice %arg27[%dma_start3A_348, %dma_start3A_349, %mul3A_88] : memref<3x16x512xf32, #tpu.memory_space<vmem_shared>> -> memref<1x1x32xf32, #tpu.memory_space<vmem_shared>>
    %dma_start3A_361 = tpu.memref_squeeze %dma_start3A_360 : memref<1x1x32xf32, #tpu.memory_space<vmem_shared>> -> memref<32xf32, #tpu.memory_space<vmem_shared>>
    tpu.enqueue_dma source(%dma_start3A_361 : memref<32xf32, #tpu.memory_space<vmem_shared>>) target(%dma_start3A_359 : memref<32xf32, #tpu.memory_space<vmem>>) target_semaphore(%arg28 : memref<!tpu.dma_semaphore, #tpu.memory_space<semaphore_mem>>)
    %dma_start3A_362 = arith.constant 0 : i32
    %dma_start3A_363 = arith.constant 15 : i32
    %dma_start3A_364 = arith.constant 0 : i32
    %dma_start3A_365 = arith.constant 15 : i32
    %dma_start3A_366 = arith.constant 0 : i32
    %dma_start3A_367 = tpu.memref_slice %arg25[%dma_start3A_364, %dma_start3A_365, %dma_start3A_366] : memref<3x16x32xf32, #tpu.memory_space<vmem>> -> memref<1x1x32xf32, #tpu.memory_space<vmem>>
    %dma_start3A_368 = tpu.memref_squeeze %dma_start3A_367 : memref<1x1x32xf32, #tpu.memory_space<vmem>> -> memref<32xf32, #tpu.memory_space<vmem>>
    %dma_start3A_369 = tpu.memref_slice %arg27[%dma_start3A_362, %dma_start3A_363, %mul3A_88] : memref<3x16x512xf32, #tpu.memory_space<vmem_shared>> -> memref<1x1x32xf32, #tpu.memory_space<vmem_shared>>
    %dma_start3A_370 = tpu.memref_squeeze %dma_start3A_369 : memref<1x1x32xf32, #tpu.memory_space<vmem_shared>> -> memref<32xf32, #tpu.memory_space<vmem_shared>>
    %dma_start3A_371 = arith.constant 0 : i32
    %dma_start3A_372 = tpu.memref_slice %arg25[%dma_start3A_364, %dma_start3A_365, %dma_start3A_371] : memref<3x16x32xf32, #tpu.memory_space<vmem>> -> memref<1x1x32xf32, #tpu.memory_space<vmem>>
    %dma_start3A_373 = tpu.memref_squeeze %dma_start3A_372 : memref<1x1x32xf32, #tpu.memory_space<vmem>> -> memref<32xf32, #tpu.memory_space<vmem>>
    %dma_start3A_374 = tpu.memref_slice %arg27[%dma_start3A_362, %dma_start3A_363, %mul3A_88] : memref<3x16x512xf32, #tpu.memory_space<vmem_shared>> -> memref<1x1x32xf32, #tpu.memory_space<vmem_shared>>
    %dma_start3A_375 = tpu.memref_squeeze %dma_start3A_374 : memref<1x1x32xf32, #tpu.memory_space<vmem_shared>> -> memref<32xf32, #tpu.memory_space<vmem_shared>>
    tpu.enqueue_dma source(%dma_start3A_375 : memref<32xf32, #tpu.memory_space<vmem_shared>>) target(%dma_start3A_373 : memref<32xf32, #tpu.memory_space<vmem>>) target_semaphore(%arg28 : memref<!tpu.dma_semaphore, #tpu.memory_space<semaphore_mem>>)
    %dma_start3A_376 = arith.constant 1 : i32
    %dma_start3A_377 = arith.constant 0 : i32
    %dma_start3A_378 = arith.constant 1 : i32
    %dma_start3A_379 = arith.constant 0 : i32
    %dma_start3A_380 = arith.constant 0 : i32
    %dma_start3A_381 = tpu.memref_slice %arg25[%dma_start3A_378, %dma_start3A_379, %dma_start3A_380] : memref<3x16x32xf32, #tpu.memory_space<vmem>> -> memref<1x1x32xf32, #tpu.memory_space<vmem>>
    %dma_start3A_382 = tpu.memref_squeeze %dma_start3A_381 : memref<1x1x32xf32, #tpu.memory_space<vmem>> -> memref<32xf32, #tpu.memory_space<vmem>>
    %dma_start3A_383 = tpu.memref_slice %arg27[%dma_start3A_376, %dma_start3A_377, %mul3A_88] : memref<3x16x512xf32, #tpu.memory_space<vmem_shared>> -> memref<1x1x32xf32, #tpu.memory_space<vmem_shared>>
    %dma_start3A_384 = tpu.memref_squeeze %dma_start3A_383 : memref<1x1x32xf32, #tpu.memory_space<vmem_shared>> -> memref<32xf32, #tpu.memory_space<vmem_shared>>
    %dma_start3A_385 = arith.constant 0 : i32
    %dma_start3A_386 = tpu.memref_slice %arg25[%dma_start3A_378, %dma_start3A_379, %dma_start3A_385] : memref<3x16x32xf32, #tpu.memory_space<vmem>> -> memref<1x1x32xf32, #tpu.memory_space<vmem>>
    %dma_start3A_387 = tpu.memref_squeeze %dma_start3A_386 : memref<1x1x32xf32, #tpu.memory_space<vmem>> -> memref<32xf32, #tpu.memory_space<vmem>>
    %dma_start3A_388 = tpu.memref_slice %arg27[%dma_start3A_376, %dma_start3A_377, %mul3A_88] : memref<3x16x512xf32, #tpu.memory_space<vmem_shared>> -> memref<1x1x32xf32, #tpu.memory_space<vmem_shared>>
    %dma_start3A_389 = tpu.memref_squeeze %dma_start3A_388 : memref<1x1x32xf32, #tpu.memory_space<vmem_shared>> -> memref<32xf32, #tpu.memory_space<vmem_shared>>
    tpu.enqueue_dma source(%dma_start3A_389 : memref<32xf32, #tpu.memory_space<vmem_shared>>) target(%dma_start3A_387 : memref<32xf32, #tpu.memory_space<vmem>>) target_semaphore(%arg28 : memref<!tpu.dma_semaphore, #tpu.memory_space<semaphore_mem>>)
    %dma_start3A_390 = arith.constant 1 : i32
    %dma_start3A_391 = arith.constant 1 : i32
    %dma_start3A_392 = arith.constant 1 : i32
    %dma_start3A_393 = arith.constant 1 : i32
    %dma_start3A_394 = arith.constant 0 : i32
    %dma_start3A_395 = tpu.memref_slice %arg25[%dma_start3A_392, %dma_start3A_393, %dma_start3A_394] : memref<3x16x32xf32, #tpu.memory_space<vmem>> -> memref<1x1x32xf32, #tpu.memory_space<vmem>>
    %dma_start3A_396 = tpu.memref_squeeze %dma_start3A_395 : memref<1x1x32xf32, #tpu.memory_space<vmem>> -> memref<32xf32, #tpu.memory_space<vmem>>
    %dma_start3A_397 = tpu.memref_slice %arg27[%dma_start3A_390, %dma_start3A_391, %mul3A_88] : memref<3x16x512xf32, #tpu.memory_space<vmem_shared>> -> memref<1x1x32xf32, #tpu.memory_space<vmem_shared>>
    %dma_start3A_398 = tpu.memref_squeeze %dma_start3A_397 : memref<1x1x32xf32, #tpu.memory_space<vmem_shared>> -> memref<32xf32, #tpu.memory_space<vmem_shared>>
    %dma_start3A_399 = arith.constant 0 : i32
    %dma_start3A_400 = tpu.memref_slice %arg25[%dma_start3A_392, %dma_start3A_393, %dma_start3A_399] : memref<3x16x32xf32, #tpu.memory_space<vmem>> -> memref<1x1x32xf32, #tpu.memory_space<vmem>>
    %dma_start3A_401 = tpu.memref_squeeze %dma_start3A_400 : memref<1x1x32xf32, #tpu.memory_space<vmem>> -> memref<32xf32, #tpu.memory_space<vmem>>
    %dma_start3A_402 = tpu.memref_slice %arg27[%dma_start3A_390, %dma_start3A_391, %mul3A_88] : memref<3x16x512xf32, #tpu.memory_space<vmem_shared>> -> memref<1x1x32xf32, #tpu.memory_space<vmem_shared>>
    %dma_start3A_403 = tpu.memref_squeeze %dma_start3A_402 : memref<1x1x32xf32, #tpu.memory_space<vmem_shared>> -> memref<32xf32, #tpu.memory_space<vmem_shared>>
    tpu.enqueue_dma source(%dma_start3A_403 : memref<32xf32, #tpu.memory_space<vmem_shared>>) target(%dma_start3A_401 : memref<32xf32, #tpu.memory_space<vmem>>) target_semaphore(%arg28 : memref<!tpu.dma_semaphore, #tpu.memory_space<semaphore_mem>>)
    %dma_start3A_404 = arith.constant 1 : i32
    %dma_start3A_405 = arith.constant 2 : i32
    %dma_start3A_406 = arith.constant 1 : i32
    %dma_start3A_407 = arith.constant 2 : i32
    %dma_start3A_408 = arith.constant 0 : i32
    %dma_start3A_409 = tpu.memref_slice %arg25[%dma_start3A_406, %dma_start3A_407, %dma_start3A_408] : memref<3x16x32xf32, #tpu.memory_space<vmem>> -> memref<1x1x32xf32, #tpu.memory_space<vmem>>
    %dma_start3A_410 = tpu.memref_squeeze %dma_start3A_409 : memref<1x1x32xf32, #tpu.memory_space<vmem>> -> memref<32xf32, #tpu.memory_space<vmem>>
    %dma_start3A_411 = tpu.memref_slice %arg27[%dma_start3A_404, %dma_start3A_405, %mul3A_88] : memref<3x16x512xf32, #tpu.memory_space<vmem_shared>> -> memref<1x1x32xf32, #tpu.memory_space<vmem_shared>>
    %dma_start3A_412 = tpu.memref_squeeze %dma_start3A_411 : memref<1x1x32xf32, #tpu.memory_space<vmem_shared>> -> memref<32xf32, #tpu.memory_space<vmem_shared>>
    %dma_start3A_413 = arith.constant 0 : i32
    %dma_start3A_414 = tpu.memref_slice %arg25[%dma_start3A_406, %dma_start3A_407, %dma_start3A_413] : memref<3x16x32xf32, #tpu.memory_space<vmem>> -> memref<1x1x32xf32, #tpu.memory_space<vmem>>
    %dma_start3A_415 = tpu.memref_squeeze %dma_start3A_414 : memref<1x1x32xf32, #tpu.memory_space<vmem>> -> memref<32xf32, #tpu.memory_space<vmem>>
    %dma_start3A_416 = tpu.memref_slice %arg27[%dma_start3A_404, %dma_start3A_405, %mul3A_88] : memref<3x16x512xf32, #tpu.memory_space<vmem_shared>> -> memref<1x1x32xf32, #tpu.memory_space<vmem_shared>>
    %dma_start3A_417 = tpu.memref_squeeze %dma_start3A_416 : memref<1x1x32xf32, #tpu.memory_space<vmem_shared>> -> memref<32xf32, #tpu.memory_space<vmem_shared>>
    tpu.enqueue_dma source(%dma_start3A_417 : memref<32xf32, #tpu.memory_space<vmem_shared>>) target(%dma_start3A_415 : memref<32xf32, #tpu.memory_space<vmem>>) target_semaphore(%arg28 : memref<!tpu.dma_semaphore, #tpu.memory_space<semaphore_mem>>)
    %dma_start3A_418 = arith.constant 1 : i32
    %dma_start3A_419 = arith.constant 3 : i32
    %dma_start3A_420 = arith.constant 1 : i32
    %dma_start3A_421 = arith.constant 3 : i32
    %dma_start3A_422 = arith.constant 0 : i32
    %dma_start3A_423 = tpu.memref_slice %arg25[%dma_start3A_420, %dma_start3A_421, %dma_start3A_422] : memref<3x16x32xf32, #tpu.memory_space<vmem>> -> memref<1x1x32xf32, #tpu.memory_space<vmem>>
    %dma_start3A_424 = tpu.memref_squeeze %dma_start3A_423 : memref<1x1x32xf32, #tpu.memory_space<vmem>> -> memref<32xf32, #tpu.memory_space<vmem>>
    %dma_start3A_425 = tpu.memref_slice %arg27[%dma_start3A_418, %dma_start3A_419, %mul3A_88] : memref<3x16x512xf32, #tpu.memory_space<vmem_shared>> -> memref<1x1x32xf32, #tpu.memory_space<vmem_shared>>
    %dma_start3A_426 = tpu.memref_squeeze %dma_start3A_425 : memref<1x1x32xf32, #tpu.memory_space<vmem_shared>> -> memref<32xf32, #tpu.memory_space<vmem_shared>>
    %dma_start3A_427 = arith.constant 0 : i32
    %dma_start3A_428 = tpu.memref_slice %arg25[%dma_start3A_420, %dma_start3A_421, %dma_start3A_427] : memref<3x16x32xf32, #tpu.memory_space<vmem>> -> memref<1x1x32xf32, #tpu.memory_space<vmem>>
    %dma_start3A_429 = tpu.memref_squeeze %dma_start3A_428 : memref<1x1x32xf32, #tpu.memory_space<vmem>> -> memref<32xf32, #tpu.memory_space<vmem>>
    %dma_start3A_430 = tpu.memref_slice %arg27[%dma_start3A_418, %dma_start3A_419, %mul3A_88] : memref<3x16x512xf32, #tpu.memory_space<vmem_shared>> -> memref<1x1x32xf32, #tpu.memory_space<vmem_shared>>
    %dma_start3A_431 = tpu.memref_squeeze %dma_start3A_430 : memref<1x1x32xf32, #tpu.memory_space<vmem_shared>> -> memref<32xf32, #tpu.memory_space<vmem_shared>>
    tpu.enqueue_dma source(%dma_start3A_431 : memref<32xf32, #tpu.memory_space<vmem_shared>>) target(%dma_start3A_429 : memref<32xf32, #tpu.memory_space<vmem>>) target_semaphore(%arg28 : memref<!tpu.dma_semaphore, #tpu.memory_space<semaphore_mem>>)
    %dma_start3A_432 = arith.constant 1 : i32
    %dma_start3A_433 = arith.constant 4 : i32
    %dma_start3A_434 = arith.constant 1 : i32
    %dma_start3A_435 = arith.constant 4 : i32
    %dma_start3A_436 = arith.constant 0 : i32
    %dma_start3A_437 = tpu.memref_slice %arg25[%dma_start3A_434, %dma_start3A_435, %dma_start3A_436] : memref<3x16x32xf32, #tpu.memory_space<vmem>> -> memref<1x1x32xf32, #tpu.memory_space<vmem>>
    %dma_start3A_438 = tpu.memref_squeeze %dma_start3A_437 : memref<1x1x32xf32, #tpu.memory_space<vmem>> -> memref<32xf32, #tpu.memory_space<vmem>>
    %dma_start3A_439 = tpu.memref_slice %arg27[%dma_start3A_432, %dma_start3A_433, %mul3A_88] : memref<3x16x512xf32, #tpu.memory_space<vmem_shared>> -> memref<1x1x32xf32, #tpu.memory_space<vmem_shared>>
    %dma_start3A_440 = tpu.memref_squeeze %dma_start3A_439 : memref<1x1x32xf32, #tpu.memory_space<vmem_shared>> -> memref<32xf32, #tpu.memory_space<vmem_shared>>
    %dma_start3A_441 = arith.constant 0 : i32
    %dma_start3A_442 = tpu.memref_slice %arg25[%dma_start3A_434, %dma_start3A_435, %dma_start3A_441] : memref<3x16x32xf32, #tpu.memory_space<vmem>> -> memref<1x1x32xf32, #tpu.memory_space<vmem>>
    %dma_start3A_443 = tpu.memref_squeeze %dma_start3A_442 : memref<1x1x32xf32, #tpu.memory_space<vmem>> -> memref<32xf32, #tpu.memory_space<vmem>>
    %dma_start3A_444 = tpu.memref_slice %arg27[%dma_start3A_432, %dma_start3A_433, %mul3A_88] : memref<3x16x512xf32, #tpu.memory_space<vmem_shared>> -> memref<1x1x32xf32, #tpu.memory_space<vmem_shared>>
    %dma_start3A_445 = tpu.memref_squeeze %dma_start3A_444 : memref<1x1x32xf32, #tpu.memory_space<vmem_shared>> -> memref<32xf32, #tpu.memory_space<vmem_shared>>
    tpu.enqueue_dma source(%dma_start3A_445 : memref<32xf32, #tpu.memory_space<vmem_shared>>) target(%dma_start3A_443 : memref<32xf32, #tpu.memory_space<vmem>>) target_semaphore(%arg28 : memref<!tpu.dma_semaphore, #tpu.memory_space<semaphore_mem>>)
    %dma_start3A_446 = arith.constant 1 : i32
    %dma_start3A_447 = arith.constant 5 : i32
    %dma_start3A_448 = arith.constant 1 : i32
    %dma_start3A_449 = arith.constant 5 : i32
    %dma_start3A_450 = arith.constant 0 : i32
    %dma_start3A_451 = tpu.memref_slice %arg25[%dma_start3A_448, %dma_start3A_449, %dma_start3A_450] : memref<3x16x32xf32, #tpu.memory_space<vmem>> -> memref<1x1x32xf32, #tpu.memory_space<vmem>>
    %dma_start3A_452 = tpu.memref_squeeze %dma_start3A_451 : memref<1x1x32xf32, #tpu.memory_space<vmem>> -> memref<32xf32, #tpu.memory_space<vmem>>
    %dma_start3A_453 = tpu.memref_slice %arg27[%dma_start3A_446, %dma_start3A_447, %mul3A_88] : memref<3x16x512xf32, #tpu.memory_space<vmem_shared>> -> memref<1x1x32xf32, #tpu.memory_space<vmem_shared>>
    %dma_start3A_454 = tpu.memref_squeeze %dma_start3A_453 : memref<1x1x32xf32, #tpu.memory_space<vmem_shared>> -> memref<32xf32, #tpu.memory_space<vmem_shared>>
    %dma_start3A_455 = arith.constant 0 : i32
    %dma_start3A_456 = tpu.memref_slice %arg25[%dma_start3A_448, %dma_start3A_449, %dma_start3A_455] : memref<3x16x32xf32, #tpu.memory_space<vmem>> -> memref<1x1x32xf32, #tpu.memory_space<vmem>>
    %dma_start3A_457 = tpu.memref_squeeze %dma_start3A_456 : memref<1x1x32xf32, #tpu.memory_space<vmem>> -> memref<32xf32, #tpu.memory_space<vmem>>
    %dma_start3A_458 = tpu.memref_slice %arg27[%dma_start3A_446, %dma_start3A_447, %mul3A_88] : memref<3x16x512xf32, #tpu.memory_space<vmem_shared>> -> memref<1x1x32xf32, #tpu.memory_space<vmem_shared>>
    %dma_start3A_459 = tpu.memref_squeeze %dma_start3A_458 : memref<1x1x32xf32, #tpu.memory_space<vmem_shared>> -> memref<32xf32, #tpu.memory_space<vmem_shared>>
    tpu.enqueue_dma source(%dma_start3A_459 : memref<32xf32, #tpu.memory_space<vmem_shared>>) target(%dma_start3A_457 : memref<32xf32, #tpu.memory_space<vmem>>) target_semaphore(%arg28 : memref<!tpu.dma_semaphore, #tpu.memory_space<semaphore_mem>>)
    %dma_start3A_460 = arith.constant 1 : i32
    %dma_start3A_461 = arith.constant 6 : i32
    %dma_start3A_462 = arith.constant 1 : i32
    %dma_start3A_463 = arith.constant 6 : i32
    %dma_start3A_464 = arith.constant 0 : i32
    %dma_start3A_465 = tpu.memref_slice %arg25[%dma_start3A_462, %dma_start3A_463, %dma_start3A_464] : memref<3x16x32xf32, #tpu.memory_space<vmem>> -> memref<1x1x32xf32, #tpu.memory_space<vmem>>
    %dma_start3A_466 = tpu.memref_squeeze %dma_start3A_465 : memref<1x1x32xf32, #tpu.memory_space<vmem>> -> memref<32xf32, #tpu.memory_space<vmem>>
    %dma_start3A_467 = tpu.memref_slice %arg27[%dma_start3A_460, %dma_start3A_461, %mul3A_88] : memref<3x16x512xf32, #tpu.memory_space<vmem_shared>> -> memref<1x1x32xf32, #tpu.memory_space<vmem_shared>>
    %dma_start3A_468 = tpu.memref_squeeze %dma_start3A_467 : memref<1x1x32xf32, #tpu.memory_space<vmem_shared>> -> memref<32xf32, #tpu.memory_space<vmem_shared>>
    %dma_start3A_469 = arith.constant 0 : i32
    %dma_start3A_470 = tpu.memref_slice %arg25[%dma_start3A_462, %dma_start3A_463, %dma_start3A_469] : memref<3x16x32xf32, #tpu.memory_space<vmem>> -> memref<1x1x32xf32, #tpu.memory_space<vmem>>
    %dma_start3A_471 = tpu.memref_squeeze %dma_start3A_470 : memref<1x1x32xf32, #tpu.memory_space<vmem>> -> memref<32xf32, #tpu.memory_space<vmem>>
    %dma_start3A_472 = tpu.memref_slice %arg27[%dma_start3A_460, %dma_start3A_461, %mul3A_88] : memref<3x16x512xf32, #tpu.memory_space<vmem_shared>> -> memref<1x1x32xf32, #tpu.memory_space<vmem_shared>>
    %dma_start3A_473 = tpu.memref_squeeze %dma_start3A_472 : memref<1x1x32xf32, #tpu.memory_space<vmem_shared>> -> memref<32xf32, #tpu.memory_space<vmem_shared>>
    tpu.enqueue_dma source(%dma_start3A_473 : memref<32xf32, #tpu.memory_space<vmem_shared>>) target(%dma_start3A_471 : memref<32xf32, #tpu.memory_space<vmem>>) target_semaphore(%arg28 : memref<!tpu.dma_semaphore, #tpu.memory_space<semaphore_mem>>)
    %dma_start3A_474 = arith.constant 1 : i32
    %dma_start3A_475 = arith.constant 7 : i32
    %dma_start3A_476 = arith.constant 1 : i32
    %dma_start3A_477 = arith.constant 7 : i32
    %dma_start3A_478 = arith.constant 0 : i32
    %dma_start3A_479 = tpu.memref_slice %arg25[%dma_start3A_476, %dma_start3A_477, %dma_start3A_478] : memref<3x16x32xf32, #tpu.memory_space<vmem>> -> memref<1x1x32xf32, #tpu.memory_space<vmem>>
    %dma_start3A_480 = tpu.memref_squeeze %dma_start3A_479 : memref<1x1x32xf32, #tpu.memory_space<vmem>> -> memref<32xf32, #tpu.memory_space<vmem>>
    %dma_start3A_481 = tpu.memref_slice %arg27[%dma_start3A_474, %dma_start3A_475, %mul3A_88] : memref<3x16x512xf32, #tpu.memory_space<vmem_shared>> -> memref<1x1x32xf32, #tpu.memory_space<vmem_shared>>
    %dma_start3A_482 = tpu.memref_squeeze %dma_start3A_481 : memref<1x1x32xf32, #tpu.memory_space<vmem_shared>> -> memref<32xf32, #tpu.memory_space<vmem_shared>>
    %dma_start3A_483 = arith.constant 0 : i32
    %dma_start3A_484 = tpu.memref_slice %arg25[%dma_start3A_476, %dma_start3A_477, %dma_start3A_483] : memref<3x16x32xf32, #tpu.memory_space<vmem>> -> memref<1x1x32xf32, #tpu.memory_space<vmem>>
    %dma_start3A_485 = tpu.memref_squeeze %dma_start3A_484 : memref<1x1x32xf32, #tpu.memory_space<vmem>> -> memref<32xf32, #tpu.memory_space<vmem>>
    %dma_start3A_486 = tpu.memref_slice %arg27[%dma_start3A_474, %dma_start3A_475, %mul3A_88] : memref<3x16x512xf32, #tpu.memory_space<vmem_shared>> -> memref<1x1x32xf32, #tpu.memory_space<vmem_shared>>
    %dma_start3A_487 = tpu.memref_squeeze %dma_start3A_486 : memref<1x1x32xf32, #tpu.memory_space<vmem_shared>> -> memref<32xf32, #tpu.memory_space<vmem_shared>>
    tpu.enqueue_dma source(%dma_start3A_487 : memref<32xf32, #tpu.memory_space<vmem_shared>>) target(%dma_start3A_485 : memref<32xf32, #tpu.memory_space<vmem>>) target_semaphore(%arg28 : memref<!tpu.dma_semaphore, #tpu.memory_space<semaphore_mem>>)
    %dma_start3A_488 = arith.constant 1 : i32
    %dma_start3A_489 = arith.constant 8 : i32
    %dma_start3A_490 = arith.constant 1 : i32
    %dma_start3A_491 = arith.constant 8 : i32
    %dma_start3A_492 = arith.constant 0 : i32
    %dma_start3A_493 = tpu.memref_slice %arg25[%dma_start3A_490, %dma_start3A_491, %dma_start3A_492] : memref<3x16x32xf32, #tpu.memory_space<vmem>> -> memref<1x1x32xf32, #tpu.memory_space<vmem>>
    %dma_start3A_494 = tpu.memref_squeeze %dma_start3A_493 : memref<1x1x32xf32, #tpu.memory_space<vmem>> -> memref<32xf32, #tpu.memory_space<vmem>>
    %dma_start3A_495 = tpu.memref_slice %arg27[%dma_start3A_488, %dma_start3A_489, %mul3A_88] : memref<3x16x512xf32, #tpu.memory_space<vmem_shared>> -> memref<1x1x32xf32, #tpu.memory_space<vmem_shared>>
    %dma_start3A_496 = tpu.memref_squeeze %dma_start3A_495 : memref<1x1x32xf32, #tpu.memory_space<vmem_shared>> -> memref<32xf32, #tpu.memory_space<vmem_shared>>
    %dma_start3A_497 = arith.constant 0 : i32
    %dma_start3A_498 = tpu.memref_slice %arg25[%dma_start3A_490, %dma_start3A_491, %dma_start3A_497] : memref<3x16x32xf32, #tpu.memory_space<vmem>> -> memref<1x1x32xf32, #tpu.memory_space<vmem>>
    %dma_start3A_499 = tpu.memref_squeeze %dma_start3A_498 : memref<1x1x32xf32, #tpu.memory_space<vmem>> -> memref<32xf32, #tpu.memory_space<vmem>>
    %dma_start3A_500 = tpu.memref_slice %arg27[%dma_start3A_488, %dma_start3A_489, %mul3A_88] : memref<3x16x512xf32, #tpu.memory_space<vmem_shared>> -> memref<1x1x32xf32, #tpu.memory_space<vmem_shared>>
    %dma_start3A_501 = tpu.memref_squeeze %dma_start3A_500 : memref<1x1x32xf32, #tpu.memory_space<vmem_shared>> -> memref<32xf32, #tpu.memory_space<vmem_shared>>
    tpu.enqueue_dma source(%dma_start3A_501 : memref<32xf32, #tpu.memory_space<vmem_shared>>) target(%dma_start3A_499 : memref<32xf32, #tpu.memory_space<vmem>>) target_semaphore(%arg28 : memref<!tpu.dma_semaphore, #tpu.memory_space<semaphore_mem>>)
    %dma_start3A_502 = arith.constant 1 : i32
    %dma_start3A_503 = arith.constant 9 : i32
    %dma_start3A_504 = arith.constant 1 : i32
    %dma_start3A_505 = arith.constant 9 : i32
    %dma_start3A_506 = arith.constant 0 : i32
    %dma_start3A_507 = tpu.memref_slice %arg25[%dma_start3A_504, %dma_start3A_505, %dma_start3A_506] : memref<3x16x32xf32, #tpu.memory_space<vmem>> -> memref<1x1x32xf32, #tpu.memory_space<vmem>>
    %dma_start3A_508 = tpu.memref_squeeze %dma_start3A_507 : memref<1x1x32xf32, #tpu.memory_space<vmem>> -> memref<32xf32, #tpu.memory_space<vmem>>
    %dma_start3A_509 = tpu.memref_slice %arg27[%dma_start3A_502, %dma_start3A_503, %mul3A_88] : memref<3x16x512xf32, #tpu.memory_space<vmem_shared>> -> memref<1x1x32xf32, #tpu.memory_space<vmem_shared>>
    %dma_start3A_510 = tpu.memref_squeeze %dma_start3A_509 : memref<1x1x32xf32, #tpu.memory_space<vmem_shared>> -> memref<32xf32, #tpu.memory_space<vmem_shared>>
    %dma_start3A_511 = arith.constant 0 : i32
    %dma_start3A_512 = tpu.memref_slice %arg25[%dma_start3A_504, %dma_start3A_505, %dma_start3A_511] : memref<3x16x32xf32, #tpu.memory_space<vmem>> -> memref<1x1x32xf32, #tpu.memory_space<vmem>>
    %dma_start3A_513 = tpu.memref_squeeze %dma_start3A_512 : memref<1x1x32xf32, #tpu.memory_space<vmem>> -> memref<32xf32, #tpu.memory_space<vmem>>
    %dma_start3A_514 = tpu.memref_slice %arg27[%dma_start3A_502, %dma_start3A_503, %mul3A_88] : memref<3x16x512xf32, #tpu.memory_space<vmem_shared>> -> memref<1x1x32xf32, #tpu.memory_space<vmem_shared>>
    %dma_start3A_515 = tpu.memref_squeeze %dma_start3A_514 : memref<1x1x32xf32, #tpu.memory_space<vmem_shared>> -> memref<32xf32, #tpu.memory_space<vmem_shared>>
    tpu.enqueue_dma source(%dma_start3A_515 : memref<32xf32, #tpu.memory_space<vmem_shared>>) target(%dma_start3A_513 : memref<32xf32, #tpu.memory_space<vmem>>) target_semaphore(%arg28 : memref<!tpu.dma_semaphore, #tpu.memory_space<semaphore_mem>>)
    %dma_start3A_516 = arith.constant 1 : i32
    %dma_start3A_517 = arith.constant 10 : i32
    %dma_start3A_518 = arith.constant 1 : i32
    %dma_start3A_519 = arith.constant 10 : i32
    %dma_start3A_520 = arith.constant 0 : i32
    %dma_start3A_521 = tpu.memref_slice %arg25[%dma_start3A_518, %dma_start3A_519, %dma_start3A_520] : memref<3x16x32xf32, #tpu.memory_space<vmem>> -> memref<1x1x32xf32, #tpu.memory_space<vmem>>
    %dma_start3A_522 = tpu.memref_squeeze %dma_start3A_521 : memref<1x1x32xf32, #tpu.memory_space<vmem>> -> memref<32xf32, #tpu.memory_space<vmem>>
    %dma_start3A_523 = tpu.memref_slice %arg27[%dma_start3A_516, %dma_start3A_517, %mul3A_88] : memref<3x16x512xf32, #tpu.memory_space<vmem_shared>> -> memref<1x1x32xf32, #tpu.memory_space<vmem_shared>>
    %dma_start3A_524 = tpu.memref_squeeze %dma_start3A_523 : memref<1x1x32xf32, #tpu.memory_space<vmem_shared>> -> memref<32xf32, #tpu.memory_space<vmem_shared>>
    %dma_start3A_525 = arith.constant 0 : i32
    %dma_start3A_526 = tpu.memref_slice %arg25[%dma_start3A_518, %dma_start3A_519, %dma_start3A_525] : memref<3x16x32xf32, #tpu.memory_space<vmem>> -> memref<1x1x32xf32, #tpu.memory_space<vmem>>
    %dma_start3A_527 = tpu.memref_squeeze %dma_start3A_526 : memref<1x1x32xf32, #tpu.memory_space<vmem>> -> memref<32xf32, #tpu.memory_space<vmem>>
    %dma_start3A_528 = tpu.memref_slice %arg27[%dma_start3A_516, %dma_start3A_517, %mul3A_88] : memref<3x16x512xf32, #tpu.memory_space<vmem_shared>> -> memref<1x1x32xf32, #tpu.memory_space<vmem_shared>>
    %dma_start3A_529 = tpu.memref_squeeze %dma_start3A_528 : memref<1x1x32xf32, #tpu.memory_space<vmem_shared>> -> memref<32xf32, #tpu.memory_space<vmem_shared>>
    tpu.enqueue_dma source(%dma_start3A_529 : memref<32xf32, #tpu.memory_space<vmem_shared>>) target(%dma_start3A_527 : memref<32xf32, #tpu.memory_space<vmem>>) target_semaphore(%arg28 : memref<!tpu.dma_semaphore, #tpu.memory_space<semaphore_mem>>)
    %dma_start3A_530 = arith.constant 1 : i32
    %dma_start3A_531 = arith.constant 11 : i32
    %dma_start3A_532 = arith.constant 1 : i32
    %dma_start3A_533 = arith.constant 11 : i32
    %dma_start3A_534 = arith.constant 0 : i32
    %dma_start3A_535 = tpu.memref_slice %arg25[%dma_start3A_532, %dma_start3A_533, %dma_start3A_534] : memref<3x16x32xf32, #tpu.memory_space<vmem>> -> memref<1x1x32xf32, #tpu.memory_space<vmem>>
    %dma_start3A_536 = tpu.memref_squeeze %dma_start3A_535 : memref<1x1x32xf32, #tpu.memory_space<vmem>> -> memref<32xf32, #tpu.memory_space<vmem>>
    %dma_start3A_537 = tpu.memref_slice %arg27[%dma_start3A_530, %dma_start3A_531, %mul3A_88] : memref<3x16x512xf32, #tpu.memory_space<vmem_shared>> -> memref<1x1x32xf32, #tpu.memory_space<vmem_shared>>
    %dma_start3A_538 = tpu.memref_squeeze %dma_start3A_537 : memref<1x1x32xf32, #tpu.memory_space<vmem_shared>> -> memref<32xf32, #tpu.memory_space<vmem_shared>>
    %dma_start3A_539 = arith.constant 0 : i32
    %dma_start3A_540 = tpu.memref_slice %arg25[%dma_start3A_532, %dma_start3A_533, %dma_start3A_539] : memref<3x16x32xf32, #tpu.memory_space<vmem>> -> memref<1x1x32xf32, #tpu.memory_space<vmem>>
    %dma_start3A_541 = tpu.memref_squeeze %dma_start3A_540 : memref<1x1x32xf32, #tpu.memory_space<vmem>> -> memref<32xf32, #tpu.memory_space<vmem>>
    %dma_start3A_542 = tpu.memref_slice %arg27[%dma_start3A_530, %dma_start3A_531, %mul3A_88] : memref<3x16x512xf32, #tpu.memory_space<vmem_shared>> -> memref<1x1x32xf32, #tpu.memory_space<vmem_shared>>
    %dma_start3A_543 = tpu.memref_squeeze %dma_start3A_542 : memref<1x1x32xf32, #tpu.memory_space<vmem_shared>> -> memref<32xf32, #tpu.memory_space<vmem_shared>>
    tpu.enqueue_dma source(%dma_start3A_543 : memref<32xf32, #tpu.memory_space<vmem_shared>>) target(%dma_start3A_541 : memref<32xf32, #tpu.memory_space<vmem>>) target_semaphore(%arg28 : memref<!tpu.dma_semaphore, #tpu.memory_space<semaphore_mem>>)
    %dma_start3A_544 = arith.constant 1 : i32
    %dma_start3A_545 = arith.constant 12 : i32
    %dma_start3A_546 = arith.constant 1 : i32
    %dma_start3A_547 = arith.constant 12 : i32
    %dma_start3A_548 = arith.constant 0 : i32
    %dma_start3A_549 = tpu.memref_slice %arg25[%dma_start3A_546, %dma_start3A_547, %dma_start3A_548] : memref<3x16x32xf32, #tpu.memory_space<vmem>> -> memref<1x1x32xf32, #tpu.memory_space<vmem>>
    %dma_start3A_550 = tpu.memref_squeeze %dma_start3A_549 : memref<1x1x32xf32, #tpu.memory_space<vmem>> -> memref<32xf32, #tpu.memory_space<vmem>>
    %dma_start3A_551 = tpu.memref_slice %arg27[%dma_start3A_544, %dma_start3A_545, %mul3A_88] : memref<3x16x512xf32, #tpu.memory_space<vmem_shared>> -> memref<1x1x32xf32, #tpu.memory_space<vmem_shared>>
    %dma_start3A_552 = tpu.memref_squeeze %dma_start3A_551 : memref<1x1x32xf32, #tpu.memory_space<vmem_shared>> -> memref<32xf32, #tpu.memory_space<vmem_shared>>
    %dma_start3A_553 = arith.constant 0 : i32
    %dma_start3A_554 = tpu.memref_slice %arg25[%dma_start3A_546, %dma_start3A_547, %dma_start3A_553] : memref<3x16x32xf32, #tpu.memory_space<vmem>> -> memref<1x1x32xf32, #tpu.memory_space<vmem>>
    %dma_start3A_555 = tpu.memref_squeeze %dma_start3A_554 : memref<1x1x32xf32, #tpu.memory_space<vmem>> -> memref<32xf32, #tpu.memory_space<vmem>>
    %dma_start3A_556 = tpu.memref_slice %arg27[%dma_start3A_544, %dma_start3A_545, %mul3A_88] : memref<3x16x512xf32, #tpu.memory_space<vmem_shared>> -> memref<1x1x32xf32, #tpu.memory_space<vmem_shared>>
    %dma_start3A_557 = tpu.memref_squeeze %dma_start3A_556 : memref<1x1x32xf32, #tpu.memory_space<vmem_shared>> -> memref<32xf32, #tpu.memory_space<vmem_shared>>
    tpu.enqueue_dma source(%dma_start3A_557 : memref<32xf32, #tpu.memory_space<vmem_shared>>) target(%dma_start3A_555 : memref<32xf32, #tpu.memory_space<vmem>>) target_semaphore(%arg28 : memref<!tpu.dma_semaphore, #tpu.memory_space<semaphore_mem>>)
    %dma_start3A_558 = arith.constant 1 : i32
    %dma_start3A_559 = arith.constant 13 : i32
    %dma_start3A_560 = arith.constant 1 : i32
    %dma_start3A_561 = arith.constant 13 : i32
    %dma_start3A_562 = arith.constant 0 : i32
    %dma_start3A_563 = tpu.memref_slice %arg25[%dma_start3A_560, %dma_start3A_561, %dma_start3A_562] : memref<3x16x32xf32, #tpu.memory_space<vmem>> -> memref<1x1x32xf32, #tpu.memory_space<vmem>>
    %dma_start3A_564 = tpu.memref_squeeze %dma_start3A_563 : memref<1x1x32xf32, #tpu.memory_space<vmem>> -> memref<32xf32, #tpu.memory_space<vmem>>
    %dma_start3A_565 = tpu.memref_slice %arg27[%dma_start3A_558, %dma_start3A_559, %mul3A_88] : memref<3x16x512xf32, #tpu.memory_space<vmem_shared>> -> memref<1x1x32xf32, #tpu.memory_space<vmem_shared>>
    %dma_start3A_566 = tpu.memref_squeeze %dma_start3A_565 : memref<1x1x32xf32, #tpu.memory_space<vmem_shared>> -> memref<32xf32, #tpu.memory_space<vmem_shared>>
    %dma_start3A_567 = arith.constant 0 : i32
    %dma_start3A_568 = tpu.memref_slice %arg25[%dma_start3A_560, %dma_start3A_561, %dma_start3A_567] : memref<3x16x32xf32, #tpu.memory_space<vmem>> -> memref<1x1x32xf32, #tpu.memory_space<vmem>>
    %dma_start3A_569 = tpu.memref_squeeze %dma_start3A_568 : memref<1x1x32xf32, #tpu.memory_space<vmem>> -> memref<32xf32, #tpu.memory_space<vmem>>
    %dma_start3A_570 = tpu.memref_slice %arg27[%dma_start3A_558, %dma_start3A_559, %mul3A_88] : memref<3x16x512xf32, #tpu.memory_space<vmem_shared>> -> memref<1x1x32xf32, #tpu.memory_space<vmem_shared>>
    %dma_start3A_571 = tpu.memref_squeeze %dma_start3A_570 : memref<1x1x32xf32, #tpu.memory_space<vmem_shared>> -> memref<32xf32, #tpu.memory_space<vmem_shared>>
    tpu.enqueue_dma source(%dma_start3A_571 : memref<32xf32, #tpu.memory_space<vmem_shared>>) target(%dma_start3A_569 : memref<32xf32, #tpu.memory_space<vmem>>) target_semaphore(%arg28 : memref<!tpu.dma_semaphore, #tpu.memory_space<semaphore_mem>>)
    %dma_start3A_572 = arith.constant 1 : i32
    %dma_start3A_573 = arith.constant 14 : i32
    %dma_start3A_574 = arith.constant 1 : i32
    %dma_start3A_575 = arith.constant 14 : i32
    %dma_start3A_576 = arith.constant 0 : i32
    %dma_start3A_577 = tpu.memref_slice %arg25[%dma_start3A_574, %dma_start3A_575, %dma_start3A_576] : memref<3x16x32xf32, #tpu.memory_space<vmem>> -> memref<1x1x32xf32, #tpu.memory_space<vmem>>
    %dma_start3A_578 = tpu.memref_squeeze %dma_start3A_577 : memref<1x1x32xf32, #tpu.memory_space<vmem>> -> memref<32xf32, #tpu.memory_space<vmem>>
    %dma_start3A_579 = tpu.memref_slice %arg27[%dma_start3A_572, %dma_start3A_573, %mul3A_88] : memref<3x16x512xf32, #tpu.memory_space<vmem_shared>> -> memref<1x1x32xf32, #tpu.memory_space<vmem_shared>>
    %dma_start3A_580 = tpu.memref_squeeze %dma_start3A_579 : memref<1x1x32xf32, #tpu.memory_space<vmem_shared>> -> memref<32xf32, #tpu.memory_space<vmem_shared>>
    %dma_start3A_581 = arith.constant 0 : i32
    %dma_start3A_582 = tpu.memref_slice %arg25[%dma_start3A_574, %dma_start3A_575, %dma_start3A_581] : memref<3x16x32xf32, #tpu.memory_space<vmem>> -> memref<1x1x32xf32, #tpu.memory_space<vmem>>
    %dma_start3A_583 = tpu.memref_squeeze %dma_start3A_582 : memref<1x1x32xf32, #tpu.memory_space<vmem>> -> memref<32xf32, #tpu.memory_space<vmem>>
    %dma_start3A_584 = tpu.memref_slice %arg27[%dma_start3A_572, %dma_start3A_573, %mul3A_88] : memref<3x16x512xf32, #tpu.memory_space<vmem_shared>> -> memref<1x1x32xf32, #tpu.memory_space<vmem_shared>>
    %dma_start3A_585 = tpu.memref_squeeze %dma_start3A_584 : memref<1x1x32xf32, #tpu.memory_space<vmem_shared>> -> memref<32xf32, #tpu.memory_space<vmem_shared>>
    tpu.enqueue_dma source(%dma_start3A_585 : memref<32xf32, #tpu.memory_space<vmem_shared>>) target(%dma_start3A_583 : memref<32xf32, #tpu.memory_space<vmem>>) target_semaphore(%arg28 : memref<!tpu.dma_semaphore, #tpu.memory_space<semaphore_mem>>)
    %dma_start3A_586 = arith.constant 1 : i32
    %dma_start3A_587 = arith.constant 15 : i32
    %dma_start3A_588 = arith.constant 1 : i32
    %dma_start3A_589 = arith.constant 15 : i32
    %dma_start3A_590 = arith.constant 0 : i32
    %dma_start3A_591 = tpu.memref_slice %arg25[%dma_start3A_588, %dma_start3A_589, %dma_start3A_590] : memref<3x16x32xf32, #tpu.memory_space<vmem>> -> memref<1x1x32xf32, #tpu.memory_space<vmem>>
    %dma_start3A_592 = tpu.memref_squeeze %dma_start3A_591 : memref<1x1x32xf32, #tpu.memory_space<vmem>> -> memref<32xf32, #tpu.memory_space<vmem>>
    %dma_start3A_593 = tpu.memref_slice %arg27[%dma_start3A_586, %dma_start3A_587, %mul3A_88] : memref<3x16x512xf32, #tpu.memory_space<vmem_shared>> -> memref<1x1x32xf32, #tpu.memory_space<vmem_shared>>
    %dma_start3A_594 = tpu.memref_squeeze %dma_start3A_593 : memref<1x1x32xf32, #tpu.memory_space<vmem_shared>> -> memref<32xf32, #tpu.memory_space<vmem_shared>>
    %dma_start3A_595 = arith.constant 0 : i32
    %dma_start3A_596 = tpu.memref_slice %arg25[%dma_start3A_588, %dma_start3A_589, %dma_start3A_595] : memref<3x16x32xf32, #tpu.memory_space<vmem>> -> memref<1x1x32xf32, #tpu.memory_space<vmem>>
    %dma_start3A_597 = tpu.memref_squeeze %dma_start3A_596 : memref<1x1x32xf32, #tpu.memory_space<vmem>> -> memref<32xf32, #tpu.memory_space<vmem>>
    %dma_start3A_598 = tpu.memref_slice %arg27[%dma_start3A_586, %dma_start3A_587, %mul3A_88] : memref<3x16x512xf32, #tpu.memory_space<vmem_shared>> -> memref<1x1x32xf32, #tpu.memory_space<vmem_shared>>
    %dma_start3A_599 = tpu.memref_squeeze %dma_start3A_598 : memref<1x1x32xf32, #tpu.memory_space<vmem_shared>> -> memref<32xf32, #tpu.memory_space<vmem_shared>>
    tpu.enqueue_dma source(%dma_start3A_599 : memref<32xf32, #tpu.memory_space<vmem_shared>>) target(%dma_start3A_597 : memref<32xf32, #tpu.memory_space<vmem>>) target_semaphore(%arg28 : memref<!tpu.dma_semaphore, #tpu.memory_space<semaphore_mem>>)
    %dma_start3A_600 = arith.constant 2 : i32
    %dma_start3A_601 = arith.constant 0 : i32
    %dma_start3A_602 = arith.constant 2 : i32
    %dma_start3A_603 = arith.constant 0 : i32
    %dma_start3A_604 = arith.constant 0 : i32
    %dma_start3A_605 = tpu.memref_slice %arg25[%dma_start3A_602, %dma_start3A_603, %dma_start3A_604] : memref<3x16x32xf32, #tpu.memory_space<vmem>> -> memref<1x1x32xf32, #tpu.memory_space<vmem>>
    %dma_start3A_606 = tpu.memref_squeeze %dma_start3A_605 : memref<1x1x32xf32, #tpu.memory_space<vmem>> -> memref<32xf32, #tpu.memory_space<vmem>>
    %dma_start3A_607 = tpu.memref_slice %arg27[%dma_start3A_600, %dma_start3A_601, %mul3A_88] : memref<3x16x512xf32, #tpu.memory_space<vmem_shared>> -> memref<1x1x32xf32, #tpu.memory_space<vmem_shared>>
    %dma_start3A_608 = tpu.memref_squeeze %dma_start3A_607 : memref<1x1x32xf32, #tpu.memory_space<vmem_shared>> -> memref<32xf32, #tpu.memory_space<vmem_shared>>
    %dma_start3A_609 = arith.constant 0 : i32
    %dma_start3A_610 = tpu.memref_slice %arg25[%dma_start3A_602, %dma_start3A_603, %dma_start3A_609] : memref<3x16x32xf32, #tpu.memory_space<vmem>> -> memref<1x1x32xf32, #tpu.memory_space<vmem>>
    %dma_start3A_611 = tpu.memref_squeeze %dma_start3A_610 : memref<1x1x32xf32, #tpu.memory_space<vmem>> -> memref<32xf32, #tpu.memory_space<vmem>>
    %dma_start3A_612 = tpu.memref_slice %arg27[%dma_start3A_600, %dma_start3A_601, %mul3A_88] : memref<3x16x512xf32, #tpu.memory_space<vmem_shared>> -> memref<1x1x32xf32, #tpu.memory_space<vmem_shared>>
    %dma_start3A_613 = tpu.memref_squeeze %dma_start3A_612 : memref<1x1x32xf32, #tpu.memory_space<vmem_shared>> -> memref<32xf32, #tpu.memory_space<vmem_shared>>
    tpu.enqueue_dma source(%dma_start3A_613 : memref<32xf32, #tpu.memory_space<vmem_shared>>) target(%dma_start3A_611 : memref<32xf32, #tpu.memory_space<vmem>>) target_semaphore(%arg28 : memref<!tpu.dma_semaphore, #tpu.memory_space<semaphore_mem>>)
    %dma_start3A_614 = arith.constant 2 : i32
    %dma_start3A_615 = arith.constant 1 : i32
    %dma_start3A_616 = arith.constant 2 : i32
    %dma_start3A_617 = arith.constant 1 : i32
    %dma_start3A_618 = arith.constant 0 : i32
    %dma_start3A_619 = tpu.memref_slice %arg25[%dma_start3A_616, %dma_start3A_617, %dma_start3A_618] : memref<3x16x32xf32, #tpu.memory_space<vmem>> -> memref<1x1x32xf32, #tpu.memory_space<vmem>>
    %dma_start3A_620 = tpu.memref_squeeze %dma_start3A_619 : memref<1x1x32xf32, #tpu.memory_space<vmem>> -> memref<32xf32, #tpu.memory_space<vmem>>
    %dma_start3A_621 = tpu.memref_slice %arg27[%dma_start3A_614, %dma_start3A_615, %mul3A_88] : memref<3x16x512xf32, #tpu.memory_space<vmem_shared>> -> memref<1x1x32xf32, #tpu.memory_space<vmem_shared>>
    %dma_start3A_622 = tpu.memref_squeeze %dma_start3A_621 : memref<1x1x32xf32, #tpu.memory_space<vmem_shared>> -> memref<32xf32, #tpu.memory_space<vmem_shared>>
    %dma_start3A_623 = arith.constant 0 : i32
    %dma_start3A_624 = tpu.memref_slice %arg25[%dma_start3A_616, %dma_start3A_617, %dma_start3A_623] : memref<3x16x32xf32, #tpu.memory_space<vmem>> -> memref<1x1x32xf32, #tpu.memory_space<vmem>>
    %dma_start3A_625 = tpu.memref_squeeze %dma_start3A_624 : memref<1x1x32xf32, #tpu.memory_space<vmem>> -> memref<32xf32, #tpu.memory_space<vmem>>
    %dma_start3A_626 = tpu.memref_slice %arg27[%dma_start3A_614, %dma_start3A_615, %mul3A_88] : memref<3x16x512xf32, #tpu.memory_space<vmem_shared>> -> memref<1x1x32xf32, #tpu.memory_space<vmem_shared>>
    %dma_start3A_627 = tpu.memref_squeeze %dma_start3A_626 : memref<1x1x32xf32, #tpu.memory_space<vmem_shared>> -> memref<32xf32, #tpu.memory_space<vmem_shared>>
    tpu.enqueue_dma source(%dma_start3A_627 : memref<32xf32, #tpu.memory_space<vmem_shared>>) target(%dma_start3A_625 : memref<32xf32, #tpu.memory_space<vmem>>) target_semaphore(%arg28 : memref<!tpu.dma_semaphore, #tpu.memory_space<semaphore_mem>>)
    %dma_start3A_628 = arith.constant 2 : i32
    %dma_start3A_629 = arith.constant 2 : i32
    %dma_start3A_630 = arith.constant 2 : i32
    %dma_start3A_631 = arith.constant 2 : i32
    %dma_start3A_632 = arith.constant 0 : i32
    %dma_start3A_633 = tpu.memref_slice %arg25[%dma_start3A_630, %dma_start3A_631, %dma_start3A_632] : memref<3x16x32xf32, #tpu.memory_space<vmem>> -> memref<1x1x32xf32, #tpu.memory_space<vmem>>
    %dma_start3A_634 = tpu.memref_squeeze %dma_start3A_633 : memref<1x1x32xf32, #tpu.memory_space<vmem>> -> memref<32xf32, #tpu.memory_space<vmem>>
    %dma_start3A_635 = tpu.memref_slice %arg27[%dma_start3A_628, %dma_start3A_629, %mul3A_88] : memref<3x16x512xf32, #tpu.memory_space<vmem_shared>> -> memref<1x1x32xf32, #tpu.memory_space<vmem_shared>>
    %dma_start3A_636 = tpu.memref_squeeze %dma_start3A_635 : memref<1x1x32xf32, #tpu.memory_space<vmem_shared>> -> memref<32xf32, #tpu.memory_space<vmem_shared>>
    %dma_start3A_637 = arith.constant 0 : i32
    %dma_start3A_638 = tpu.memref_slice %arg25[%dma_start3A_630, %dma_start3A_631, %dma_start3A_637] : memref<3x16x32xf32, #tpu.memory_space<vmem>> -> memref<1x1x32xf32, #tpu.memory_space<vmem>>
    %dma_start3A_639 = tpu.memref_squeeze %dma_start3A_638 : memref<1x1x32xf32, #tpu.memory_space<vmem>> -> memref<32xf32, #tpu.memory_space<vmem>>
    %dma_start3A_640 = tpu.memref_slice %arg27[%dma_start3A_628, %dma_start3A_629, %mul3A_88] : memref<3x16x512xf32, #tpu.memory_space<vmem_shared>> -> memref<1x1x32xf32, #tpu.memory_space<vmem_shared>>
    %dma_start3A_641 = tpu.memref_squeeze %dma_start3A_640 : memref<1x1x32xf32, #tpu.memory_space<vmem_shared>> -> memref<32xf32, #tpu.memory_space<vmem_shared>>
    tpu.enqueue_dma source(%dma_start3A_641 : memref<32xf32, #tpu.memory_space<vmem_shared>>) target(%dma_start3A_639 : memref<32xf32, #tpu.memory_space<vmem>>) target_semaphore(%arg28 : memref<!tpu.dma_semaphore, #tpu.memory_space<semaphore_mem>>)
    %dma_start3A_642 = arith.constant 2 : i32
    %dma_start3A_643 = arith.constant 3 : i32
    %dma_start3A_644 = arith.constant 2 : i32
    %dma_start3A_645 = arith.constant 3 : i32
    %dma_start3A_646 = arith.constant 0 : i32
    %dma_start3A_647 = tpu.memref_slice %arg25[%dma_start3A_644, %dma_start3A_645, %dma_start3A_646] : memref<3x16x32xf32, #tpu.memory_space<vmem>> -> memref<1x1x32xf32, #tpu.memory_space<vmem>>
    %dma_start3A_648 = tpu.memref_squeeze %dma_start3A_647 : memref<1x1x32xf32, #tpu.memory_space<vmem>> -> memref<32xf32, #tpu.memory_space<vmem>>
    %dma_start3A_649 = tpu.memref_slice %arg27[%dma_start3A_642, %dma_start3A_643, %mul3A_88] : memref<3x16x512xf32, #tpu.memory_space<vmem_shared>> -> memref<1x1x32xf32, #tpu.memory_space<vmem_shared>>
    %dma_start3A_650 = tpu.memref_squeeze %dma_start3A_649 : memref<1x1x32xf32, #tpu.memory_space<vmem_shared>> -> memref<32xf32, #tpu.memory_space<vmem_shared>>
    %dma_start3A_651 = arith.constant 0 : i32
    %dma_start3A_652 = tpu.memref_slice %arg25[%dma_start3A_644, %dma_start3A_645, %dma_start3A_651] : memref<3x16x32xf32, #tpu.memory_space<vmem>> -> memref<1x1x32xf32, #tpu.memory_space<vmem>>
    %dma_start3A_653 = tpu.memref_squeeze %dma_start3A_652 : memref<1x1x32xf32, #tpu.memory_space<vmem>> -> memref<32xf32, #tpu.memory_space<vmem>>
    %dma_start3A_654 = tpu.memref_slice %arg27[%dma_start3A_642, %dma_start3A_643, %mul3A_88] : memref<3x16x512xf32, #tpu.memory_space<vmem_shared>> -> memref<1x1x32xf32, #tpu.memory_space<vmem_shared>>
    %dma_start3A_655 = tpu.memref_squeeze %dma_start3A_654 : memref<1x1x32xf32, #tpu.memory_space<vmem_shared>> -> memref<32xf32, #tpu.memory_space<vmem_shared>>
    tpu.enqueue_dma source(%dma_start3A_655 : memref<32xf32, #tpu.memory_space<vmem_shared>>) target(%dma_start3A_653 : memref<32xf32, #tpu.memory_space<vmem>>) target_semaphore(%arg28 : memref<!tpu.dma_semaphore, #tpu.memory_space<semaphore_mem>>)
    %dma_start3A_656 = arith.constant 2 : i32
    %dma_start3A_657 = arith.constant 4 : i32
    %dma_start3A_658 = arith.constant 2 : i32
    %dma_start3A_659 = arith.constant 4 : i32
    %dma_start3A_660 = arith.constant 0 : i32
    %dma_start3A_661 = tpu.memref_slice %arg25[%dma_start3A_658, %dma_start3A_659, %dma_start3A_660] : memref<3x16x32xf32, #tpu.memory_space<vmem>> -> memref<1x1x32xf32, #tpu.memory_space<vmem>>
    %dma_start3A_662 = tpu.memref_squeeze %dma_start3A_661 : memref<1x1x32xf32, #tpu.memory_space<vmem>> -> memref<32xf32, #tpu.memory_space<vmem>>
    %dma_start3A_663 = tpu.memref_slice %arg27[%dma_start3A_656, %dma_start3A_657, %mul3A_88] : memref<3x16x512xf32, #tpu.memory_space<vmem_shared>> -> memref<1x1x32xf32, #tpu.memory_space<vmem_shared>>
    %dma_start3A_664 = tpu.memref_squeeze %dma_start3A_663 : memref<1x1x32xf32, #tpu.memory_space<vmem_shared>> -> memref<32xf32, #tpu.memory_space<vmem_shared>>
    %dma_start3A_665 = arith.constant 0 : i32
    %dma_start3A_666 = tpu.memref_slice %arg25[%dma_start3A_658, %dma_start3A_659, %dma_start3A_665] : memref<3x16x32xf32, #tpu.memory_space<vmem>> -> memref<1x1x32xf32, #tpu.memory_space<vmem>>
    %dma_start3A_667 = tpu.memref_squeeze %dma_start3A_666 : memref<1x1x32xf32, #tpu.memory_space<vmem>> -> memref<32xf32, #tpu.memory_space<vmem>>
    %dma_start3A_668 = tpu.memref_slice %arg27[%dma_start3A_656, %dma_start3A_657, %mul3A_88] : memref<3x16x512xf32, #tpu.memory_space<vmem_shared>> -> memref<1x1x32xf32, #tpu.memory_space<vmem_shared>>
    %dma_start3A_669 = tpu.memref_squeeze %dma_start3A_668 : memref<1x1x32xf32, #tpu.memory_space<vmem_shared>> -> memref<32xf32, #tpu.memory_space<vmem_shared>>
    tpu.enqueue_dma source(%dma_start3A_669 : memref<32xf32, #tpu.memory_space<vmem_shared>>) target(%dma_start3A_667 : memref<32xf32, #tpu.memory_space<vmem>>) target_semaphore(%arg28 : memref<!tpu.dma_semaphore, #tpu.memory_space<semaphore_mem>>)
    %dma_start3A_670 = arith.constant 2 : i32
    %dma_start3A_671 = arith.constant 5 : i32
    %dma_start3A_672 = arith.constant 2 : i32
    %dma_start3A_673 = arith.constant 5 : i32
    %dma_start3A_674 = arith.constant 0 : i32
    %dma_start3A_675 = tpu.memref_slice %arg25[%dma_start3A_672, %dma_start3A_673, %dma_start3A_674] : memref<3x16x32xf32, #tpu.memory_space<vmem>> -> memref<1x1x32xf32, #tpu.memory_space<vmem>>
    %dma_start3A_676 = tpu.memref_squeeze %dma_start3A_675 : memref<1x1x32xf32, #tpu.memory_space<vmem>> -> memref<32xf32, #tpu.memory_space<vmem>>
    %dma_start3A_677 = tpu.memref_slice %arg27[%dma_start3A_670, %dma_start3A_671, %mul3A_88] : memref<3x16x512xf32, #tpu.memory_space<vmem_shared>> -> memref<1x1x32xf32, #tpu.memory_space<vmem_shared>>
    %dma_start3A_678 = tpu.memref_squeeze %dma_start3A_677 : memref<1x1x32xf32, #tpu.memory_space<vmem_shared>> -> memref<32xf32, #tpu.memory_space<vmem_shared>>
    %dma_start3A_679 = arith.constant 0 : i32
    %dma_start3A_680 = tpu.memref_slice %arg25[%dma_start3A_672, %dma_start3A_673, %dma_start3A_679] : memref<3x16x32xf32, #tpu.memory_space<vmem>> -> memref<1x1x32xf32, #tpu.memory_space<vmem>>
    %dma_start3A_681 = tpu.memref_squeeze %dma_start3A_680 : memref<1x1x32xf32, #tpu.memory_space<vmem>> -> memref<32xf32, #tpu.memory_space<vmem>>
    %dma_start3A_682 = tpu.memref_slice %arg27[%dma_start3A_670, %dma_start3A_671, %mul3A_88] : memref<3x16x512xf32, #tpu.memory_space<vmem_shared>> -> memref<1x1x32xf32, #tpu.memory_space<vmem_shared>>
    %dma_start3A_683 = tpu.memref_squeeze %dma_start3A_682 : memref<1x1x32xf32, #tpu.memory_space<vmem_shared>> -> memref<32xf32, #tpu.memory_space<vmem_shared>>
    tpu.enqueue_dma source(%dma_start3A_683 : memref<32xf32, #tpu.memory_space<vmem_shared>>) target(%dma_start3A_681 : memref<32xf32, #tpu.memory_space<vmem>>) target_semaphore(%arg28 : memref<!tpu.dma_semaphore, #tpu.memory_space<semaphore_mem>>)
    %dma_start3A_684 = arith.constant 2 : i32
    %dma_start3A_685 = arith.constant 6 : i32
    %dma_start3A_686 = arith.constant 2 : i32
    %dma_start3A_687 = arith.constant 6 : i32
    %dma_start3A_688 = arith.constant 0 : i32
    %dma_start3A_689 = tpu.memref_slice %arg25[%dma_start3A_686, %dma_start3A_687, %dma_start3A_688] : memref<3x16x32xf32, #tpu.memory_space<vmem>> -> memref<1x1x32xf32, #tpu.memory_space<vmem>>
    %dma_start3A_690 = tpu.memref_squeeze %dma_start3A_689 : memref<1x1x32xf32, #tpu.memory_space<vmem>> -> memref<32xf32, #tpu.memory_space<vmem>>
    %dma_start3A_691 = tpu.memref_slice %arg27[%dma_start3A_684, %dma_start3A_685, %mul3A_88] : memref<3x16x512xf32, #tpu.memory_space<vmem_shared>> -> memref<1x1x32xf32, #tpu.memory_space<vmem_shared>>
    %dma_start3A_692 = tpu.memref_squeeze %dma_start3A_691 : memref<1x1x32xf32, #tpu.memory_space<vmem_shared>> -> memref<32xf32, #tpu.memory_space<vmem_shared>>
    %dma_start3A_693 = arith.constant 0 : i32
    %dma_start3A_694 = tpu.memref_slice %arg25[%dma_start3A_686, %dma_start3A_687, %dma_start3A_693] : memref<3x16x32xf32, #tpu.memory_space<vmem>> -> memref<1x1x32xf32, #tpu.memory_space<vmem>>
    %dma_start3A_695 = tpu.memref_squeeze %dma_start3A_694 : memref<1x1x32xf32, #tpu.memory_space<vmem>> -> memref<32xf32, #tpu.memory_space<vmem>>
    %dma_start3A_696 = tpu.memref_slice %arg27[%dma_start3A_684, %dma_start3A_685, %mul3A_88] : memref<3x16x512xf32, #tpu.memory_space<vmem_shared>> -> memref<1x1x32xf32, #tpu.memory_space<vmem_shared>>
    %dma_start3A_697 = tpu.memref_squeeze %dma_start3A_696 : memref<1x1x32xf32, #tpu.memory_space<vmem_shared>> -> memref<32xf32, #tpu.memory_space<vmem_shared>>
    tpu.enqueue_dma source(%dma_start3A_697 : memref<32xf32, #tpu.memory_space<vmem_shared>>) target(%dma_start3A_695 : memref<32xf32, #tpu.memory_space<vmem>>) target_semaphore(%arg28 : memref<!tpu.dma_semaphore, #tpu.memory_space<semaphore_mem>>)
    %dma_start3A_698 = arith.constant 2 : i32
    %dma_start3A_699 = arith.constant 7 : i32
    %dma_start3A_700 = arith.constant 2 : i32
    %dma_start3A_701 = arith.constant 7 : i32
    %dma_start3A_702 = arith.constant 0 : i32
    %dma_start3A_703 = tpu.memref_slice %arg25[%dma_start3A_700, %dma_start3A_701, %dma_start3A_702] : memref<3x16x32xf32, #tpu.memory_space<vmem>> -> memref<1x1x32xf32, #tpu.memory_space<vmem>>
    %dma_start3A_704 = tpu.memref_squeeze %dma_start3A_703 : memref<1x1x32xf32, #tpu.memory_space<vmem>> -> memref<32xf32, #tpu.memory_space<vmem>>
    %dma_start3A_705 = tpu.memref_slice %arg27[%dma_start3A_698, %dma_start3A_699, %mul3A_88] : memref<3x16x512xf32, #tpu.memory_space<vmem_shared>> -> memref<1x1x32xf32, #tpu.memory_space<vmem_shared>>
    %dma_start3A_706 = tpu.memref_squeeze %dma_start3A_705 : memref<1x1x32xf32, #tpu.memory_space<vmem_shared>> -> memref<32xf32, #tpu.memory_space<vmem_shared>>
    %dma_start3A_707 = arith.constant 0 : i32
    %dma_start3A_708 = tpu.memref_slice %arg25[%dma_start3A_700, %dma_start3A_701, %dma_start3A_707] : memref<3x16x32xf32, #tpu.memory_space<vmem>> -> memref<1x1x32xf32, #tpu.memory_space<vmem>>
    %dma_start3A_709 = tpu.memref_squeeze %dma_start3A_708 : memref<1x1x32xf32, #tpu.memory_space<vmem>> -> memref<32xf32, #tpu.memory_space<vmem>>
    %dma_start3A_710 = tpu.memref_slice %arg27[%dma_start3A_698, %dma_start3A_699, %mul3A_88] : memref<3x16x512xf32, #tpu.memory_space<vmem_shared>> -> memref<1x1x32xf32, #tpu.memory_space<vmem_shared>>
    %dma_start3A_711 = tpu.memref_squeeze %dma_start3A_710 : memref<1x1x32xf32, #tpu.memory_space<vmem_shared>> -> memref<32xf32, #tpu.memory_space<vmem_shared>>
    tpu.enqueue_dma source(%dma_start3A_711 : memref<32xf32, #tpu.memory_space<vmem_shared>>) target(%dma_start3A_709 : memref<32xf32, #tpu.memory_space<vmem>>) target_semaphore(%arg28 : memref<!tpu.dma_semaphore, #tpu.memory_space<semaphore_mem>>)
    %dma_start3A_712 = arith.constant 2 : i32
    %dma_start3A_713 = arith.constant 8 : i32
    %dma_start3A_714 = arith.constant 2 : i32
    %dma_start3A_715 = arith.constant 8 : i32
    %dma_start3A_716 = arith.constant 0 : i32
    %dma_start3A_717 = tpu.memref_slice %arg25[%dma_start3A_714, %dma_start3A_715, %dma_start3A_716] : memref<3x16x32xf32, #tpu.memory_space<vmem>> -> memref<1x1x32xf32, #tpu.memory_space<vmem>>
    %dma_start3A_718 = tpu.memref_squeeze %dma_start3A_717 : memref<1x1x32xf32, #tpu.memory_space<vmem>> -> memref<32xf32, #tpu.memory_space<vmem>>
    %dma_start3A_719 = tpu.memref_slice %arg27[%dma_start3A_712, %dma_start3A_713, %mul3A_88] : memref<3x16x512xf32, #tpu.memory_space<vmem_shared>> -> memref<1x1x32xf32, #tpu.memory_space<vmem_shared>>
    %dma_start3A_720 = tpu.memref_squeeze %dma_start3A_719 : memref<1x1x32xf32, #tpu.memory_space<vmem_shared>> -> memref<32xf32, #tpu.memory_space<vmem_shared>>
    %dma_start3A_721 = arith.constant 0 : i32
    %dma_start3A_722 = tpu.memref_slice %arg25[%dma_start3A_714, %dma_start3A_715, %dma_start3A_721] : memref<3x16x32xf32, #tpu.memory_space<vmem>> -> memref<1x1x32xf32, #tpu.memory_space<vmem>>
    %dma_start3A_723 = tpu.memref_squeeze %dma_start3A_722 : memref<1x1x32xf32, #tpu.memory_space<vmem>> -> memref<32xf32, #tpu.memory_space<vmem>>
    %dma_start3A_724 = tpu.memref_slice %arg27[%dma_start3A_712, %dma_start3A_713, %mul3A_88] : memref<3x16x512xf32, #tpu.memory_space<vmem_shared>> -> memref<1x1x32xf32, #tpu.memory_space<vmem_shared>>
    %dma_start3A_725 = tpu.memref_squeeze %dma_start3A_724 : memref<1x1x32xf32, #tpu.memory_space<vmem_shared>> -> memref<32xf32, #tpu.memory_space<vmem_shared>>
    tpu.enqueue_dma source(%dma_start3A_725 : memref<32xf32, #tpu.memory_space<vmem_shared>>) target(%dma_start3A_723 : memref<32xf32, #tpu.memory_space<vmem>>) target_semaphore(%arg28 : memref<!tpu.dma_semaphore, #tpu.memory_space<semaphore_mem>>)
    %dma_start3A_726 = arith.constant 2 : i32
    %dma_start3A_727 = arith.constant 9 : i32
    %dma_start3A_728 = arith.constant 2 : i32
    %dma_start3A_729 = arith.constant 9 : i32
    %dma_start3A_730 = arith.constant 0 : i32
    %dma_start3A_731 = tpu.memref_slice %arg25[%dma_start3A_728, %dma_start3A_729, %dma_start3A_730] : memref<3x16x32xf32, #tpu.memory_space<vmem>> -> memref<1x1x32xf32, #tpu.memory_space<vmem>>
    %dma_start3A_732 = tpu.memref_squeeze %dma_start3A_731 : memref<1x1x32xf32, #tpu.memory_space<vmem>> -> memref<32xf32, #tpu.memory_space<vmem>>
    %dma_start3A_733 = tpu.memref_slice %arg27[%dma_start3A_726, %dma_start3A_727, %mul3A_88] : memref<3x16x512xf32, #tpu.memory_space<vmem_shared>> -> memref<1x1x32xf32, #tpu.memory_space<vmem_shared>>
    %dma_start3A_734 = tpu.memref_squeeze %dma_start3A_733 : memref<1x1x32xf32, #tpu.memory_space<vmem_shared>> -> memref<32xf32, #tpu.memory_space<vmem_shared>>
    %dma_start3A_735 = arith.constant 0 : i32
    %dma_start3A_736 = tpu.memref_slice %arg25[%dma_start3A_728, %dma_start3A_729, %dma_start3A_735] : memref<3x16x32xf32, #tpu.memory_space<vmem>> -> memref<1x1x32xf32, #tpu.memory_space<vmem>>
    %dma_start3A_737 = tpu.memref_squeeze %dma_start3A_736 : memref<1x1x32xf32, #tpu.memory_space<vmem>> -> memref<32xf32, #tpu.memory_space<vmem>>
    %dma_start3A_738 = tpu.memref_slice %arg27[%dma_start3A_726, %dma_start3A_727, %mul3A_88] : memref<3x16x512xf32, #tpu.memory_space<vmem_shared>> -> memref<1x1x32xf32, #tpu.memory_space<vmem_shared>>
    %dma_start3A_739 = tpu.memref_squeeze %dma_start3A_738 : memref<1x1x32xf32, #tpu.memory_space<vmem_shared>> -> memref<32xf32, #tpu.memory_space<vmem_shared>>
    tpu.enqueue_dma source(%dma_start3A_739 : memref<32xf32, #tpu.memory_space<vmem_shared>>) target(%dma_start3A_737 : memref<32xf32, #tpu.memory_space<vmem>>) target_semaphore(%arg28 : memref<!tpu.dma_semaphore, #tpu.memory_space<semaphore_mem>>)
    %dma_start3A_740 = arith.constant 2 : i32
    %dma_start3A_741 = arith.constant 10 : i32
    %dma_start3A_742 = arith.constant 2 : i32
    %dma_start3A_743 = arith.constant 10 : i32
    %dma_start3A_744 = arith.constant 0 : i32
    %dma_start3A_745 = tpu.memref_slice %arg25[%dma_start3A_742, %dma_start3A_743, %dma_start3A_744] : memref<3x16x32xf32, #tpu.memory_space<vmem>> -> memref<1x1x32xf32, #tpu.memory_space<vmem>>
    %dma_start3A_746 = tpu.memref_squeeze %dma_start3A_745 : memref<1x1x32xf32, #tpu.memory_space<vmem>> -> memref<32xf32, #tpu.memory_space<vmem>>
    %dma_start3A_747 = tpu.memref_slice %arg27[%dma_start3A_740, %dma_start3A_741, %mul3A_88] : memref<3x16x512xf32, #tpu.memory_space<vmem_shared>> -> memref<1x1x32xf32, #tpu.memory_space<vmem_shared>>
    %dma_start3A_748 = tpu.memref_squeeze %dma_start3A_747 : memref<1x1x32xf32, #tpu.memory_space<vmem_shared>> -> memref<32xf32, #tpu.memory_space<vmem_shared>>
    %dma_start3A_749 = arith.constant 0 : i32
    %dma_start3A_750 = tpu.memref_slice %arg25[%dma_start3A_742, %dma_start3A_743, %dma_start3A_749] : memref<3x16x32xf32, #tpu.memory_space<vmem>> -> memref<1x1x32xf32, #tpu.memory_space<vmem>>
    %dma_start3A_751 = tpu.memref_squeeze %dma_start3A_750 : memref<1x1x32xf32, #tpu.memory_space<vmem>> -> memref<32xf32, #tpu.memory_space<vmem>>
    %dma_start3A_752 = tpu.memref_slice %arg27[%dma_start3A_740, %dma_start3A_741, %mul3A_88] : memref<3x16x512xf32, #tpu.memory_space<vmem_shared>> -> memref<1x1x32xf32, #tpu.memory_space<vmem_shared>>
    %dma_start3A_753 = tpu.memref_squeeze %dma_start3A_752 : memref<1x1x32xf32, #tpu.memory_space<vmem_shared>> -> memref<32xf32, #tpu.memory_space<vmem_shared>>
    tpu.enqueue_dma source(%dma_start3A_753 : memref<32xf32, #tpu.memory_space<vmem_shared>>) target(%dma_start3A_751 : memref<32xf32, #tpu.memory_space<vmem>>) target_semaphore(%arg28 : memref<!tpu.dma_semaphore, #tpu.memory_space<semaphore_mem>>)
    %dma_start3A_754 = arith.constant 2 : i32
    %dma_start3A_755 = arith.constant 11 : i32
    %dma_start3A_756 = arith.constant 2 : i32
    %dma_start3A_757 = arith.constant 11 : i32
    %dma_start3A_758 = arith.constant 0 : i32
    %dma_start3A_759 = tpu.memref_slice %arg25[%dma_start3A_756, %dma_start3A_757, %dma_start3A_758] : memref<3x16x32xf32, #tpu.memory_space<vmem>> -> memref<1x1x32xf32, #tpu.memory_space<vmem>>
    %dma_start3A_760 = tpu.memref_squeeze %dma_start3A_759 : memref<1x1x32xf32, #tpu.memory_space<vmem>> -> memref<32xf32, #tpu.memory_space<vmem>>
    %dma_start3A_761 = tpu.memref_slice %arg27[%dma_start3A_754, %dma_start3A_755, %mul3A_88] : memref<3x16x512xf32, #tpu.memory_space<vmem_shared>> -> memref<1x1x32xf32, #tpu.memory_space<vmem_shared>>
    %dma_start3A_762 = tpu.memref_squeeze %dma_start3A_761 : memref<1x1x32xf32, #tpu.memory_space<vmem_shared>> -> memref<32xf32, #tpu.memory_space<vmem_shared>>
    %dma_start3A_763 = arith.constant 0 : i32
    %dma_start3A_764 = tpu.memref_slice %arg25[%dma_start3A_756, %dma_start3A_757, %dma_start3A_763] : memref<3x16x32xf32, #tpu.memory_space<vmem>> -> memref<1x1x32xf32, #tpu.memory_space<vmem>>
    %dma_start3A_765 = tpu.memref_squeeze %dma_start3A_764 : memref<1x1x32xf32, #tpu.memory_space<vmem>> -> memref<32xf32, #tpu.memory_space<vmem>>
    %dma_start3A_766 = tpu.memref_slice %arg27[%dma_start3A_754, %dma_start3A_755, %mul3A_88] : memref<3x16x512xf32, #tpu.memory_space<vmem_shared>> -> memref<1x1x32xf32, #tpu.memory_space<vmem_shared>>
    %dma_start3A_767 = tpu.memref_squeeze %dma_start3A_766 : memref<1x1x32xf32, #tpu.memory_space<vmem_shared>> -> memref<32xf32, #tpu.memory_space<vmem_shared>>
    tpu.enqueue_dma source(%dma_start3A_767 : memref<32xf32, #tpu.memory_space<vmem_shared>>) target(%dma_start3A_765 : memref<32xf32, #tpu.memory_space<vmem>>) target_semaphore(%arg28 : memref<!tpu.dma_semaphore, #tpu.memory_space<semaphore_mem>>)
    %dma_start3A_768 = arith.constant 2 : i32
    %dma_start3A_769 = arith.constant 12 : i32
    %dma_start3A_770 = arith.constant 2 : i32
    %dma_start3A_771 = arith.constant 12 : i32
    %dma_start3A_772 = arith.constant 0 : i32
    %dma_start3A_773 = tpu.memref_slice %arg25[%dma_start3A_770, %dma_start3A_771, %dma_start3A_772] : memref<3x16x32xf32, #tpu.memory_space<vmem>> -> memref<1x1x32xf32, #tpu.memory_space<vmem>>
    %dma_start3A_774 = tpu.memref_squeeze %dma_start3A_773 : memref<1x1x32xf32, #tpu.memory_space<vmem>> -> memref<32xf32, #tpu.memory_space<vmem>>
    %dma_start3A_775 = tpu.memref_slice %arg27[%dma_start3A_768, %dma_start3A_769, %mul3A_88] : memref<3x16x512xf32, #tpu.memory_space<vmem_shared>> -> memref<1x1x32xf32, #tpu.memory_space<vmem_shared>>
    %dma_start3A_776 = tpu.memref_squeeze %dma_start3A_775 : memref<1x1x32xf32, #tpu.memory_space<vmem_shared>> -> memref<32xf32, #tpu.memory_space<vmem_shared>>
    %dma_start3A_777 = arith.constant 0 : i32
    %dma_start3A_778 = tpu.memref_slice %arg25[%dma_start3A_770, %dma_start3A_771, %dma_start3A_777] : memref<3x16x32xf32, #tpu.memory_space<vmem>> -> memref<1x1x32xf32, #tpu.memory_space<vmem>>
    %dma_start3A_779 = tpu.memref_squeeze %dma_start3A_778 : memref<1x1x32xf32, #tpu.memory_space<vmem>> -> memref<32xf32, #tpu.memory_space<vmem>>
    %dma_start3A_780 = tpu.memref_slice %arg27[%dma_start3A_768, %dma_start3A_769, %mul3A_88] : memref<3x16x512xf32, #tpu.memory_space<vmem_shared>> -> memref<1x1x32xf32, #tpu.memory_space<vmem_shared>>
    %dma_start3A_781 = tpu.memref_squeeze %dma_start3A_780 : memref<1x1x32xf32, #tpu.memory_space<vmem_shared>> -> memref<32xf32, #tpu.memory_space<vmem_shared>>
    tpu.enqueue_dma source(%dma_start3A_781 : memref<32xf32, #tpu.memory_space<vmem_shared>>) target(%dma_start3A_779 : memref<32xf32, #tpu.memory_space<vmem>>) target_semaphore(%arg28 : memref<!tpu.dma_semaphore, #tpu.memory_space<semaphore_mem>>)
    %dma_start3A_782 = arith.constant 2 : i32
    %dma_start3A_783 = arith.constant 13 : i32
    %dma_start3A_784 = arith.constant 2 : i32
    %dma_start3A_785 = arith.constant 13 : i32
    %dma_start3A_786 = arith.constant 0 : i32
    %dma_start3A_787 = tpu.memref_slice %arg25[%dma_start3A_784, %dma_start3A_785, %dma_start3A_786] : memref<3x16x32xf32, #tpu.memory_space<vmem>> -> memref<1x1x32xf32, #tpu.memory_space<vmem>>
    %dma_start3A_788 = tpu.memref_squeeze %dma_start3A_787 : memref<1x1x32xf32, #tpu.memory_space<vmem>> -> memref<32xf32, #tpu.memory_space<vmem>>
    %dma_start3A_789 = tpu.memref_slice %arg27[%dma_start3A_782, %dma_start3A_783, %mul3A_88] : memref<3x16x512xf32, #tpu.memory_space<vmem_shared>> -> memref<1x1x32xf32, #tpu.memory_space<vmem_shared>>
    %dma_start3A_790 = tpu.memref_squeeze %dma_start3A_789 : memref<1x1x32xf32, #tpu.memory_space<vmem_shared>> -> memref<32xf32, #tpu.memory_space<vmem_shared>>
    %dma_start3A_791 = arith.constant 0 : i32
    %dma_start3A_792 = tpu.memref_slice %arg25[%dma_start3A_784, %dma_start3A_785, %dma_start3A_791] : memref<3x16x32xf32, #tpu.memory_space<vmem>> -> memref<1x1x32xf32, #tpu.memory_space<vmem>>
    %dma_start3A_793 = tpu.memref_squeeze %dma_start3A_792 : memref<1x1x32xf32, #tpu.memory_space<vmem>> -> memref<32xf32, #tpu.memory_space<vmem>>
    %dma_start3A_794 = tpu.memref_slice %arg27[%dma_start3A_782, %dma_start3A_783, %mul3A_88] : memref<3x16x512xf32, #tpu.memory_space<vmem_shared>> -> memref<1x1x32xf32, #tpu.memory_space<vmem_shared>>
    %dma_start3A_795 = tpu.memref_squeeze %dma_start3A_794 : memref<1x1x32xf32, #tpu.memory_space<vmem_shared>> -> memref<32xf32, #tpu.memory_space<vmem_shared>>
    tpu.enqueue_dma source(%dma_start3A_795 : memref<32xf32, #tpu.memory_space<vmem_shared>>) target(%dma_start3A_793 : memref<32xf32, #tpu.memory_space<vmem>>) target_semaphore(%arg28 : memref<!tpu.dma_semaphore, #tpu.memory_space<semaphore_mem>>)
    %dma_start3A_796 = arith.constant 2 : i32
    %dma_start3A_797 = arith.constant 14 : i32
    %dma_start3A_798 = arith.constant 2 : i32
    %dma_start3A_799 = arith.constant 14 : i32
    %dma_start3A_800 = arith.constant 0 : i32
    %dma_start3A_801 = tpu.memref_slice %arg25[%dma_start3A_798, %dma_start3A_799, %dma_start3A_800] : memref<3x16x32xf32, #tpu.memory_space<vmem>> -> memref<1x1x32xf32, #tpu.memory_space<vmem>>
    %dma_start3A_802 = tpu.memref_squeeze %dma_start3A_801 : memref<1x1x32xf32, #tpu.memory_space<vmem>> -> memref<32xf32, #tpu.memory_space<vmem>>
    %dma_start3A_803 = tpu.memref_slice %arg27[%dma_start3A_796, %dma_start3A_797, %mul3A_88] : memref<3x16x512xf32, #tpu.memory_space<vmem_shared>> -> memref<1x1x32xf32, #tpu.memory_space<vmem_shared>>
    %dma_start3A_804 = tpu.memref_squeeze %dma_start3A_803 : memref<1x1x32xf32, #tpu.memory_space<vmem_shared>> -> memref<32xf32, #tpu.memory_space<vmem_shared>>
    %dma_start3A_805 = arith.constant 0 : i32
    %dma_start3A_806 = tpu.memref_slice %arg25[%dma_start3A_798, %dma_start3A_799, %dma_start3A_805] : memref<3x16x32xf32, #tpu.memory_space<vmem>> -> memref<1x1x32xf32, #tpu.memory_space<vmem>>
    %dma_start3A_807 = tpu.memref_squeeze %dma_start3A_806 : memref<1x1x32xf32, #tpu.memory_space<vmem>> -> memref<32xf32, #tpu.memory_space<vmem>>
    %dma_start3A_808 = tpu.memref_slice %arg27[%dma_start3A_796, %dma_start3A_797, %mul3A_88] : memref<3x16x512xf32, #tpu.memory_space<vmem_shared>> -> memref<1x1x32xf32, #tpu.memory_space<vmem_shared>>
    %dma_start3A_809 = tpu.memref_squeeze %dma_start3A_808 : memref<1x1x32xf32, #tpu.memory_space<vmem_shared>> -> memref<32xf32, #tpu.memory_space<vmem_shared>>
    tpu.enqueue_dma source(%dma_start3A_809 : memref<32xf32, #tpu.memory_space<vmem_shared>>) target(%dma_start3A_807 : memref<32xf32, #tpu.memory_space<vmem>>) target_semaphore(%arg28 : memref<!tpu.dma_semaphore, #tpu.memory_space<semaphore_mem>>)
    %dma_start3A_810 = arith.constant 2 : i32
    %dma_start3A_811 = arith.constant 15 : i32
    %dma_start3A_812 = arith.constant 2 : i32
    %dma_start3A_813 = arith.constant 15 : i32
    %dma_start3A_814 = arith.constant 0 : i32
    %dma_start3A_815 = tpu.memref_slice %arg25[%dma_start3A_812, %dma_start3A_813, %dma_start3A_814] : memref<3x16x32xf32, #tpu.memory_space<vmem>> -> memref<1x1x32xf32, #tpu.memory_space<vmem>>
    %dma_start3A_816 = tpu.memref_squeeze %dma_start3A_815 : memref<1x1x32xf32, #tpu.memory_space<vmem>> -> memref<32xf32, #tpu.memory_space<vmem>>
    %dma_start3A_817 = tpu.memref_slice %arg27[%dma_start3A_810, %dma_start3A_811, %mul3A_88] : memref<3x16x512xf32, #tpu.memory_space<vmem_shared>> -> memref<1x1x32xf32, #tpu.memory_space<vmem_shared>>
    %dma_start3A_818 = tpu.memref_squeeze %dma_start3A_817 : memref<1x1x32xf32, #tpu.memory_space<vmem_shared>> -> memref<32xf32, #tpu.memory_space<vmem_shared>>
    %dma_start3A_819 = arith.constant 0 : i32
    %dma_start3A_820 = tpu.memref_slice %arg25[%dma_start3A_812, %dma_start3A_813, %dma_start3A_819] : memref<3x16x32xf32, #tpu.memory_space<vmem>> -> memref<1x1x32xf32, #tpu.memory_space<vmem>>
    %dma_start3A_821 = tpu.memref_squeeze %dma_start3A_820 : memref<1x1x32xf32, #tpu.memory_space<vmem>> -> memref<32xf32, #tpu.memory_space<vmem>>
    %dma_start3A_822 = tpu.memref_slice %arg27[%dma_start3A_810, %dma_start3A_811, %mul3A_88] : memref<3x16x512xf32, #tpu.memory_space<vmem_shared>> -> memref<1x1x32xf32, #tpu.memory_space<vmem_shared>>
    %dma_start3A_823 = tpu.memref_squeeze %dma_start3A_822 : memref<1x1x32xf32, #tpu.memory_space<vmem_shared>> -> memref<32xf32, #tpu.memory_space<vmem_shared>>
    tpu.enqueue_dma source(%dma_start3A_823 : memref<32xf32, #tpu.memory_space<vmem_shared>>) target(%dma_start3A_821 : memref<32xf32, #tpu.memory_space<vmem>>) target_semaphore(%arg28 : memref<!tpu.dma_semaphore, #tpu.memory_space<semaphore_mem>>)
    %dma_wait3A_824 = arith.constant 0 : i32
    %dma_wait3A_825 = arith.constant 0 : i32
    %dma_wait3A_826 = arith.constant 0 : i32
    %dma_wait3A_827 = arith.constant 0 : i32
    %dma_wait3A_828 = arith.constant 0 : i32
    %dma_wait3A_829 = tpu.memref_slice %arg25[%dma_wait3A_826, %dma_wait3A_827, %dma_wait3A_828] : memref<3x16x32xf32, #tpu.memory_space<vmem>> -> memref<1x1x32xf32, #tpu.memory_space<vmem>>
    %dma_wait3A_830 = tpu.memref_squeeze %dma_wait3A_829 : memref<1x1x32xf32, #tpu.memory_space<vmem>> -> memref<32xf32, #tpu.memory_space<vmem>>
    %dma_wait3A_831 = tpu.memref_slice %arg27[%dma_wait3A_824, %dma_wait3A_825, %mul3A_88] : memref<3x16x512xf32, #tpu.memory_space<vmem_shared>> -> memref<1x1x32xf32, #tpu.memory_space<vmem_shared>>
    %dma_wait3A_832 = tpu.memref_squeeze %dma_wait3A_831 : memref<1x1x32xf32, #tpu.memory_space<vmem_shared>> -> memref<32xf32, #tpu.memory_space<vmem_shared>>
    %dma_wait3A_833 = arith.constant 0 : i32
    %dma_wait3A_834 = tpu.memref_slice %arg25[%dma_wait3A_826, %dma_wait3A_827, %dma_wait3A_833] : memref<3x16x32xf32, #tpu.memory_space<vmem>> -> memref<1x1x32xf32, #tpu.memory_space<vmem>>
    %dma_wait3A_835 = tpu.memref_squeeze %dma_wait3A_834 : memref<1x1x32xf32, #tpu.memory_space<vmem>> -> memref<32xf32, #tpu.memory_space<vmem>>
    %dma_wait3A_836 = tpu.memref_slice %arg27[%dma_wait3A_824, %dma_wait3A_825, %mul3A_88] : memref<3x16x512xf32, #tpu.memory_space<vmem_shared>> -> memref<1x1x32xf32, #tpu.memory_space<vmem_shared>>
    %dma_wait3A_837 = tpu.memref_squeeze %dma_wait3A_836 : memref<1x1x32xf32, #tpu.memory_space<vmem_shared>> -> memref<32xf32, #tpu.memory_space<vmem_shared>>
    tpu.wait_dma2 semaphore(%arg28 : memref<!tpu.dma_semaphore, #tpu.memory_space<semaphore_mem>>) src(%dma_wait3A_837 : memref<32xf32, #tpu.memory_space<vmem_shared>>) dst(%dma_wait3A_835 : memref<32xf32, #tpu.memory_space<vmem>>)
    %dma_wait3A_838 = arith.constant 0 : i32
    %dma_wait3A_839 = arith.constant 1 : i32
    %dma_wait3A_840 = arith.constant 0 : i32
    %dma_wait3A_841 = arith.constant 1 : i32
    %dma_wait3A_842 = arith.constant 0 : i32
    %dma_wait3A_843 = tpu.memref_slice %arg25[%dma_wait3A_840, %dma_wait3A_841, %dma_wait3A_842] : memref<3x16x32xf32, #tpu.memory_space<vmem>> -> memref<1x1x32xf32, #tpu.memory_space<vmem>>
    %dma_wait3A_844 = tpu.memref_squeeze %dma_wait3A_843 : memref<1x1x32xf32, #tpu.memory_space<vmem>> -> memref<32xf32, #tpu.memory_space<vmem>>
    %dma_wait3A_845 = tpu.memref_slice %arg27[%dma_wait3A_838, %dma_wait3A_839, %mul3A_88] : memref<3x16x512xf32, #tpu.memory_space<vmem_shared>> -> memref<1x1x32xf32, #tpu.memory_space<vmem_shared>>
    %dma_wait3A_846 = tpu.memref_squeeze %dma_wait3A_845 : memref<1x1x32xf32, #tpu.memory_space<vmem_shared>> -> memref<32xf32, #tpu.memory_space<vmem_shared>>
    %dma_wait3A_847 = arith.constant 0 : i32
    %dma_wait3A_848 = tpu.memref_slice %arg25[%dma_wait3A_840, %dma_wait3A_841, %dma_wait3A_847] : memref<3x16x32xf32, #tpu.memory_space<vmem>> -> memref<1x1x32xf32, #tpu.memory_space<vmem>>
    %dma_wait3A_849 = tpu.memref_squeeze %dma_wait3A_848 : memref<1x1x32xf32, #tpu.memory_space<vmem>> -> memref<32xf32, #tpu.memory_space<vmem>>
    %dma_wait3A_850 = tpu.memref_slice %arg27[%dma_wait3A_838, %dma_wait3A_839, %mul3A_88] : memref<3x16x512xf32, #tpu.memory_space<vmem_shared>> -> memref<1x1x32xf32, #tpu.memory_space<vmem_shared>>
    %dma_wait3A_851 = tpu.memref_squeeze %dma_wait3A_850 : memref<1x1x32xf32, #tpu.memory_space<vmem_shared>> -> memref<32xf32, #tpu.memory_space<vmem_shared>>
    tpu.wait_dma2 semaphore(%arg28 : memref<!tpu.dma_semaphore, #tpu.memory_space<semaphore_mem>>) src(%dma_wait3A_851 : memref<32xf32, #tpu.memory_space<vmem_shared>>) dst(%dma_wait3A_849 : memref<32xf32, #tpu.memory_space<vmem>>)
    %dma_wait3A_852 = arith.constant 0 : i32
    %dma_wait3A_853 = arith.constant 2 : i32
    %dma_wait3A_854 = arith.constant 0 : i32
    %dma_wait3A_855 = arith.constant 2 : i32
    %dma_wait3A_856 = arith.constant 0 : i32
    %dma_wait3A_857 = tpu.memref_slice %arg25[%dma_wait3A_854, %dma_wait3A_855, %dma_wait3A_856] : memref<3x16x32xf32, #tpu.memory_space<vmem>> -> memref<1x1x32xf32, #tpu.memory_space<vmem>>
    %dma_wait3A_858 = tpu.memref_squeeze %dma_wait3A_857 : memref<1x1x32xf32, #tpu.memory_space<vmem>> -> memref<32xf32, #tpu.memory_space<vmem>>
    %dma_wait3A_859 = tpu.memref_slice %arg27[%dma_wait3A_852, %dma_wait3A_853, %mul3A_88] : memref<3x16x512xf32, #tpu.memory_space<vmem_shared>> -> memref<1x1x32xf32, #tpu.memory_space<vmem_shared>>
    %dma_wait3A_860 = tpu.memref_squeeze %dma_wait3A_859 : memref<1x1x32xf32, #tpu.memory_space<vmem_shared>> -> memref<32xf32, #tpu.memory_space<vmem_shared>>
    %dma_wait3A_861 = arith.constant 0 : i32
    %dma_wait3A_862 = tpu.memref_slice %arg25[%dma_wait3A_854, %dma_wait3A_855, %dma_wait3A_861] : memref<3x16x32xf32, #tpu.memory_space<vmem>> -> memref<1x1x32xf32, #tpu.memory_space<vmem>>
    %dma_wait3A_863 = tpu.memref_squeeze %dma_wait3A_862 : memref<1x1x32xf32, #tpu.memory_space<vmem>> -> memref<32xf32, #tpu.memory_space<vmem>>
    %dma_wait3A_864 = tpu.memref_slice %arg27[%dma_wait3A_852, %dma_wait3A_853, %mul3A_88] : memref<3x16x512xf32, #tpu.memory_space<vmem_shared>> -> memref<1x1x32xf32, #tpu.memory_space<vmem_shared>>
    %dma_wait3A_865 = tpu.memref_squeeze %dma_wait3A_864 : memref<1x1x32xf32, #tpu.memory_space<vmem_shared>> -> memref<32xf32, #tpu.memory_space<vmem_shared>>
    tpu.wait_dma2 semaphore(%arg28 : memref<!tpu.dma_semaphore, #tpu.memory_space<semaphore_mem>>) src(%dma_wait3A_865 : memref<32xf32, #tpu.memory_space<vmem_shared>>) dst(%dma_wait3A_863 : memref<32xf32, #tpu.memory_space<vmem>>)
    %dma_wait3A_866 = arith.constant 0 : i32
    %dma_wait3A_867 = arith.constant 3 : i32
    %dma_wait3A_868 = arith.constant 0 : i32
    %dma_wait3A_869 = arith.constant 3 : i32
    %dma_wait3A_870 = arith.constant 0 : i32
    %dma_wait3A_871 = tpu.memref_slice %arg25[%dma_wait3A_868, %dma_wait3A_869, %dma_wait3A_870] : memref<3x16x32xf32, #tpu.memory_space<vmem>> -> memref<1x1x32xf32, #tpu.memory_space<vmem>>
    %dma_wait3A_872 = tpu.memref_squeeze %dma_wait3A_871 : memref<1x1x32xf32, #tpu.memory_space<vmem>> -> memref<32xf32, #tpu.memory_space<vmem>>
    %dma_wait3A_873 = tpu.memref_slice %arg27[%dma_wait3A_866, %dma_wait3A_867, %mul3A_88] : memref<3x16x512xf32, #tpu.memory_space<vmem_shared>> -> memref<1x1x32xf32, #tpu.memory_space<vmem_shared>>
    %dma_wait3A_874 = tpu.memref_squeeze %dma_wait3A_873 : memref<1x1x32xf32, #tpu.memory_space<vmem_shared>> -> memref<32xf32, #tpu.memory_space<vmem_shared>>
    %dma_wait3A_875 = arith.constant 0 : i32
    %dma_wait3A_876 = tpu.memref_slice %arg25[%dma_wait3A_868, %dma_wait3A_869, %dma_wait3A_875] : memref<3x16x32xf32, #tpu.memory_space<vmem>> -> memref<1x1x32xf32, #tpu.memory_space<vmem>>
    %dma_wait3A_877 = tpu.memref_squeeze %dma_wait3A_876 : memref<1x1x32xf32, #tpu.memory_space<vmem>> -> memref<32xf32, #tpu.memory_space<vmem>>
    %dma_wait3A_878 = tpu.memref_slice %arg27[%dma_wait3A_866, %dma_wait3A_867, %mul3A_88] : memref<3x16x512xf32, #tpu.memory_space<vmem_shared>> -> memref<1x1x32xf32, #tpu.memory_space<vmem_shared>>
    %dma_wait3A_879 = tpu.memref_squeeze %dma_wait3A_878 : memref<1x1x32xf32, #tpu.memory_space<vmem_shared>> -> memref<32xf32, #tpu.memory_space<vmem_shared>>
    tpu.wait_dma2 semaphore(%arg28 : memref<!tpu.dma_semaphore, #tpu.memory_space<semaphore_mem>>) src(%dma_wait3A_879 : memref<32xf32, #tpu.memory_space<vmem_shared>>) dst(%dma_wait3A_877 : memref<32xf32, #tpu.memory_space<vmem>>)
    %dma_wait3A_880 = arith.constant 0 : i32
    %dma_wait3A_881 = arith.constant 4 : i32
    %dma_wait3A_882 = arith.constant 0 : i32
    %dma_wait3A_883 = arith.constant 4 : i32
    %dma_wait3A_884 = arith.constant 0 : i32
    %dma_wait3A_885 = tpu.memref_slice %arg25[%dma_wait3A_882, %dma_wait3A_883, %dma_wait3A_884] : memref<3x16x32xf32, #tpu.memory_space<vmem>> -> memref<1x1x32xf32, #tpu.memory_space<vmem>>
    %dma_wait3A_886 = tpu.memref_squeeze %dma_wait3A_885 : memref<1x1x32xf32, #tpu.memory_space<vmem>> -> memref<32xf32, #tpu.memory_space<vmem>>
    %dma_wait3A_887 = tpu.memref_slice %arg27[%dma_wait3A_880, %dma_wait3A_881, %mul3A_88] : memref<3x16x512xf32, #tpu.memory_space<vmem_shared>> -> memref<1x1x32xf32, #tpu.memory_space<vmem_shared>>
    %dma_wait3A_888 = tpu.memref_squeeze %dma_wait3A_887 : memref<1x1x32xf32, #tpu.memory_space<vmem_shared>> -> memref<32xf32, #tpu.memory_space<vmem_shared>>
    %dma_wait3A_889 = arith.constant 0 : i32
    %dma_wait3A_890 = tpu.memref_slice %arg25[%dma_wait3A_882, %dma_wait3A_883, %dma_wait3A_889] : memref<3x16x32xf32, #tpu.memory_space<vmem>> -> memref<1x1x32xf32, #tpu.memory_space<vmem>>
    %dma_wait3A_891 = tpu.memref_squeeze %dma_wait3A_890 : memref<1x1x32xf32, #tpu.memory_space<vmem>> -> memref<32xf32, #tpu.memory_space<vmem>>
    %dma_wait3A_892 = tpu.memref_slice %arg27[%dma_wait3A_880, %dma_wait3A_881, %mul3A_88] : memref<3x16x512xf32, #tpu.memory_space<vmem_shared>> -> memref<1x1x32xf32, #tpu.memory_space<vmem_shared>>
    %dma_wait3A_893 = tpu.memref_squeeze %dma_wait3A_892 : memref<1x1x32xf32, #tpu.memory_space<vmem_shared>> -> memref<32xf32, #tpu.memory_space<vmem_shared>>
    tpu.wait_dma2 semaphore(%arg28 : memref<!tpu.dma_semaphore, #tpu.memory_space<semaphore_mem>>) src(%dma_wait3A_893 : memref<32xf32, #tpu.memory_space<vmem_shared>>) dst(%dma_wait3A_891 : memref<32xf32, #tpu.memory_space<vmem>>)
    %dma_wait3A_894 = arith.constant 0 : i32
    %dma_wait3A_895 = arith.constant 5 : i32
    %dma_wait3A_896 = arith.constant 0 : i32
    %dma_wait3A_897 = arith.constant 5 : i32
    %dma_wait3A_898 = arith.constant 0 : i32
    %dma_wait3A_899 = tpu.memref_slice %arg25[%dma_wait3A_896, %dma_wait3A_897, %dma_wait3A_898] : memref<3x16x32xf32, #tpu.memory_space<vmem>> -> memref<1x1x32xf32, #tpu.memory_space<vmem>>
    %dma_wait3A_900 = tpu.memref_squeeze %dma_wait3A_899 : memref<1x1x32xf32, #tpu.memory_space<vmem>> -> memref<32xf32, #tpu.memory_space<vmem>>
    %dma_wait3A_901 = tpu.memref_slice %arg27[%dma_wait3A_894, %dma_wait3A_895, %mul3A_88] : memref<3x16x512xf32, #tpu.memory_space<vmem_shared>> -> memref<1x1x32xf32, #tpu.memory_space<vmem_shared>>
    %dma_wait3A_902 = tpu.memref_squeeze %dma_wait3A_901 : memref<1x1x32xf32, #tpu.memory_space<vmem_shared>> -> memref<32xf32, #tpu.memory_space<vmem_shared>>
    %dma_wait3A_903 = arith.constant 0 : i32
    %dma_wait3A_904 = tpu.memref_slice %arg25[%dma_wait3A_896, %dma_wait3A_897, %dma_wait3A_903] : memref<3x16x32xf32, #tpu.memory_space<vmem>> -> memref<1x1x32xf32, #tpu.memory_space<vmem>>
    %dma_wait3A_905 = tpu.memref_squeeze %dma_wait3A_904 : memref<1x1x32xf32, #tpu.memory_space<vmem>> -> memref<32xf32, #tpu.memory_space<vmem>>
    %dma_wait3A_906 = tpu.memref_slice %arg27[%dma_wait3A_894, %dma_wait3A_895, %mul3A_88] : memref<3x16x512xf32, #tpu.memory_space<vmem_shared>> -> memref<1x1x32xf32, #tpu.memory_space<vmem_shared>>
    %dma_wait3A_907 = tpu.memref_squeeze %dma_wait3A_906 : memref<1x1x32xf32, #tpu.memory_space<vmem_shared>> -> memref<32xf32, #tpu.memory_space<vmem_shared>>
    tpu.wait_dma2 semaphore(%arg28 : memref<!tpu.dma_semaphore, #tpu.memory_space<semaphore_mem>>) src(%dma_wait3A_907 : memref<32xf32, #tpu.memory_space<vmem_shared>>) dst(%dma_wait3A_905 : memref<32xf32, #tpu.memory_space<vmem>>)
    %dma_wait3A_908 = arith.constant 0 : i32
    %dma_wait3A_909 = arith.constant 6 : i32
    %dma_wait3A_910 = arith.constant 0 : i32
    %dma_wait3A_911 = arith.constant 6 : i32
    %dma_wait3A_912 = arith.constant 0 : i32
    %dma_wait3A_913 = tpu.memref_slice %arg25[%dma_wait3A_910, %dma_wait3A_911, %dma_wait3A_912] : memref<3x16x32xf32, #tpu.memory_space<vmem>> -> memref<1x1x32xf32, #tpu.memory_space<vmem>>
    %dma_wait3A_914 = tpu.memref_squeeze %dma_wait3A_913 : memref<1x1x32xf32, #tpu.memory_space<vmem>> -> memref<32xf32, #tpu.memory_space<vmem>>
    %dma_wait3A_915 = tpu.memref_slice %arg27[%dma_wait3A_908, %dma_wait3A_909, %mul3A_88] : memref<3x16x512xf32, #tpu.memory_space<vmem_shared>> -> memref<1x1x32xf32, #tpu.memory_space<vmem_shared>>
    %dma_wait3A_916 = tpu.memref_squeeze %dma_wait3A_915 : memref<1x1x32xf32, #tpu.memory_space<vmem_shared>> -> memref<32xf32, #tpu.memory_space<vmem_shared>>
    %dma_wait3A_917 = arith.constant 0 : i32
    %dma_wait3A_918 = tpu.memref_slice %arg25[%dma_wait3A_910, %dma_wait3A_911, %dma_wait3A_917] : memref<3x16x32xf32, #tpu.memory_space<vmem>> -> memref<1x1x32xf32, #tpu.memory_space<vmem>>
    %dma_wait3A_919 = tpu.memref_squeeze %dma_wait3A_918 : memref<1x1x32xf32, #tpu.memory_space<vmem>> -> memref<32xf32, #tpu.memory_space<vmem>>
    %dma_wait3A_920 = tpu.memref_slice %arg27[%dma_wait3A_908, %dma_wait3A_909, %mul3A_88] : memref<3x16x512xf32, #tpu.memory_space<vmem_shared>> -> memref<1x1x32xf32, #tpu.memory_space<vmem_shared>>
    %dma_wait3A_921 = tpu.memref_squeeze %dma_wait3A_920 : memref<1x1x32xf32, #tpu.memory_space<vmem_shared>> -> memref<32xf32, #tpu.memory_space<vmem_shared>>
    tpu.wait_dma2 semaphore(%arg28 : memref<!tpu.dma_semaphore, #tpu.memory_space<semaphore_mem>>) src(%dma_wait3A_921 : memref<32xf32, #tpu.memory_space<vmem_shared>>) dst(%dma_wait3A_919 : memref<32xf32, #tpu.memory_space<vmem>>)
    %dma_wait3A_922 = arith.constant 0 : i32
    %dma_wait3A_923 = arith.constant 7 : i32
    %dma_wait3A_924 = arith.constant 0 : i32
    %dma_wait3A_925 = arith.constant 7 : i32
    %dma_wait3A_926 = arith.constant 0 : i32
    %dma_wait3A_927 = tpu.memref_slice %arg25[%dma_wait3A_924, %dma_wait3A_925, %dma_wait3A_926] : memref<3x16x32xf32, #tpu.memory_space<vmem>> -> memref<1x1x32xf32, #tpu.memory_space<vmem>>
    %dma_wait3A_928 = tpu.memref_squeeze %dma_wait3A_927 : memref<1x1x32xf32, #tpu.memory_space<vmem>> -> memref<32xf32, #tpu.memory_space<vmem>>
    %dma_wait3A_929 = tpu.memref_slice %arg27[%dma_wait3A_922, %dma_wait3A_923, %mul3A_88] : memref<3x16x512xf32, #tpu.memory_space<vmem_shared>> -> memref<1x1x32xf32, #tpu.memory_space<vmem_shared>>
    %dma_wait3A_930 = tpu.memref_squeeze %dma_wait3A_929 : memref<1x1x32xf32, #tpu.memory_space<vmem_shared>> -> memref<32xf32, #tpu.memory_space<vmem_shared>>
    %dma_wait3A_931 = arith.constant 0 : i32
    %dma_wait3A_932 = tpu.memref_slice %arg25[%dma_wait3A_924, %dma_wait3A_925, %dma_wait3A_931] : memref<3x16x32xf32, #tpu.memory_space<vmem>> -> memref<1x1x32xf32, #tpu.memory_space<vmem>>
    %dma_wait3A_933 = tpu.memref_squeeze %dma_wait3A_932 : memref<1x1x32xf32, #tpu.memory_space<vmem>> -> memref<32xf32, #tpu.memory_space<vmem>>
    %dma_wait3A_934 = tpu.memref_slice %arg27[%dma_wait3A_922, %dma_wait3A_923, %mul3A_88] : memref<3x16x512xf32, #tpu.memory_space<vmem_shared>> -> memref<1x1x32xf32, #tpu.memory_space<vmem_shared>>
    %dma_wait3A_935 = tpu.memref_squeeze %dma_wait3A_934 : memref<1x1x32xf32, #tpu.memory_space<vmem_shared>> -> memref<32xf32, #tpu.memory_space<vmem_shared>>
    tpu.wait_dma2 semaphore(%arg28 : memref<!tpu.dma_semaphore, #tpu.memory_space<semaphore_mem>>) src(%dma_wait3A_935 : memref<32xf32, #tpu.memory_space<vmem_shared>>) dst(%dma_wait3A_933 : memref<32xf32, #tpu.memory_space<vmem>>)
    %dma_wait3A_936 = arith.constant 0 : i32
    %dma_wait3A_937 = arith.constant 8 : i32
    %dma_wait3A_938 = arith.constant 0 : i32
    %dma_wait3A_939 = arith.constant 8 : i32
    %dma_wait3A_940 = arith.constant 0 : i32
    %dma_wait3A_941 = tpu.memref_slice %arg25[%dma_wait3A_938, %dma_wait3A_939, %dma_wait3A_940] : memref<3x16x32xf32, #tpu.memory_space<vmem>> -> memref<1x1x32xf32, #tpu.memory_space<vmem>>
    %dma_wait3A_942 = tpu.memref_squeeze %dma_wait3A_941 : memref<1x1x32xf32, #tpu.memory_space<vmem>> -> memref<32xf32, #tpu.memory_space<vmem>>
    %dma_wait3A_943 = tpu.memref_slice %arg27[%dma_wait3A_936, %dma_wait3A_937, %mul3A_88] : memref<3x16x512xf32, #tpu.memory_space<vmem_shared>> -> memref<1x1x32xf32, #tpu.memory_space<vmem_shared>>
    %dma_wait3A_944 = tpu.memref_squeeze %dma_wait3A_943 : memref<1x1x32xf32, #tpu.memory_space<vmem_shared>> -> memref<32xf32, #tpu.memory_space<vmem_shared>>
    %dma_wait3A_945 = arith.constant 0 : i32
    %dma_wait3A_946 = tpu.memref_slice %arg25[%dma_wait3A_938, %dma_wait3A_939, %dma_wait3A_945] : memref<3x16x32xf32, #tpu.memory_space<vmem>> -> memref<1x1x32xf32, #tpu.memory_space<vmem>>
    %dma_wait3A_947 = tpu.memref_squeeze %dma_wait3A_946 : memref<1x1x32xf32, #tpu.memory_space<vmem>> -> memref<32xf32, #tpu.memory_space<vmem>>
    %dma_wait3A_948 = tpu.memref_slice %arg27[%dma_wait3A_936, %dma_wait3A_937, %mul3A_88] : memref<3x16x512xf32, #tpu.memory_space<vmem_shared>> -> memref<1x1x32xf32, #tpu.memory_space<vmem_shared>>
    %dma_wait3A_949 = tpu.memref_squeeze %dma_wait3A_948 : memref<1x1x32xf32, #tpu.memory_space<vmem_shared>> -> memref<32xf32, #tpu.memory_space<vmem_shared>>
    tpu.wait_dma2 semaphore(%arg28 : memref<!tpu.dma_semaphore, #tpu.memory_space<semaphore_mem>>) src(%dma_wait3A_949 : memref<32xf32, #tpu.memory_space<vmem_shared>>) dst(%dma_wait3A_947 : memref<32xf32, #tpu.memory_space<vmem>>)
    %dma_wait3A_950 = arith.constant 0 : i32
    %dma_wait3A_951 = arith.constant 9 : i32
    %dma_wait3A_952 = arith.constant 0 : i32
    %dma_wait3A_953 = arith.constant 9 : i32
    %dma_wait3A_954 = arith.constant 0 : i32
    %dma_wait3A_955 = tpu.memref_slice %arg25[%dma_wait3A_952, %dma_wait3A_953, %dma_wait3A_954] : memref<3x16x32xf32, #tpu.memory_space<vmem>> -> memref<1x1x32xf32, #tpu.memory_space<vmem>>
    %dma_wait3A_956 = tpu.memref_squeeze %dma_wait3A_955 : memref<1x1x32xf32, #tpu.memory_space<vmem>> -> memref<32xf32, #tpu.memory_space<vmem>>
    %dma_wait3A_957 = tpu.memref_slice %arg27[%dma_wait3A_950, %dma_wait3A_951, %mul3A_88] : memref<3x16x512xf32, #tpu.memory_space<vmem_shared>> -> memref<1x1x32xf32, #tpu.memory_space<vmem_shared>>
    %dma_wait3A_958 = tpu.memref_squeeze %dma_wait3A_957 : memref<1x1x32xf32, #tpu.memory_space<vmem_shared>> -> memref<32xf32, #tpu.memory_space<vmem_shared>>
    %dma_wait3A_959 = arith.constant 0 : i32
    %dma_wait3A_960 = tpu.memref_slice %arg25[%dma_wait3A_952, %dma_wait3A_953, %dma_wait3A_959] : memref<3x16x32xf32, #tpu.memory_space<vmem>> -> memref<1x1x32xf32, #tpu.memory_space<vmem>>
    %dma_wait3A_961 = tpu.memref_squeeze %dma_wait3A_960 : memref<1x1x32xf32, #tpu.memory_space<vmem>> -> memref<32xf32, #tpu.memory_space<vmem>>
    %dma_wait3A_962 = tpu.memref_slice %arg27[%dma_wait3A_950, %dma_wait3A_951, %mul3A_88] : memref<3x16x512xf32, #tpu.memory_space<vmem_shared>> -> memref<1x1x32xf32, #tpu.memory_space<vmem_shared>>
    %dma_wait3A_963 = tpu.memref_squeeze %dma_wait3A_962 : memref<1x1x32xf32, #tpu.memory_space<vmem_shared>> -> memref<32xf32, #tpu.memory_space<vmem_shared>>
    tpu.wait_dma2 semaphore(%arg28 : memref<!tpu.dma_semaphore, #tpu.memory_space<semaphore_mem>>) src(%dma_wait3A_963 : memref<32xf32, #tpu.memory_space<vmem_shared>>) dst(%dma_wait3A_961 : memref<32xf32, #tpu.memory_space<vmem>>)
    %dma_wait3A_964 = arith.constant 0 : i32
    %dma_wait3A_965 = arith.constant 10 : i32
    %dma_wait3A_966 = arith.constant 0 : i32
    %dma_wait3A_967 = arith.constant 10 : i32
    %dma_wait3A_968 = arith.constant 0 : i32
    %dma_wait3A_969 = tpu.memref_slice %arg25[%dma_wait3A_966, %dma_wait3A_967, %dma_wait3A_968] : memref<3x16x32xf32, #tpu.memory_space<vmem>> -> memref<1x1x32xf32, #tpu.memory_space<vmem>>
    %dma_wait3A_970 = tpu.memref_squeeze %dma_wait3A_969 : memref<1x1x32xf32, #tpu.memory_space<vmem>> -> memref<32xf32, #tpu.memory_space<vmem>>
    %dma_wait3A_971 = tpu.memref_slice %arg27[%dma_wait3A_964, %dma_wait3A_965, %mul3A_88] : memref<3x16x512xf32, #tpu.memory_space<vmem_shared>> -> memref<1x1x32xf32, #tpu.memory_space<vmem_shared>>
    %dma_wait3A_972 = tpu.memref_squeeze %dma_wait3A_971 : memref<1x1x32xf32, #tpu.memory_space<vmem_shared>> -> memref<32xf32, #tpu.memory_space<vmem_shared>>
    %dma_wait3A_973 = arith.constant 0 : i32
    %dma_wait3A_974 = tpu.memref_slice %arg25[%dma_wait3A_966, %dma_wait3A_967, %dma_wait3A_973] : memref<3x16x32xf32, #tpu.memory_space<vmem>> -> memref<1x1x32xf32, #tpu.memory_space<vmem>>
    %dma_wait3A_975 = tpu.memref_squeeze %dma_wait3A_974 : memref<1x1x32xf32, #tpu.memory_space<vmem>> -> memref<32xf32, #tpu.memory_space<vmem>>
    %dma_wait3A_976 = tpu.memref_slice %arg27[%dma_wait3A_964, %dma_wait3A_965, %mul3A_88] : memref<3x16x512xf32, #tpu.memory_space<vmem_shared>> -> memref<1x1x32xf32, #tpu.memory_space<vmem_shared>>
    %dma_wait3A_977 = tpu.memref_squeeze %dma_wait3A_976 : memref<1x1x32xf32, #tpu.memory_space<vmem_shared>> -> memref<32xf32, #tpu.memory_space<vmem_shared>>
    tpu.wait_dma2 semaphore(%arg28 : memref<!tpu.dma_semaphore, #tpu.memory_space<semaphore_mem>>) src(%dma_wait3A_977 : memref<32xf32, #tpu.memory_space<vmem_shared>>) dst(%dma_wait3A_975 : memref<32xf32, #tpu.memory_space<vmem>>)
    %dma_wait3A_978 = arith.constant 0 : i32
    %dma_wait3A_979 = arith.constant 11 : i32
    %dma_wait3A_980 = arith.constant 0 : i32
    %dma_wait3A_981 = arith.constant 11 : i32
    %dma_wait3A_982 = arith.constant 0 : i32
    %dma_wait3A_983 = tpu.memref_slice %arg25[%dma_wait3A_980, %dma_wait3A_981, %dma_wait3A_982] : memref<3x16x32xf32, #tpu.memory_space<vmem>> -> memref<1x1x32xf32, #tpu.memory_space<vmem>>
    %dma_wait3A_984 = tpu.memref_squeeze %dma_wait3A_983 : memref<1x1x32xf32, #tpu.memory_space<vmem>> -> memref<32xf32, #tpu.memory_space<vmem>>
    %dma_wait3A_985 = tpu.memref_slice %arg27[%dma_wait3A_978, %dma_wait3A_979, %mul3A_88] : memref<3x16x512xf32, #tpu.memory_space<vmem_shared>> -> memref<1x1x32xf32, #tpu.memory_space<vmem_shared>>
    %dma_wait3A_986 = tpu.memref_squeeze %dma_wait3A_985 : memref<1x1x32xf32, #tpu.memory_space<vmem_shared>> -> memref<32xf32, #tpu.memory_space<vmem_shared>>
    %dma_wait3A_987 = arith.constant 0 : i32
    %dma_wait3A_988 = tpu.memref_slice %arg25[%dma_wait3A_980, %dma_wait3A_981, %dma_wait3A_987] : memref<3x16x32xf32, #tpu.memory_space<vmem>> -> memref<1x1x32xf32, #tpu.memory_space<vmem>>
    %dma_wait3A_989 = tpu.memref_squeeze %dma_wait3A_988 : memref<1x1x32xf32, #tpu.memory_space<vmem>> -> memref<32xf32, #tpu.memory_space<vmem>>
    %dma_wait3A_990 = tpu.memref_slice %arg27[%dma_wait3A_978, %dma_wait3A_979, %mul3A_88] : memref<3x16x512xf32, #tpu.memory_space<vmem_shared>> -> memref<1x1x32xf32, #tpu.memory_space<vmem_shared>>
    %dma_wait3A_991 = tpu.memref_squeeze %dma_wait3A_990 : memref<1x1x32xf32, #tpu.memory_space<vmem_shared>> -> memref<32xf32, #tpu.memory_space<vmem_shared>>
    tpu.wait_dma2 semaphore(%arg28 : memref<!tpu.dma_semaphore, #tpu.memory_space<semaphore_mem>>) src(%dma_wait3A_991 : memref<32xf32, #tpu.memory_space<vmem_shared>>) dst(%dma_wait3A_989 : memref<32xf32, #tpu.memory_space<vmem>>)
    %dma_wait3A_992 = arith.constant 0 : i32
    %dma_wait3A_993 = arith.constant 12 : i32
    %dma_wait3A_994 = arith.constant 0 : i32
    %dma_wait3A_995 = arith.constant 12 : i32
    %dma_wait3A_996 = arith.constant 0 : i32
    %dma_wait3A_997 = tpu.memref_slice %arg25[%dma_wait3A_994, %dma_wait3A_995, %dma_wait3A_996] : memref<3x16x32xf32, #tpu.memory_space<vmem>> -> memref<1x1x32xf32, #tpu.memory_space<vmem>>
    %dma_wait3A_998 = tpu.memref_squeeze %dma_wait3A_997 : memref<1x1x32xf32, #tpu.memory_space<vmem>> -> memref<32xf32, #tpu.memory_space<vmem>>
    %dma_wait3A_999 = tpu.memref_slice %arg27[%dma_wait3A_992, %dma_wait3A_993, %mul3A_88] : memref<3x16x512xf32, #tpu.memory_space<vmem_shared>> -> memref<1x1x32xf32, #tpu.memory_space<vmem_shared>>
    %dma_wait3A_1000 = tpu.memref_squeeze %dma_wait3A_999 : memref<1x1x32xf32, #tpu.memory_space<vmem_shared>> -> memref<32xf32, #tpu.memory_space<vmem_shared>>
    %dma_wait3A_1001 = arith.constant 0 : i32
    %dma_wait3A_1002 = tpu.memref_slice %arg25[%dma_wait3A_994, %dma_wait3A_995, %dma_wait3A_1001] : memref<3x16x32xf32, #tpu.memory_space<vmem>> -> memref<1x1x32xf32, #tpu.memory_space<vmem>>
    %dma_wait3A_1003 = tpu.memref_squeeze %dma_wait3A_1002 : memref<1x1x32xf32, #tpu.memory_space<vmem>> -> memref<32xf32, #tpu.memory_space<vmem>>
    %dma_wait3A_1004 = tpu.memref_slice %arg27[%dma_wait3A_992, %dma_wait3A_993, %mul3A_88] : memref<3x16x512xf32, #tpu.memory_space<vmem_shared>> -> memref<1x1x32xf32, #tpu.memory_space<vmem_shared>>
    %dma_wait3A_1005 = tpu.memref_squeeze %dma_wait3A_1004 : memref<1x1x32xf32, #tpu.memory_space<vmem_shared>> -> memref<32xf32, #tpu.memory_space<vmem_shared>>
    tpu.wait_dma2 semaphore(%arg28 : memref<!tpu.dma_semaphore, #tpu.memory_space<semaphore_mem>>) src(%dma_wait3A_1005 : memref<32xf32, #tpu.memory_space<vmem_shared>>) dst(%dma_wait3A_1003 : memref<32xf32, #tpu.memory_space<vmem>>)
    %dma_wait3A_1006 = arith.constant 0 : i32
    %dma_wait3A_1007 = arith.constant 13 : i32
    %dma_wait3A_1008 = arith.constant 0 : i32
    %dma_wait3A_1009 = arith.constant 13 : i32
    %dma_wait3A_1010 = arith.constant 0 : i32
    %dma_wait3A_1011 = tpu.memref_slice %arg25[%dma_wait3A_1008, %dma_wait3A_1009, %dma_wait3A_1010] : memref<3x16x32xf32, #tpu.memory_space<vmem>> -> memref<1x1x32xf32, #tpu.memory_space<vmem>>
    %dma_wait3A_1012 = tpu.memref_squeeze %dma_wait3A_1011 : memref<1x1x32xf32, #tpu.memory_space<vmem>> -> memref<32xf32, #tpu.memory_space<vmem>>
    %dma_wait3A_1013 = tpu.memref_slice %arg27[%dma_wait3A_1006, %dma_wait3A_1007, %mul3A_88] : memref<3x16x512xf32, #tpu.memory_space<vmem_shared>> -> memref<1x1x32xf32, #tpu.memory_space<vmem_shared>>
    %dma_wait3A_1014 = tpu.memref_squeeze %dma_wait3A_1013 : memref<1x1x32xf32, #tpu.memory_space<vmem_shared>> -> memref<32xf32, #tpu.memory_space<vmem_shared>>
    %dma_wait3A_1015 = arith.constant 0 : i32
    %dma_wait3A_1016 = tpu.memref_slice %arg25[%dma_wait3A_1008, %dma_wait3A_1009, %dma_wait3A_1015] : memref<3x16x32xf32, #tpu.memory_space<vmem>> -> memref<1x1x32xf32, #tpu.memory_space<vmem>>
    %dma_wait3A_1017 = tpu.memref_squeeze %dma_wait3A_1016 : memref<1x1x32xf32, #tpu.memory_space<vmem>> -> memref<32xf32, #tpu.memory_space<vmem>>
    %dma_wait3A_1018 = tpu.memref_slice %arg27[%dma_wait3A_1006, %dma_wait3A_1007, %mul3A_88] : memref<3x16x512xf32, #tpu.memory_space<vmem_shared>> -> memref<1x1x32xf32, #tpu.memory_space<vmem_shared>>
    %dma_wait3A_1019 = tpu.memref_squeeze %dma_wait3A_1018 : memref<1x1x32xf32, #tpu.memory_space<vmem_shared>> -> memref<32xf32, #tpu.memory_space<vmem_shared>>
    tpu.wait_dma2 semaphore(%arg28 : memref<!tpu.dma_semaphore, #tpu.memory_space<semaphore_mem>>) src(%dma_wait3A_1019 : memref<32xf32, #tpu.memory_space<vmem_shared>>) dst(%dma_wait3A_1017 : memref<32xf32, #tpu.memory_space<vmem>>)
    %dma_wait3A_1020 = arith.constant 0 : i32
    %dma_wait3A_1021 = arith.constant 14 : i32
    %dma_wait3A_1022 = arith.constant 0 : i32
    %dma_wait3A_1023 = arith.constant 14 : i32
    %dma_wait3A_1024 = arith.constant 0 : i32
    %dma_wait3A_1025 = tpu.memref_slice %arg25[%dma_wait3A_1022, %dma_wait3A_1023, %dma_wait3A_1024] : memref<3x16x32xf32, #tpu.memory_space<vmem>> -> memref<1x1x32xf32, #tpu.memory_space<vmem>>
    %dma_wait3A_1026 = tpu.memref_squeeze %dma_wait3A_1025 : memref<1x1x32xf32, #tpu.memory_space<vmem>> -> memref<32xf32, #tpu.memory_space<vmem>>
    %dma_wait3A_1027 = tpu.memref_slice %arg27[%dma_wait3A_1020, %dma_wait3A_1021, %mul3A_88] : memref<3x16x512xf32, #tpu.memory_space<vmem_shared>> -> memref<1x1x32xf32, #tpu.memory_space<vmem_shared>>
    %dma_wait3A_1028 = tpu.memref_squeeze %dma_wait3A_1027 : memref<1x1x32xf32, #tpu.memory_space<vmem_shared>> -> memref<32xf32, #tpu.memory_space<vmem_shared>>
    %dma_wait3A_1029 = arith.constant 0 : i32
    %dma_wait3A_1030 = tpu.memref_slice %arg25[%dma_wait3A_1022, %dma_wait3A_1023, %dma_wait3A_1029] : memref<3x16x32xf32, #tpu.memory_space<vmem>> -> memref<1x1x32xf32, #tpu.memory_space<vmem>>
    %dma_wait3A_1031 = tpu.memref_squeeze %dma_wait3A_1030 : memref<1x1x32xf32, #tpu.memory_space<vmem>> -> memref<32xf32, #tpu.memory_space<vmem>>
    %dma_wait3A_1032 = tpu.memref_slice %arg27[%dma_wait3A_1020, %dma_wait3A_1021, %mul3A_88] : memref<3x16x512xf32, #tpu.memory_space<vmem_shared>> -> memref<1x1x32xf32, #tpu.memory_space<vmem_shared>>
    %dma_wait3A_1033 = tpu.memref_squeeze %dma_wait3A_1032 : memref<1x1x32xf32, #tpu.memory_space<vmem_shared>> -> memref<32xf32, #tpu.memory_space<vmem_shared>>
    tpu.wait_dma2 semaphore(%arg28 : memref<!tpu.dma_semaphore, #tpu.memory_space<semaphore_mem>>) src(%dma_wait3A_1033 : memref<32xf32, #tpu.memory_space<vmem_shared>>) dst(%dma_wait3A_1031 : memref<32xf32, #tpu.memory_space<vmem>>)
    %dma_wait3A_1034 = arith.constant 0 : i32
    %dma_wait3A_1035 = arith.constant 15 : i32
    %dma_wait3A_1036 = arith.constant 0 : i32
    %dma_wait3A_1037 = arith.constant 15 : i32
    %dma_wait3A_1038 = arith.constant 0 : i32
    %dma_wait3A_1039 = tpu.memref_slice %arg25[%dma_wait3A_1036, %dma_wait3A_1037, %dma_wait3A_1038] : memref<3x16x32xf32, #tpu.memory_space<vmem>> -> memref<1x1x32xf32, #tpu.memory_space<vmem>>
    %dma_wait3A_1040 = tpu.memref_squeeze %dma_wait3A_1039 : memref<1x1x32xf32, #tpu.memory_space<vmem>> -> memref<32xf32, #tpu.memory_space<vmem>>
    %dma_wait3A_1041 = tpu.memref_slice %arg27[%dma_wait3A_1034, %dma_wait3A_1035, %mul3A_88] : memref<3x16x512xf32, #tpu.memory_space<vmem_shared>> -> memref<1x1x32xf32, #tpu.memory_space<vmem_shared>>
    %dma_wait3A_1042 = tpu.memref_squeeze %dma_wait3A_1041 : memref<1x1x32xf32, #tpu.memory_space<vmem_shared>> -> memref<32xf32, #tpu.memory_space<vmem_shared>>
    %dma_wait3A_1043 = arith.constant 0 : i32
    %dma_wait3A_1044 = tpu.memref_slice %arg25[%dma_wait3A_1036, %dma_wait3A_1037, %dma_wait3A_1043] : memref<3x16x32xf32, #tpu.memory_space<vmem>> -> memref<1x1x32xf32, #tpu.memory_space<vmem>>
    %dma_wait3A_1045 = tpu.memref_squeeze %dma_wait3A_1044 : memref<1x1x32xf32, #tpu.memory_space<vmem>> -> memref<32xf32, #tpu.memory_space<vmem>>
    %dma_wait3A_1046 = tpu.memref_slice %arg27[%dma_wait3A_1034, %dma_wait3A_1035, %mul3A_88] : memref<3x16x512xf32, #tpu.memory_space<vmem_shared>> -> memref<1x1x32xf32, #tpu.memory_space<vmem_shared>>
    %dma_wait3A_1047 = tpu.memref_squeeze %dma_wait3A_1046 : memref<1x1x32xf32, #tpu.memory_space<vmem_shared>> -> memref<32xf32, #tpu.memory_space<vmem_shared>>
    tpu.wait_dma2 semaphore(%arg28 : memref<!tpu.dma_semaphore, #tpu.memory_space<semaphore_mem>>) src(%dma_wait3A_1047 : memref<32xf32, #tpu.memory_space<vmem_shared>>) dst(%dma_wait3A_1045 : memref<32xf32, #tpu.memory_space<vmem>>)
    %dma_wait3A_1048 = arith.constant 1 : i32
    %dma_wait3A_1049 = arith.constant 0 : i32
    %dma_wait3A_1050 = arith.constant 1 : i32
    %dma_wait3A_1051 = arith.constant 0 : i32
    %dma_wait3A_1052 = arith.constant 0 : i32
    %dma_wait3A_1053 = tpu.memref_slice %arg25[%dma_wait3A_1050, %dma_wait3A_1051, %dma_wait3A_1052] : memref<3x16x32xf32, #tpu.memory_space<vmem>> -> memref<1x1x32xf32, #tpu.memory_space<vmem>>
    %dma_wait3A_1054 = tpu.memref_squeeze %dma_wait3A_1053 : memref<1x1x32xf32, #tpu.memory_space<vmem>> -> memref<32xf32, #tpu.memory_space<vmem>>
    %dma_wait3A_1055 = tpu.memref_slice %arg27[%dma_wait3A_1048, %dma_wait3A_1049, %mul3A_88] : memref<3x16x512xf32, #tpu.memory_space<vmem_shared>> -> memref<1x1x32xf32, #tpu.memory_space<vmem_shared>>
    %dma_wait3A_1056 = tpu.memref_squeeze %dma_wait3A_1055 : memref<1x1x32xf32, #tpu.memory_space<vmem_shared>> -> memref<32xf32, #tpu.memory_space<vmem_shared>>
    %dma_wait3A_1057 = arith.constant 0 : i32
    %dma_wait3A_1058 = tpu.memref_slice %arg25[%dma_wait3A_1050, %dma_wait3A_1051, %dma_wait3A_1057] : memref<3x16x32xf32, #tpu.memory_space<vmem>> -> memref<1x1x32xf32, #tpu.memory_space<vmem>>
    %dma_wait3A_1059 = tpu.memref_squeeze %dma_wait3A_1058 : memref<1x1x32xf32, #tpu.memory_space<vmem>> -> memref<32xf32, #tpu.memory_space<vmem>>
    %dma_wait3A_1060 = tpu.memref_slice %arg27[%dma_wait3A_1048, %dma_wait3A_1049, %mul3A_88] : memref<3x16x512xf32, #tpu.memory_space<vmem_shared>> -> memref<1x1x32xf32, #tpu.memory_space<vmem_shared>>
    %dma_wait3A_1061 = tpu.memref_squeeze %dma_wait3A_1060 : memref<1x1x32xf32, #tpu.memory_space<vmem_shared>> -> memref<32xf32, #tpu.memory_space<vmem_shared>>
    tpu.wait_dma2 semaphore(%arg28 : memref<!tpu.dma_semaphore, #tpu.memory_space<semaphore_mem>>) src(%dma_wait3A_1061 : memref<32xf32, #tpu.memory_space<vmem_shared>>) dst(%dma_wait3A_1059 : memref<32xf32, #tpu.memory_space<vmem>>)
    %dma_wait3A_1062 = arith.constant 1 : i32
    %dma_wait3A_1063 = arith.constant 1 : i32
    %dma_wait3A_1064 = arith.constant 1 : i32
    %dma_wait3A_1065 = arith.constant 1 : i32
    %dma_wait3A_1066 = arith.constant 0 : i32
    %dma_wait3A_1067 = tpu.memref_slice %arg25[%dma_wait3A_1064, %dma_wait3A_1065, %dma_wait3A_1066] : memref<3x16x32xf32, #tpu.memory_space<vmem>> -> memref<1x1x32xf32, #tpu.memory_space<vmem>>
    %dma_wait3A_1068 = tpu.memref_squeeze %dma_wait3A_1067 : memref<1x1x32xf32, #tpu.memory_space<vmem>> -> memref<32xf32, #tpu.memory_space<vmem>>
    %dma_wait3A_1069 = tpu.memref_slice %arg27[%dma_wait3A_1062, %dma_wait3A_1063, %mul3A_88] : memref<3x16x512xf32, #tpu.memory_space<vmem_shared>> -> memref<1x1x32xf32, #tpu.memory_space<vmem_shared>>
    %dma_wait3A_1070 = tpu.memref_squeeze %dma_wait3A_1069 : memref<1x1x32xf32, #tpu.memory_space<vmem_shared>> -> memref<32xf32, #tpu.memory_space<vmem_shared>>
    %dma_wait3A_1071 = arith.constant 0 : i32
    %dma_wait3A_1072 = tpu.memref_slice %arg25[%dma_wait3A_1064, %dma_wait3A_1065, %dma_wait3A_1071] : memref<3x16x32xf32, #tpu.memory_space<vmem>> -> memref<1x1x32xf32, #tpu.memory_space<vmem>>
    %dma_wait3A_1073 = tpu.memref_squeeze %dma_wait3A_1072 : memref<1x1x32xf32, #tpu.memory_space<vmem>> -> memref<32xf32, #tpu.memory_space<vmem>>
    %dma_wait3A_1074 = tpu.memref_slice %arg27[%dma_wait3A_1062, %dma_wait3A_1063, %mul3A_88] : memref<3x16x512xf32, #tpu.memory_space<vmem_shared>> -> memref<1x1x32xf32, #tpu.memory_space<vmem_shared>>
    %dma_wait3A_1075 = tpu.memref_squeeze %dma_wait3A_1074 : memref<1x1x32xf32, #tpu.memory_space<vmem_shared>> -> memref<32xf32, #tpu.memory_space<vmem_shared>>
    tpu.wait_dma2 semaphore(%arg28 : memref<!tpu.dma_semaphore, #tpu.memory_space<semaphore_mem>>) src(%dma_wait3A_1075 : memref<32xf32, #tpu.memory_space<vmem_shared>>) dst(%dma_wait3A_1073 : memref<32xf32, #tpu.memory_space<vmem>>)
    %dma_wait3A_1076 = arith.constant 1 : i32
    %dma_wait3A_1077 = arith.constant 2 : i32
    %dma_wait3A_1078 = arith.constant 1 : i32
    %dma_wait3A_1079 = arith.constant 2 : i32
    %dma_wait3A_1080 = arith.constant 0 : i32
    %dma_wait3A_1081 = tpu.memref_slice %arg25[%dma_wait3A_1078, %dma_wait3A_1079, %dma_wait3A_1080] : memref<3x16x32xf32, #tpu.memory_space<vmem>> -> memref<1x1x32xf32, #tpu.memory_space<vmem>>
    %dma_wait3A_1082 = tpu.memref_squeeze %dma_wait3A_1081 : memref<1x1x32xf32, #tpu.memory_space<vmem>> -> memref<32xf32, #tpu.memory_space<vmem>>
    %dma_wait3A_1083 = tpu.memref_slice %arg27[%dma_wait3A_1076, %dma_wait3A_1077, %mul3A_88] : memref<3x16x512xf32, #tpu.memory_space<vmem_shared>> -> memref<1x1x32xf32, #tpu.memory_space<vmem_shared>>
    %dma_wait3A_1084 = tpu.memref_squeeze %dma_wait3A_1083 : memref<1x1x32xf32, #tpu.memory_space<vmem_shared>> -> memref<32xf32, #tpu.memory_space<vmem_shared>>
    %dma_wait3A_1085 = arith.constant 0 : i32
    %dma_wait3A_1086 = tpu.memref_slice %arg25[%dma_wait3A_1078, %dma_wait3A_1079, %dma_wait3A_1085] : memref<3x16x32xf32, #tpu.memory_space<vmem>> -> memref<1x1x32xf32, #tpu.memory_space<vmem>>
    %dma_wait3A_1087 = tpu.memref_squeeze %dma_wait3A_1086 : memref<1x1x32xf32, #tpu.memory_space<vmem>> -> memref<32xf32, #tpu.memory_space<vmem>>
    %dma_wait3A_1088 = tpu.memref_slice %arg27[%dma_wait3A_1076, %dma_wait3A_1077, %mul3A_88] : memref<3x16x512xf32, #tpu.memory_space<vmem_shared>> -> memref<1x1x32xf32, #tpu.memory_space<vmem_shared>>
    %dma_wait3A_1089 = tpu.memref_squeeze %dma_wait3A_1088 : memref<1x1x32xf32, #tpu.memory_space<vmem_shared>> -> memref<32xf32, #tpu.memory_space<vmem_shared>>
    tpu.wait_dma2 semaphore(%arg28 : memref<!tpu.dma_semaphore, #tpu.memory_space<semaphore_mem>>) src(%dma_wait3A_1089 : memref<32xf32, #tpu.memory_space<vmem_shared>>) dst(%dma_wait3A_1087 : memref<32xf32, #tpu.memory_space<vmem>>)
    %dma_wait3A_1090 = arith.constant 1 : i32
    %dma_wait3A_1091 = arith.constant 3 : i32
    %dma_wait3A_1092 = arith.constant 1 : i32
    %dma_wait3A_1093 = arith.constant 3 : i32
    %dma_wait3A_1094 = arith.constant 0 : i32
    %dma_wait3A_1095 = tpu.memref_slice %arg25[%dma_wait3A_1092, %dma_wait3A_1093, %dma_wait3A_1094] : memref<3x16x32xf32, #tpu.memory_space<vmem>> -> memref<1x1x32xf32, #tpu.memory_space<vmem>>
    %dma_wait3A_1096 = tpu.memref_squeeze %dma_wait3A_1095 : memref<1x1x32xf32, #tpu.memory_space<vmem>> -> memref<32xf32, #tpu.memory_space<vmem>>
    %dma_wait3A_1097 = tpu.memref_slice %arg27[%dma_wait3A_1090, %dma_wait3A_1091, %mul3A_88] : memref<3x16x512xf32, #tpu.memory_space<vmem_shared>> -> memref<1x1x32xf32, #tpu.memory_space<vmem_shared>>
    %dma_wait3A_1098 = tpu.memref_squeeze %dma_wait3A_1097 : memref<1x1x32xf32, #tpu.memory_space<vmem_shared>> -> memref<32xf32, #tpu.memory_space<vmem_shared>>
    %dma_wait3A_1099 = arith.constant 0 : i32
    %dma_wait3A_1100 = tpu.memref_slice %arg25[%dma_wait3A_1092, %dma_wait3A_1093, %dma_wait3A_1099] : memref<3x16x32xf32, #tpu.memory_space<vmem>> -> memref<1x1x32xf32, #tpu.memory_space<vmem>>
    %dma_wait3A_1101 = tpu.memref_squeeze %dma_wait3A_1100 : memref<1x1x32xf32, #tpu.memory_space<vmem>> -> memref<32xf32, #tpu.memory_space<vmem>>
    %dma_wait3A_1102 = tpu.memref_slice %arg27[%dma_wait3A_1090, %dma_wait3A_1091, %mul3A_88] : memref<3x16x512xf32, #tpu.memory_space<vmem_shared>> -> memref<1x1x32xf32, #tpu.memory_space<vmem_shared>>
    %dma_wait3A_1103 = tpu.memref_squeeze %dma_wait3A_1102 : memref<1x1x32xf32, #tpu.memory_space<vmem_shared>> -> memref<32xf32, #tpu.memory_space<vmem_shared>>
    tpu.wait_dma2 semaphore(%arg28 : memref<!tpu.dma_semaphore, #tpu.memory_space<semaphore_mem>>) src(%dma_wait3A_1103 : memref<32xf32, #tpu.memory_space<vmem_shared>>) dst(%dma_wait3A_1101 : memref<32xf32, #tpu.memory_space<vmem>>)
    %dma_wait3A_1104 = arith.constant 1 : i32
    %dma_wait3A_1105 = arith.constant 4 : i32
    %dma_wait3A_1106 = arith.constant 1 : i32
    %dma_wait3A_1107 = arith.constant 4 : i32
    %dma_wait3A_1108 = arith.constant 0 : i32
    %dma_wait3A_1109 = tpu.memref_slice %arg25[%dma_wait3A_1106, %dma_wait3A_1107, %dma_wait3A_1108] : memref<3x16x32xf32, #tpu.memory_space<vmem>> -> memref<1x1x32xf32, #tpu.memory_space<vmem>>
    %dma_wait3A_1110 = tpu.memref_squeeze %dma_wait3A_1109 : memref<1x1x32xf32, #tpu.memory_space<vmem>> -> memref<32xf32, #tpu.memory_space<vmem>>
    %dma_wait3A_1111 = tpu.memref_slice %arg27[%dma_wait3A_1104, %dma_wait3A_1105, %mul3A_88] : memref<3x16x512xf32, #tpu.memory_space<vmem_shared>> -> memref<1x1x32xf32, #tpu.memory_space<vmem_shared>>
    %dma_wait3A_1112 = tpu.memref_squeeze %dma_wait3A_1111 : memref<1x1x32xf32, #tpu.memory_space<vmem_shared>> -> memref<32xf32, #tpu.memory_space<vmem_shared>>
    %dma_wait3A_1113 = arith.constant 0 : i32
    %dma_wait3A_1114 = tpu.memref_slice %arg25[%dma_wait3A_1106, %dma_wait3A_1107, %dma_wait3A_1113] : memref<3x16x32xf32, #tpu.memory_space<vmem>> -> memref<1x1x32xf32, #tpu.memory_space<vmem>>
    %dma_wait3A_1115 = tpu.memref_squeeze %dma_wait3A_1114 : memref<1x1x32xf32, #tpu.memory_space<vmem>> -> memref<32xf32, #tpu.memory_space<vmem>>
    %dma_wait3A_1116 = tpu.memref_slice %arg27[%dma_wait3A_1104, %dma_wait3A_1105, %mul3A_88] : memref<3x16x512xf32, #tpu.memory_space<vmem_shared>> -> memref<1x1x32xf32, #tpu.memory_space<vmem_shared>>
    %dma_wait3A_1117 = tpu.memref_squeeze %dma_wait3A_1116 : memref<1x1x32xf32, #tpu.memory_space<vmem_shared>> -> memref<32xf32, #tpu.memory_space<vmem_shared>>
    tpu.wait_dma2 semaphore(%arg28 : memref<!tpu.dma_semaphore, #tpu.memory_space<semaphore_mem>>) src(%dma_wait3A_1117 : memref<32xf32, #tpu.memory_space<vmem_shared>>) dst(%dma_wait3A_1115 : memref<32xf32, #tpu.memory_space<vmem>>)
    %dma_wait3A_1118 = arith.constant 1 : i32
    %dma_wait3A_1119 = arith.constant 5 : i32
    %dma_wait3A_1120 = arith.constant 1 : i32
    %dma_wait3A_1121 = arith.constant 5 : i32
    %dma_wait3A_1122 = arith.constant 0 : i32
    %dma_wait3A_1123 = tpu.memref_slice %arg25[%dma_wait3A_1120, %dma_wait3A_1121, %dma_wait3A_1122] : memref<3x16x32xf32, #tpu.memory_space<vmem>> -> memref<1x1x32xf32, #tpu.memory_space<vmem>>
    %dma_wait3A_1124 = tpu.memref_squeeze %dma_wait3A_1123 : memref<1x1x32xf32, #tpu.memory_space<vmem>> -> memref<32xf32, #tpu.memory_space<vmem>>
    %dma_wait3A_1125 = tpu.memref_slice %arg27[%dma_wait3A_1118, %dma_wait3A_1119, %mul3A_88] : memref<3x16x512xf32, #tpu.memory_space<vmem_shared>> -> memref<1x1x32xf32, #tpu.memory_space<vmem_shared>>
    %dma_wait3A_1126 = tpu.memref_squeeze %dma_wait3A_1125 : memref<1x1x32xf32, #tpu.memory_space<vmem_shared>> -> memref<32xf32, #tpu.memory_space<vmem_shared>>
    %dma_wait3A_1127 = arith.constant 0 : i32
    %dma_wait3A_1128 = tpu.memref_slice %arg25[%dma_wait3A_1120, %dma_wait3A_1121, %dma_wait3A_1127] : memref<3x16x32xf32, #tpu.memory_space<vmem>> -> memref<1x1x32xf32, #tpu.memory_space<vmem>>
    %dma_wait3A_1129 = tpu.memref_squeeze %dma_wait3A_1128 : memref<1x1x32xf32, #tpu.memory_space<vmem>> -> memref<32xf32, #tpu.memory_space<vmem>>
    %dma_wait3A_1130 = tpu.memref_slice %arg27[%dma_wait3A_1118, %dma_wait3A_1119, %mul3A_88] : memref<3x16x512xf32, #tpu.memory_space<vmem_shared>> -> memref<1x1x32xf32, #tpu.memory_space<vmem_shared>>
    %dma_wait3A_1131 = tpu.memref_squeeze %dma_wait3A_1130 : memref<1x1x32xf32, #tpu.memory_space<vmem_shared>> -> memref<32xf32, #tpu.memory_space<vmem_shared>>
    tpu.wait_dma2 semaphore(%arg28 : memref<!tpu.dma_semaphore, #tpu.memory_space<semaphore_mem>>) src(%dma_wait3A_1131 : memref<32xf32, #tpu.memory_space<vmem_shared>>) dst(%dma_wait3A_1129 : memref<32xf32, #tpu.memory_space<vmem>>)
    %dma_wait3A_1132 = arith.constant 1 : i32
    %dma_wait3A_1133 = arith.constant 6 : i32
    %dma_wait3A_1134 = arith.constant 1 : i32
    %dma_wait3A_1135 = arith.constant 6 : i32
    %dma_wait3A_1136 = arith.constant 0 : i32
    %dma_wait3A_1137 = tpu.memref_slice %arg25[%dma_wait3A_1134, %dma_wait3A_1135, %dma_wait3A_1136] : memref<3x16x32xf32, #tpu.memory_space<vmem>> -> memref<1x1x32xf32, #tpu.memory_space<vmem>>
    %dma_wait3A_1138 = tpu.memref_squeeze %dma_wait3A_1137 : memref<1x1x32xf32, #tpu.memory_space<vmem>> -> memref<32xf32, #tpu.memory_space<vmem>>
    %dma_wait3A_1139 = tpu.memref_slice %arg27[%dma_wait3A_1132, %dma_wait3A_1133, %mul3A_88] : memref<3x16x512xf32, #tpu.memory_space<vmem_shared>> -> memref<1x1x32xf32, #tpu.memory_space<vmem_shared>>
    %dma_wait3A_1140 = tpu.memref_squeeze %dma_wait3A_1139 : memref<1x1x32xf32, #tpu.memory_space<vmem_shared>> -> memref<32xf32, #tpu.memory_space<vmem_shared>>
    %dma_wait3A_1141 = arith.constant 0 : i32
    %dma_wait3A_1142 = tpu.memref_slice %arg25[%dma_wait3A_1134, %dma_wait3A_1135, %dma_wait3A_1141] : memref<3x16x32xf32, #tpu.memory_space<vmem>> -> memref<1x1x32xf32, #tpu.memory_space<vmem>>
    %dma_wait3A_1143 = tpu.memref_squeeze %dma_wait3A_1142 : memref<1x1x32xf32, #tpu.memory_space<vmem>> -> memref<32xf32, #tpu.memory_space<vmem>>
    %dma_wait3A_1144 = tpu.memref_slice %arg27[%dma_wait3A_1132, %dma_wait3A_1133, %mul3A_88] : memref<3x16x512xf32, #tpu.memory_space<vmem_shared>> -> memref<1x1x32xf32, #tpu.memory_space<vmem_shared>>
    %dma_wait3A_1145 = tpu.memref_squeeze %dma_wait3A_1144 : memref<1x1x32xf32, #tpu.memory_space<vmem_shared>> -> memref<32xf32, #tpu.memory_space<vmem_shared>>
    tpu.wait_dma2 semaphore(%arg28 : memref<!tpu.dma_semaphore, #tpu.memory_space<semaphore_mem>>) src(%dma_wait3A_1145 : memref<32xf32, #tpu.memory_space<vmem_shared>>) dst(%dma_wait3A_1143 : memref<32xf32, #tpu.memory_space<vmem>>)
    %dma_wait3A_1146 = arith.constant 1 : i32
    %dma_wait3A_1147 = arith.constant 7 : i32
    %dma_wait3A_1148 = arith.constant 1 : i32
    %dma_wait3A_1149 = arith.constant 7 : i32
    %dma_wait3A_1150 = arith.constant 0 : i32
    %dma_wait3A_1151 = tpu.memref_slice %arg25[%dma_wait3A_1148, %dma_wait3A_1149, %dma_wait3A_1150] : memref<3x16x32xf32, #tpu.memory_space<vmem>> -> memref<1x1x32xf32, #tpu.memory_space<vmem>>
    %dma_wait3A_1152 = tpu.memref_squeeze %dma_wait3A_1151 : memref<1x1x32xf32, #tpu.memory_space<vmem>> -> memref<32xf32, #tpu.memory_space<vmem>>
    %dma_wait3A_1153 = tpu.memref_slice %arg27[%dma_wait3A_1146, %dma_wait3A_1147, %mul3A_88] : memref<3x16x512xf32, #tpu.memory_space<vmem_shared>> -> memref<1x1x32xf32, #tpu.memory_space<vmem_shared>>
    %dma_wait3A_1154 = tpu.memref_squeeze %dma_wait3A_1153 : memref<1x1x32xf32, #tpu.memory_space<vmem_shared>> -> memref<32xf32, #tpu.memory_space<vmem_shared>>
    %dma_wait3A_1155 = arith.constant 0 : i32
    %dma_wait3A_1156 = tpu.memref_slice %arg25[%dma_wait3A_1148, %dma_wait3A_1149, %dma_wait3A_1155] : memref<3x16x32xf32, #tpu.memory_space<vmem>> -> memref<1x1x32xf32, #tpu.memory_space<vmem>>
    %dma_wait3A_1157 = tpu.memref_squeeze %dma_wait3A_1156 : memref<1x1x32xf32, #tpu.memory_space<vmem>> -> memref<32xf32, #tpu.memory_space<vmem>>
    %dma_wait3A_1158 = tpu.memref_slice %arg27[%dma_wait3A_1146, %dma_wait3A_1147, %mul3A_88] : memref<3x16x512xf32, #tpu.memory_space<vmem_shared>> -> memref<1x1x32xf32, #tpu.memory_space<vmem_shared>>
    %dma_wait3A_1159 = tpu.memref_squeeze %dma_wait3A_1158 : memref<1x1x32xf32, #tpu.memory_space<vmem_shared>> -> memref<32xf32, #tpu.memory_space<vmem_shared>>
    tpu.wait_dma2 semaphore(%arg28 : memref<!tpu.dma_semaphore, #tpu.memory_space<semaphore_mem>>) src(%dma_wait3A_1159 : memref<32xf32, #tpu.memory_space<vmem_shared>>) dst(%dma_wait3A_1157 : memref<32xf32, #tpu.memory_space<vmem>>)
    %dma_wait3A_1160 = arith.constant 1 : i32
    %dma_wait3A_1161 = arith.constant 8 : i32
    %dma_wait3A_1162 = arith.constant 1 : i32
    %dma_wait3A_1163 = arith.constant 8 : i32
    %dma_wait3A_1164 = arith.constant 0 : i32
    %dma_wait3A_1165 = tpu.memref_slice %arg25[%dma_wait3A_1162, %dma_wait3A_1163, %dma_wait3A_1164] : memref<3x16x32xf32, #tpu.memory_space<vmem>> -> memref<1x1x32xf32, #tpu.memory_space<vmem>>
    %dma_wait3A_1166 = tpu.memref_squeeze %dma_wait3A_1165 : memref<1x1x32xf32, #tpu.memory_space<vmem>> -> memref<32xf32, #tpu.memory_space<vmem>>
    %dma_wait3A_1167 = tpu.memref_slice %arg27[%dma_wait3A_1160, %dma_wait3A_1161, %mul3A_88] : memref<3x16x512xf32, #tpu.memory_space<vmem_shared>> -> memref<1x1x32xf32, #tpu.memory_space<vmem_shared>>
    %dma_wait3A_1168 = tpu.memref_squeeze %dma_wait3A_1167 : memref<1x1x32xf32, #tpu.memory_space<vmem_shared>> -> memref<32xf32, #tpu.memory_space<vmem_shared>>
    %dma_wait3A_1169 = arith.constant 0 : i32
    %dma_wait3A_1170 = tpu.memref_slice %arg25[%dma_wait3A_1162, %dma_wait3A_1163, %dma_wait3A_1169] : memref<3x16x32xf32, #tpu.memory_space<vmem>> -> memref<1x1x32xf32, #tpu.memory_space<vmem>>
    %dma_wait3A_1171 = tpu.memref_squeeze %dma_wait3A_1170 : memref<1x1x32xf32, #tpu.memory_space<vmem>> -> memref<32xf32, #tpu.memory_space<vmem>>
    %dma_wait3A_1172 = tpu.memref_slice %arg27[%dma_wait3A_1160, %dma_wait3A_1161, %mul3A_88] : memref<3x16x512xf32, #tpu.memory_space<vmem_shared>> -> memref<1x1x32xf32, #tpu.memory_space<vmem_shared>>
    %dma_wait3A_1173 = tpu.memref_squeeze %dma_wait3A_1172 : memref<1x1x32xf32, #tpu.memory_space<vmem_shared>> -> memref<32xf32, #tpu.memory_space<vmem_shared>>
    tpu.wait_dma2 semaphore(%arg28 : memref<!tpu.dma_semaphore, #tpu.memory_space<semaphore_mem>>) src(%dma_wait3A_1173 : memref<32xf32, #tpu.memory_space<vmem_shared>>) dst(%dma_wait3A_1171 : memref<32xf32, #tpu.memory_space<vmem>>)
    %dma_wait3A_1174 = arith.constant 1 : i32
    %dma_wait3A_1175 = arith.constant 9 : i32
    %dma_wait3A_1176 = arith.constant 1 : i32
    %dma_wait3A_1177 = arith.constant 9 : i32
    %dma_wait3A_1178 = arith.constant 0 : i32
    %dma_wait3A_1179 = tpu.memref_slice %arg25[%dma_wait3A_1176, %dma_wait3A_1177, %dma_wait3A_1178] : memref<3x16x32xf32, #tpu.memory_space<vmem>> -> memref<1x1x32xf32, #tpu.memory_space<vmem>>
    %dma_wait3A_1180 = tpu.memref_squeeze %dma_wait3A_1179 : memref<1x1x32xf32, #tpu.memory_space<vmem>> -> memref<32xf32, #tpu.memory_space<vmem>>
    %dma_wait3A_1181 = tpu.memref_slice %arg27[%dma_wait3A_1174, %dma_wait3A_1175, %mul3A_88] : memref<3x16x512xf32, #tpu.memory_space<vmem_shared>> -> memref<1x1x32xf32, #tpu.memory_space<vmem_shared>>
    %dma_wait3A_1182 = tpu.memref_squeeze %dma_wait3A_1181 : memref<1x1x32xf32, #tpu.memory_space<vmem_shared>> -> memref<32xf32, #tpu.memory_space<vmem_shared>>
    %dma_wait3A_1183 = arith.constant 0 : i32
    %dma_wait3A_1184 = tpu.memref_slice %arg25[%dma_wait3A_1176, %dma_wait3A_1177, %dma_wait3A_1183] : memref<3x16x32xf32, #tpu.memory_space<vmem>> -> memref<1x1x32xf32, #tpu.memory_space<vmem>>
    %dma_wait3A_1185 = tpu.memref_squeeze %dma_wait3A_1184 : memref<1x1x32xf32, #tpu.memory_space<vmem>> -> memref<32xf32, #tpu.memory_space<vmem>>
    %dma_wait3A_1186 = tpu.memref_slice %arg27[%dma_wait3A_1174, %dma_wait3A_1175, %mul3A_88] : memref<3x16x512xf32, #tpu.memory_space<vmem_shared>> -> memref<1x1x32xf32, #tpu.memory_space<vmem_shared>>
    %dma_wait3A_1187 = tpu.memref_squeeze %dma_wait3A_1186 : memref<1x1x32xf32, #tpu.memory_space<vmem_shared>> -> memref<32xf32, #tpu.memory_space<vmem_shared>>
    tpu.wait_dma2 semaphore(%arg28 : memref<!tpu.dma_semaphore, #tpu.memory_space<semaphore_mem>>) src(%dma_wait3A_1187 : memref<32xf32, #tpu.memory_space<vmem_shared>>) dst(%dma_wait3A_1185 : memref<32xf32, #tpu.memory_space<vmem>>)
    %dma_wait3A_1188 = arith.constant 1 : i32
    %dma_wait3A_1189 = arith.constant 10 : i32
    %dma_wait3A_1190 = arith.constant 1 : i32
    %dma_wait3A_1191 = arith.constant 10 : i32
    %dma_wait3A_1192 = arith.constant 0 : i32
    %dma_wait3A_1193 = tpu.memref_slice %arg25[%dma_wait3A_1190, %dma_wait3A_1191, %dma_wait3A_1192] : memref<3x16x32xf32, #tpu.memory_space<vmem>> -> memref<1x1x32xf32, #tpu.memory_space<vmem>>
    %dma_wait3A_1194 = tpu.memref_squeeze %dma_wait3A_1193 : memref<1x1x32xf32, #tpu.memory_space<vmem>> -> memref<32xf32, #tpu.memory_space<vmem>>
    %dma_wait3A_1195 = tpu.memref_slice %arg27[%dma_wait3A_1188, %dma_wait3A_1189, %mul3A_88] : memref<3x16x512xf32, #tpu.memory_space<vmem_shared>> -> memref<1x1x32xf32, #tpu.memory_space<vmem_shared>>
    %dma_wait3A_1196 = tpu.memref_squeeze %dma_wait3A_1195 : memref<1x1x32xf32, #tpu.memory_space<vmem_shared>> -> memref<32xf32, #tpu.memory_space<vmem_shared>>
    %dma_wait3A_1197 = arith.constant 0 : i32
    %dma_wait3A_1198 = tpu.memref_slice %arg25[%dma_wait3A_1190, %dma_wait3A_1191, %dma_wait3A_1197] : memref<3x16x32xf32, #tpu.memory_space<vmem>> -> memref<1x1x32xf32, #tpu.memory_space<vmem>>
    %dma_wait3A_1199 = tpu.memref_squeeze %dma_wait3A_1198 : memref<1x1x32xf32, #tpu.memory_space<vmem>> -> memref<32xf32, #tpu.memory_space<vmem>>
    %dma_wait3A_1200 = tpu.memref_slice %arg27[%dma_wait3A_1188, %dma_wait3A_1189, %mul3A_88] : memref<3x16x512xf32, #tpu.memory_space<vmem_shared>> -> memref<1x1x32xf32, #tpu.memory_space<vmem_shared>>
    %dma_wait3A_1201 = tpu.memref_squeeze %dma_wait3A_1200 : memref<1x1x32xf32, #tpu.memory_space<vmem_shared>> -> memref<32xf32, #tpu.memory_space<vmem_shared>>
    tpu.wait_dma2 semaphore(%arg28 : memref<!tpu.dma_semaphore, #tpu.memory_space<semaphore_mem>>) src(%dma_wait3A_1201 : memref<32xf32, #tpu.memory_space<vmem_shared>>) dst(%dma_wait3A_1199 : memref<32xf32, #tpu.memory_space<vmem>>)
    %dma_wait3A_1202 = arith.constant 1 : i32
    %dma_wait3A_1203 = arith.constant 11 : i32
    %dma_wait3A_1204 = arith.constant 1 : i32
    %dma_wait3A_1205 = arith.constant 11 : i32
    %dma_wait3A_1206 = arith.constant 0 : i32
    %dma_wait3A_1207 = tpu.memref_slice %arg25[%dma_wait3A_1204, %dma_wait3A_1205, %dma_wait3A_1206] : memref<3x16x32xf32, #tpu.memory_space<vmem>> -> memref<1x1x32xf32, #tpu.memory_space<vmem>>
    %dma_wait3A_1208 = tpu.memref_squeeze %dma_wait3A_1207 : memref<1x1x32xf32, #tpu.memory_space<vmem>> -> memref<32xf32, #tpu.memory_space<vmem>>
    %dma_wait3A_1209 = tpu.memref_slice %arg27[%dma_wait3A_1202, %dma_wait3A_1203, %mul3A_88] : memref<3x16x512xf32, #tpu.memory_space<vmem_shared>> -> memref<1x1x32xf32, #tpu.memory_space<vmem_shared>>
    %dma_wait3A_1210 = tpu.memref_squeeze %dma_wait3A_1209 : memref<1x1x32xf32, #tpu.memory_space<vmem_shared>> -> memref<32xf32, #tpu.memory_space<vmem_shared>>
    %dma_wait3A_1211 = arith.constant 0 : i32
    %dma_wait3A_1212 = tpu.memref_slice %arg25[%dma_wait3A_1204, %dma_wait3A_1205, %dma_wait3A_1211] : memref<3x16x32xf32, #tpu.memory_space<vmem>> -> memref<1x1x32xf32, #tpu.memory_space<vmem>>
    %dma_wait3A_1213 = tpu.memref_squeeze %dma_wait3A_1212 : memref<1x1x32xf32, #tpu.memory_space<vmem>> -> memref<32xf32, #tpu.memory_space<vmem>>
    %dma_wait3A_1214 = tpu.memref_slice %arg27[%dma_wait3A_1202, %dma_wait3A_1203, %mul3A_88] : memref<3x16x512xf32, #tpu.memory_space<vmem_shared>> -> memref<1x1x32xf32, #tpu.memory_space<vmem_shared>>
    %dma_wait3A_1215 = tpu.memref_squeeze %dma_wait3A_1214 : memref<1x1x32xf32, #tpu.memory_space<vmem_shared>> -> memref<32xf32, #tpu.memory_space<vmem_shared>>
    tpu.wait_dma2 semaphore(%arg28 : memref<!tpu.dma_semaphore, #tpu.memory_space<semaphore_mem>>) src(%dma_wait3A_1215 : memref<32xf32, #tpu.memory_space<vmem_shared>>) dst(%dma_wait3A_1213 : memref<32xf32, #tpu.memory_space<vmem>>)
    %dma_wait3A_1216 = arith.constant 1 : i32
    %dma_wait3A_1217 = arith.constant 12 : i32
    %dma_wait3A_1218 = arith.constant 1 : i32
    %dma_wait3A_1219 = arith.constant 12 : i32
    %dma_wait3A_1220 = arith.constant 0 : i32
    %dma_wait3A_1221 = tpu.memref_slice %arg25[%dma_wait3A_1218, %dma_wait3A_1219, %dma_wait3A_1220] : memref<3x16x32xf32, #tpu.memory_space<vmem>> -> memref<1x1x32xf32, #tpu.memory_space<vmem>>
    %dma_wait3A_1222 = tpu.memref_squeeze %dma_wait3A_1221 : memref<1x1x32xf32, #tpu.memory_space<vmem>> -> memref<32xf32, #tpu.memory_space<vmem>>
    %dma_wait3A_1223 = tpu.memref_slice %arg27[%dma_wait3A_1216, %dma_wait3A_1217, %mul3A_88] : memref<3x16x512xf32, #tpu.memory_space<vmem_shared>> -> memref<1x1x32xf32, #tpu.memory_space<vmem_shared>>
    %dma_wait3A_1224 = tpu.memref_squeeze %dma_wait3A_1223 : memref<1x1x32xf32, #tpu.memory_space<vmem_shared>> -> memref<32xf32, #tpu.memory_space<vmem_shared>>
    %dma_wait3A_1225 = arith.constant 0 : i32
    %dma_wait3A_1226 = tpu.memref_slice %arg25[%dma_wait3A_1218, %dma_wait3A_1219, %dma_wait3A_1225] : memref<3x16x32xf32, #tpu.memory_space<vmem>> -> memref<1x1x32xf32, #tpu.memory_space<vmem>>
    %dma_wait3A_1227 = tpu.memref_squeeze %dma_wait3A_1226 : memref<1x1x32xf32, #tpu.memory_space<vmem>> -> memref<32xf32, #tpu.memory_space<vmem>>
    %dma_wait3A_1228 = tpu.memref_slice %arg27[%dma_wait3A_1216, %dma_wait3A_1217, %mul3A_88] : memref<3x16x512xf32, #tpu.memory_space<vmem_shared>> -> memref<1x1x32xf32, #tpu.memory_space<vmem_shared>>
    %dma_wait3A_1229 = tpu.memref_squeeze %dma_wait3A_1228 : memref<1x1x32xf32, #tpu.memory_space<vmem_shared>> -> memref<32xf32, #tpu.memory_space<vmem_shared>>
    tpu.wait_dma2 semaphore(%arg28 : memref<!tpu.dma_semaphore, #tpu.memory_space<semaphore_mem>>) src(%dma_wait3A_1229 : memref<32xf32, #tpu.memory_space<vmem_shared>>) dst(%dma_wait3A_1227 : memref<32xf32, #tpu.memory_space<vmem>>)
    %dma_wait3A_1230 = arith.constant 1 : i32
    %dma_wait3A_1231 = arith.constant 13 : i32
    %dma_wait3A_1232 = arith.constant 1 : i32
    %dma_wait3A_1233 = arith.constant 13 : i32
    %dma_wait3A_1234 = arith.constant 0 : i32
    %dma_wait3A_1235 = tpu.memref_slice %arg25[%dma_wait3A_1232, %dma_wait3A_1233, %dma_wait3A_1234] : memref<3x16x32xf32, #tpu.memory_space<vmem>> -> memref<1x1x32xf32, #tpu.memory_space<vmem>>
    %dma_wait3A_1236 = tpu.memref_squeeze %dma_wait3A_1235 : memref<1x1x32xf32, #tpu.memory_space<vmem>> -> memref<32xf32, #tpu.memory_space<vmem>>
    %dma_wait3A_1237 = tpu.memref_slice %arg27[%dma_wait3A_1230, %dma_wait3A_1231, %mul3A_88] : memref<3x16x512xf32, #tpu.memory_space<vmem_shared>> -> memref<1x1x32xf32, #tpu.memory_space<vmem_shared>>
    %dma_wait3A_1238 = tpu.memref_squeeze %dma_wait3A_1237 : memref<1x1x32xf32, #tpu.memory_space<vmem_shared>> -> memref<32xf32, #tpu.memory_space<vmem_shared>>
    %dma_wait3A_1239 = arith.constant 0 : i32
    %dma_wait3A_1240 = tpu.memref_slice %arg25[%dma_wait3A_1232, %dma_wait3A_1233, %dma_wait3A_1239] : memref<3x16x32xf32, #tpu.memory_space<vmem>> -> memref<1x1x32xf32, #tpu.memory_space<vmem>>
    %dma_wait3A_1241 = tpu.memref_squeeze %dma_wait3A_1240 : memref<1x1x32xf32, #tpu.memory_space<vmem>> -> memref<32xf32, #tpu.memory_space<vmem>>
    %dma_wait3A_1242 = tpu.memref_slice %arg27[%dma_wait3A_1230, %dma_wait3A_1231, %mul3A_88] : memref<3x16x512xf32, #tpu.memory_space<vmem_shared>> -> memref<1x1x32xf32, #tpu.memory_space<vmem_shared>>
    %dma_wait3A_1243 = tpu.memref_squeeze %dma_wait3A_1242 : memref<1x1x32xf32, #tpu.memory_space<vmem_shared>> -> memref<32xf32, #tpu.memory_space<vmem_shared>>
    tpu.wait_dma2 semaphore(%arg28 : memref<!tpu.dma_semaphore, #tpu.memory_space<semaphore_mem>>) src(%dma_wait3A_1243 : memref<32xf32, #tpu.memory_space<vmem_shared>>) dst(%dma_wait3A_1241 : memref<32xf32, #tpu.memory_space<vmem>>)
    %dma_wait3A_1244 = arith.constant 1 : i32
    %dma_wait3A_1245 = arith.constant 14 : i32
    %dma_wait3A_1246 = arith.constant 1 : i32
    %dma_wait3A_1247 = arith.constant 14 : i32
    %dma_wait3A_1248 = arith.constant 0 : i32
    %dma_wait3A_1249 = tpu.memref_slice %arg25[%dma_wait3A_1246, %dma_wait3A_1247, %dma_wait3A_1248] : memref<3x16x32xf32, #tpu.memory_space<vmem>> -> memref<1x1x32xf32, #tpu.memory_space<vmem>>
    %dma_wait3A_1250 = tpu.memref_squeeze %dma_wait3A_1249 : memref<1x1x32xf32, #tpu.memory_space<vmem>> -> memref<32xf32, #tpu.memory_space<vmem>>
    %dma_wait3A_1251 = tpu.memref_slice %arg27[%dma_wait3A_1244, %dma_wait3A_1245, %mul3A_88] : memref<3x16x512xf32, #tpu.memory_space<vmem_shared>> -> memref<1x1x32xf32, #tpu.memory_space<vmem_shared>>
    %dma_wait3A_1252 = tpu.memref_squeeze %dma_wait3A_1251 : memref<1x1x32xf32, #tpu.memory_space<vmem_shared>> -> memref<32xf32, #tpu.memory_space<vmem_shared>>
    %dma_wait3A_1253 = arith.constant 0 : i32
    %dma_wait3A_1254 = tpu.memref_slice %arg25[%dma_wait3A_1246, %dma_wait3A_1247, %dma_wait3A_1253] : memref<3x16x32xf32, #tpu.memory_space<vmem>> -> memref<1x1x32xf32, #tpu.memory_space<vmem>>
    %dma_wait3A_1255 = tpu.memref_squeeze %dma_wait3A_1254 : memref<1x1x32xf32, #tpu.memory_space<vmem>> -> memref<32xf32, #tpu.memory_space<vmem>>
    %dma_wait3A_1256 = tpu.memref_slice %arg27[%dma_wait3A_1244, %dma_wait3A_1245, %mul3A_88] : memref<3x16x512xf32, #tpu.memory_space<vmem_shared>> -> memref<1x1x32xf32, #tpu.memory_space<vmem_shared>>
    %dma_wait3A_1257 = tpu.memref_squeeze %dma_wait3A_1256 : memref<1x1x32xf32, #tpu.memory_space<vmem_shared>> -> memref<32xf32, #tpu.memory_space<vmem_shared>>
    tpu.wait_dma2 semaphore(%arg28 : memref<!tpu.dma_semaphore, #tpu.memory_space<semaphore_mem>>) src(%dma_wait3A_1257 : memref<32xf32, #tpu.memory_space<vmem_shared>>) dst(%dma_wait3A_1255 : memref<32xf32, #tpu.memory_space<vmem>>)
    %dma_wait3A_1258 = arith.constant 1 : i32
    %dma_wait3A_1259 = arith.constant 15 : i32
    %dma_wait3A_1260 = arith.constant 1 : i32
    %dma_wait3A_1261 = arith.constant 15 : i32
    %dma_wait3A_1262 = arith.constant 0 : i32
    %dma_wait3A_1263 = tpu.memref_slice %arg25[%dma_wait3A_1260, %dma_wait3A_1261, %dma_wait3A_1262] : memref<3x16x32xf32, #tpu.memory_space<vmem>> -> memref<1x1x32xf32, #tpu.memory_space<vmem>>
    %dma_wait3A_1264 = tpu.memref_squeeze %dma_wait3A_1263 : memref<1x1x32xf32, #tpu.memory_space<vmem>> -> memref<32xf32, #tpu.memory_space<vmem>>
    %dma_wait3A_1265 = tpu.memref_slice %arg27[%dma_wait3A_1258, %dma_wait3A_1259, %mul3A_88] : memref<3x16x512xf32, #tpu.memory_space<vmem_shared>> -> memref<1x1x32xf32, #tpu.memory_space<vmem_shared>>
    %dma_wait3A_1266 = tpu.memref_squeeze %dma_wait3A_1265 : memref<1x1x32xf32, #tpu.memory_space<vmem_shared>> -> memref<32xf32, #tpu.memory_space<vmem_shared>>
    %dma_wait3A_1267 = arith.constant 0 : i32
    %dma_wait3A_1268 = tpu.memref_slice %arg25[%dma_wait3A_1260, %dma_wait3A_1261, %dma_wait3A_1267] : memref<3x16x32xf32, #tpu.memory_space<vmem>> -> memref<1x1x32xf32, #tpu.memory_space<vmem>>
    %dma_wait3A_1269 = tpu.memref_squeeze %dma_wait3A_1268 : memref<1x1x32xf32, #tpu.memory_space<vmem>> -> memref<32xf32, #tpu.memory_space<vmem>>
    %dma_wait3A_1270 = tpu.memref_slice %arg27[%dma_wait3A_1258, %dma_wait3A_1259, %mul3A_88] : memref<3x16x512xf32, #tpu.memory_space<vmem_shared>> -> memref<1x1x32xf32, #tpu.memory_space<vmem_shared>>
    %dma_wait3A_1271 = tpu.memref_squeeze %dma_wait3A_1270 : memref<1x1x32xf32, #tpu.memory_space<vmem_shared>> -> memref<32xf32, #tpu.memory_space<vmem_shared>>
    tpu.wait_dma2 semaphore(%arg28 : memref<!tpu.dma_semaphore, #tpu.memory_space<semaphore_mem>>) src(%dma_wait3A_1271 : memref<32xf32, #tpu.memory_space<vmem_shared>>) dst(%dma_wait3A_1269 : memref<32xf32, #tpu.memory_space<vmem>>)
    %dma_wait3A_1272 = arith.constant 2 : i32
    %dma_wait3A_1273 = arith.constant 0 : i32
    %dma_wait3A_1274 = arith.constant 2 : i32
    %dma_wait3A_1275 = arith.constant 0 : i32
    %dma_wait3A_1276 = arith.constant 0 : i32
    %dma_wait3A_1277 = tpu.memref_slice %arg25[%dma_wait3A_1274, %dma_wait3A_1275, %dma_wait3A_1276] : memref<3x16x32xf32, #tpu.memory_space<vmem>> -> memref<1x1x32xf32, #tpu.memory_space<vmem>>
    %dma_wait3A_1278 = tpu.memref_squeeze %dma_wait3A_1277 : memref<1x1x32xf32, #tpu.memory_space<vmem>> -> memref<32xf32, #tpu.memory_space<vmem>>
    %dma_wait3A_1279 = tpu.memref_slice %arg27[%dma_wait3A_1272, %dma_wait3A_1273, %mul3A_88] : memref<3x16x512xf32, #tpu.memory_space<vmem_shared>> -> memref<1x1x32xf32, #tpu.memory_space<vmem_shared>>
    %dma_wait3A_1280 = tpu.memref_squeeze %dma_wait3A_1279 : memref<1x1x32xf32, #tpu.memory_space<vmem_shared>> -> memref<32xf32, #tpu.memory_space<vmem_shared>>
    %dma_wait3A_1281 = arith.constant 0 : i32
    %dma_wait3A_1282 = tpu.memref_slice %arg25[%dma_wait3A_1274, %dma_wait3A_1275, %dma_wait3A_1281] : memref<3x16x32xf32, #tpu.memory_space<vmem>> -> memref<1x1x32xf32, #tpu.memory_space<vmem>>
    %dma_wait3A_1283 = tpu.memref_squeeze %dma_wait3A_1282 : memref<1x1x32xf32, #tpu.memory_space<vmem>> -> memref<32xf32, #tpu.memory_space<vmem>>
    %dma_wait3A_1284 = tpu.memref_slice %arg27[%dma_wait3A_1272, %dma_wait3A_1273, %mul3A_88] : memref<3x16x512xf32, #tpu.memory_space<vmem_shared>> -> memref<1x1x32xf32, #tpu.memory_space<vmem_shared>>
    %dma_wait3A_1285 = tpu.memref_squeeze %dma_wait3A_1284 : memref<1x1x32xf32, #tpu.memory_space<vmem_shared>> -> memref<32xf32, #tpu.memory_space<vmem_shared>>
    tpu.wait_dma2 semaphore(%arg28 : memref<!tpu.dma_semaphore, #tpu.memory_space<semaphore_mem>>) src(%dma_wait3A_1285 : memref<32xf32, #tpu.memory_space<vmem_shared>>) dst(%dma_wait3A_1283 : memref<32xf32, #tpu.memory_space<vmem>>)
    %dma_wait3A_1286 = arith.constant 2 : i32
    %dma_wait3A_1287 = arith.constant 1 : i32
    %dma_wait3A_1288 = arith.constant 2 : i32
    %dma_wait3A_1289 = arith.constant 1 : i32
    %dma_wait3A_1290 = arith.constant 0 : i32
    %dma_wait3A_1291 = tpu.memref_slice %arg25[%dma_wait3A_1288, %dma_wait3A_1289, %dma_wait3A_1290] : memref<3x16x32xf32, #tpu.memory_space<vmem>> -> memref<1x1x32xf32, #tpu.memory_space<vmem>>
    %dma_wait3A_1292 = tpu.memref_squeeze %dma_wait3A_1291 : memref<1x1x32xf32, #tpu.memory_space<vmem>> -> memref<32xf32, #tpu.memory_space<vmem>>
    %dma_wait3A_1293 = tpu.memref_slice %arg27[%dma_wait3A_1286, %dma_wait3A_1287, %mul3A_88] : memref<3x16x512xf32, #tpu.memory_space<vmem_shared>> -> memref<1x1x32xf32, #tpu.memory_space<vmem_shared>>
    %dma_wait3A_1294 = tpu.memref_squeeze %dma_wait3A_1293 : memref<1x1x32xf32, #tpu.memory_space<vmem_shared>> -> memref<32xf32, #tpu.memory_space<vmem_shared>>
    %dma_wait3A_1295 = arith.constant 0 : i32
    %dma_wait3A_1296 = tpu.memref_slice %arg25[%dma_wait3A_1288, %dma_wait3A_1289, %dma_wait3A_1295] : memref<3x16x32xf32, #tpu.memory_space<vmem>> -> memref<1x1x32xf32, #tpu.memory_space<vmem>>
    %dma_wait3A_1297 = tpu.memref_squeeze %dma_wait3A_1296 : memref<1x1x32xf32, #tpu.memory_space<vmem>> -> memref<32xf32, #tpu.memory_space<vmem>>
    %dma_wait3A_1298 = tpu.memref_slice %arg27[%dma_wait3A_1286, %dma_wait3A_1287, %mul3A_88] : memref<3x16x512xf32, #tpu.memory_space<vmem_shared>> -> memref<1x1x32xf32, #tpu.memory_space<vmem_shared>>
    %dma_wait3A_1299 = tpu.memref_squeeze %dma_wait3A_1298 : memref<1x1x32xf32, #tpu.memory_space<vmem_shared>> -> memref<32xf32, #tpu.memory_space<vmem_shared>>
    tpu.wait_dma2 semaphore(%arg28 : memref<!tpu.dma_semaphore, #tpu.memory_space<semaphore_mem>>) src(%dma_wait3A_1299 : memref<32xf32, #tpu.memory_space<vmem_shared>>) dst(%dma_wait3A_1297 : memref<32xf32, #tpu.memory_space<vmem>>)
    %dma_wait3A_1300 = arith.constant 2 : i32
    %dma_wait3A_1301 = arith.constant 2 : i32
    %dma_wait3A_1302 = arith.constant 2 : i32
    %dma_wait3A_1303 = arith.constant 2 : i32
    %dma_wait3A_1304 = arith.constant 0 : i32
    %dma_wait3A_1305 = tpu.memref_slice %arg25[%dma_wait3A_1302, %dma_wait3A_1303, %dma_wait3A_1304] : memref<3x16x32xf32, #tpu.memory_space<vmem>> -> memref<1x1x32xf32, #tpu.memory_space<vmem>>
    %dma_wait3A_1306 = tpu.memref_squeeze %dma_wait3A_1305 : memref<1x1x32xf32, #tpu.memory_space<vmem>> -> memref<32xf32, #tpu.memory_space<vmem>>
    %dma_wait3A_1307 = tpu.memref_slice %arg27[%dma_wait3A_1300, %dma_wait3A_1301, %mul3A_88] : memref<3x16x512xf32, #tpu.memory_space<vmem_shared>> -> memref<1x1x32xf32, #tpu.memory_space<vmem_shared>>
    %dma_wait3A_1308 = tpu.memref_squeeze %dma_wait3A_1307 : memref<1x1x32xf32, #tpu.memory_space<vmem_shared>> -> memref<32xf32, #tpu.memory_space<vmem_shared>>
    %dma_wait3A_1309 = arith.constant 0 : i32
    %dma_wait3A_1310 = tpu.memref_slice %arg25[%dma_wait3A_1302, %dma_wait3A_1303, %dma_wait3A_1309] : memref<3x16x32xf32, #tpu.memory_space<vmem>> -> memref<1x1x32xf32, #tpu.memory_space<vmem>>
    %dma_wait3A_1311 = tpu.memref_squeeze %dma_wait3A_1310 : memref<1x1x32xf32, #tpu.memory_space<vmem>> -> memref<32xf32, #tpu.memory_space<vmem>>
    %dma_wait3A_1312 = tpu.memref_slice %arg27[%dma_wait3A_1300, %dma_wait3A_1301, %mul3A_88] : memref<3x16x512xf32, #tpu.memory_space<vmem_shared>> -> memref<1x1x32xf32, #tpu.memory_space<vmem_shared>>
    %dma_wait3A_1313 = tpu.memref_squeeze %dma_wait3A_1312 : memref<1x1x32xf32, #tpu.memory_space<vmem_shared>> -> memref<32xf32, #tpu.memory_space<vmem_shared>>
    tpu.wait_dma2 semaphore(%arg28 : memref<!tpu.dma_semaphore, #tpu.memory_space<semaphore_mem>>) src(%dma_wait3A_1313 : memref<32xf32, #tpu.memory_space<vmem_shared>>) dst(%dma_wait3A_1311 : memref<32xf32, #tpu.memory_space<vmem>>)
    %dma_wait3A_1314 = arith.constant 2 : i32
    %dma_wait3A_1315 = arith.constant 3 : i32
    %dma_wait3A_1316 = arith.constant 2 : i32
    %dma_wait3A_1317 = arith.constant 3 : i32
    %dma_wait3A_1318 = arith.constant 0 : i32
    %dma_wait3A_1319 = tpu.memref_slice %arg25[%dma_wait3A_1316, %dma_wait3A_1317, %dma_wait3A_1318] : memref<3x16x32xf32, #tpu.memory_space<vmem>> -> memref<1x1x32xf32, #tpu.memory_space<vmem>>
    %dma_wait3A_1320 = tpu.memref_squeeze %dma_wait3A_1319 : memref<1x1x32xf32, #tpu.memory_space<vmem>> -> memref<32xf32, #tpu.memory_space<vmem>>
    %dma_wait3A_1321 = tpu.memref_slice %arg27[%dma_wait3A_1314, %dma_wait3A_1315, %mul3A_88] : memref<3x16x512xf32, #tpu.memory_space<vmem_shared>> -> memref<1x1x32xf32, #tpu.memory_space<vmem_shared>>
    %dma_wait3A_1322 = tpu.memref_squeeze %dma_wait3A_1321 : memref<1x1x32xf32, #tpu.memory_space<vmem_shared>> -> memref<32xf32, #tpu.memory_space<vmem_shared>>
    %dma_wait3A_1323 = arith.constant 0 : i32
    %dma_wait3A_1324 = tpu.memref_slice %arg25[%dma_wait3A_1316, %dma_wait3A_1317, %dma_wait3A_1323] : memref<3x16x32xf32, #tpu.memory_space<vmem>> -> memref<1x1x32xf32, #tpu.memory_space<vmem>>
    %dma_wait3A_1325 = tpu.memref_squeeze %dma_wait3A_1324 : memref<1x1x32xf32, #tpu.memory_space<vmem>> -> memref<32xf32, #tpu.memory_space<vmem>>
    %dma_wait3A_1326 = tpu.memref_slice %arg27[%dma_wait3A_1314, %dma_wait3A_1315, %mul3A_88] : memref<3x16x512xf32, #tpu.memory_space<vmem_shared>> -> memref<1x1x32xf32, #tpu.memory_space<vmem_shared>>
    %dma_wait3A_1327 = tpu.memref_squeeze %dma_wait3A_1326 : memref<1x1x32xf32, #tpu.memory_space<vmem_shared>> -> memref<32xf32, #tpu.memory_space<vmem_shared>>
    tpu.wait_dma2 semaphore(%arg28 : memref<!tpu.dma_semaphore, #tpu.memory_space<semaphore_mem>>) src(%dma_wait3A_1327 : memref<32xf32, #tpu.memory_space<vmem_shared>>) dst(%dma_wait3A_1325 : memref<32xf32, #tpu.memory_space<vmem>>)
    %dma_wait3A_1328 = arith.constant 2 : i32
    %dma_wait3A_1329 = arith.constant 4 : i32
    %dma_wait3A_1330 = arith.constant 2 : i32
    %dma_wait3A_1331 = arith.constant 4 : i32
    %dma_wait3A_1332 = arith.constant 0 : i32
    %dma_wait3A_1333 = tpu.memref_slice %arg25[%dma_wait3A_1330, %dma_wait3A_1331, %dma_wait3A_1332] : memref<3x16x32xf32, #tpu.memory_space<vmem>> -> memref<1x1x32xf32, #tpu.memory_space<vmem>>
    %dma_wait3A_1334 = tpu.memref_squeeze %dma_wait3A_1333 : memref<1x1x32xf32, #tpu.memory_space<vmem>> -> memref<32xf32, #tpu.memory_space<vmem>>
    %dma_wait3A_1335 = tpu.memref_slice %arg27[%dma_wait3A_1328, %dma_wait3A_1329, %mul3A_88] : memref<3x16x512xf32, #tpu.memory_space<vmem_shared>> -> memref<1x1x32xf32, #tpu.memory_space<vmem_shared>>
    %dma_wait3A_1336 = tpu.memref_squeeze %dma_wait3A_1335 : memref<1x1x32xf32, #tpu.memory_space<vmem_shared>> -> memref<32xf32, #tpu.memory_space<vmem_shared>>
    %dma_wait3A_1337 = arith.constant 0 : i32
    %dma_wait3A_1338 = tpu.memref_slice %arg25[%dma_wait3A_1330, %dma_wait3A_1331, %dma_wait3A_1337] : memref<3x16x32xf32, #tpu.memory_space<vmem>> -> memref<1x1x32xf32, #tpu.memory_space<vmem>>
    %dma_wait3A_1339 = tpu.memref_squeeze %dma_wait3A_1338 : memref<1x1x32xf32, #tpu.memory_space<vmem>> -> memref<32xf32, #tpu.memory_space<vmem>>
    %dma_wait3A_1340 = tpu.memref_slice %arg27[%dma_wait3A_1328, %dma_wait3A_1329, %mul3A_88] : memref<3x16x512xf32, #tpu.memory_space<vmem_shared>> -> memref<1x1x32xf32, #tpu.memory_space<vmem_shared>>
    %dma_wait3A_1341 = tpu.memref_squeeze %dma_wait3A_1340 : memref<1x1x32xf32, #tpu.memory_space<vmem_shared>> -> memref<32xf32, #tpu.memory_space<vmem_shared>>
    tpu.wait_dma2 semaphore(%arg28 : memref<!tpu.dma_semaphore, #tpu.memory_space<semaphore_mem>>) src(%dma_wait3A_1341 : memref<32xf32, #tpu.memory_space<vmem_shared>>) dst(%dma_wait3A_1339 : memref<32xf32, #tpu.memory_space<vmem>>)
    %dma_wait3A_1342 = arith.constant 2 : i32
    %dma_wait3A_1343 = arith.constant 5 : i32
    %dma_wait3A_1344 = arith.constant 2 : i32
    %dma_wait3A_1345 = arith.constant 5 : i32
    %dma_wait3A_1346 = arith.constant 0 : i32
    %dma_wait3A_1347 = tpu.memref_slice %arg25[%dma_wait3A_1344, %dma_wait3A_1345, %dma_wait3A_1346] : memref<3x16x32xf32, #tpu.memory_space<vmem>> -> memref<1x1x32xf32, #tpu.memory_space<vmem>>
    %dma_wait3A_1348 = tpu.memref_squeeze %dma_wait3A_1347 : memref<1x1x32xf32, #tpu.memory_space<vmem>> -> memref<32xf32, #tpu.memory_space<vmem>>
    %dma_wait3A_1349 = tpu.memref_slice %arg27[%dma_wait3A_1342, %dma_wait3A_1343, %mul3A_88] : memref<3x16x512xf32, #tpu.memory_space<vmem_shared>> -> memref<1x1x32xf32, #tpu.memory_space<vmem_shared>>
    %dma_wait3A_1350 = tpu.memref_squeeze %dma_wait3A_1349 : memref<1x1x32xf32, #tpu.memory_space<vmem_shared>> -> memref<32xf32, #tpu.memory_space<vmem_shared>>
    %dma_wait3A_1351 = arith.constant 0 : i32
    %dma_wait3A_1352 = tpu.memref_slice %arg25[%dma_wait3A_1344, %dma_wait3A_1345, %dma_wait3A_1351] : memref<3x16x32xf32, #tpu.memory_space<vmem>> -> memref<1x1x32xf32, #tpu.memory_space<vmem>>
    %dma_wait3A_1353 = tpu.memref_squeeze %dma_wait3A_1352 : memref<1x1x32xf32, #tpu.memory_space<vmem>> -> memref<32xf32, #tpu.memory_space<vmem>>
    %dma_wait3A_1354 = tpu.memref_slice %arg27[%dma_wait3A_1342, %dma_wait3A_1343, %mul3A_88] : memref<3x16x512xf32, #tpu.memory_space<vmem_shared>> -> memref<1x1x32xf32, #tpu.memory_space<vmem_shared>>
    %dma_wait3A_1355 = tpu.memref_squeeze %dma_wait3A_1354 : memref<1x1x32xf32, #tpu.memory_space<vmem_shared>> -> memref<32xf32, #tpu.memory_space<vmem_shared>>
    tpu.wait_dma2 semaphore(%arg28 : memref<!tpu.dma_semaphore, #tpu.memory_space<semaphore_mem>>) src(%dma_wait3A_1355 : memref<32xf32, #tpu.memory_space<vmem_shared>>) dst(%dma_wait3A_1353 : memref<32xf32, #tpu.memory_space<vmem>>)
    %dma_wait3A_1356 = arith.constant 2 : i32
    %dma_wait3A_1357 = arith.constant 6 : i32
    %dma_wait3A_1358 = arith.constant 2 : i32
    %dma_wait3A_1359 = arith.constant 6 : i32
    %dma_wait3A_1360 = arith.constant 0 : i32
    %dma_wait3A_1361 = tpu.memref_slice %arg25[%dma_wait3A_1358, %dma_wait3A_1359, %dma_wait3A_1360] : memref<3x16x32xf32, #tpu.memory_space<vmem>> -> memref<1x1x32xf32, #tpu.memory_space<vmem>>
    %dma_wait3A_1362 = tpu.memref_squeeze %dma_wait3A_1361 : memref<1x1x32xf32, #tpu.memory_space<vmem>> -> memref<32xf32, #tpu.memory_space<vmem>>
    %dma_wait3A_1363 = tpu.memref_slice %arg27[%dma_wait3A_1356, %dma_wait3A_1357, %mul3A_88] : memref<3x16x512xf32, #tpu.memory_space<vmem_shared>> -> memref<1x1x32xf32, #tpu.memory_space<vmem_shared>>
    %dma_wait3A_1364 = tpu.memref_squeeze %dma_wait3A_1363 : memref<1x1x32xf32, #tpu.memory_space<vmem_shared>> -> memref<32xf32, #tpu.memory_space<vmem_shared>>
    %dma_wait3A_1365 = arith.constant 0 : i32
    %dma_wait3A_1366 = tpu.memref_slice %arg25[%dma_wait3A_1358, %dma_wait3A_1359, %dma_wait3A_1365] : memref<3x16x32xf32, #tpu.memory_space<vmem>> -> memref<1x1x32xf32, #tpu.memory_space<vmem>>
    %dma_wait3A_1367 = tpu.memref_squeeze %dma_wait3A_1366 : memref<1x1x32xf32, #tpu.memory_space<vmem>> -> memref<32xf32, #tpu.memory_space<vmem>>
    %dma_wait3A_1368 = tpu.memref_slice %arg27[%dma_wait3A_1356, %dma_wait3A_1357, %mul3A_88] : memref<3x16x512xf32, #tpu.memory_space<vmem_shared>> -> memref<1x1x32xf32, #tpu.memory_space<vmem_shared>>
    %dma_wait3A_1369 = tpu.memref_squeeze %dma_wait3A_1368 : memref<1x1x32xf32, #tpu.memory_space<vmem_shared>> -> memref<32xf32, #tpu.memory_space<vmem_shared>>
    tpu.wait_dma2 semaphore(%arg28 : memref<!tpu.dma_semaphore, #tpu.memory_space<semaphore_mem>>) src(%dma_wait3A_1369 : memref<32xf32, #tpu.memory_space<vmem_shared>>) dst(%dma_wait3A_1367 : memref<32xf32, #tpu.memory_space<vmem>>)
    %dma_wait3A_1370 = arith.constant 2 : i32
    %dma_wait3A_1371 = arith.constant 7 : i32
    %dma_wait3A_1372 = arith.constant 2 : i32
    %dma_wait3A_1373 = arith.constant 7 : i32
    %dma_wait3A_1374 = arith.constant 0 : i32
    %dma_wait3A_1375 = tpu.memref_slice %arg25[%dma_wait3A_1372, %dma_wait3A_1373, %dma_wait3A_1374] : memref<3x16x32xf32, #tpu.memory_space<vmem>> -> memref<1x1x32xf32, #tpu.memory_space<vmem>>
    %dma_wait3A_1376 = tpu.memref_squeeze %dma_wait3A_1375 : memref<1x1x32xf32, #tpu.memory_space<vmem>> -> memref<32xf32, #tpu.memory_space<vmem>>
    %dma_wait3A_1377 = tpu.memref_slice %arg27[%dma_wait3A_1370, %dma_wait3A_1371, %mul3A_88] : memref<3x16x512xf32, #tpu.memory_space<vmem_shared>> -> memref<1x1x32xf32, #tpu.memory_space<vmem_shared>>
    %dma_wait3A_1378 = tpu.memref_squeeze %dma_wait3A_1377 : memref<1x1x32xf32, #tpu.memory_space<vmem_shared>> -> memref<32xf32, #tpu.memory_space<vmem_shared>>
    %dma_wait3A_1379 = arith.constant 0 : i32
    %dma_wait3A_1380 = tpu.memref_slice %arg25[%dma_wait3A_1372, %dma_wait3A_1373, %dma_wait3A_1379] : memref<3x16x32xf32, #tpu.memory_space<vmem>> -> memref<1x1x32xf32, #tpu.memory_space<vmem>>
    %dma_wait3A_1381 = tpu.memref_squeeze %dma_wait3A_1380 : memref<1x1x32xf32, #tpu.memory_space<vmem>> -> memref<32xf32, #tpu.memory_space<vmem>>
    %dma_wait3A_1382 = tpu.memref_slice %arg27[%dma_wait3A_1370, %dma_wait3A_1371, %mul3A_88] : memref<3x16x512xf32, #tpu.memory_space<vmem_shared>> -> memref<1x1x32xf32, #tpu.memory_space<vmem_shared>>
    %dma_wait3A_1383 = tpu.memref_squeeze %dma_wait3A_1382 : memref<1x1x32xf32, #tpu.memory_space<vmem_shared>> -> memref<32xf32, #tpu.memory_space<vmem_shared>>
    tpu.wait_dma2 semaphore(%arg28 : memref<!tpu.dma_semaphore, #tpu.memory_space<semaphore_mem>>) src(%dma_wait3A_1383 : memref<32xf32, #tpu.memory_space<vmem_shared>>) dst(%dma_wait3A_1381 : memref<32xf32, #tpu.memory_space<vmem>>)
    %dma_wait3A_1384 = arith.constant 2 : i32
    %dma_wait3A_1385 = arith.constant 8 : i32
    %dma_wait3A_1386 = arith.constant 2 : i32
    %dma_wait3A_1387 = arith.constant 8 : i32
    %dma_wait3A_1388 = arith.constant 0 : i32
    %dma_wait3A_1389 = tpu.memref_slice %arg25[%dma_wait3A_1386, %dma_wait3A_1387, %dma_wait3A_1388] : memref<3x16x32xf32, #tpu.memory_space<vmem>> -> memref<1x1x32xf32, #tpu.memory_space<vmem>>
    %dma_wait3A_1390 = tpu.memref_squeeze %dma_wait3A_1389 : memref<1x1x32xf32, #tpu.memory_space<vmem>> -> memref<32xf32, #tpu.memory_space<vmem>>
    %dma_wait3A_1391 = tpu.memref_slice %arg27[%dma_wait3A_1384, %dma_wait3A_1385, %mul3A_88] : memref<3x16x512xf32, #tpu.memory_space<vmem_shared>> -> memref<1x1x32xf32, #tpu.memory_space<vmem_shared>>
    %dma_wait3A_1392 = tpu.memref_squeeze %dma_wait3A_1391 : memref<1x1x32xf32, #tpu.memory_space<vmem_shared>> -> memref<32xf32, #tpu.memory_space<vmem_shared>>
    %dma_wait3A_1393 = arith.constant 0 : i32
    %dma_wait3A_1394 = tpu.memref_slice %arg25[%dma_wait3A_1386, %dma_wait3A_1387, %dma_wait3A_1393] : memref<3x16x32xf32, #tpu.memory_space<vmem>> -> memref<1x1x32xf32, #tpu.memory_space<vmem>>
    %dma_wait3A_1395 = tpu.memref_squeeze %dma_wait3A_1394 : memref<1x1x32xf32, #tpu.memory_space<vmem>> -> memref<32xf32, #tpu.memory_space<vmem>>
    %dma_wait3A_1396 = tpu.memref_slice %arg27[%dma_wait3A_1384, %dma_wait3A_1385, %mul3A_88] : memref<3x16x512xf32, #tpu.memory_space<vmem_shared>> -> memref<1x1x32xf32, #tpu.memory_space<vmem_shared>>
    %dma_wait3A_1397 = tpu.memref_squeeze %dma_wait3A_1396 : memref<1x1x32xf32, #tpu.memory_space<vmem_shared>> -> memref<32xf32, #tpu.memory_space<vmem_shared>>
    tpu.wait_dma2 semaphore(%arg28 : memref<!tpu.dma_semaphore, #tpu.memory_space<semaphore_mem>>) src(%dma_wait3A_1397 : memref<32xf32, #tpu.memory_space<vmem_shared>>) dst(%dma_wait3A_1395 : memref<32xf32, #tpu.memory_space<vmem>>)
    %dma_wait3A_1398 = arith.constant 2 : i32
    %dma_wait3A_1399 = arith.constant 9 : i32
    %dma_wait3A_1400 = arith.constant 2 : i32
    %dma_wait3A_1401 = arith.constant 9 : i32
    %dma_wait3A_1402 = arith.constant 0 : i32
    %dma_wait3A_1403 = tpu.memref_slice %arg25[%dma_wait3A_1400, %dma_wait3A_1401, %dma_wait3A_1402] : memref<3x16x32xf32, #tpu.memory_space<vmem>> -> memref<1x1x32xf32, #tpu.memory_space<vmem>>
    %dma_wait3A_1404 = tpu.memref_squeeze %dma_wait3A_1403 : memref<1x1x32xf32, #tpu.memory_space<vmem>> -> memref<32xf32, #tpu.memory_space<vmem>>
    %dma_wait3A_1405 = tpu.memref_slice %arg27[%dma_wait3A_1398, %dma_wait3A_1399, %mul3A_88] : memref<3x16x512xf32, #tpu.memory_space<vmem_shared>> -> memref<1x1x32xf32, #tpu.memory_space<vmem_shared>>
    %dma_wait3A_1406 = tpu.memref_squeeze %dma_wait3A_1405 : memref<1x1x32xf32, #tpu.memory_space<vmem_shared>> -> memref<32xf32, #tpu.memory_space<vmem_shared>>
    %dma_wait3A_1407 = arith.constant 0 : i32
    %dma_wait3A_1408 = tpu.memref_slice %arg25[%dma_wait3A_1400, %dma_wait3A_1401, %dma_wait3A_1407] : memref<3x16x32xf32, #tpu.memory_space<vmem>> -> memref<1x1x32xf32, #tpu.memory_space<vmem>>
    %dma_wait3A_1409 = tpu.memref_squeeze %dma_wait3A_1408 : memref<1x1x32xf32, #tpu.memory_space<vmem>> -> memref<32xf32, #tpu.memory_space<vmem>>
    %dma_wait3A_1410 = tpu.memref_slice %arg27[%dma_wait3A_1398, %dma_wait3A_1399, %mul3A_88] : memref<3x16x512xf32, #tpu.memory_space<vmem_shared>> -> memref<1x1x32xf32, #tpu.memory_space<vmem_shared>>
    %dma_wait3A_1411 = tpu.memref_squeeze %dma_wait3A_1410 : memref<1x1x32xf32, #tpu.memory_space<vmem_shared>> -> memref<32xf32, #tpu.memory_space<vmem_shared>>
    tpu.wait_dma2 semaphore(%arg28 : memref<!tpu.dma_semaphore, #tpu.memory_space<semaphore_mem>>) src(%dma_wait3A_1411 : memref<32xf32, #tpu.memory_space<vmem_shared>>) dst(%dma_wait3A_1409 : memref<32xf32, #tpu.memory_space<vmem>>)
    %dma_wait3A_1412 = arith.constant 2 : i32
    %dma_wait3A_1413 = arith.constant 10 : i32
    %dma_wait3A_1414 = arith.constant 2 : i32
    %dma_wait3A_1415 = arith.constant 10 : i32
    %dma_wait3A_1416 = arith.constant 0 : i32
    %dma_wait3A_1417 = tpu.memref_slice %arg25[%dma_wait3A_1414, %dma_wait3A_1415, %dma_wait3A_1416] : memref<3x16x32xf32, #tpu.memory_space<vmem>> -> memref<1x1x32xf32, #tpu.memory_space<vmem>>
    %dma_wait3A_1418 = tpu.memref_squeeze %dma_wait3A_1417 : memref<1x1x32xf32, #tpu.memory_space<vmem>> -> memref<32xf32, #tpu.memory_space<vmem>>
    %dma_wait3A_1419 = tpu.memref_slice %arg27[%dma_wait3A_1412, %dma_wait3A_1413, %mul3A_88] : memref<3x16x512xf32, #tpu.memory_space<vmem_shared>> -> memref<1x1x32xf32, #tpu.memory_space<vmem_shared>>
    %dma_wait3A_1420 = tpu.memref_squeeze %dma_wait3A_1419 : memref<1x1x32xf32, #tpu.memory_space<vmem_shared>> -> memref<32xf32, #tpu.memory_space<vmem_shared>>
    %dma_wait3A_1421 = arith.constant 0 : i32
    %dma_wait3A_1422 = tpu.memref_slice %arg25[%dma_wait3A_1414, %dma_wait3A_1415, %dma_wait3A_1421] : memref<3x16x32xf32, #tpu.memory_space<vmem>> -> memref<1x1x32xf32, #tpu.memory_space<vmem>>
    %dma_wait3A_1423 = tpu.memref_squeeze %dma_wait3A_1422 : memref<1x1x32xf32, #tpu.memory_space<vmem>> -> memref<32xf32, #tpu.memory_space<vmem>>
    %dma_wait3A_1424 = tpu.memref_slice %arg27[%dma_wait3A_1412, %dma_wait3A_1413, %mul3A_88] : memref<3x16x512xf32, #tpu.memory_space<vmem_shared>> -> memref<1x1x32xf32, #tpu.memory_space<vmem_shared>>
    %dma_wait3A_1425 = tpu.memref_squeeze %dma_wait3A_1424 : memref<1x1x32xf32, #tpu.memory_space<vmem_shared>> -> memref<32xf32, #tpu.memory_space<vmem_shared>>
    tpu.wait_dma2 semaphore(%arg28 : memref<!tpu.dma_semaphore, #tpu.memory_space<semaphore_mem>>) src(%dma_wait3A_1425 : memref<32xf32, #tpu.memory_space<vmem_shared>>) dst(%dma_wait3A_1423 : memref<32xf32, #tpu.memory_space<vmem>>)
    %dma_wait3A_1426 = arith.constant 2 : i32
    %dma_wait3A_1427 = arith.constant 11 : i32
    %dma_wait3A_1428 = arith.constant 2 : i32
    %dma_wait3A_1429 = arith.constant 11 : i32
    %dma_wait3A_1430 = arith.constant 0 : i32
    %dma_wait3A_1431 = tpu.memref_slice %arg25[%dma_wait3A_1428, %dma_wait3A_1429, %dma_wait3A_1430] : memref<3x16x32xf32, #tpu.memory_space<vmem>> -> memref<1x1x32xf32, #tpu.memory_space<vmem>>
    %dma_wait3A_1432 = tpu.memref_squeeze %dma_wait3A_1431 : memref<1x1x32xf32, #tpu.memory_space<vmem>> -> memref<32xf32, #tpu.memory_space<vmem>>
    %dma_wait3A_1433 = tpu.memref_slice %arg27[%dma_wait3A_1426, %dma_wait3A_1427, %mul3A_88] : memref<3x16x512xf32, #tpu.memory_space<vmem_shared>> -> memref<1x1x32xf32, #tpu.memory_space<vmem_shared>>
    %dma_wait3A_1434 = tpu.memref_squeeze %dma_wait3A_1433 : memref<1x1x32xf32, #tpu.memory_space<vmem_shared>> -> memref<32xf32, #tpu.memory_space<vmem_shared>>
    %dma_wait3A_1435 = arith.constant 0 : i32
    %dma_wait3A_1436 = tpu.memref_slice %arg25[%dma_wait3A_1428, %dma_wait3A_1429, %dma_wait3A_1435] : memref<3x16x32xf32, #tpu.memory_space<vmem>> -> memref<1x1x32xf32, #tpu.memory_space<vmem>>
    %dma_wait3A_1437 = tpu.memref_squeeze %dma_wait3A_1436 : memref<1x1x32xf32, #tpu.memory_space<vmem>> -> memref<32xf32, #tpu.memory_space<vmem>>
    %dma_wait3A_1438 = tpu.memref_slice %arg27[%dma_wait3A_1426, %dma_wait3A_1427, %mul3A_88] : memref<3x16x512xf32, #tpu.memory_space<vmem_shared>> -> memref<1x1x32xf32, #tpu.memory_space<vmem_shared>>
    %dma_wait3A_1439 = tpu.memref_squeeze %dma_wait3A_1438 : memref<1x1x32xf32, #tpu.memory_space<vmem_shared>> -> memref<32xf32, #tpu.memory_space<vmem_shared>>
    tpu.wait_dma2 semaphore(%arg28 : memref<!tpu.dma_semaphore, #tpu.memory_space<semaphore_mem>>) src(%dma_wait3A_1439 : memref<32xf32, #tpu.memory_space<vmem_shared>>) dst(%dma_wait3A_1437 : memref<32xf32, #tpu.memory_space<vmem>>)
    %dma_wait3A_1440 = arith.constant 2 : i32
    %dma_wait3A_1441 = arith.constant 12 : i32
    %dma_wait3A_1442 = arith.constant 2 : i32
    %dma_wait3A_1443 = arith.constant 12 : i32
    %dma_wait3A_1444 = arith.constant 0 : i32
    %dma_wait3A_1445 = tpu.memref_slice %arg25[%dma_wait3A_1442, %dma_wait3A_1443, %dma_wait3A_1444] : memref<3x16x32xf32, #tpu.memory_space<vmem>> -> memref<1x1x32xf32, #tpu.memory_space<vmem>>
    %dma_wait3A_1446 = tpu.memref_squeeze %dma_wait3A_1445 : memref<1x1x32xf32, #tpu.memory_space<vmem>> -> memref<32xf32, #tpu.memory_space<vmem>>
    %dma_wait3A_1447 = tpu.memref_slice %arg27[%dma_wait3A_1440, %dma_wait3A_1441, %mul3A_88] : memref<3x16x512xf32, #tpu.memory_space<vmem_shared>> -> memref<1x1x32xf32, #tpu.memory_space<vmem_shared>>
    %dma_wait3A_1448 = tpu.memref_squeeze %dma_wait3A_1447 : memref<1x1x32xf32, #tpu.memory_space<vmem_shared>> -> memref<32xf32, #tpu.memory_space<vmem_shared>>
    %dma_wait3A_1449 = arith.constant 0 : i32
    %dma_wait3A_1450 = tpu.memref_slice %arg25[%dma_wait3A_1442, %dma_wait3A_1443, %dma_wait3A_1449] : memref<3x16x32xf32, #tpu.memory_space<vmem>> -> memref<1x1x32xf32, #tpu.memory_space<vmem>>
    %dma_wait3A_1451 = tpu.memref_squeeze %dma_wait3A_1450 : memref<1x1x32xf32, #tpu.memory_space<vmem>> -> memref<32xf32, #tpu.memory_space<vmem>>
    %dma_wait3A_1452 = tpu.memref_slice %arg27[%dma_wait3A_1440, %dma_wait3A_1441, %mul3A_88] : memref<3x16x512xf32, #tpu.memory_space<vmem_shared>> -> memref<1x1x32xf32, #tpu.memory_space<vmem_shared>>
    %dma_wait3A_1453 = tpu.memref_squeeze %dma_wait3A_1452 : memref<1x1x32xf32, #tpu.memory_space<vmem_shared>> -> memref<32xf32, #tpu.memory_space<vmem_shared>>
    tpu.wait_dma2 semaphore(%arg28 : memref<!tpu.dma_semaphore, #tpu.memory_space<semaphore_mem>>) src(%dma_wait3A_1453 : memref<32xf32, #tpu.memory_space<vmem_shared>>) dst(%dma_wait3A_1451 : memref<32xf32, #tpu.memory_space<vmem>>)
    %dma_wait3A_1454 = arith.constant 2 : i32
    %dma_wait3A_1455 = arith.constant 13 : i32
    %dma_wait3A_1456 = arith.constant 2 : i32
    %dma_wait3A_1457 = arith.constant 13 : i32
    %dma_wait3A_1458 = arith.constant 0 : i32
    %dma_wait3A_1459 = tpu.memref_slice %arg25[%dma_wait3A_1456, %dma_wait3A_1457, %dma_wait3A_1458] : memref<3x16x32xf32, #tpu.memory_space<vmem>> -> memref<1x1x32xf32, #tpu.memory_space<vmem>>
    %dma_wait3A_1460 = tpu.memref_squeeze %dma_wait3A_1459 : memref<1x1x32xf32, #tpu.memory_space<vmem>> -> memref<32xf32, #tpu.memory_space<vmem>>
    %dma_wait3A_1461 = tpu.memref_slice %arg27[%dma_wait3A_1454, %dma_wait3A_1455, %mul3A_88] : memref<3x16x512xf32, #tpu.memory_space<vmem_shared>> -> memref<1x1x32xf32, #tpu.memory_space<vmem_shared>>
    %dma_wait3A_1462 = tpu.memref_squeeze %dma_wait3A_1461 : memref<1x1x32xf32, #tpu.memory_space<vmem_shared>> -> memref<32xf32, #tpu.memory_space<vmem_shared>>
    %dma_wait3A_1463 = arith.constant 0 : i32
    %dma_wait3A_1464 = tpu.memref_slice %arg25[%dma_wait3A_1456, %dma_wait3A_1457, %dma_wait3A_1463] : memref<3x16x32xf32, #tpu.memory_space<vmem>> -> memref<1x1x32xf32, #tpu.memory_space<vmem>>
    %dma_wait3A_1465 = tpu.memref_squeeze %dma_wait3A_1464 : memref<1x1x32xf32, #tpu.memory_space<vmem>> -> memref<32xf32, #tpu.memory_space<vmem>>
    %dma_wait3A_1466 = tpu.memref_slice %arg27[%dma_wait3A_1454, %dma_wait3A_1455, %mul3A_88] : memref<3x16x512xf32, #tpu.memory_space<vmem_shared>> -> memref<1x1x32xf32, #tpu.memory_space<vmem_shared>>
    %dma_wait3A_1467 = tpu.memref_squeeze %dma_wait3A_1466 : memref<1x1x32xf32, #tpu.memory_space<vmem_shared>> -> memref<32xf32, #tpu.memory_space<vmem_shared>>
    tpu.wait_dma2 semaphore(%arg28 : memref<!tpu.dma_semaphore, #tpu.memory_space<semaphore_mem>>) src(%dma_wait3A_1467 : memref<32xf32, #tpu.memory_space<vmem_shared>>) dst(%dma_wait3A_1465 : memref<32xf32, #tpu.memory_space<vmem>>)
    %dma_wait3A_1468 = arith.constant 2 : i32
    %dma_wait3A_1469 = arith.constant 14 : i32
    %dma_wait3A_1470 = arith.constant 2 : i32
    %dma_wait3A_1471 = arith.constant 14 : i32
    %dma_wait3A_1472 = arith.constant 0 : i32
    %dma_wait3A_1473 = tpu.memref_slice %arg25[%dma_wait3A_1470, %dma_wait3A_1471, %dma_wait3A_1472] : memref<3x16x32xf32, #tpu.memory_space<vmem>> -> memref<1x1x32xf32, #tpu.memory_space<vmem>>
    %dma_wait3A_1474 = tpu.memref_squeeze %dma_wait3A_1473 : memref<1x1x32xf32, #tpu.memory_space<vmem>> -> memref<32xf32, #tpu.memory_space<vmem>>
    %dma_wait3A_1475 = tpu.memref_slice %arg27[%dma_wait3A_1468, %dma_wait3A_1469, %mul3A_88] : memref<3x16x512xf32, #tpu.memory_space<vmem_shared>> -> memref<1x1x32xf32, #tpu.memory_space<vmem_shared>>
    %dma_wait3A_1476 = tpu.memref_squeeze %dma_wait3A_1475 : memref<1x1x32xf32, #tpu.memory_space<vmem_shared>> -> memref<32xf32, #tpu.memory_space<vmem_shared>>
    %dma_wait3A_1477 = arith.constant 0 : i32
    %dma_wait3A_1478 = tpu.memref_slice %arg25[%dma_wait3A_1470, %dma_wait3A_1471, %dma_wait3A_1477] : memref<3x16x32xf32, #tpu.memory_space<vmem>> -> memref<1x1x32xf32, #tpu.memory_space<vmem>>
    %dma_wait3A_1479 = tpu.memref_squeeze %dma_wait3A_1478 : memref<1x1x32xf32, #tpu.memory_space<vmem>> -> memref<32xf32, #tpu.memory_space<vmem>>
    %dma_wait3A_1480 = tpu.memref_slice %arg27[%dma_wait3A_1468, %dma_wait3A_1469, %mul3A_88] : memref<3x16x512xf32, #tpu.memory_space<vmem_shared>> -> memref<1x1x32xf32, #tpu.memory_space<vmem_shared>>
    %dma_wait3A_1481 = tpu.memref_squeeze %dma_wait3A_1480 : memref<1x1x32xf32, #tpu.memory_space<vmem_shared>> -> memref<32xf32, #tpu.memory_space<vmem_shared>>
    tpu.wait_dma2 semaphore(%arg28 : memref<!tpu.dma_semaphore, #tpu.memory_space<semaphore_mem>>) src(%dma_wait3A_1481 : memref<32xf32, #tpu.memory_space<vmem_shared>>) dst(%dma_wait3A_1479 : memref<32xf32, #tpu.memory_space<vmem>>)
    %dma_wait3A_1482 = arith.constant 2 : i32
    %dma_wait3A_1483 = arith.constant 15 : i32
    %dma_wait3A_1484 = arith.constant 2 : i32
    %dma_wait3A_1485 = arith.constant 15 : i32
    %dma_wait3A_1486 = arith.constant 0 : i32
    %dma_wait3A_1487 = tpu.memref_slice %arg25[%dma_wait3A_1484, %dma_wait3A_1485, %dma_wait3A_1486] : memref<3x16x32xf32, #tpu.memory_space<vmem>> -> memref<1x1x32xf32, #tpu.memory_space<vmem>>
    %dma_wait3A_1488 = tpu.memref_squeeze %dma_wait3A_1487 : memref<1x1x32xf32, #tpu.memory_space<vmem>> -> memref<32xf32, #tpu.memory_space<vmem>>
    %dma_wait3A_1489 = tpu.memref_slice %arg27[%dma_wait3A_1482, %dma_wait3A_1483, %mul3A_88] : memref<3x16x512xf32, #tpu.memory_space<vmem_shared>> -> memref<1x1x32xf32, #tpu.memory_space<vmem_shared>>
    %dma_wait3A_1490 = tpu.memref_squeeze %dma_wait3A_1489 : memref<1x1x32xf32, #tpu.memory_space<vmem_shared>> -> memref<32xf32, #tpu.memory_space<vmem_shared>>
    %dma_wait3A_1491 = arith.constant 0 : i32
    %dma_wait3A_1492 = tpu.memref_slice %arg25[%dma_wait3A_1484, %dma_wait3A_1485, %dma_wait3A_1491] : memref<3x16x32xf32, #tpu.memory_space<vmem>> -> memref<1x1x32xf32, #tpu.memory_space<vmem>>
    %dma_wait3A_1493 = tpu.memref_squeeze %dma_wait3A_1492 : memref<1x1x32xf32, #tpu.memory_space<vmem>> -> memref<32xf32, #tpu.memory_space<vmem>>
    %dma_wait3A_1494 = tpu.memref_slice %arg27[%dma_wait3A_1482, %dma_wait3A_1483, %mul3A_88] : memref<3x16x512xf32, #tpu.memory_space<vmem_shared>> -> memref<1x1x32xf32, #tpu.memory_space<vmem_shared>>
    %dma_wait3A_1495 = tpu.memref_squeeze %dma_wait3A_1494 : memref<1x1x32xf32, #tpu.memory_space<vmem_shared>> -> memref<32xf32, #tpu.memory_space<vmem_shared>>
    tpu.wait_dma2 semaphore(%arg28 : memref<!tpu.dma_semaphore, #tpu.memory_space<semaphore_mem>>) src(%dma_wait3A_1495 : memref<32xf32, #tpu.memory_space<vmem_shared>>) dst(%dma_wait3A_1493 : memref<32xf32, #tpu.memory_space<vmem>>)
    %get3A_1496 = arith.constant 0 : i32
    %get3A_1497 = arith.constant 0 : i32
    %get3A_1498 = arith.index_cast %get3A_1496 : i32 to index
    %get3A_1499 = arith.index_cast %get3A_1497 : i32 to index
    %get3A_1500 = arith.constant 0 : index
    %get3A_1501 = tpu.vector_load %arg25[%get3A_1498, %get3A_1499, %get3A_1500] {strides = array<i32>} : memref<3x16x32xf32, #tpu.memory_space<vmem>>, vector<16xf32>,
    %get3A_1502 = arith.constant 0 : i32
    %get3A_1503 = arith.constant 1 : i32
    %get3A_1504 = arith.index_cast %get3A_1502 : i32 to index
    %get3A_1505 = arith.index_cast %get3A_1503 : i32 to index
    %get3A_1506 = arith.constant 0 : index
    %get3A_1507 = tpu.vector_load %arg25[%get3A_1504, %get3A_1505, %get3A_1506] {strides = array<i32>} : memref<3x16x32xf32, #tpu.memory_space<vmem>>, vector<16xf32>,
    %get3A_1508 = arith.constant 0 : i32
    %get3A_1509 = arith.constant 2 : i32
    %get3A_1510 = arith.index_cast %get3A_1508 : i32 to index
    %get3A_1511 = arith.index_cast %get3A_1509 : i32 to index
    %get3A_1512 = arith.constant 0 : index
    %get3A_1513 = tpu.vector_load %arg25[%get3A_1510, %get3A_1511, %get3A_1512] {strides = array<i32>} : memref<3x16x32xf32, #tpu.memory_space<vmem>>, vector<16xf32>,
    %get3A_1514 = arith.constant 0 : i32
    %get3A_1515 = arith.constant 3 : i32
    %get3A_1516 = arith.index_cast %get3A_1514 : i32 to index
    %get3A_1517 = arith.index_cast %get3A_1515 : i32 to index
    %get3A_1518 = arith.constant 0 : index
    %get3A_1519 = tpu.vector_load %arg25[%get3A_1516, %get3A_1517, %get3A_1518] {strides = array<i32>} : memref<3x16x32xf32, #tpu.memory_space<vmem>>, vector<16xf32>,
    %get3A_1520 = arith.constant 0 : i32
    %get3A_1521 = arith.constant 4 : i32
    %get3A_1522 = arith.index_cast %get3A_1520 : i32 to index
    %get3A_1523 = arith.index_cast %get3A_1521 : i32 to index
    %get3A_1524 = arith.constant 0 : index
    %get3A_1525 = tpu.vector_load %arg25[%get3A_1522, %get3A_1523, %get3A_1524] {strides = array<i32>} : memref<3x16x32xf32, #tpu.memory_space<vmem>>, vector<16xf32>,
    %get3A_1526 = arith.constant 0 : i32
    %get3A_1527 = arith.constant 5 : i32
    %get3A_1528 = arith.index_cast %get3A_1526 : i32 to index
    %get3A_1529 = arith.index_cast %get3A_1527 : i32 to index
    %get3A_1530 = arith.constant 0 : index
    %get3A_1531 = tpu.vector_load %arg25[%get3A_1528, %get3A_1529, %get3A_1530] {strides = array<i32>} : memref<3x16x32xf32, #tpu.memory_space<vmem>>, vector<16xf32>,
    %get3A_1532 = arith.constant 0 : i32
    %get3A_1533 = arith.constant 6 : i32
    %get3A_1534 = arith.index_cast %get3A_1532 : i32 to index
    %get3A_1535 = arith.index_cast %get3A_1533 : i32 to index
    %get3A_1536 = arith.constant 0 : index
    %get3A_1537 = tpu.vector_load %arg25[%get3A_1534, %get3A_1535, %get3A_1536] {strides = array<i32>} : memref<3x16x32xf32, #tpu.memory_space<vmem>>, vector<16xf32>,
    %get3A_1538 = arith.constant 0 : i32
    %get3A_1539 = arith.constant 7 : i32
    %get3A_1540 = arith.index_cast %get3A_1538 : i32 to index
    %get3A_1541 = arith.index_cast %get3A_1539 : i32 to index
    %get3A_1542 = arith.constant 0 : index
    %get3A_1543 = tpu.vector_load %arg25[%get3A_1540, %get3A_1541, %get3A_1542] {strides = array<i32>} : memref<3x16x32xf32, #tpu.memory_space<vmem>>, vector<16xf32>,
    %get3A_1544 = arith.constant 0 : i32
    %get3A_1545 = arith.constant 8 : i32
    %get3A_1546 = arith.index_cast %get3A_1544 : i32 to index
    %get3A_1547 = arith.index_cast %get3A_1545 : i32 to index
    %get3A_1548 = arith.constant 0 : index
    %get3A_1549 = tpu.vector_load %arg25[%get3A_1546, %get3A_1547, %get3A_1548] {strides = array<i32>} : memref<3x16x32xf32, #tpu.memory_space<vmem>>, vector<16xf32>,
    %get3A_1550 = arith.constant 0 : i32
    %get3A_1551 = arith.constant 9 : i32
    %get3A_1552 = arith.index_cast %get3A_1550 : i32 to index
    %get3A_1553 = arith.index_cast %get3A_1551 : i32 to index
    %get3A_1554 = arith.constant 0 : index
    %get3A_1555 = tpu.vector_load %arg25[%get3A_1552, %get3A_1553, %get3A_1554] {strides = array<i32>} : memref<3x16x32xf32, #tpu.memory_space<vmem>>, vector<16xf32>,
    %get3A_1556 = arith.constant 0 : i32
    %get3A_1557 = arith.constant 10 : i32
    %get3A_1558 = arith.index_cast %get3A_1556 : i32 to index
    %get3A_1559 = arith.index_cast %get3A_1557 : i32 to index
    %get3A_1560 = arith.constant 0 : index
    %get3A_1561 = tpu.vector_load %arg25[%get3A_1558, %get3A_1559, %get3A_1560] {strides = array<i32>} : memref<3x16x32xf32, #tpu.memory_space<vmem>>, vector<16xf32>,
    %get3A_1562 = arith.constant 0 : i32
    %get3A_1563 = arith.constant 11 : i32
    %get3A_1564 = arith.index_cast %get3A_1562 : i32 to index
    %get3A_1565 = arith.index_cast %get3A_1563 : i32 to index
    %get3A_1566 = arith.constant 0 : index
    %get3A_1567 = tpu.vector_load %arg25[%get3A_1564, %get3A_1565, %get3A_1566] {strides = array<i32>} : memref<3x16x32xf32, #tpu.memory_space<vmem>>, vector<16xf32>,
    %get3A_1568 = arith.constant 0 : i32
    %get3A_1569 = arith.constant 12 : i32
    %get3A_1570 = arith.index_cast %get3A_1568 : i32 to index
    %get3A_1571 = arith.index_cast %get3A_1569 : i32 to index
    %get3A_1572 = arith.constant 0 : index
    %get3A_1573 = tpu.vector_load %arg25[%get3A_1570, %get3A_1571, %get3A_1572] {strides = array<i32>} : memref<3x16x32xf32, #tpu.memory_space<vmem>>, vector<16xf32>,
    %get3A_1574 = arith.constant 0 : i32
    %get3A_1575 = arith.constant 13 : i32
    %get3A_1576 = arith.index_cast %get3A_1574 : i32 to index
    %get3A_1577 = arith.index_cast %get3A_1575 : i32 to index
    %get3A_1578 = arith.constant 0 : index
    %get3A_1579 = tpu.vector_load %arg25[%get3A_1576, %get3A_1577, %get3A_1578] {strides = array<i32>} : memref<3x16x32xf32, #tpu.memory_space<vmem>>, vector<16xf32>,
    %get3A_1580 = arith.constant 0 : i32
    %get3A_1581 = arith.constant 14 : i32
    %get3A_1582 = arith.index_cast %get3A_1580 : i32 to index
    %get3A_1583 = arith.index_cast %get3A_1581 : i32 to index
    %get3A_1584 = arith.constant 0 : index
    %get3A_1585 = tpu.vector_load %arg25[%get3A_1582, %get3A_1583, %get3A_1584] {strides = array<i32>} : memref<3x16x32xf32, #tpu.memory_space<vmem>>, vector<16xf32>,
    %get3A_1586 = arith.constant 0 : i32
    %get3A_1587 = arith.constant 15 : i32
    %get3A_1588 = arith.index_cast %get3A_1586 : i32 to index
    %get3A_1589 = arith.index_cast %get3A_1587 : i32 to index
    %get3A_1590 = arith.constant 0 : index
    %get3A_1591 = tpu.vector_load %arg25[%get3A_1588, %get3A_1589, %get3A_1590] {strides = array<i32>} : memref<3x16x32xf32, #tpu.memory_space<vmem>>, vector<16xf32>,
    %add3A_1592 = arith.addf %get3A_1501, %get3A_1507 : vector<16xf32>
    %add3A_1593 = arith.addf %get3A_1513, %get3A_1519 : vector<16xf32>
    %add3A_1594 = arith.addf %get3A_1525, %get3A_1531 : vector<16xf32>
    %add3A_1595 = arith.addf %get3A_1537, %get3A_1543 : vector<16xf32>
    %add3A_1596 = arith.addf %get3A_1549, %get3A_1555 : vector<16xf32>
    %add3A_1597 = arith.addf %get3A_1561, %get3A_1567 : vector<16xf32>
    %add3A_1598 = arith.addf %get3A_1573, %get3A_1579 : vector<16xf32>
    %add3A_1599 = arith.addf %get3A_1585, %get3A_1591 : vector<16xf32>
    %add3A_1600 = arith.addf %add3A_1592, %add3A_1593 : vector<16xf32>
    %add3A_1601 = arith.addf %add3A_1594, %add3A_1595 : vector<16xf32>
    %add3A_1602 = arith.addf %add3A_1596, %add3A_1597 : vector<16xf32>
    %add3A_1603 = arith.addf %add3A_1598, %add3A_1599 : vector<16xf32>
    %add3A_1604 = arith.addf %add3A_1600, %add3A_1601 : vector<16xf32>
    %add3A_1605 = arith.addf %add3A_1602, %add3A_1603 : vector<16xf32>
    %add3A_1606 = arith.addf %add3A_1604, %add3A_1605 : vector<16xf32>
    %get3A_1607 = arith.constant 0 : i32
    %get3A_1608 = arith.constant 0 : i32
    %get3A_1609 = arith.index_cast %get3A_1607 : i32 to index
    %get3A_1610 = arith.index_cast %get3A_1608 : i32 to index
    %get3A_1611 = arith.constant 16 : index
    %get3A_1612 = tpu.vector_load %arg25[%get3A_1609, %get3A_1610, %get3A_1611] {strides = array<i32>} : memref<3x16x32xf32, #tpu.memory_space<vmem>>, vector<16xf32>,
    %get3A_1613 = arith.constant 0 : i32
    %get3A_1614 = arith.constant 1 : i32
    %get3A_1615 = arith.index_cast %get3A_1613 : i32 to index
    %get3A_1616 = arith.index_cast %get3A_1614 : i32 to index
    %get3A_1617 = arith.constant 16 : index
    %get3A_1618 = tpu.vector_load %arg25[%get3A_1615, %get3A_1616, %get3A_1617] {strides = array<i32>} : memref<3x16x32xf32, #tpu.memory_space<vmem>>, vector<16xf32>,
    %get3A_1619 = arith.constant 0 : i32
    %get3A_1620 = arith.constant 2 : i32
    %get3A_1621 = arith.index_cast %get3A_1619 : i32 to index
    %get3A_1622 = arith.index_cast %get3A_1620 : i32 to index
    %get3A_1623 = arith.constant 16 : index
    %get3A_1624 = tpu.vector_load %arg25[%get3A_1621, %get3A_1622, %get3A_1623] {strides = array<i32>} : memref<3x16x32xf32, #tpu.memory_space<vmem>>, vector<16xf32>,
    %get3A_1625 = arith.constant 0 : i32
    %get3A_1626 = arith.constant 3 : i32
    %get3A_1627 = arith.index_cast %get3A_1625 : i32 to index
    %get3A_1628 = arith.index_cast %get3A_1626 : i32 to index
    %get3A_1629 = arith.constant 16 : index
    %get3A_1630 = tpu.vector_load %arg25[%get3A_1627, %get3A_1628, %get3A_1629] {strides = array<i32>} : memref<3x16x32xf32, #tpu.memory_space<vmem>>, vector<16xf32>,
    %get3A_1631 = arith.constant 0 : i32
    %get3A_1632 = arith.constant 4 : i32
    %get3A_1633 = arith.index_cast %get3A_1631 : i32 to index
    %get3A_1634 = arith.index_cast %get3A_1632 : i32 to index
    %get3A_1635 = arith.constant 16 : index
    %get3A_1636 = tpu.vector_load %arg25[%get3A_1633, %get3A_1634, %get3A_1635] {strides = array<i32>} : memref<3x16x32xf32, #tpu.memory_space<vmem>>, vector<16xf32>,
    %get3A_1637 = arith.constant 0 : i32
    %get3A_1638 = arith.constant 5 : i32
    %get3A_1639 = arith.index_cast %get3A_1637 : i32 to index
    %get3A_1640 = arith.index_cast %get3A_1638 : i32 to index
    %get3A_1641 = arith.constant 16 : index
    %get3A_1642 = tpu.vector_load %arg25[%get3A_1639, %get3A_1640, %get3A_1641] {strides = array<i32>} : memref<3x16x32xf32, #tpu.memory_space<vmem>>, vector<16xf32>,
    %get3A_1643 = arith.constant 0 : i32
    %get3A_1644 = arith.constant 6 : i32
    %get3A_1645 = arith.index_cast %get3A_1643 : i32 to index
    %get3A_1646 = arith.index_cast %get3A_1644 : i32 to index
    %get3A_1647 = arith.constant 16 : index
    %get3A_1648 = tpu.vector_load %arg25[%get3A_1645, %get3A_1646, %get3A_1647] {strides = array<i32>} : memref<3x16x32xf32, #tpu.memory_space<vmem>>, vector<16xf32>,
    %get3A_1649 = arith.constant 0 : i32
    %get3A_1650 = arith.constant 7 : i32
    %get3A_1651 = arith.index_cast %get3A_1649 : i32 to index
    %get3A_1652 = arith.index_cast %get3A_1650 : i32 to index
    %get3A_1653 = arith.constant 16 : index
    %get3A_1654 = tpu.vector_load %arg25[%get3A_1651, %get3A_1652, %get3A_1653] {strides = array<i32>} : memref<3x16x32xf32, #tpu.memory_space<vmem>>, vector<16xf32>,
    %get3A_1655 = arith.constant 0 : i32
    %get3A_1656 = arith.constant 8 : i32
    %get3A_1657 = arith.index_cast %get3A_1655 : i32 to index
    %get3A_1658 = arith.index_cast %get3A_1656 : i32 to index
    %get3A_1659 = arith.constant 16 : index
    %get3A_1660 = tpu.vector_load %arg25[%get3A_1657, %get3A_1658, %get3A_1659] {strides = array<i32>} : memref<3x16x32xf32, #tpu.memory_space<vmem>>, vector<16xf32>,
    %get3A_1661 = arith.constant 0 : i32
    %get3A_1662 = arith.constant 9 : i32
    %get3A_1663 = arith.index_cast %get3A_1661 : i32 to index
    %get3A_1664 = arith.index_cast %get3A_1662 : i32 to index
    %get3A_1665 = arith.constant 16 : index
    %get3A_1666 = tpu.vector_load %arg25[%get3A_1663, %get3A_1664, %get3A_1665] {strides = array<i32>} : memref<3x16x32xf32, #tpu.memory_space<vmem>>, vector<16xf32>,
    %get3A_1667 = arith.constant 0 : i32
    %get3A_1668 = arith.constant 10 : i32
    %get3A_1669 = arith.index_cast %get3A_1667 : i32 to index
    %get3A_1670 = arith.index_cast %get3A_1668 : i32 to index
    %get3A_1671 = arith.constant 16 : index
    %get3A_1672 = tpu.vector_load %arg25[%get3A_1669, %get3A_1670, %get3A_1671] {strides = array<i32>} : memref<3x16x32xf32, #tpu.memory_space<vmem>>, vector<16xf32>,
    %get3A_1673 = arith.constant 0 : i32
    %get3A_1674 = arith.constant 11 : i32
    %get3A_1675 = arith.index_cast %get3A_1673 : i32 to index
    %get3A_1676 = arith.index_cast %get3A_1674 : i32 to index
    %get3A_1677 = arith.constant 16 : index
    %get3A_1678 = tpu.vector_load %arg25[%get3A_1675, %get3A_1676, %get3A_1677] {strides = array<i32>} : memref<3x16x32xf32, #tpu.memory_space<vmem>>, vector<16xf32>,
    %get3A_1679 = arith.constant 0 : i32
    %get3A_1680 = arith.constant 12 : i32
    %get3A_1681 = arith.index_cast %get3A_1679 : i32 to index
    %get3A_1682 = arith.index_cast %get3A_1680 : i32 to index
    %get3A_1683 = arith.constant 16 : index
    %get3A_1684 = tpu.vector_load %arg25[%get3A_1681, %get3A_1682, %get3A_1683] {strides = array<i32>} : memref<3x16x32xf32, #tpu.memory_space<vmem>>, vector<16xf32>,
    %get3A_1685 = arith.constant 0 : i32
    %get3A_1686 = arith.constant 13 : i32
    %get3A_1687 = arith.index_cast %get3A_1685 : i32 to index
    %get3A_1688 = arith.index_cast %get3A_1686 : i32 to index
    %get3A_1689 = arith.constant 16 : index
    %get3A_1690 = tpu.vector_load %arg25[%get3A_1687, %get3A_1688, %get3A_1689] {strides = array<i32>} : memref<3x16x32xf32, #tpu.memory_space<vmem>>, vector<16xf32>,
    %get3A_1691 = arith.constant 0 : i32
    %get3A_1692 = arith.constant 14 : i32
    %get3A_1693 = arith.index_cast %get3A_1691 : i32 to index
    %get3A_1694 = arith.index_cast %get3A_1692 : i32 to index
    %get3A_1695 = arith.constant 16 : index
    %get3A_1696 = tpu.vector_load %arg25[%get3A_1693, %get3A_1694, %get3A_1695] {strides = array<i32>} : memref<3x16x32xf32, #tpu.memory_space<vmem>>, vector<16xf32>,
    %get3A_1697 = arith.constant 0 : i32
    %get3A_1698 = arith.constant 15 : i32
    %get3A_1699 = arith.index_cast %get3A_1697 : i32 to index
    %get3A_1700 = arith.index_cast %get3A_1698 : i32 to index
    %get3A_1701 = arith.constant 16 : index
    %get3A_1702 = tpu.vector_load %arg25[%get3A_1699, %get3A_1700, %get3A_1701] {strides = array<i32>} : memref<3x16x32xf32, #tpu.memory_space<vmem>>, vector<16xf32>,
    %add3A_1703 = arith.addf %get3A_1612, %get3A_1618 : vector<16xf32>
    %add3A_1704 = arith.addf %get3A_1624, %get3A_1630 : vector<16xf32>
    %add3A_1705 = arith.addf %get3A_1636, %get3A_1642 : vector<16xf32>
    %add3A_1706 = arith.addf %get3A_1648, %get3A_1654 : vector<16xf32>
    %add3A_1707 = arith.addf %get3A_1660, %get3A_1666 : vector<16xf32>
    %add3A_1708 = arith.addf %get3A_1672, %get3A_1678 : vector<16xf32>
    %add3A_1709 = arith.addf %get3A_1684, %get3A_1690 : vector<16xf32>
    %add3A_1710 = arith.addf %get3A_1696, %get3A_1702 : vector<16xf32>
    %add3A_1711 = arith.addf %add3A_1703, %add3A_1704 : vector<16xf32>
    %add3A_1712 = arith.addf %add3A_1705, %add3A_1706 : vector<16xf32>
    %add3A_1713 = arith.addf %add3A_1707, %add3A_1708 : vector<16xf32>
    %add3A_1714 = arith.addf %add3A_1709, %add3A_1710 : vector<16xf32>
    %add3A_1715 = arith.addf %add3A_1711, %add3A_1712 : vector<16xf32>
    %add3A_1716 = arith.addf %add3A_1713, %add3A_1714 : vector<16xf32>
    %add3A_1717 = arith.addf %add3A_1715, %add3A_1716 : vector<16xf32>
    %get3A_1718 = arith.constant 1 : i32
    %get3A_1719 = arith.constant 0 : i32
    %get3A_1720 = arith.index_cast %get3A_1718 : i32 to index
    %get3A_1721 = arith.index_cast %get3A_1719 : i32 to index
    %get3A_1722 = arith.constant 0 : index
    %get3A_1723 = tpu.vector_load %arg25[%get3A_1720, %get3A_1721, %get3A_1722] {strides = array<i32>} : memref<3x16x32xf32, #tpu.memory_space<vmem>>, vector<16xf32>,
    %get3A_1724 = arith.constant 1 : i32
    %get3A_1725 = arith.constant 1 : i32
    %get3A_1726 = arith.index_cast %get3A_1724 : i32 to index
    %get3A_1727 = arith.index_cast %get3A_1725 : i32 to index
    %get3A_1728 = arith.constant 0 : index
    %get3A_1729 = tpu.vector_load %arg25[%get3A_1726, %get3A_1727, %get3A_1728] {strides = array<i32>} : memref<3x16x32xf32, #tpu.memory_space<vmem>>, vector<16xf32>,
    %get3A_1730 = arith.constant 1 : i32
    %get3A_1731 = arith.constant 2 : i32
    %get3A_1732 = arith.index_cast %get3A_1730 : i32 to index
    %get3A_1733 = arith.index_cast %get3A_1731 : i32 to index
    %get3A_1734 = arith.constant 0 : index
    %get3A_1735 = tpu.vector_load %arg25[%get3A_1732, %get3A_1733, %get3A_1734] {strides = array<i32>} : memref<3x16x32xf32, #tpu.memory_space<vmem>>, vector<16xf32>,
    %get3A_1736 = arith.constant 1 : i32
    %get3A_1737 = arith.constant 3 : i32
    %get3A_1738 = arith.index_cast %get3A_1736 : i32 to index
    %get3A_1739 = arith.index_cast %get3A_1737 : i32 to index
    %get3A_1740 = arith.constant 0 : index
    %get3A_1741 = tpu.vector_load %arg25[%get3A_1738, %get3A_1739, %get3A_1740] {strides = array<i32>} : memref<3x16x32xf32, #tpu.memory_space<vmem>>, vector<16xf32>,
    %get3A_1742 = arith.constant 1 : i32
    %get3A_1743 = arith.constant 4 : i32
    %get3A_1744 = arith.index_cast %get3A_1742 : i32 to index
    %get3A_1745 = arith.index_cast %get3A_1743 : i32 to index
    %get3A_1746 = arith.constant 0 : index
    %get3A_1747 = tpu.vector_load %arg25[%get3A_1744, %get3A_1745, %get3A_1746] {strides = array<i32>} : memref<3x16x32xf32, #tpu.memory_space<vmem>>, vector<16xf32>,
    %get3A_1748 = arith.constant 1 : i32
    %get3A_1749 = arith.constant 5 : i32
    %get3A_1750 = arith.index_cast %get3A_1748 : i32 to index
    %get3A_1751 = arith.index_cast %get3A_1749 : i32 to index
    %get3A_1752 = arith.constant 0 : index
    %get3A_1753 = tpu.vector_load %arg25[%get3A_1750, %get3A_1751, %get3A_1752] {strides = array<i32>} : memref<3x16x32xf32, #tpu.memory_space<vmem>>, vector<16xf32>,
    %get3A_1754 = arith.constant 1 : i32
    %get3A_1755 = arith.constant 6 : i32
    %get3A_1756 = arith.index_cast %get3A_1754 : i32 to index
    %get3A_1757 = arith.index_cast %get3A_1755 : i32 to index
    %get3A_1758 = arith.constant 0 : index
    %get3A_1759 = tpu.vector_load %arg25[%get3A_1756, %get3A_1757, %get3A_1758] {strides = array<i32>} : memref<3x16x32xf32, #tpu.memory_space<vmem>>, vector<16xf32>,
    %get3A_1760 = arith.constant 1 : i32
    %get3A_1761 = arith.constant 7 : i32
    %get3A_1762 = arith.index_cast %get3A_1760 : i32 to index
    %get3A_1763 = arith.index_cast %get3A_1761 : i32 to index
    %get3A_1764 = arith.constant 0 : index
    %get3A_1765 = tpu.vector_load %arg25[%get3A_1762, %get3A_1763, %get3A_1764] {strides = array<i32>} : memref<3x16x32xf32, #tpu.memory_space<vmem>>, vector<16xf32>,
    %get3A_1766 = arith.constant 1 : i32
    %get3A_1767 = arith.constant 8 : i32
    %get3A_1768 = arith.index_cast %get3A_1766 : i32 to index
    %get3A_1769 = arith.index_cast %get3A_1767 : i32 to index
    %get3A_1770 = arith.constant 0 : index
    %get3A_1771 = tpu.vector_load %arg25[%get3A_1768, %get3A_1769, %get3A_1770] {strides = array<i32>} : memref<3x16x32xf32, #tpu.memory_space<vmem>>, vector<16xf32>,
    %get3A_1772 = arith.constant 1 : i32
    %get3A_1773 = arith.constant 9 : i32
    %get3A_1774 = arith.index_cast %get3A_1772 : i32 to index
    %get3A_1775 = arith.index_cast %get3A_1773 : i32 to index
    %get3A_1776 = arith.constant 0 : index
    %get3A_1777 = tpu.vector_load %arg25[%get3A_1774, %get3A_1775, %get3A_1776] {strides = array<i32>} : memref<3x16x32xf32, #tpu.memory_space<vmem>>, vector<16xf32>,
    %get3A_1778 = arith.constant 1 : i32
    %get3A_1779 = arith.constant 10 : i32
    %get3A_1780 = arith.index_cast %get3A_1778 : i32 to index
    %get3A_1781 = arith.index_cast %get3A_1779 : i32 to index
    %get3A_1782 = arith.constant 0 : index
    %get3A_1783 = tpu.vector_load %arg25[%get3A_1780, %get3A_1781, %get3A_1782] {strides = array<i32>} : memref<3x16x32xf32, #tpu.memory_space<vmem>>, vector<16xf32>,
    %get3A_1784 = arith.constant 1 : i32
    %get3A_1785 = arith.constant 11 : i32
    %get3A_1786 = arith.index_cast %get3A_1784 : i32 to index
    %get3A_1787 = arith.index_cast %get3A_1785 : i32 to index
    %get3A_1788 = arith.constant 0 : index
    %get3A_1789 = tpu.vector_load %arg25[%get3A_1786, %get3A_1787, %get3A_1788] {strides = array<i32>} : memref<3x16x32xf32, #tpu.memory_space<vmem>>, vector<16xf32>,
    %get3A_1790 = arith.constant 1 : i32
    %get3A_1791 = arith.constant 12 : i32
    %get3A_1792 = arith.index_cast %get3A_1790 : i32 to index
    %get3A_1793 = arith.index_cast %get3A_1791 : i32 to index
    %get3A_1794 = arith.constant 0 : index
    %get3A_1795 = tpu.vector_load %arg25[%get3A_1792, %get3A_1793, %get3A_1794] {strides = array<i32>} : memref<3x16x32xf32, #tpu.memory_space<vmem>>, vector<16xf32>,
    %get3A_1796 = arith.constant 1 : i32
    %get3A_1797 = arith.constant 13 : i32
    %get3A_1798 = arith.index_cast %get3A_1796 : i32 to index
    %get3A_1799 = arith.index_cast %get3A_1797 : i32 to index
    %get3A_1800 = arith.constant 0 : index
    %get3A_1801 = tpu.vector_load %arg25[%get3A_1798, %get3A_1799, %get3A_1800] {strides = array<i32>} : memref<3x16x32xf32, #tpu.memory_space<vmem>>, vector<16xf32>,
    %get3A_1802 = arith.constant 1 : i32
    %get3A_1803 = arith.constant 14 : i32
    %get3A_1804 = arith.index_cast %get3A_1802 : i32 to index
    %get3A_1805 = arith.index_cast %get3A_1803 : i32 to index
    %get3A_1806 = arith.constant 0 : index
    %get3A_1807 = tpu.vector_load %arg25[%get3A_1804, %get3A_1805, %get3A_1806] {strides = array<i32>} : memref<3x16x32xf32, #tpu.memory_space<vmem>>, vector<16xf32>,
    %get3A_1808 = arith.constant 1 : i32
    %get3A_1809 = arith.constant 15 : i32
    %get3A_1810 = arith.index_cast %get3A_1808 : i32 to index
    %get3A_1811 = arith.index_cast %get3A_1809 : i32 to index
    %get3A_1812 = arith.constant 0 : index
    %get3A_1813 = tpu.vector_load %arg25[%get3A_1810, %get3A_1811, %get3A_1812] {strides = array<i32>} : memref<3x16x32xf32, #tpu.memory_space<vmem>>, vector<16xf32>,
    %add3A_1814 = arith.addf %get3A_1723, %get3A_1729 : vector<16xf32>
    %add3A_1815 = arith.addf %get3A_1735, %get3A_1741 : vector<16xf32>
    %add3A_1816 = arith.addf %get3A_1747, %get3A_1753 : vector<16xf32>
    %add3A_1817 = arith.addf %get3A_1759, %get3A_1765 : vector<16xf32>
    %add3A_1818 = arith.addf %get3A_1771, %get3A_1777 : vector<16xf32>
    %add3A_1819 = arith.addf %get3A_1783, %get3A_1789 : vector<16xf32>
    %add3A_1820 = arith.addf %get3A_1795, %get3A_1801 : vector<16xf32>
    %add3A_1821 = arith.addf %get3A_1807, %get3A_1813 : vector<16xf32>
    %add3A_1822 = arith.addf %add3A_1814, %add3A_1815 : vector<16xf32>
    %add3A_1823 = arith.addf %add3A_1816, %add3A_1817 : vector<16xf32>
    %add3A_1824 = arith.addf %add3A_1818, %add3A_1819 : vector<16xf32>
    %add3A_1825 = arith.addf %add3A_1820, %add3A_1821 : vector<16xf32>
    %add3A_1826 = arith.addf %add3A_1822, %add3A_1823 : vector<16xf32>
    %add3A_1827 = arith.addf %add3A_1824, %add3A_1825 : vector<16xf32>
    %add3A_1828 = arith.addf %add3A_1826, %add3A_1827 : vector<16xf32>
    %get3A_1829 = arith.constant 1 : i32
    %get3A_1830 = arith.constant 0 : i32
    %get3A_1831 = arith.index_cast %get3A_1829 : i32 to index
    %get3A_1832 = arith.index_cast %get3A_1830 : i32 to index
    %get3A_1833 = arith.constant 16 : index
    %get3A_1834 = tpu.vector_load %arg25[%get3A_1831, %get3A_1832, %get3A_1833] {strides = array<i32>} : memref<3x16x32xf32, #tpu.memory_space<vmem>>, vector<16xf32>,
    %get3A_1835 = arith.constant 1 : i32
    %get3A_1836 = arith.constant 1 : i32
    %get3A_1837 = arith.index_cast %get3A_1835 : i32 to index
    %get3A_1838 = arith.index_cast %get3A_1836 : i32 to index
    %get3A_1839 = arith.constant 16 : index
    %get3A_1840 = tpu.vector_load %arg25[%get3A_1837, %get3A_1838, %get3A_1839] {strides = array<i32>} : memref<3x16x32xf32, #tpu.memory_space<vmem>>, vector<16xf32>,
    %get3A_1841 = arith.constant 1 : i32
    %get3A_1842 = arith.constant 2 : i32
    %get3A_1843 = arith.index_cast %get3A_1841 : i32 to index
    %get3A_1844 = arith.index_cast %get3A_1842 : i32 to index
    %get3A_1845 = arith.constant 16 : index
    %get3A_1846 = tpu.vector_load %arg25[%get3A_1843, %get3A_1844, %get3A_1845] {strides = array<i32>} : memref<3x16x32xf32, #tpu.memory_space<vmem>>, vector<16xf32>,
    %get3A_1847 = arith.constant 1 : i32
    %get3A_1848 = arith.constant 3 : i32
    %get3A_1849 = arith.index_cast %get3A_1847 : i32 to index
    %get3A_1850 = arith.index_cast %get3A_1848 : i32 to index
    %get3A_1851 = arith.constant 16 : index
    %get3A_1852 = tpu.vector_load %arg25[%get3A_1849, %get3A_1850, %get3A_1851] {strides = array<i32>} : memref<3x16x32xf32, #tpu.memory_space<vmem>>, vector<16xf32>,
    %get3A_1853 = arith.constant 1 : i32
    %get3A_1854 = arith.constant 4 : i32
    %get3A_1855 = arith.index_cast %get3A_1853 : i32 to index
    %get3A_1856 = arith.index_cast %get3A_1854 : i32 to index
    %get3A_1857 = arith.constant 16 : index
    %get3A_1858 = tpu.vector_load %arg25[%get3A_1855, %get3A_1856, %get3A_1857] {strides = array<i32>} : memref<3x16x32xf32, #tpu.memory_space<vmem>>, vector<16xf32>,
    %get3A_1859 = arith.constant 1 : i32
    %get3A_1860 = arith.constant 5 : i32
    %get3A_1861 = arith.index_cast %get3A_1859 : i32 to index
    %get3A_1862 = arith.index_cast %get3A_1860 : i32 to index
    %get3A_1863 = arith.constant 16 : index
    %get3A_1864 = tpu.vector_load %arg25[%get3A_1861, %get3A_1862, %get3A_1863] {strides = array<i32>} : memref<3x16x32xf32, #tpu.memory_space<vmem>>, vector<16xf32>,
    %get3A_1865 = arith.constant 1 : i32
    %get3A_1866 = arith.constant 6 : i32
    %get3A_1867 = arith.index_cast %get3A_1865 : i32 to index
    %get3A_1868 = arith.index_cast %get3A_1866 : i32 to index
    %get3A_1869 = arith.constant 16 : index
    %get3A_1870 = tpu.vector_load %arg25[%get3A_1867, %get3A_1868, %get3A_1869] {strides = array<i32>} : memref<3x16x32xf32, #tpu.memory_space<vmem>>, vector<16xf32>,
    %get3A_1871 = arith.constant 1 : i32
    %get3A_1872 = arith.constant 7 : i32
    %get3A_1873 = arith.index_cast %get3A_1871 : i32 to index
    %get3A_1874 = arith.index_cast %get3A_1872 : i32 to index
    %get3A_1875 = arith.constant 16 : index
    %get3A_1876 = tpu.vector_load %arg25[%get3A_1873, %get3A_1874, %get3A_1875] {strides = array<i32>} : memref<3x16x32xf32, #tpu.memory_space<vmem>>, vector<16xf32>,
    %get3A_1877 = arith.constant 1 : i32
    %get3A_1878 = arith.constant 8 : i32
    %get3A_1879 = arith.index_cast %get3A_1877 : i32 to index
    %get3A_1880 = arith.index_cast %get3A_1878 : i32 to index
    %get3A_1881 = arith.constant 16 : index
    %get3A_1882 = tpu.vector_load %arg25[%get3A_1879, %get3A_1880, %get3A_1881] {strides = array<i32>} : memref<3x16x32xf32, #tpu.memory_space<vmem>>, vector<16xf32>,
    %get3A_1883 = arith.constant 1 : i32
    %get3A_1884 = arith.constant 9 : i32
    %get3A_1885 = arith.index_cast %get3A_1883 : i32 to index
    %get3A_1886 = arith.index_cast %get3A_1884 : i32 to index
    %get3A_1887 = arith.constant 16 : index
    %get3A_1888 = tpu.vector_load %arg25[%get3A_1885, %get3A_1886, %get3A_1887] {strides = array<i32>} : memref<3x16x32xf32, #tpu.memory_space<vmem>>, vector<16xf32>,
    %get3A_1889 = arith.constant 1 : i32
    %get3A_1890 = arith.constant 10 : i32
    %get3A_1891 = arith.index_cast %get3A_1889 : i32 to index
    %get3A_1892 = arith.index_cast %get3A_1890 : i32 to index
    %get3A_1893 = arith.constant 16 : index
    %get3A_1894 = tpu.vector_load %arg25[%get3A_1891, %get3A_1892, %get3A_1893] {strides = array<i32>} : memref<3x16x32xf32, #tpu.memory_space<vmem>>, vector<16xf32>,
    %get3A_1895 = arith.constant 1 : i32
    %get3A_1896 = arith.constant 11 : i32
    %get3A_1897 = arith.index_cast %get3A_1895 : i32 to index
    %get3A_1898 = arith.index_cast %get3A_1896 : i32 to index
    %get3A_1899 = arith.constant 16 : index
    %get3A_1900 = tpu.vector_load %arg25[%get3A_1897, %get3A_1898, %get3A_1899] {strides = array<i32>} : memref<3x16x32xf32, #tpu.memory_space<vmem>>, vector<16xf32>,
    %get3A_1901 = arith.constant 1 : i32
    %get3A_1902 = arith.constant 12 : i32
    %get3A_1903 = arith.index_cast %get3A_1901 : i32 to index
    %get3A_1904 = arith.index_cast %get3A_1902 : i32 to index
    %get3A_1905 = arith.constant 16 : index
    %get3A_1906 = tpu.vector_load %arg25[%get3A_1903, %get3A_1904, %get3A_1905] {strides = array<i32>} : memref<3x16x32xf32, #tpu.memory_space<vmem>>, vector<16xf32>,
    %get3A_1907 = arith.constant 1 : i32
    %get3A_1908 = arith.constant 13 : i32
    %get3A_1909 = arith.index_cast %get3A_1907 : i32 to index
    %get3A_1910 = arith.index_cast %get3A_1908 : i32 to index
    %get3A_1911 = arith.constant 16 : index
    %get3A_1912 = tpu.vector_load %arg25[%get3A_1909, %get3A_1910, %get3A_1911] {strides = array<i32>} : memref<3x16x32xf32, #tpu.memory_space<vmem>>, vector<16xf32>,
    %get3A_1913 = arith.constant 1 : i32
    %get3A_1914 = arith.constant 14 : i32
    %get3A_1915 = arith.index_cast %get3A_1913 : i32 to index
    %get3A_1916 = arith.index_cast %get3A_1914 : i32 to index
    %get3A_1917 = arith.constant 16 : index
    %get3A_1918 = tpu.vector_load %arg25[%get3A_1915, %get3A_1916, %get3A_1917] {strides = array<i32>} : memref<3x16x32xf32, #tpu.memory_space<vmem>>, vector<16xf32>,
    %get3A_1919 = arith.constant 1 : i32
    %get3A_1920 = arith.constant 15 : i32
    %get3A_1921 = arith.index_cast %get3A_1919 : i32 to index
    %get3A_1922 = arith.index_cast %get3A_1920 : i32 to index
    %get3A_1923 = arith.constant 16 : index
    %get3A_1924 = tpu.vector_load %arg25[%get3A_1921, %get3A_1922, %get3A_1923] {strides = array<i32>} : memref<3x16x32xf32, #tpu.memory_space<vmem>>, vector<16xf32>,
    %add3A_1925 = arith.addf %get3A_1834, %get3A_1840 : vector<16xf32>
    %add3A_1926 = arith.addf %get3A_1846, %get3A_1852 : vector<16xf32>
    %add3A_1927 = arith.addf %get3A_1858, %get3A_1864 : vector<16xf32>
    %add3A_1928 = arith.addf %get3A_1870, %get3A_1876 : vector<16xf32>
    %add3A_1929 = arith.addf %get3A_1882, %get3A_1888 : vector<16xf32>
    %add3A_1930 = arith.addf %get3A_1894, %get3A_1900 : vector<16xf32>
    %add3A_1931 = arith.addf %get3A_1906, %get3A_1912 : vector<16xf32>
    %add3A_1932 = arith.addf %get3A_1918, %get3A_1924 : vector<16xf32>
    %add3A_1933 = arith.addf %add3A_1925, %add3A_1926 : vector<16xf32>
    %add3A_1934 = arith.addf %add3A_1927, %add3A_1928 : vector<16xf32>
    %add3A_1935 = arith.addf %add3A_1929, %add3A_1930 : vector<16xf32>
    %add3A_1936 = arith.addf %add3A_1931, %add3A_1932 : vector<16xf32>
    %add3A_1937 = arith.addf %add3A_1933, %add3A_1934 : vector<16xf32>
    %add3A_1938 = arith.addf %add3A_1935, %add3A_1936 : vector<16xf32>
    %add3A_1939 = arith.addf %add3A_1937, %add3A_1938 : vector<16xf32>
    %get3A_1940 = arith.constant 2 : i32
    %get3A_1941 = arith.constant 0 : i32
    %get3A_1942 = arith.index_cast %get3A_1940 : i32 to index
    %get3A_1943 = arith.index_cast %get3A_1941 : i32 to index
    %get3A_1944 = arith.constant 0 : index
    %get3A_1945 = tpu.vector_load %arg25[%get3A_1942, %get3A_1943, %get3A_1944] {strides = array<i32>} : memref<3x16x32xf32, #tpu.memory_space<vmem>>, vector<16xf32>,
    %get3A_1946 = arith.constant 2 : i32
    %get3A_1947 = arith.constant 1 : i32
    %get3A_1948 = arith.index_cast %get3A_1946 : i32 to index
    %get3A_1949 = arith.index_cast %get3A_1947 : i32 to index
    %get3A_1950 = arith.constant 0 : index
    %get3A_1951 = tpu.vector_load %arg25[%get3A_1948, %get3A_1949, %get3A_1950] {strides = array<i32>} : memref<3x16x32xf32, #tpu.memory_space<vmem>>, vector<16xf32>,
    %get3A_1952 = arith.constant 2 : i32
    %get3A_1953 = arith.constant 2 : i32
    %get3A_1954 = arith.index_cast %get3A_1952 : i32 to index
    %get3A_1955 = arith.index_cast %get3A_1953 : i32 to index
    %get3A_1956 = arith.constant 0 : index
    %get3A_1957 = tpu.vector_load %arg25[%get3A_1954, %get3A_1955, %get3A_1956] {strides = array<i32>} : memref<3x16x32xf32, #tpu.memory_space<vmem>>, vector<16xf32>,
    %get3A_1958 = arith.constant 2 : i32
    %get3A_1959 = arith.constant 3 : i32
    %get3A_1960 = arith.index_cast %get3A_1958 : i32 to index
    %get3A_1961 = arith.index_cast %get3A_1959 : i32 to index
    %get3A_1962 = arith.constant 0 : index
    %get3A_1963 = tpu.vector_load %arg25[%get3A_1960, %get3A_1961, %get3A_1962] {strides = array<i32>} : memref<3x16x32xf32, #tpu.memory_space<vmem>>, vector<16xf32>,
    %get3A_1964 = arith.constant 2 : i32
    %get3A_1965 = arith.constant 4 : i32
    %get3A_1966 = arith.index_cast %get3A_1964 : i32 to index
    %get3A_1967 = arith.index_cast %get3A_1965 : i32 to index
    %get3A_1968 = arith.constant 0 : index
    %get3A_1969 = tpu.vector_load %arg25[%get3A_1966, %get3A_1967, %get3A_1968] {strides = array<i32>} : memref<3x16x32xf32, #tpu.memory_space<vmem>>, vector<16xf32>,
    %get3A_1970 = arith.constant 2 : i32
    %get3A_1971 = arith.constant 5 : i32
    %get3A_1972 = arith.index_cast %get3A_1970 : i32 to index
    %get3A_1973 = arith.index_cast %get3A_1971 : i32 to index
    %get3A_1974 = arith.constant 0 : index
    %get3A_1975 = tpu.vector_load %arg25[%get3A_1972, %get3A_1973, %get3A_1974] {strides = array<i32>} : memref<3x16x32xf32, #tpu.memory_space<vmem>>, vector<16xf32>,
    %get3A_1976 = arith.constant 2 : i32
    %get3A_1977 = arith.constant 6 : i32
    %get3A_1978 = arith.index_cast %get3A_1976 : i32 to index
    %get3A_1979 = arith.index_cast %get3A_1977 : i32 to index
    %get3A_1980 = arith.constant 0 : index
    %get3A_1981 = tpu.vector_load %arg25[%get3A_1978, %get3A_1979, %get3A_1980] {strides = array<i32>} : memref<3x16x32xf32, #tpu.memory_space<vmem>>, vector<16xf32>,
    %get3A_1982 = arith.constant 2 : i32
    %get3A_1983 = arith.constant 7 : i32
    %get3A_1984 = arith.index_cast %get3A_1982 : i32 to index
    %get3A_1985 = arith.index_cast %get3A_1983 : i32 to index
    %get3A_1986 = arith.constant 0 : index
    %get3A_1987 = tpu.vector_load %arg25[%get3A_1984, %get3A_1985, %get3A_1986] {strides = array<i32>} : memref<3x16x32xf32, #tpu.memory_space<vmem>>, vector<16xf32>,
    %get3A_1988 = arith.constant 2 : i32
    %get3A_1989 = arith.constant 8 : i32
    %get3A_1990 = arith.index_cast %get3A_1988 : i32 to index
    %get3A_1991 = arith.index_cast %get3A_1989 : i32 to index
    %get3A_1992 = arith.constant 0 : index
    %get3A_1993 = tpu.vector_load %arg25[%get3A_1990, %get3A_1991, %get3A_1992] {strides = array<i32>} : memref<3x16x32xf32, #tpu.memory_space<vmem>>, vector<16xf32>,
    %get3A_1994 = arith.constant 2 : i32
    %get3A_1995 = arith.constant 9 : i32
    %get3A_1996 = arith.index_cast %get3A_1994 : i32 to index
    %get3A_1997 = arith.index_cast %get3A_1995 : i32 to index
    %get3A_1998 = arith.constant 0 : index
    %get3A_1999 = tpu.vector_load %arg25[%get3A_1996, %get3A_1997, %get3A_1998] {strides = array<i32>} : memref<3x16x32xf32, #tpu.memory_space<vmem>>, vector<16xf32>,
    %get3A_2000 = arith.constant 2 : i32
    %get3A_2001 = arith.constant 10 : i32
    %get3A_2002 = arith.index_cast %get3A_2000 : i32 to index
    %get3A_2003 = arith.index_cast %get3A_2001 : i32 to index
    %get3A_2004 = arith.constant 0 : index
    %get3A_2005 = tpu.vector_load %arg25[%get3A_2002, %get3A_2003, %get3A_2004] {strides = array<i32>} : memref<3x16x32xf32, #tpu.memory_space<vmem>>, vector<16xf32>,
    %get3A_2006 = arith.constant 2 : i32
    %get3A_2007 = arith.constant 11 : i32
    %get3A_2008 = arith.index_cast %get3A_2006 : i32 to index
    %get3A_2009 = arith.index_cast %get3A_2007 : i32 to index
    %get3A_2010 = arith.constant 0 : index
    %get3A_2011 = tpu.vector_load %arg25[%get3A_2008, %get3A_2009, %get3A_2010] {strides = array<i32>} : memref<3x16x32xf32, #tpu.memory_space<vmem>>, vector<16xf32>,
    %get3A_2012 = arith.constant 2 : i32
    %get3A_2013 = arith.constant 12 : i32
    %get3A_2014 = arith.index_cast %get3A_2012 : i32 to index
    %get3A_2015 = arith.index_cast %get3A_2013 : i32 to index
    %get3A_2016 = arith.constant 0 : index
    %get3A_2017 = tpu.vector_load %arg25[%get3A_2014, %get3A_2015, %get3A_2016] {strides = array<i32>} : memref<3x16x32xf32, #tpu.memory_space<vmem>>, vector<16xf32>,
    %get3A_2018 = arith.constant 2 : i32
    %get3A_2019 = arith.constant 13 : i32
    %get3A_2020 = arith.index_cast %get3A_2018 : i32 to index
    %get3A_2021 = arith.index_cast %get3A_2019 : i32 to index
    %get3A_2022 = arith.constant 0 : index
    %get3A_2023 = tpu.vector_load %arg25[%get3A_2020, %get3A_2021, %get3A_2022] {strides = array<i32>} : memref<3x16x32xf32, #tpu.memory_space<vmem>>, vector<16xf32>,
    %get3A_2024 = arith.constant 2 : i32
    %get3A_2025 = arith.constant 14 : i32
    %get3A_2026 = arith.index_cast %get3A_2024 : i32 to index
    %get3A_2027 = arith.index_cast %get3A_2025 : i32 to index
    %get3A_2028 = arith.constant 0 : index
    %get3A_2029 = tpu.vector_load %arg25[%get3A_2026, %get3A_2027, %get3A_2028] {strides = array<i32>} : memref<3x16x32xf32, #tpu.memory_space<vmem>>, vector<16xf32>,
    %get3A_2030 = arith.constant 2 : i32
    %get3A_2031 = arith.constant 15 : i32
    %get3A_2032 = arith.index_cast %get3A_2030 : i32 to index
    %get3A_2033 = arith.index_cast %get3A_2031 : i32 to index
    %get3A_2034 = arith.constant 0 : index
    %get3A_2035 = tpu.vector_load %arg25[%get3A_2032, %get3A_2033, %get3A_2034] {strides = array<i32>} : memref<3x16x32xf32, #tpu.memory_space<vmem>>, vector<16xf32>,
    %add3A_2036 = arith.addf %get3A_1945, %get3A_1951 : vector<16xf32>
    %add3A_2037 = arith.addf %get3A_1957, %get3A_1963 : vector<16xf32>
    %add3A_2038 = arith.addf %get3A_1969, %get3A_1975 : vector<16xf32>
    %add3A_2039 = arith.addf %get3A_1981, %get3A_1987 : vector<16xf32>
    %add3A_2040 = arith.addf %get3A_1993, %get3A_1999 : vector<16xf32>
    %add3A_2041 = arith.addf %get3A_2005, %get3A_2011 : vector<16xf32>
    %add3A_2042 = arith.addf %get3A_2017, %get3A_2023 : vector<16xf32>
    %add3A_2043 = arith.addf %get3A_2029, %get3A_2035 : vector<16xf32>
    %add3A_2044 = arith.addf %add3A_2036, %add3A_2037 : vector<16xf32>
    %add3A_2045 = arith.addf %add3A_2038, %add3A_2039 : vector<16xf32>
    %add3A_2046 = arith.addf %add3A_2040, %add3A_2041 : vector<16xf32>
    %add3A_2047 = arith.addf %add3A_2042, %add3A_2043 : vector<16xf32>
    %add3A_2048 = arith.addf %add3A_2044, %add3A_2045 : vector<16xf32>
    %add3A_2049 = arith.addf %add3A_2046, %add3A_2047 : vector<16xf32>
    %add3A_2050 = arith.addf %add3A_2048, %add3A_2049 : vector<16xf32>
    %get3A_2051 = arith.constant 2 : i32
    %get3A_2052 = arith.constant 0 : i32
    %get3A_2053 = arith.index_cast %get3A_2051 : i32 to index
    %get3A_2054 = arith.index_cast %get3A_2052 : i32 to index
    %get3A_2055 = arith.constant 16 : index
    %get3A_2056 = tpu.vector_load %arg25[%get3A_2053, %get3A_2054, %get3A_2055] {strides = array<i32>} : memref<3x16x32xf32, #tpu.memory_space<vmem>>, vector<16xf32>,
    %get3A_2057 = arith.constant 2 : i32
    %get3A_2058 = arith.constant 1 : i32
    %get3A_2059 = arith.index_cast %get3A_2057 : i32 to index
    %get3A_2060 = arith.index_cast %get3A_2058 : i32 to index
    %get3A_2061 = arith.constant 16 : index
    %get3A_2062 = tpu.vector_load %arg25[%get3A_2059, %get3A_2060, %get3A_2061] {strides = array<i32>} : memref<3x16x32xf32, #tpu.memory_space<vmem>>, vector<16xf32>,
    %get3A_2063 = arith.constant 2 : i32
    %get3A_2064 = arith.constant 2 : i32
    %get3A_2065 = arith.index_cast %get3A_2063 : i32 to index
    %get3A_2066 = arith.index_cast %get3A_2064 : i32 to index
    %get3A_2067 = arith.constant 16 : index
    %get3A_2068 = tpu.vector_load %arg25[%get3A_2065, %get3A_2066, %get3A_2067] {strides = array<i32>} : memref<3x16x32xf32, #tpu.memory_space<vmem>>, vector<16xf32>,
    %get3A_2069 = arith.constant 2 : i32
    %get3A_2070 = arith.constant 3 : i32
    %get3A_2071 = arith.index_cast %get3A_2069 : i32 to index
    %get3A_2072 = arith.index_cast %get3A_2070 : i32 to index
    %get3A_2073 = arith.constant 16 : index
    %get3A_2074 = tpu.vector_load %arg25[%get3A_2071, %get3A_2072, %get3A_2073] {strides = array<i32>} : memref<3x16x32xf32, #tpu.memory_space<vmem>>, vector<16xf32>,
    %get3A_2075 = arith.constant 2 : i32
    %get3A_2076 = arith.constant 4 : i32
    %get3A_2077 = arith.index_cast %get3A_2075 : i32 to index
    %get3A_2078 = arith.index_cast %get3A_2076 : i32 to index
    %get3A_2079 = arith.constant 16 : index
    %get3A_2080 = tpu.vector_load %arg25[%get3A_2077, %get3A_2078, %get3A_2079] {strides = array<i32>} : memref<3x16x32xf32, #tpu.memory_space<vmem>>, vector<16xf32>,
    %get3A_2081 = arith.constant 2 : i32
    %get3A_2082 = arith.constant 5 : i32
    %get3A_2083 = arith.index_cast %get3A_2081 : i32 to index
    %get3A_2084 = arith.index_cast %get3A_2082 : i32 to index
    %get3A_2085 = arith.constant 16 : index
    %get3A_2086 = tpu.vector_load %arg25[%get3A_2083, %get3A_2084, %get3A_2085] {strides = array<i32>} : memref<3x16x32xf32, #tpu.memory_space<vmem>>, vector<16xf32>,
    %get3A_2087 = arith.constant 2 : i32
    %get3A_2088 = arith.constant 6 : i32
    %get3A_2089 = arith.index_cast %get3A_2087 : i32 to index
    %get3A_2090 = arith.index_cast %get3A_2088 : i32 to index
    %get3A_2091 = arith.constant 16 : index
    %get3A_2092 = tpu.vector_load %arg25[%get3A_2089, %get3A_2090, %get3A_2091] {strides = array<i32>} : memref<3x16x32xf32, #tpu.memory_space<vmem>>, vector<16xf32>,
    %get3A_2093 = arith.constant 2 : i32
    %get3A_2094 = arith.constant 7 : i32
    %get3A_2095 = arith.index_cast %get3A_2093 : i32 to index
    %get3A_2096 = arith.index_cast %get3A_2094 : i32 to index
    %get3A_2097 = arith.constant 16 : index
    %get3A_2098 = tpu.vector_load %arg25[%get3A_2095, %get3A_2096, %get3A_2097] {strides = array<i32>} : memref<3x16x32xf32, #tpu.memory_space<vmem>>, vector<16xf32>,
    %get3A_2099 = arith.constant 2 : i32
    %get3A_2100 = arith.constant 8 : i32
    %get3A_2101 = arith.index_cast %get3A_2099 : i32 to index
    %get3A_2102 = arith.index_cast %get3A_2100 : i32 to index
    %get3A_2103 = arith.constant 16 : index
    %get3A_2104 = tpu.vector_load %arg25[%get3A_2101, %get3A_2102, %get3A_2103] {strides = array<i32>} : memref<3x16x32xf32, #tpu.memory_space<vmem>>, vector<16xf32>,
    %get3A_2105 = arith.constant 2 : i32
    %get3A_2106 = arith.constant 9 : i32
    %get3A_2107 = arith.index_cast %get3A_2105 : i32 to index
    %get3A_2108 = arith.index_cast %get3A_2106 : i32 to index
    %get3A_2109 = arith.constant 16 : index
    %get3A_2110 = tpu.vector_load %arg25[%get3A_2107, %get3A_2108, %get3A_2109] {strides = array<i32>} : memref<3x16x32xf32, #tpu.memory_space<vmem>>, vector<16xf32>,
    %get3A_2111 = arith.constant 2 : i32
    %get3A_2112 = arith.constant 10 : i32
    %get3A_2113 = arith.index_cast %get3A_2111 : i32 to index
    %get3A_2114 = arith.index_cast %get3A_2112 : i32 to index
    %get3A_2115 = arith.constant 16 : index
    %get3A_2116 = tpu.vector_load %arg25[%get3A_2113, %get3A_2114, %get3A_2115] {strides = array<i32>} : memref<3x16x32xf32, #tpu.memory_space<vmem>>, vector<16xf32>,
    %get3A_2117 = arith.constant 2 : i32
    %get3A_2118 = arith.constant 11 : i32
    %get3A_2119 = arith.index_cast %get3A_2117 : i32 to index
    %get3A_2120 = arith.index_cast %get3A_2118 : i32 to index
    %get3A_2121 = arith.constant 16 : index
    %get3A_2122 = tpu.vector_load %arg25[%get3A_2119, %get3A_2120, %get3A_2121] {strides = array<i32>} : memref<3x16x32xf32, #tpu.memory_space<vmem>>, vector<16xf32>,
    %get3A_2123 = arith.constant 2 : i32
    %get3A_2124 = arith.constant 12 : i32
    %get3A_2125 = arith.index_cast %get3A_2123 : i32 to index
    %get3A_2126 = arith.index_cast %get3A_2124 : i32 to index
    %get3A_2127 = arith.constant 16 : index
    %get3A_2128 = tpu.vector_load %arg25[%get3A_2125, %get3A_2126, %get3A_2127] {strides = array<i32>} : memref<3x16x32xf32, #tpu.memory_space<vmem>>, vector<16xf32>,
    %get3A_2129 = arith.constant 2 : i32
    %get3A_2130 = arith.constant 13 : i32
    %get3A_2131 = arith.index_cast %get3A_2129 : i32 to index
    %get3A_2132 = arith.index_cast %get3A_2130 : i32 to index
    %get3A_2133 = arith.constant 16 : index
    %get3A_2134 = tpu.vector_load %arg25[%get3A_2131, %get3A_2132, %get3A_2133] {strides = array<i32>} : memref<3x16x32xf32, #tpu.memory_space<vmem>>, vector<16xf32>,
    %get3A_2135 = arith.constant 2 : i32
    %get3A_2136 = arith.constant 14 : i32
    %get3A_2137 = arith.index_cast %get3A_2135 : i32 to index
    %get3A_2138 = arith.index_cast %get3A_2136 : i32 to index
    %get3A_2139 = arith.constant 16 : index
    %get3A_2140 = tpu.vector_load %arg25[%get3A_2137, %get3A_2138, %get3A_2139] {strides = array<i32>} : memref<3x16x32xf32, #tpu.memory_space<vmem>>, vector<16xf32>,
    %get3A_2141 = arith.constant 2 : i32
    %get3A_2142 = arith.constant 15 : i32
    %get3A_2143 = arith.index_cast %get3A_2141 : i32 to index
    %get3A_2144 = arith.index_cast %get3A_2142 : i32 to index
    %get3A_2145 = arith.constant 16 : index
    %get3A_2146 = tpu.vector_load %arg25[%get3A_2143, %get3A_2144, %get3A_2145] {strides = array<i32>} : memref<3x16x32xf32, #tpu.memory_space<vmem>>, vector<16xf32>,
    %add3A_2147 = arith.addf %get3A_2056, %get3A_2062 : vector<16xf32>
    %add3A_2148 = arith.addf %get3A_2068, %get3A_2074 : vector<16xf32>
    %add3A_2149 = arith.addf %get3A_2080, %get3A_2086 : vector<16xf32>
    %add3A_2150 = arith.addf %get3A_2092, %get3A_2098 : vector<16xf32>
    %add3A_2151 = arith.addf %get3A_2104, %get3A_2110 : vector<16xf32>
    %add3A_2152 = arith.addf %get3A_2116, %get3A_2122 : vector<16xf32>
    %add3A_2153 = arith.addf %get3A_2128, %get3A_2134 : vector<16xf32>
    %add3A_2154 = arith.addf %get3A_2140, %get3A_2146 : vector<16xf32>
    %add3A_2155 = arith.addf %add3A_2147, %add3A_2148 : vector<16xf32>
    %add3A_2156 = arith.addf %add3A_2149, %add3A_2150 : vector<16xf32>
    %add3A_2157 = arith.addf %add3A_2151, %add3A_2152 : vector<16xf32>
    %add3A_2158 = arith.addf %add3A_2153, %add3A_2154 : vector<16xf32>
    %add3A_2159 = arith.addf %add3A_2155, %add3A_2156 : vector<16xf32>
    %add3A_2160 = arith.addf %add3A_2157, %add3A_2158 : vector<16xf32>
    %add3A_2161 = arith.addf %add3A_2159, %add3A_2160 : vector<16xf32>
    %add3A_2162 = arith.constant 0 : i32
    %add3A_2163 = arith.addi %mul3A_88, %add3A_2162 : i32
    %get3A_2164 = arith.index_cast %add3A_2163 : i32 to index
    %get3A_2165 = tpu.vector_load %arg18[%get3A_2164] {strides = array<i32>} : memref<512xi32, #tpu.memory_space<vmem>>, vector<16xi32>,
    %convert_element_type3A_2166 = arith.sitofp %get3A_2165 : vector<16xi32> to vector<16xf32>
    %max3A_2167 = arith.constant 1.000000e+00 : f32
    %max3A_2168 = vector.broadcast %max3A_2167 : f32 to vector<16xf32>
    %max3A_2169 = arith.maximumf %convert_element_type3A_2166, %max3A_2168 : vector<16xf32>
    %add3A_2170 = arith.constant 0.541324854 : f32
    %add3A_2171 = vector.broadcast %add3A_2170 : f32 to vector<16xf32>
    %add3A_2172 = arith.addf %add3A_1606, %add3A_2171 : vector<16xf32>
    %abs3A_2173 = math.absf %add3A_2172 : vector<16xf32>
    %neg3A_2174 = arith.constant 0.000000e+00 : f32
    %neg3A_2175 = vector.broadcast %neg3A_2174 : f32 to vector<16xf32>
    %neg3A_2176 = arith.subf %neg3A_2175, %abs3A_2173 : vector<16xf32>
    %exp3A_2177 = math.exp %neg3A_2176 : vector<16xf32>
    %max3A_2178 = arith.constant 0.000000e+00 : f32
    %max3A_2179 = vector.broadcast %max3A_2178 : f32 to vector<16xf32>
    %max3A_2180 = arith.maximumf %add3A_2172, %max3A_2179 : vector<16xf32>
    %add3A_2181 = arith.constant 1.000000e+00 : f32
    %add3A_2182 = vector.broadcast %add3A_2181 : f32 to vector<16xf32>
    %add3A_2183 = arith.addf %add3A_2182, %exp3A_2177 : vector<16xf32>
    %sub3A_2184 = arith.constant 1.000000e+00 : f32
    %sub3A_2185 = vector.broadcast %sub3A_2184 : f32 to vector<16xf32>
    %sub3A_2186 = arith.subf %add3A_2183, %sub3A_2185 : vector<16xf32>
    %add3A_2187 = arith.constant 1.000000e+00 : f32
    %add3A_2188 = vector.broadcast %add3A_2187 : f32 to vector<16xf32>
    %add3A_2189 = arith.addf %add3A_2183, %add3A_2188 : vector<16xf32>
    %div3A_2190 = arith.divf %sub3A_2186, %add3A_2189 : vector<16xf32>
    %mul3A_2191 = arith.mulf %div3A_2190, %div3A_2190 : vector<16xf32>
    %mul3A_2192 = arith.constant 2.000000e+00 : f32
    %mul3A_2193 = vector.broadcast %mul3A_2192 : f32 to vector<16xf32>
    %mul3A_2194 = arith.mulf %mul3A_2193, %div3A_2190 : vector<16xf32>
    %mul3A_2195 = arith.constant 0.111111112 : f32
    %mul3A_2196 = vector.broadcast %mul3A_2195 : f32 to vector<16xf32>
    %mul3A_2197 = arith.mulf %mul3A_2191, %mul3A_2196 : vector<16xf32>
    %add3A_2198 = arith.constant 0.142857149 : f32
    %add3A_2199 = vector.broadcast %add3A_2198 : f32 to vector<16xf32>
    %add3A_2200 = arith.addf %add3A_2199, %mul3A_2197 : vector<16xf32>
    %mul3A_2201 = arith.mulf %mul3A_2191, %add3A_2200 : vector<16xf32>
    %add3A_2202 = arith.constant 2.000000e-01 : f32
    %add3A_2203 = vector.broadcast %add3A_2202 : f32 to vector<16xf32>
    %add3A_2204 = arith.addf %add3A_2203, %mul3A_2201 : vector<16xf32>
    %mul3A_2205 = arith.mulf %mul3A_2191, %add3A_2204 : vector<16xf32>
    %add3A_2206 = arith.constant 0.333333343 : f32
    %add3A_2207 = vector.broadcast %add3A_2206 : f32 to vector<16xf32>
    %add3A_2208 = arith.addf %add3A_2207, %mul3A_2205 : vector<16xf32>
    %mul3A_2209 = arith.mulf %mul3A_2191, %add3A_2208 : vector<16xf32>
    %add3A_2210 = arith.constant 1.000000e+00 : f32
    %add3A_2211 = vector.broadcast %add3A_2210 : f32 to vector<16xf32>
    %add3A_2212 = arith.addf %add3A_2211, %mul3A_2209 : vector<16xf32>
    %mul3A_2213 = arith.mulf %mul3A_2194, %add3A_2212 : vector<16xf32>
    %add3A_2214 = arith.addf %max3A_2180, %mul3A_2213 : vector<16xf32>
    %div3A_2215 = arith.divf %add3A_2214, %max3A_2169 : vector<16xf32>
    %mul3A_2216 = arith.mulf %div3A_2215, %add3A_151 : vector<16xf32>
    %div3A_2217 = arith.divf %add3A_1828, %max3A_2169 : vector<16xf32>
    %add3A_2218 = arith.addf %div3A_2217, %mul3A_112 : vector<16xf32>
    %div3A_2219 = arith.divf %add3A_2050, %max3A_2169 : vector<16xf32>
    %mul3A_2220 = arith.mulf %div3A_2219, %mul3A_2216 : vector<16xf32>
    %add3A_2221 = arith.addf %mul3A_2220, %add3A_2218 : vector<16xf32>
    %swap3A = arith.constant 0 : index
    %swap3A_2222 = tpu.vector_load %arg26[%swap3A] {strides = array<i32>} : memref<32xf32, #tpu.memory_space<vmem>>, vector<16xf32>,
    tpu.vector_store %arg26[%swap3A], %add3A_2221 {strides = array<i32>} : memref<32xf32, #tpu.memory_space<vmem>>, vector<16xf32>,
    %add3A_2223 = arith.constant 16 : i32
    %add3A_2224 = arith.addi %mul3A_88, %add3A_2223 : i32
    %get3A_2225 = arith.index_cast %add3A_2224 : i32 to index
    %get3A_2226 = tpu.vector_load %arg18[%get3A_2225] {strides = array<i32>} : memref<512xi32, #tpu.memory_space<vmem>>, vector<16xi32>,
    %convert_element_type3A_2227 = arith.sitofp %get3A_2226 : vector<16xi32> to vector<16xf32>
    %max3A_2228 = arith.constant 1.000000e+00 : f32
    %max3A_2229 = vector.broadcast %max3A_2228 : f32 to vector<16xf32>
    %max3A_2230 = arith.maximumf %convert_element_type3A_2227, %max3A_2229 : vector<16xf32>
    %add3A_2231 = arith.constant 0.541324854 : f32
    %add3A_2232 = vector.broadcast %add3A_2231 : f32 to vector<16xf32>
    %add3A_2233 = arith.addf %add3A_1717, %add3A_2232 : vector<16xf32>
    %abs3A_2234 = math.absf %add3A_2233 : vector<16xf32>
    %neg3A_2235 = arith.constant 0.000000e+00 : f32
    %neg3A_2236 = vector.broadcast %neg3A_2235 : f32 to vector<16xf32>
    %neg3A_2237 = arith.subf %neg3A_2236, %abs3A_2234 : vector<16xf32>
    %exp3A_2238 = math.exp %neg3A_2237 : vector<16xf32>
    %max3A_2239 = arith.constant 0.000000e+00 : f32
    %max3A_2240 = vector.broadcast %max3A_2239 : f32 to vector<16xf32>
    %max3A_2241 = arith.maximumf %add3A_2233, %max3A_2240 : vector<16xf32>
    %add3A_2242 = arith.constant 1.000000e+00 : f32
    %add3A_2243 = vector.broadcast %add3A_2242 : f32 to vector<16xf32>
    %add3A_2244 = arith.addf %add3A_2243, %exp3A_2238 : vector<16xf32>
    %sub3A_2245 = arith.constant 1.000000e+00 : f32
    %sub3A_2246 = vector.broadcast %sub3A_2245 : f32 to vector<16xf32>
    %sub3A_2247 = arith.subf %add3A_2244, %sub3A_2246 : vector<16xf32>
    %add3A_2248 = arith.constant 1.000000e+00 : f32
    %add3A_2249 = vector.broadcast %add3A_2248 : f32 to vector<16xf32>
    %add3A_2250 = arith.addf %add3A_2244, %add3A_2249 : vector<16xf32>
    %div3A_2251 = arith.divf %sub3A_2247, %add3A_2250 : vector<16xf32>
    %mul3A_2252 = arith.mulf %div3A_2251, %div3A_2251 : vector<16xf32>
    %mul3A_2253 = arith.constant 2.000000e+00 : f32
    %mul3A_2254 = vector.broadcast %mul3A_2253 : f32 to vector<16xf32>
    %mul3A_2255 = arith.mulf %mul3A_2254, %div3A_2251 : vector<16xf32>
    %mul3A_2256 = arith.constant 0.111111112 : f32
    %mul3A_2257 = vector.broadcast %mul3A_2256 : f32 to vector<16xf32>
    %mul3A_2258 = arith.mulf %mul3A_2252, %mul3A_2257 : vector<16xf32>
    %add3A_2259 = arith.constant 0.142857149 : f32
    %add3A_2260 = vector.broadcast %add3A_2259 : f32 to vector<16xf32>
    %add3A_2261 = arith.addf %add3A_2260, %mul3A_2258 : vector<16xf32>
    %mul3A_2262 = arith.mulf %mul3A_2252, %add3A_2261 : vector<16xf32>
    %add3A_2263 = arith.constant 2.000000e-01 : f32
    %add3A_2264 = vector.broadcast %add3A_2263 : f32 to vector<16xf32>
    %add3A_2265 = arith.addf %add3A_2264, %mul3A_2262 : vector<16xf32>
    %mul3A_2266 = arith.mulf %mul3A_2252, %add3A_2265 : vector<16xf32>
    %add3A_2267 = arith.constant 0.333333343 : f32
    %add3A_2268 = vector.broadcast %add3A_2267 : f32 to vector<16xf32>
    %add3A_2269 = arith.addf %add3A_2268, %mul3A_2266 : vector<16xf32>
    %mul3A_2270 = arith.mulf %mul3A_2252, %add3A_2269 : vector<16xf32>
    %add3A_2271 = arith.constant 1.000000e+00 : f32
    %add3A_2272 = vector.broadcast %add3A_2271 : f32 to vector<16xf32>
    %add3A_2273 = arith.addf %add3A_2272, %mul3A_2270 : vector<16xf32>
    %mul3A_2274 = arith.mulf %mul3A_2255, %add3A_2273 : vector<16xf32>
    %add3A_2275 = arith.addf %max3A_2241, %mul3A_2274 : vector<16xf32>
    %div3A_2276 = arith.divf %add3A_2275, %max3A_2230 : vector<16xf32>
    %mul3A_2277 = arith.mulf %div3A_2276, %add3A_151 : vector<16xf32>
    %div3A_2278 = arith.divf %add3A_1939, %max3A_2230 : vector<16xf32>
    %add3A_2279 = arith.addf %div3A_2278, %mul3A_112 : vector<16xf32>
    %div3A_2280 = arith.divf %add3A_2161, %max3A_2230 : vector<16xf32>
    %mul3A_2281 = arith.mulf %div3A_2280, %mul3A_2277 : vector<16xf32>
    %add3A_2282 = arith.addf %mul3A_2281, %add3A_2279 : vector<16xf32>
    %swap3A_2283 = arith.constant 16 : index
    %swap3A_2284 = tpu.vector_load %arg26[%swap3A_2283] {strides = array<i32>} : memref<32xf32, #tpu.memory_space<vmem>>, vector<16xf32>,
    tpu.vector_store %arg26[%swap3A_2283], %add3A_2282 {strides = array<i32>} : memref<32xf32, #tpu.memory_space<vmem>>, vector<16xf32>,
    %dma_start3A_2285 = tpu.memref_slice %arg10[%mul3A_88] : memref<512xf32, #tpu.memory_space<hbm>> -> memref<32xf32, #tpu.memory_space<hbm>>
    %dma_start3A_2286 = tpu.memref_slice %arg10[%mul3A_88] : memref<512xf32, #tpu.memory_space<hbm>> -> memref<32xf32, #tpu.memory_space<hbm>>
    tpu.enqueue_dma source(%arg26 : memref<32xf32, #tpu.memory_space<vmem>>) target(%dma_start3A_2286 : memref<32xf32, #tpu.memory_space<hbm>>) target_semaphore(%arg29 : memref<!tpu.dma_semaphore, #tpu.memory_space<semaphore_mem>>)
    %dma_wait3A_2287 = tpu.memref_slice %arg10[%mul3A_88] : memref<512xf32, #tpu.memory_space<hbm>> -> memref<32xf32, #tpu.memory_space<hbm>>
    %dma_wait3A_2288 = tpu.memref_slice %arg10[%mul3A_88] : memref<512xf32, #tpu.memory_space<hbm>> -> memref<32xf32, #tpu.memory_space<hbm>>
    tpu.wait_dma2 semaphore(%arg29 : memref<!tpu.dma_semaphore, #tpu.memory_space<semaphore_mem>>) src(%arg26 : memref<32xf32, #tpu.memory_space<vmem>>) dst(%dma_wait3A_2288 : memref<32xf32, #tpu.memory_space<hbm>>)
    return
  }
}

</mosaic_0001>

<sc_bundles>
// kernel: kernel.3.cloned.1.call-start
scs
__scs_entry_jumppad:
0x0: {  	(pc) =	sbr.rel $0x88, $3  }
0x1: {  	(tag) =	ssettag $0x0;
	lr =	simm.s32 $0x1  }
0x2: {  	[smem:$0x3F99] =	sst lr;
	_ =	strace $0xD0000000  }
0x3: {  	_ = 	snop  }
0x4: {  	_ = 	snop  }
0x5: {  	_ = 	snop  }
0x6: {  	_ = 	snop  }
0x7: {  	_ = 	snop  }
__scs_overlays_trampoline_lowered:
0x8: {  	[smem:$0x3FA8] =	sst s0  }
0x9: {  	[smem:$0x3FA9] =	sst s1  }
0xa: {  	[smem:$0x3FAA] =	sst s2  }
0xb: {  	[smem:$0x3FAB] =	sst s3  }
0xc: {  	[smem:$0x3FAC] =	sst s4  }
0xd: {  	[smem:$0x3FAD] =	sst s5  }
0xe: {  	[smem:$0x3FAE] =	sst s6  }
0xf: {  	[smem:$0x3FAF] =	sst s7  }
0x10: {  	[smem:$0x3FB0] =	sst s8  }
0x11: {  	[smem:$0x3FB1] =	sst s9;
	s0 =	simm.s32 @!p0 $0x0  }
0x12: {  	s1 =	sld [smem:$0x3F97];
	s0 =	simm.s32 @p0 $0x1  }
0x13: {  	[smem:$0x3FB2] =	sst s0;
	s0 =	simm.s32 @!p1 $0x0  }
0x14: {  	s2 =	sld [smem:$0x3F96];
	s0 =	simm.s32 @p1 $0x1  }
0x15: {  	[smem:$0x3FB3] =	sst s0;
	s0 =	simm.s32 @!p2 $0x0  }
0x16: {  	s3 =	sld [smem:$0x3FDB];
	s0 =	simm.s32 @p2 $0x1  }
0x17: {  	s4 =	simm.s32 $0x1BF5;
	[smem:$0x3FB5] =	sst s0  }
0x18: {  	s0 =	sld [smem:$0x3F98];
	_ =	swait.ge [sflag:s4], $0x0  }
0x19: {  	s7 =	sld [smem:$0x3F99]  }
0x1a: {  	s8 =	sadd.s32 $0xFFFFE003, lr  }
0x1b: {  	s9 =	sadd.s32 $0xFFFFFEF7, lr;
	s5 =	simm.s32 $0xFFFFFFFF;
	p2 =	slt.u32 s8, $0xFFFFF086  }
0x1c: {  	p1 =	slt.u32 s9, $0xF7A;
	s5 =	simm.s32 @!p2 $0x0  }
0x1d: {  	s5 =	simm.s32 @p1 $0x1;
	p0 =	seq.s32 s7, s2  }
0x1e: {  	s7 =	smul.u32 @!p0 $0xF7A, s2;
	p2 =	seq.s32 @!p0 s5, $0x0  }
0x1f: {  	s9 =	smul.u32 $0xF7A, s1;
	s8 =	simm.s32 @!p0 $0x1BF5;
	p2 =	por !p2, p0  }
0x20: {  	[sflag:s8] =	ssyncset.s32 @!p0 $0xFFFFF086;
	s6 =	sadd.s32 @!p0 s3, s7;
	s7 =	simm.s32 @!p0 $0x108  }
0x21: {  	s3 =	sadd.s32 s3, s9;
	s6 =	sadd.s32 @!p0 $0x88, s6;
	s7 =	simm.s32 @p2 $0x1082  }
0x22: {  	[simem:s7], [sflag:s8] =	dma.local @!p0 [hbm:s6], $0xF7A  }
0x23: {  	s9 =	sor.u32 $0xD0000000, s2;
	s6 =	simm.s32 $0x108;
	_ =	swait.ge @!p0 [sflag:s8], $0x0  }
0x24: {  	s3 =	sadd.s32 $0x88, s3;
	s6 =	simm.s32 @!p1 $0x1082;
	[sflag:s4] =	ssyncset.s32 $0xFFFFF086  }
0x25: {  	[simem:s6], [sflag:s4] =	dma.local [hbm:s3], $0xF7A  }
0x26: {  	[smem:$0x3F99] =	sst s1;
	(tag) =	ssettag s2;
	_ =	strace s9  }
0x27: {  	s1 =	sld [smem:$0x3FA9]  }
0x28: {  	s2 =	sld [smem:$0x3FAA]  }
0x29: {  	s4 =	sld [smem:$0x3FAC]  }
0x2a: {  	p0 =	seq.s32 s5, $0x0;
	s5 =	sld [smem:$0x3FAD]  }
0x2b: {  	s6 =	sld [smem:$0x3FAE]  }
0x2c: {  	s7 =	sld [smem:$0x3FAF]  }
0x2d: {  	s3 =	simm.s32 $0x108;
	s8 =	sld [smem:$0x3FB0]  }
0x2e: {  	s3 =	simm.s32 @!p0 $0x1082;
	s9 =	sld [smem:$0x3FB1]  }
0x2f: {  	lr =	sadd.s32 s0, s3;
	s0 =	sld [smem:$0x3FA8]  }
0x30: {  	s3 =	sld [smem:$0x3FAB]  }
0x31: {  	[smem:$0x3FB4] =	sst s10  }
0x32: {  	s10 =	sld [smem:$0x3FB2];
	_ =	sdelay $0x3  }
0x33: {  	p0 =	seq.s32 s10, $0x1;
	s10 =	sld [smem:$0x3FB4];
	_ =	sdelay $0x3  }
0x34: {  	[smem:$0x3FB4] =	sst s10  }
0x35: {  	s10 =	sld [smem:$0x3FB3];
	_ =	sdelay $0x3  }
0x36: {  	p1 =	seq.s32 s10, $0x1;
	s10 =	sld [smem:$0x3FB4];
	_ =	sdelay $0x3  }
0x37: {  	[smem:$0x3FB4] =	sst s10  }
0x38: {  	s10 =	sld [smem:$0x3FB5]  }
0x39: {  	_ = 	snop;
	(pc) =	sbr.ind lr, $3  }
0x3a: {  	_ = 	snop  }
0x3b: {  	_ = 	snop  }
0x3c: {  	p2 =	seq.s32 s10, $0x1;
	s10 =	sld [smem:$0x3FB4]  }
0x3d: {  	_ =	shalt  }
0x3e: {  	_ =	shalt  }
0x3f: {  	_ =	shalt  }
0x40: {  	_ =	shalt  }
0x41: {  	_ =	shalt  }
0x42: {  	_ =	shalt  }
0x43: {  	_ =	shalt  }
0x44: {  	_ =	shalt  }
0x45: {  	_ =	shalt  }
0x46: {  	_ =	shalt  }
0x47: {  	_ =	shalt  }
0x48: {  	_ =	shalt  }
0x49: {  	_ =	shalt  }
0x4a: {  	_ =	shalt  }
0x4b: {  	_ =	shalt  }
0x4c: {  	_ =	shalt  }
0x4d: {  	_ =	shalt  }
0x4e: {  	_ =	shalt  }
0x4f: {  	_ =	shalt  }
0x50: {  	_ =	shalt  }
0x51: {  	_ =	shalt  }
0x52: {  	_ =	shalt  }
0x53: {  	_ =	shalt  }
0x54: {  	_ =	shalt  }
0x55: {  	_ =	shalt  }
0x56: {  	_ =	shalt  }
0x57: {  	_ =	shalt  }
0x58: {  	_ =	shalt  }
0x59: {  	_ =	shalt  }
0x5a: {  	_ =	shalt  }
0x5b: {  	_ =	shalt  }
0x5c: {  	_ =	shalt  }
0x5d: {  	_ =	shalt  }
0x5e: {  	_ =	shalt  }
0x5f: {  	_ =	shalt  }
0x60: {  	_ =	shalt  }
0x61: {  	_ =	shalt  }
0x62: {  	_ =	shalt  }
0x63: {  	_ =	shalt  }
0x64: {  	_ =	shalt  }
0x65: {  	_ =	shalt  }
0x66: {  	_ =	shalt  }
0x67: {  	_ =	shalt  }
0x68: {  	_ =	shalt  }
0x69: {  	_ =	shalt  }
0x6a: {  	_ =	shalt  }
0x6b: {  	_ =	shalt  }
0x6c: {  	_ =	shalt  }
0x6d: {  	_ =	shalt  }
0x6e: {  	_ =	shalt  }
0x6f: {  	_ =	shalt  }
0x70: {  	_ =	shalt  }
0x71: {  	_ =	shalt  }
0x72: {  	_ =	shalt  }
0x73: {  	_ =	shalt  }
0x74: {  	_ =	shalt  }
0x75: {  	_ =	shalt  }
0x76: {  	_ =	shalt  }
0x77: {  	_ =	shalt  }
0x78: {  	_ =	shalt  }
0x79: {  	_ =	shalt  }
0x7a: {  	_ =	shalt  }
0x7b: {  	_ =	shalt  }
0x7c: {  	_ =	shalt  }
0x7d: {  	_ =	shalt  }
0x7e: {  	_ =	shalt  }
0x7f: {  	_ =	shalt  }
0x80: {  	_ =	shalt  }
0x81: {  	_ =	shalt  }
0x82: {  	_ =	shalt  }
0x83: {  	_ =	shalt  }
0x84: {  	_ =	shalt  }
0x85: {  	_ =	shalt  }
0x86: {  	_ =	shalt  }
0x87: {  	_ =	shalt  }
.Lfunc_end0:
.L_simem_size_0:
called_computation_lowered:
.L_overlay_start_0:
0x88: {  	s0 =	sld [smem:$0x3FD9]  }
0x89: {  	s1 =	sld [smem:$0x3FFE];
	_ =	sdelay $0x3  }
0x8a: {  	s0 =	sadd.s32 s1, s0  }
0x8b: {  	[smem:$0x3FC0] =	sst s0  }
0x8c: {  	_ = 	snop  }
0x8d: {  	s0 =	sld [smem:$0x3FC9]  }
0x8e: {  	s17 =	sld [smem:$0x3FC8]  }
0x8f: {  	s2 =	sld [smem:$0x3FC7]  }
0x90: {  	s3 =	sld [smem:$0x3FC6]  }
0x91: {  	s4 =	sld [smem:$0x3FC5]  }
0x92: {  	s5 =	sld [smem:$0x3FC4]  }
0x93: {  	s6 =	sld [smem:$0x3FC3]  }
0x94: {  	s7 =	sld [smem:$0x3FC2]  }
0x95: {  	s8 =	sld [smem:$0x3FD0];
	(tm) =	ssettm $0x1  }
0x96: {  	s9 =	sld [smem:$0x3FFB];
	_ =	sdelay $0x3  }
0x97: {  	_ =	strace s9  }
0x98: {  	s9 =	sld [smem:$0x3FFC];
	_ =	sdelay $0x3  }
0x99: {  	_ =	strace s9  }
0x9a: {  	s9 =	sld [smem:$0x3FFD];
	_ =	sdelay $0x3  }
0x9b: {  	_ =	strace s9  }
0x9c: {  	_ =	strace $0x8FFFFFFF  }
0x9d: {  	s18 =	sld [smem:$0x3FDB];
	_ =	sdelay $0x1  }
0x9e: {  	s10 =	simm.s32 $_scs_section_size  }
0x9f: {  	s11 =	simm.s32 $_size__tile_overlayer_lowered;
	s12 =	simm.s32 $_tile_overlayer_lowered  }
0xa0: {  	s21 =	simm.s32 $0x1BFF;
	s20 =	sshll.u32 s12, $0x1;
	s9 =	sadd.s32 s10, s18  }
0xa1: {  	s13 =	simm.s32 $0x0;
	s19 =	sshll.u32 s11, $0x1;
	s11 =	sadd.s32 s20, s9  }
0xa2: {  	[timem:s13], [sflag:s21] =	dma.local [hbm:s11], s19  }
0xa3: {  	_ =	swait.ge [sflag:s21], s19  }
0xa4: {  	s10 =	ssub.s32 $0x0, s19;
	[sflag:s21] =	ssyncset.done $0x0  }
0xa5: {  	[sflag:s21] =	ssyncadd.s32 s10;
	_ =	sdelay $0x1  }
0xa6: {  	s22 =	simm.s32 $0x1B8B  }
0xa7: {  	_ =	swait.ge [sflag:s22], $0x1  }
0xa8: {  	[sflag:s22] =	ssyncset.done $0x0  }
0xa9: {  	s23 =	simm.s32 $0x1B8E;
	[sflag:s22] =	ssyncadd.s32 $0xFFFFFFFF  }
0xaa: {  	s24 =	simm.s32 $execute0_lowered;
	[smem:$0x3FD2] =	sst s23  }
0xab: {  	s10 =	sshll.u32 s24, $0x1;
	_ =	strace $0x80000046;
	[dreg:$0x1] =	wrdreg $0xFFFFFFFF  }
0xac: {  	s25 =	simm.s32 $_size_execute0_lowered;
	s9 =	sadd.s32 s9, s10;
	[dreg:$0x0] =	wrdreg $0x0  }
0xad: {  	s10 =	sshll.u32 s25, $0x1;
	[dreg:$0x2] =	wrdreg s9  }
0xae: {  	[dreg:$0x3] =	wrdreg s10  }
0xaf: {  	[dreg:$0x4] =	wrdreg $0xC0  }
0xb0: {  	_ =	task [dreg:s13], $0x5FFFF  }
0xb1: {  	[dreg:$0x1] =	wrdreg $0xFFFFFFFF  }
0xb2: {  	[dreg:$0x0] =	wrdreg $0x60  }
0xb3: {  	[dreg:$0x2] =	wrdreg s0  }
0xb4: {  	[dreg:$0x3] =	wrdreg s5  }
0xb5: {  	[dreg:$0x4] =	wrdreg s6  }
0xb6: {  	[dreg:$0x5] =	wrdreg s17  }
0xb7: {  	[dreg:$0x6] =	wrdreg s2  }
0xb8: {  	[dreg:$0x7] =	wrdreg s3  }
0xb9: {  	[dreg:$0x8] =	wrdreg s4  }
0xba: {  	[dreg:$0x9] =	wrdreg s7  }
0xbb: {  	[dreg:$0xa] =	wrdreg s8  }
0xbc: {  	[dreg:$0xb] =	wrdreg $0x97B00  }
0xbd: {  	[dreg:$0xc] =	wrdreg $0x9  }
0xbe: {  	_ =	task.clear_ibuf [dreg:s13], $0xDFFFF;
	_ =	strace $0x90000046  }
0xbf: {  	s26 =	simm.s32 $0x9;
	_ =	strace $0x80000048  }
0xc0: {  	_ =	swait.ge [sflag:s26], $0x1  }
0xc1: {  	[sflag:s26] =	ssyncadd.s32 $0xFFFFFFFF  }
0xc2: {  	_ =	strace $0x90000048  }
0xc3: {  	_ =	sfence  }
0xc4: {  	s28 =	sld [smem:$0x0];
	_ =	sdelay $0x1  }
0xc5: {  	s29 =	srdreg.scid  }
0xc6: {  	s30 =	sshll.u32 s29, $0xD;
	s31 =	sshrl.u32 s29, $0x2  }
0xc7: {  	s1 =	sand.u32 $0x1, s29;
	s2 =	sand.u32 $0x4000, s30;
	s0 =	sadd.s32 s31, s28  }
0xc8: {  	s1 =	sor.u32 s2, s1;
	s0 =	sshll.u32 s0, $0x11  }
0xc9: {  	s0 =	sor.u32 s0, s1  }
0xca: {  	s0 =	sadd.s32 $0x8F2B, s0  }
0xcb: {  	[sflag:s0] =	ssyncadd.remote.s32 $0x1  }
0xcc: {  	_ =	sfence.sel $0xFFFF  }
0xcd: {  	[dreg:$0x0] =	wrdreg $0xFFFFFFFF;
	(pc) =	sbr.abs _section_cstart, $3  }
0xce: {  	[dreg:$0x1] =	wrdreg $0xFFFFFFFF  }
0xcf: {  	_ =	task.clear_ibuf [dreg:s13], $0x2FFFF;
	_ =	strace $0x9FFFFFFF  }
0xd0: {  	(tm) =	ssettm $0x7FFFFFFF  }
0xd1: {  	_ =	shalt  }
tec
execute0_lowered:
.L_overlay_start_1:
0x0: {  	(tag) =	ssettag $0x1  }
0x1: {  	s4 =	rddreg [dreg:$0x0]  }
0x2: {  	s5 =	rddreg [dreg:$0x1]  }
0x3: {  	s0 =	rddreg [dreg:$0x2]  }
0x4: {  	s6 =	rddreg [dreg:$0x3]  }
0x5: {  	s7 =	rddreg [dreg:$0x4]  }
0x6: {  	s8 =	rddreg [dreg:$0x5]  }
0x7: {  	s9 =	rddreg [dreg:$0x6];
	s1 =	stileid.u32  }
0x8: {  	s10 =	rddreg [dreg:$0x7];
	s12 =	smul.u32 $0xC40, s1  }
0x9: {  	s2 =	rddreg [dreg:$0x8];
	s13 =	simm.s32 $0x0  }
0xa: {  	[smem:$0x7FF] =	sst s13;
	s3 =	sshrl.u32 s12, $0x3  }
0xb: {  	s11 =	rddreg [dreg:$0x9];
	_ =	strace $0x80000047;
	s14 =	sadd.s32 s4, s3  }
0xc: {  	[tilespmem:s13], [sflag:$0x1] =	stream.linear.gather [hbm4b:s14+s13], $0xB90, $0x38;
	[tilespmem:$0x9DB0] =	vst v63  }
0xd: {  	s16 =	simm.s32 $0xC40;
	s28 =	sadd.s32 s5, s3  }
0xe: {  	[tilespmem:s16], [sflag:$0x1] =	stream.linear.gather [hbm4b:s28+s13], $0xB90, $0x38;
	[tilespmem:$0x9DB0] =	vst v63  }
0xf: {  	s29 =	simm.s32 $0x1880;
	s15 =	sshll.u32 s1, $0x9;
	s3 =	sadd.s32 s0, s3  }
0x10: {  	[tilespmem:s29], [sflag:$0x1] =	stream.linear.gather [hbm4b:s3+s13], $0xB90, $0x38;
	[tilespmem:$0x9DB0] =	vst v63  }
0x11: {  	s25 =	sadd.s32 s15, s11;
	s3 =	sshll.u32 s1, $0x5  }
0x12: {  	s30 =	simm.s32 $0x24C0;
	s31 =	sadd.s32 $0x4000, s25;
	s26 =	sadd.s32 s3, s11  }
0x13: {  	[tilespmem:s30], [sflag:$0x1] =	stream.linear.gather [hbm4b:s6+s13], $0x78, $0x38;
	[tilespmem:$0x9DB0] =	vst v63  }
0x14: {  	[smem:$0x7F3] =	sst s31;
	s14 =	sadd.s32 $0x200, s26  }
0x15: {  	s15 =	sadd.s32 $0x400, s26;
	[dreg:$0x17] =	wrdreg s14  }
0x16: {  	s17 =	sadd.s32 $0x600, s26;
	[dreg:$0x11] =	wrdreg s15  }
0x17: {  	s18 =	sadd.s32 $0x800, s26;
	[dreg:$0x18] =	wrdreg s17  }
0x18: {  	s20 =	sadd.s32 $0xA00, s26;
	[dreg:$0x12] =	wrdreg s18  }
0x19: {  	s21 =	sadd.s32 $0xC00, s26;
	[dreg:$0x19] =	wrdreg s20  }
0x1a: {  	s23 =	sadd.s32 $0xE00, s26;
	[dreg:$0x13] =	wrdreg s21  }
0x1b: {  	s19 =	simm.s32 $0x25C0;
	s28 =	sadd.s32 $0x1000, s26;
	[dreg:$0x1a] =	wrdreg s23  }
0x1c: {  	s22 =	simm.s32 $0x25D0;
	s29 =	sadd.s32 $0x1200, s26;
	[dreg:$0x14] =	wrdreg s28  }
0x1d: {  	p0 =	seq.s32 s1, $0xF;
	s30 =	sadd.s32 $0x1400, s26;
	[dreg:$0x15] =	wrdreg s29  }
0x1e: {  	s11 =	simm.s32 $0x2538;
	s31 =	sadd.s32 $0x1600, s26;
	[dreg:$0x10] =	wrdreg s30  }
0x1f: {  	s6 =	sshrl.u32 @!p0 s12, $0x3;
	s12 =	sadd.s32 $0x2200, s26;
	[dreg:$0x1e] =	wrdreg s31  }
0x20: {  	[tilespmem:s11], [sflag:$0x1] =	stream.linear.gather [hbm4b:s7+s13], $0x78, $0x38;
	[tilespmem:$0x9DB0] =	vst v63  }
0x21: {  	s16 =	simm.s32 $0x25B0;
	[smem:$0x7F7] =	sst s12;
	s14 =	sadd.s32 $0x2400, s26  }
0x22: {  	[tilespmem:s16], [sflag:$0x1] =	stream.linear.gather [hbm4b:s8+s13], $0x1, $0x38;
	[tilespmem:$0x9DB0] =	vst v63  }
0x23: {  	s6 =	sadd.s32 @!p0 $0x172, s6;
	s11 =	sadd.s32 $0x2000, s26;
	[smem:$0x7F8] =	sst s14  }
0x24: {  	[tilespmem:s19], [sflag:$0x1] =	stream.linear.gather [hbm4b:s9+s13], $0x1, $0x38;
	[tilespmem:$0x9DB0] =	vst v63  }
0x25: {  	s4 =	sadd.s32 @!p0 s4, s6;
	[smem:$0x7F6] =	sst s11;
	s9 =	sadd.s32 $0x1C00, s26  }
0x26: {  	[tilespmem:s22], [sflag:$0x1] =	stream.linear.gather [hbm4b:s10+s13], $0x200, $0x38;
	[tilespmem:$0x9DB0] =	vst v63  }
0x27: {  	s7 =	simm.s32 @!p0 $0x0;
	[dreg:$0x1f] =	wrdreg s9;
	s10 =	sadd.s32 $0x1E00, s26  }
0x28: {  	s0 =	sadd.s32 @!p0 s0, s6;
	s8 =	simm.s32 @!p0 $0xB90;
	[dreg:$0x1b] =	wrdreg s10  }
0x29: {  	[tilespmem:s8], [sflag:$0x1] =	stream.linear.gather @!p0 [hbm4b:s4+s7], $0xB0, $0x38;
	[tilespmem:$0x9DB0] =	vst v63  }
0x2a: {  	s4 =	sadd.s32 @!p0 s5, s6;
	s5 =	simm.s32 @!p0 $0x17D0;
	s8 =	sadd.s32 $0x1A00, s26  }
0x2b: {  	[tilespmem:s5], [sflag:$0x1] =	stream.linear.gather @!p0 [hbm4b:s4+s7], $0xB0, $0x38;
	[tilespmem:$0x9DB0] =	vst v63  }
0x2c: {  	[smem:$0x7F5] =	sst s8;
	s5 =	sadd.s32 $0x1800, s26;
	s4 =	simm.s32 @!p0 $0x2410  }
0x2d: {  	[tilespmem:s4], [sflag:$0x1] =	stream.linear.gather @!p0 [hbm4b:s0+s7], $0xB0, $0x38;
	[tilespmem:$0x9DB0] =	vst v63  }
0x2e: {  	v0 =	vimm.f32 $0.0e+00;
	[smem:$0x7F4] =	sst s5;
	s0 =	simm.s32 $0x27F0  }
0x2f: {  	s15 =	sadd.s32 $0x2600, s26;
	[tilespmem:s0+$0x0] =	vst v0  }
0x30: {  	s16 =	sadd.s32 $0x2800, s26;
	[smem:$0x7F9] =	sst s15  }
0x31: {  	s17 =	sadd.s32 $0x2A00, s26;
	[smem:$0x7FA] =	sst s16  }
0x32: {  	[smem:$0x7FB] =	sst s17  }
0x33: {  	s18 =	sadd.s32 $0x2C00, s26;
	[tilespmem:s0+$0xFFFFFFE0] =	vst v0  }
0x34: {  	s19 =	sadd.s32 $0x2E00, s26;
	[smem:$0x7FC] =	sst s18  }
0x35: {  	s20 =	sadd.s32 $0x3000, s26;
	[smem:$0x7FD] =	sst s19  }
0x36: {  	[dreg:$0x1c] =	wrdreg s20  }
0x37: {  	s21 =	sadd.s32 $0x3200, s26;
	[tilespmem:s0+$0xFFFFFFF0] =	vst v0  }
0x38: {  	s22 =	sadd.s32 $0x3400, s26;
	[dreg:$0x1d] =	wrdreg s21  }
0x39: {  	s23 =	sadd.s32 $0x3600, s26;
	[dreg:$0x16] =	wrdreg s22  }
0x3a: {  	[dreg:$0xd] =	wrdreg s23  }
0x3b: {  	s28 =	sadd.s32 $0x3800, s26;
	s13 =	sshll.u32 s1, $0x2;
	[tilespmem:s0+$0x10] =	vst v0  }
0x3c: {  	s7 =	sadd.s32 s2, s13;
	s2 =	simm.s32 $0x4930;
	[dreg:$0xe] =	wrdreg s28  }
0x3d: {  	s29 =	sadd.s32 $0x3C00, s26;
	[tilespmem:s2+$0x10] =	vst v0  }
0x3e: {  	s30 =	sadd.s32 $0x3E00, s26;
	[dreg:$0xf] =	wrdreg s29  }
0x3f: {  	s4 =	simm.s32 $0x6A70;
	[dreg:$0xb] =	wrdreg s30  }
0x40: {  	s24 =	sadd.s32 $0x2000, s25;
	s31 =	sadd.s32 $0x4000, s26;
	s12 =	sadd.s32 $0x5600, s26;
	[tilespmem:s4+$0x10] =	vst v0  }
0x41: {  	s14 =	sadd.s32 $0x5000, s26;
	s11 =	sadd.s32 $0x5800, s26;
	[dreg:$0xc] =	wrdreg s31  }
0x42: {  	s9 =	sadd.s32 $0x5E00, s26;
	s10 =	sadd.s32 $0x5A00, s26;
	s6 =	simm.s32 $0x6AB0;
	[tilespmem:s2+$0xFFFFFFF0] =	vst v0  }
0x43: {  	s8 =	sadd.s32 $0x5C00, s26;
	s5 =	simm.s32 $0x0;
	s13 =	sadd.s32 $0x5400, s26;
	[tilespmem:s2+$0xFFFFFFE0] =	vst v0  }
0x44: {  	s17 =	sadd.s32 $0x4A00, s26;
	s16 =	sadd.s32 $0x4E00, s26;
	s15 =	sadd.s32 $0x5200, s26;
	[tilespmem:s2+$0x0] =	vst v0  }
0x45: {  	s20 =	sadd.s32 $0x4600, s26;
	s19 =	sadd.s32 $0x4800, s26;
	s18 =	sadd.s32 $0x4C00, s26;
	[tilespmem:s4+$0xFFFFFFE0] =	vst v0  }
0x46: {  	s23 =	sadd.s32 $0x3A00, s26;
	s22 =	sadd.s32 $0x4200, s26;
	s21 =	sadd.s32 $0x4400, s26;
	[tilespmem:s4+$0x0] =	vst v0  }
.LBB2_1:
0x47: {  	s5 =	sadd.s32 $0x4, s5;
	[tilespmem:s4+$0xFFFFFFF0] =	vst v0;
	s0 =	sadd.s32 $0x40, s0;
	s2 =	sadd.s32 $0x40, s2  }
0x48: {  	s4 =	smov.u32 s6;
	[tilespmem:s0+$0x0] =	vst v0;
	p1 =	slt.u32 s5, $0x210  }
0x49: {  	[tilespmem:s0+$0xFFFFFFE0] =	vst v0  }
0x4a: {  	[tilespmem:s0+$0xFFFFFFF0] =	vst v0  }
0x4b: {  	[tilespmem:s0+$0x10] =	vst v0  }
0x4c: {  	[tilespmem:s2+$0x10] =	vst v0  }
0x4d: {  	[tilespmem:s6+$0x10] =	vst v0  }
.Ltmp0:
0x4e: {  	[tilespmem:s2+$0xFFFFFFF0] =	vst v0;
	(pc) =	sbr.rel @p1 .LBB2_1-.Ltmp0, $4  }
0x4f: {  	[tilespmem:s2+$0xFFFFFFE0] =	vst v0  }
0x50: {  	[tilespmem:s6+$0xFFFFFFE0] =	vst v0  }
0x51: {  	[tilespmem:s2+$0x0] =	vst v0  }
0x52: {  	s6 =	sadd.s32 $0x40, s6;
	[tilespmem:s4+$0x0] =	vst v0  }
0x53: {  	[tilespmem:s4+$0xFFFFFFF0] =	vst v0;
	s0 =	simm.s32 $0x1  }
0x54: {  	_ =	swait.ge [sflag:s0], $0xB90  }
0x55: {  	[sflag:s0] =	ssyncset.done $0x0  }
0x56: {  	[sflag:s0] =	ssyncadd.s32 $0xFFFFF470  }
0x57: {  	_ =	swait.ge [sflag:s0], $0xB90  }
0x58: {  	[sflag:s0] =	ssyncset.done $0x0  }
0x59: {  	[sflag:s0] =	ssyncadd.s32 $0xFFFFF470  }
0x5a: {  	_ =	swait.ge [sflag:s0], $0xB90  }
0x5b: {  	[sflag:s0] =	ssyncset.done $0x0  }
0x5c: {  	[sflag:s0] =	ssyncadd.s32 $0xFFFFF470  }
0x5d: {  	_ =	swait.ge [sflag:s0], $0x78  }
0x5e: {  	[sflag:s0] =	ssyncset.done $0x0  }
0x5f: {  	[sflag:s0] =	ssyncadd.s32 $0xFFFFFF88  }
0x60: {  	_ =	swait.ge [sflag:s0], $0x78  }
0x61: {  	[sflag:s0] =	ssyncset.done $0x0  }
0x62: {  	[sflag:s0] =	ssyncadd.s32 $0xFFFFFF88  }
0x63: {  	_ =	swait.ge [sflag:s0], $0x1  }
0x64: {  	[sflag:s0] =	ssyncset.done $0x0  }
0x65: {  	[sflag:s0] =	ssyncadd.s32 $0xFFFFFFFF  }
0x66: {  	_ =	swait.ge [sflag:s0], $0x1  }
0x67: {  	[sflag:s0] =	ssyncset.done $0x0  }
0x68: {  	[sflag:s0] =	ssyncadd.s32 $0xFFFFFFFF  }
0x69: {  	_ =	swait.ge [sflag:s0], $0x200  }
0x6a: {  	[sflag:s0] =	ssyncset.done $0x0  }
0x6b: {  	[sflag:s0] =	ssyncadd.s32 $0xFFFFFE00;
	s0 =	simm.s32 @!p0 $0x1  }
0x6c: {  	_ =	swait.ge @!p0 [sflag:s0], $0xB0  }
0x6d: {  	[sflag:s0] =	ssyncset.done @!p0 $0x0  }
0x6e: {  	[sflag:s0] =	ssyncadd.s32 @!p0 $0xFFFFFF50  }
0x6f: {  	_ =	swait.ge @!p0 [sflag:s0], $0xB0  }
0x70: {  	[sflag:s0] =	ssyncset.done @!p0 $0x0  }
0x71: {  	[sflag:s0] =	ssyncadd.s32 @!p0 $0xFFFFFF50  }
0x72: {  	_ =	swait.ge @!p0 [sflag:s0], $0xB0  }
0x73: {  	[sflag:s0] =	ssyncset.done @!p0 $0x0  }
0x74: {  	s5 =	simm.s32 $0xC60;
	[sflag:s0] =	ssyncadd.s32 @!p0 $0xFFFFFF50  }
0x75: {  	v1 =	vld [tilespmem:s5+$0x10]  }
0x76: {  	v2 =	vld [tilespmem:s5+$0xFFFFFFE0]  }
0x77: {  	s2 =	simm.s32 $0x18A0;
	v3 =	vld [tilespmem:s5+$0xFFFFFFF0]  }
0x78: {  	v4 =	vld [tilespmem:s2+$0x10]  }
0x79: {  	v6 =	vld [tilespmem:s2+$0xFFFFFFF0]  }
0x7a: {  	v7 =	vld [tilespmem:s2+$0xFFFFFFE0]  }
0x7b: {  	v0 =	vlaneseq.u32  }
0x7c: {  	v0 =	vmul.u32 $0x211, v0  }
0x7d: {  	s0 =	simm.s32 $0x24C0;
	v5 =	vld [tilespmem:s5+$0x0]  }
0x7e: {  	v4 =	vadd.s32 v0, v4;
	v1 =	vld.idx.msk [tilespmem:v1+s0+$0x0], $0xffff  }
0x7f: {  	v9 =	vadd.s32 v0, v6;
	v6 =	vadd.s32 v0, v7;
	v2 =	vld.idx.msk [tilespmem:v2+s0+$0x0], $0xffff;
	_ =	sdelay $0x1  }
0x80: {  	v8 =	vld [tilespmem:s2+$0x0]  }
0x81: {  	s2 =	simm.s32 $0x27D0;
	v3 =	vld.idx.msk [tilespmem:v3+s0+$0x0], $0xffff  }
0x82: {  	[tilespmem:v4+s2+$0x0] =	vst.idx.add.f32.msk $0xffff, v1  }
0x83: {  	[tilespmem:v6+s2+$0x0] =	vst.idx.add.f32.msk $0xffff, v2  }
0x84: {  	v7 =	vld [tilespmem:s5+$0x10]  }
0x85: {  	v2 =	vld [tilespmem:s5+$0xFFFFFFE0]  }
0x86: {  	v5 =	vld.idx.msk [tilespmem:v5+s0+$0x0], $0xffff;
	v1 =	vadd.s32 v0, v8  }
0x87: {  	[tilespmem:v9+s2+$0x0] =	vst.idx.add.f32.msk $0xffff, v3  }
0x88: {  	v3 =	vld [tilespmem:s5+$0xFFFFFFF0]  }
0x89: {  	s31 =	simm.s32 $0x18E0  }
0x8a: {  	v10 =	vld [tilespmem:s31+$0xFFFFFFF0]  }
0x8b: {  	s28 =	simm.s32 $0x2538;
	[tilespmem:v1+s2+$0x0] =	vst.idx.add.f32.msk $0xffff, v5  }
0x8c: {  	v7 =	vld.idx.msk [tilespmem:v7+s28+$0x0], $0xffff  }
0x8d: {  	v2 =	vld.idx.msk [tilespmem:v2+s28+$0x0], $0xffff  }
0x8e: {  	v5 =	vld [tilespmem:s5+$0x0]  }
0x8f: {  	v11 =	vld [tilespmem:s31+$0x0]  }
0x90: {  	s29 =	simm.s32 $0x4910;
	v3 =	vld.idx.msk [tilespmem:v3+s28+$0x0], $0xffff  }
0x91: {  	[tilespmem:v4+s29+$0x0] =	vst.idx.add.f32.msk $0xffff, v7  }
0x92: {  	s5 =	simm.s32 $0xCA0;
	[tilespmem:v6+s29+$0x0] =	vst.idx.add.f32.msk $0xffff, v2  }
0x93: {  	s6 =	simm.s32 $0x20;
	v2 =	vld [tilespmem:s5+$0x10]  }
0x94: {  	v7 =	vld [tilespmem:s6+$0x10]  }
0x95: {  	v8 =	vld [tilespmem:s31+$0x10]  }
0x96: {  	v5 =	vld.idx.msk [tilespmem:v5+s28+$0x0], $0xffff  }
0x97: {  	[tilespmem:v9+s29+$0x0] =	vst.idx.add.f32.msk $0xffff, v3  }
0x98: {  	s30 =	simm.s32 $0x6A50;
	v3 =	vld [tilespmem:s5+$0xFFFFFFE0]  }
0x99: {  	[tilespmem:v4+s30+$0x0] =	vst.idx.add.f32.msk $0xffff, v7  }
0x9a: {  	v4 =	vld [tilespmem:s5+$0xFFFFFFF0]  }
0x9b: {  	v12 =	vld [tilespmem:s31+$0xFFFFFFE0]  }
0x9c: {  	v8 =	vadd.s32 v0, v8;
	v13 =	vld.idx.msk [tilespmem:v2+s0+$0x0], $0xffff  }
0x9d: {  	v56 =	vld [tilespmem:s6+$0xFFFFFFE0]  }
0x9e: {  	v7 =	vld [tilespmem:s5+$0x0]  }
0x9f: {  	[tilespmem:v1+s29+$0x0] =	vst.idx.add.f32.msk $0xffff, v5  }
0xa0: {  	v14 =	vld.idx.msk [tilespmem:v3+s0+$0x0], $0xffff;
	v3 =	vadd.s32 v0, v12  }
0xa1: {  	[tilespmem:v8+s2+$0x0] =	vst.idx.add.f32.msk $0xffff, v13  }
0xa2: {  	v15 =	vld.idx.msk [tilespmem:v4+s0+$0x0], $0xffff  }
0xa3: {  	v2 =	vadd.s32 v0, v10;
	v5 =	vld [tilespmem:s5+$0x10]  }
0xa4: {  	v59 =	vld [tilespmem:s6+$0xFFFFFFF0]  }
0xa5: {  	[tilespmem:v3+s2+$0x0] =	vst.idx.add.f32.msk $0xffff, v14  }
0xa6: {  	v7 =	vld.idx.msk [tilespmem:v7+s0+$0x0], $0xffff  }
0xa7: {  	v4 =	vadd.s32 v0, v11;
	v57 =	vld [tilespmem:s5+$0xFFFFFFE0]  }
0xa8: {  	[tilespmem:v2+s2+$0x0] =	vst.idx.add.f32.msk $0xffff, v15  }
0xa9: {  	v58 =	vld [tilespmem:s5+$0xFFFFFFF0]  }
0xaa: {  	[tilespmem:v6+s30+$0x0] =	vst.idx.add.f32.msk $0xffff, v56  }
0xab: {  	v60 =	vld.idx.msk [tilespmem:v5+s28+$0x0], $0xffff  }
0xac: {  	[tilespmem:v4+s2+$0x0] =	vst.idx.add.f32.msk $0xffff, v7  }
0xad: {  	v7 =	vld [tilespmem:s5+$0x0]  }
0xae: {  	[tilespmem:v9+s30+$0x0] =	vst.idx.add.f32.msk $0xffff, v59  }
0xaf: {  	v61 =	vld.idx.msk [tilespmem:v57+s28+$0x0], $0xffff  }
0xb0: {  	[tilespmem:v8+s29+$0x0] =	vst.idx.add.f32.msk $0xffff, v60  }
0xb1: {  	s4 =	simm.s32 $0x60;
	v62 =	vld.idx.msk [tilespmem:v58+s28+$0x0], $0xffff  }
0xb2: {  	v63 =	vld [tilespmem:s4+$0x10]  }
0xb3: {  	v5 =	vld [tilespmem:s6+$0x0]  }
0xb4: {  	[tilespmem:v3+s29+$0x0] =	vst.idx.add.f32.msk $0xffff, v61  }
0xb5: {  	v6 =	vld.idx.msk [tilespmem:v7+s28+$0x0], $0xffff  }
0xb6: {  	[tilespmem:v2+s29+$0x0] =	vst.idx.add.f32.msk $0xffff, v62  }
0xb7: {  	s5 =	simm.s32 $0x4;
	s6 =	simm.s32 $0xCE0;
	[tilespmem:v8+s30+$0x0] =	vst.idx.add.f32.msk $0xffff, v63  }
.LBB2_3:
0xb8: {  	v7 =	vld [tilespmem:s6+$0x10];
	s5 =	sadd.s32 $0x4, s5  }
0xb9: {  	v8 =	vld [tilespmem:s6+$0xFFFFFFE0];
	p1 =	slt.u32 s5, $0xB4  }
0xba: {  	v9 =	vld [tilespmem:s6+$0xFFFFFFF0]  }
0xbb: {  	s31 =	sadd.s32 $0x40, s31;
	v10 =	vld [tilespmem:s6+$0x0]  }
0xbc: {  	v11 =	vld [tilespmem:s31+$0x10]  }
0xbd: {  	v12 =	vld [tilespmem:s31+$0xFFFFFFF0]  }
0xbe: {  	v13 =	vld [tilespmem:s31+$0x0]  }
0xbf: {  	v14 =	vld [tilespmem:s31+$0xFFFFFFE0]  }
0xc0: {  	v7 =	vld.idx.msk [tilespmem:v7+s0+$0x0], $0xffff  }
0xc1: {  	v8 =	vld.idx.msk [tilespmem:v8+s0+$0x0], $0xffff;
	v11 =	vadd.s32 v0, v11  }
0xc2: {  	v12 =	vadd.s32 v0, v12;
	v9 =	vld.idx.msk [tilespmem:v9+s0+$0x0], $0xffff  }
0xc3: {  	v13 =	vadd.s32 v0, v13;
	v10 =	vld.idx.msk [tilespmem:v10+s0+$0x0], $0xffff  }
0xc4: {  	v14 =	vadd.s32 v0, v14;
	[tilespmem:v4+s29+$0x0] =	vst.idx.add.f32.msk $0xffff, v6  }
0xc5: {  	v6 =	vld [tilespmem:s4+$0xFFFFFFE0]  }
0xc6: {  	[tilespmem:v11+s2+$0x0] =	vst.idx.add.f32.msk $0xffff, v7  }
0xc7: {  	v7 =	vld [tilespmem:s6+$0x10]  }
0xc8: {  	[tilespmem:v12+s2+$0x0] =	vst.idx.add.f32.msk $0xffff, v9  }
0xc9: {  	[tilespmem:v14+s2+$0x0] =	vst.idx.add.f32.msk $0xffff, v8  }
0xca: {  	[tilespmem:v13+s2+$0x0] =	vst.idx.add.f32.msk $0xffff, v10  }
0xcb: {  	v8 =	vld [tilespmem:s6+$0xFFFFFFE0]  }
0xcc: {  	v9 =	vld [tilespmem:s6+$0xFFFFFFF0]  }
0xcd: {  	v10 =	vld [tilespmem:s6+$0x0]  }
0xce: {  	v15 =	vld [tilespmem:s4+$0xFFFFFFF0]  }
0xcf: {  	v7 =	vld.idx.msk [tilespmem:v7+s28+$0x0], $0xffff  }
0xd0: {  	v16 =	vld [tilespmem:s4+$0x0]  }
0xd1: {  	[tilespmem:v3+s30+$0x0] =	vst.idx.add.f32.msk $0xffff, v6;
	v3 =	vmov v14  }
0xd2: {  	[tilespmem:v1+s30+$0x0] =	vst.idx.add.f32.msk $0xffff, v5;
	v1 =	vmov v4;
	v4 =	vmov v13  }
0xd3: {  	v8 =	vld.idx.msk [tilespmem:v8+s28+$0x0], $0xffff  }
0xd4: {  	v9 =	vld.idx.msk [tilespmem:v9+s28+$0x0], $0xffff  }
0xd5: {  	s4 =	sadd.s32 $0x40, s4;
	[tilespmem:v11+s29+$0x0] =	vst.idx.add.f32.msk $0xffff, v7;
	v5 =	vmov v16  }
0xd6: {  	v7 =	vld [tilespmem:s4+$0x10]  }
.Ltmp1:
0xd7: {  	v6 =	vld.idx.msk [tilespmem:v10+s28+$0x0], $0xffff;
	(pc) =	sbr.rel @p1 .LBB2_3-.Ltmp1, $4  }
0xd8: {  	[tilespmem:v2+s30+$0x0] =	vst.idx.add.f32.msk $0xffff, v15;
	v2 =	vmov v12  }
0xd9: {  	[tilespmem:v14+s29+$0x0] =	vst.idx.add.f32.msk $0xffff, v8  }
0xda: {  	[tilespmem:v12+s29+$0x0] =	vst.idx.add.f32.msk $0xffff, v9  }
0xdb: {  	s6 =	sadd.s32 $0x40, s6;
	[tilespmem:v11+s30+$0x0] =	vst.idx.add.f32.msk $0xffff, v7  }
0xdc: {  	_ =	sdelay $0x2  }
0xdd: {  	v0 =	vld [tilespmem:s4+$0xFFFFFFE0]  }
0xde: {  	[tilespmem:v4+s29+$0x0] =	vst.idx.add.f32.msk $0xffff, v6  }
0xdf: {  	v63 =	vld [tilespmem:s4+$0xFFFFFFF0]  }
0xe0: {  	v7 =	vld [tilespmem:s4+$0x0];
	_ =	sdelay $0x1  }
0xe1: {  	[tilespmem:v1+s30+$0x0] =	vst.idx.add.f32.msk $0xffff, v5  }
0xe2: {  	[tilespmem:v3+s30+$0x0] =	vst.idx.add.f32.msk $0xffff, v0  }
0xe3: {  	[tilespmem:v2+s30+$0x0] =	vst.idx.add.f32.msk $0xffff, v63  }
0xe4: {  	[tilespmem:v4+s30+$0x0] =	vst.idx.add.f32.msk $0xffff, v7  }
0xe5: {  	v1 =	vld [tilespmem:$0x17C0];
	_ =	sdelay $0x2  }
0xe6: {  	v2 =	vld [tilespmem:$0x2400];
	_ =	sdelay $0x1  }
0xe7: {  	v0 =	vlaneseq.u32  }
0xe8: {  	v0 =	vmul.u32 $0x211, v0  }
0xe9: {  	s6 =	simm.s32 $0x24C0  }
0xea: {  	v2 =	vadd.s32 v0, v2;
	v1 =	vld.idx.msk [tilespmem:v1+s6+$0x0], $0xffff;
	_ =	sdelay $0x3  }
0xeb: {  	s5 =	simm.s32 $0x27D0  }
0xec: {  	[tilespmem:v2+s5+$0x0] =	vst.idx.add.f32.msk $0xffff, v1  }
0xed: {  	v1 =	vld [tilespmem:$0x17C0];
	_ =	sdelay $0x6  }
0xee: {  	s4 =	simm.s32 $0x2538  }
0xef: {  	v1 =	vld.idx.msk [tilespmem:v1+s4+$0x0], $0xffff;
	_ =	sdelay $0x3  }
0xf0: {  	s2 =	simm.s32 $0x4910  }
0xf1: {  	[tilespmem:v2+s2+$0x0] =	vst.idx.add.f32.msk $0xffff, v1  }
0xf2: {  	v1 =	vld [tilespmem:$0xB80]  }
.Ltmp2:
0xf3: {  	_ = 	snop;
	(pc) =	sbr.rel @p0 .LBB2_8-.Ltmp2, $3  }
0xf4: {  	_ =	sdelay $0x1  }
0xf5: {  	s0 =	simm.s32 $0x6A50  }
0xf6: {  	[tilespmem:v2+s0+$0x0] =	vst.idx.add.f32.msk $0xffff, v1  }
0xf7: {  	[smem:$0x7F2] =	sst s25;
	s28 =	simm.s32 $0x0  }
0xf8: {  	v1 =	vld [tilespmem:s28+$0x17D0];
	_ =	sdelay $0x2  }
0xf9: {  	v2 =	vld [tilespmem:s28+$0x2410];
	_ =	sdelay $0x2  }
0xfa: {  	s29 =	simm.s32 $0x10  }
0xfb: {  	v3 =	vld [tilespmem:s29+$0x17D0]  }
0xfc: {  	v4 =	vld.idx.msk [tilespmem:v1+s6+$0x0], $0xffff;
	v1 =	vadd.s32 v0, v2;
	_ =	sdelay $0x1  }
0xfd: {  	v2 =	vld [tilespmem:s29+$0x2410]  }
0xfe: {  	s30 =	simm.s32 $0x20  }
0xff: {  	v8 =	vld [tilespmem:s30+$0x17D0]  }
0x100: {  	[tilespmem:v1+s5+$0x0] =	vst.idx.add.f32.msk $0xffff, v4  }
0x101: {  	v4 =	vld [tilespmem:s28+$0x17D0]  }
0x102: {  	v3 =	vld.idx.msk [tilespmem:v3+s6+$0x0], $0xffff;
	v2 =	vadd.s32 v0, v2;
	_ =	sdelay $0x1  }
0x103: {  	s25 =	smov.u32 s3;
	s3 =	smov.u32 s24;
	s24 =	smov.u32 s23  }
0x104: {  	s1 =	smov.u32 s22;
	s23 =	smov.u32 s21;
	s31 =	simm.s32 $0x30;
	v9 =	vld [tilespmem:s30+$0x2410]  }
0x105: {  	s22 =	smov.u32 s20;
	s21 =	smov.u32 s19;
	s20 =	smov.u32 s18;
	v6 =	vld [tilespmem:s31+$0x17D0]  }
0x106: {  	s19 =	smov.u32 s17;
	s18 =	smov.u32 s16;
	s17 =	smov.u32 s15;
	[tilespmem:v2+s5+$0x0] =	vst.idx.add.f32.msk $0xffff, v3  }
0x107: {  	s16 =	smov.u32 s14;
	s15 =	smov.u32 s13;
	s14 =	smov.u32 s12;
	v5 =	vld [tilespmem:s29+$0x17D0]  }
0x108: {  	s13 =	smov.u32 s11;
	s12 =	smov.u32 s10;
	s11 =	smov.u32 s9;
	v7 =	vld.idx.msk [tilespmem:v4+s4+$0x0], $0xffff  }
0x109: {  	s10 =	smov.u32 s8;
	s9 =	smov.u32 s7;
	s7 =	simm.s32 $0x100;
	v9 =	vadd.s32 v0, v9;
	v8 =	vld.idx.msk [tilespmem:v8+s6+$0x0], $0xffff;
	v3 =	vmov v1;
	v4 =	vmov v2  }
.LBB2_6:
0x10a: {  	v10 =	vmov v2;
	v2 =	vmov v9  }
0x10b: {  	s8 =	sshra.s32 s7, $0x2;
	p0 =	sne.s32 s7, $0x280;
	v9 =	vld [tilespmem:s31+$0x2410]  }
0x10c: {  	v11 =	vld [tilespmem:s8+$0x17D0]  }
0x10d: {  	[tilespmem:v1+s2+$0x0] =	vst.idx.add.f32.msk $0xffff, v7;
	v1 =	vmov v10  }
0x10e: {  	v10 =	vld [tilespmem:s28+$0xB90];
	s28 =	smov.u32 s29;
	s29 =	smov.u32 s30;
	s30 =	smov.u32 s31  }
.Ltmp3:
0x10f: {  	s31 =	smov.u32 s8;
	[tilespmem:v2+s5+$0x0] =	vst.idx.add.f32.msk $0xffff, v8;
	(pc) =	sbr.rel @p0 .LBB2_6-.Ltmp3, $4  }
0x110: {  	v7 =	vld.idx.msk [tilespmem:v5+s4+$0x0], $0xffff  }
0x111: {  	v5 =	vld [tilespmem:s29+$0x17D0]  }
0x112: {  	v8 =	vld.idx.msk [tilespmem:v6+s6+$0x0], $0xffff;
	v6 =	vmov v11  }
0x113: {  	s7 =	sadd.s32 $0x40, s7;
	v9 =	vadd.s32 v0, v9;
	[tilespmem:v3+s0+$0x0] =	vst.idx.add.f32.msk $0xffff, v10;
	v3 =	vmov v4;
	v4 =	vmov v2  }
0x114: {  	v10 =	vld [tilespmem:s31+$0x2410];
	_ =	sdelay $0x4  }
0x115: {  	v6 =	vld.idx.msk [tilespmem:v6+s6+$0x0], $0xffff;
	v0 =	vadd.s32 v0, v10;
	_ =	sdelay $0x2  }
0x116: {  	[tilespmem:v9+s5+$0x0] =	vst.idx.add.f32.msk $0xffff, v8  }
0x117: {  	v8 =	vld [tilespmem:s30+$0x17D0]  }
0x118: {  	[tilespmem:v0+s5+$0x0] =	vst.idx.add.f32.msk $0xffff, v6  }
0x119: {  	v6 =	vld [tilespmem:s31+$0x17D0];
	_ =	sdelay $0x3  }
0x11a: {  	v5 =	vld.idx.msk [tilespmem:v5+s4+$0x0], $0xffff  }
0x11b: {  	[tilespmem:v1+s2+$0x0] =	vst.idx.add.f32.msk $0xffff, v7  }
0x11c: {  	v62 =	vld.idx.msk [tilespmem:v8+s4+$0x0], $0xffff  }
0x11d: {  	v7 =	vld [tilespmem:s28+$0xB90]  }
0x11e: {  	v6 =	vld.idx.msk [tilespmem:v6+s4+$0x0], $0xffff  }
0x11f: {  	[tilespmem:v2+s2+$0x0] =	vst.idx.add.f32.msk $0xffff, v5  }
0x120: {  	v2 =	vld [tilespmem:s29+$0xB90]  }
0x121: {  	[tilespmem:v9+s2+$0x0] =	vst.idx.add.f32.msk $0xffff, v62  }
0x122: {  	v1 =	vld [tilespmem:s30+$0xB90]  }
0x123: {  	[tilespmem:v0+s2+$0x0] =	vst.idx.add.f32.msk $0xffff, v6  }
0x124: {  	s7 =	smov.u32 s9;
	s8 =	smov.u32 s10;
	s9 =	smov.u32 s11;
	v63 =	vld [tilespmem:s31+$0xB90]  }
0x125: {  	s10 =	smov.u32 s12;
	s11 =	smov.u32 s13;
	s12 =	smov.u32 s14  }
0x126: {  	s13 =	smov.u32 s15;
	s14 =	smov.u32 s16;
	s15 =	smov.u32 s17;
	[tilespmem:v3+s0+$0x0] =	vst.idx.add.f32.msk $0xffff, v7  }
0x127: {  	s16 =	smov.u32 s18;
	s17 =	smov.u32 s19;
	s18 =	smov.u32 s20;
	[tilespmem:v4+s0+$0x0] =	vst.idx.add.f32.msk $0xffff, v2  }
0x128: {  	s19 =	smov.u32 s21;
	s20 =	smov.u32 s22;
	s21 =	smov.u32 s23;
	[tilespmem:v9+s0+$0x0] =	vst.idx.add.f32.msk $0xffff, v1  }
0x129: {  	s22 =	smov.u32 s1;
	s1 =	stileid.u32;
	s23 =	smov.u32 s24;
	[tilespmem:v0+s0+$0x0] =	vst.idx.add.f32.msk $0xffff, v63  }
0x12a: {  	s24 =	smov.u32 s3;
	s3 =	smov.u32 s25;
	s25 =	sld [smem:$0x7F2]  }
.LBB2_8:
0x12b: {  	s4 =	simm.s32 $0x3858  }
0x12c: {  	v1 =	vld [tilespmem:s4+$0xFFFFEF88]  }
0x12d: {  	v2 =	vld [tilespmem:s4+$0xFFFFF199]  }
0x12e: {  	v3 =	vld [tilespmem:s4+$0xFFFFF3AA]  }
0x12f: {  	v4 =	vld [tilespmem:s4+$0xFFFFF5BB]  }
0x130: {  	v5 =	vld [tilespmem:s4+$0xFFFFF7CC]  }
0x131: {  	v6 =	vld [tilespmem:s4+$0xFFFFF9DD]  }
0x132: {  	v7 =	vld [tilespmem:s4+$0xFFFFFBEE]  }
0x133: {  	v8 =	vld [tilespmem:s4+$0xFFFFFDFF]  }
0x134: {  	v9 =	vld [tilespmem:s4+$0x10]  }
0x135: {  	v10 =	vld [tilespmem:s4+$0x221]  }
0x136: {  	v11 =	vld [tilespmem:s4+$0x432]  }
0x137: {  	v12 =	vld [tilespmem:s4+$0x643]  }
0x138: {  	v13 =	vld [tilespmem:s4+$0x854]  }
0x139: {  	v14 =	vld [tilespmem:s4+$0xA65]  }
0x13a: {  	v15 =	vld [tilespmem:s4+$0xC76]  }
0x13b: {  	v16 =	vld [tilespmem:s4+$0xE87]  }
0x13c: {  	v0 =	vld [tilespmem:s4+$0xFFFFF189]  }
0x13d: {  	v17 =	vld [tilespmem:s4+$0xFFFFF39A]  }
0x13e: {  	v18 =	vld [tilespmem:s4+$0xFFFFF5AB]  }
0x13f: {  	v19 =	vld [tilespmem:s4+$0xFFFFF7BC]  }
0x140: {  	v62 =	vld [tilespmem:s4+$0x0];
	v1 =	vadd.f32 v2, v1;
	v2 =	vadd.f32 v4, v3  }
0x141: {  	v63 =	vld [tilespmem:s4+$0x211];
	v3 =	vadd.f32 v6, v5;
	v5 =	vadd.f32 v8, v7  }
0x142: {  	v4 =	vld [tilespmem:s4+$0xFFFFF9CD];
	v7 =	vadd.f32 v10, v9;
	v8 =	vadd.f32 v12, v11  }
0x143: {  	v6 =	vld [tilespmem:s4+$0xFFFFFBDE];
	v10 =	vadd.f32 v14, v13;
	v11 =	vadd.f32 v16, v15  }
0x144: {  	v9 =	vld [tilespmem:s4+$0xFFFFFDEF];
	v1 =	vadd.f32 v2, v1;
	v2 =	vadd.f32 v5, v3  }
0x145: {  	v3 =	vadd.f32 v8, v7;
	v5 =	vadd.f32 v11, v10;
	v10 =	vld [tilespmem:s4+$0x422]  }
0x146: {  	v11 =	vld [tilespmem:s4+$0x633]  }
0x147: {  	v1 =	vadd.f32 v2, v1;
	v2 =	vadd.f32 v5, v3;
	v3 =	vld [tilespmem:s4+$0x844]  }
0x148: {  	v5 =	vld [tilespmem:s4+$0xA55];
	v8 =	vadd.f32 v4, v19  }
0x149: {  	v7 =	vld [tilespmem:s4+$0xE77];
	v9 =	vadd.f32 v9, v6;
	v2 =	vadd.f32 v2, v1  }
0x14a: {  	s0 =	simm.s32 $0x8BA0;
	v4 =	vld [tilespmem:s4+$0xC66];
	v6 =	vadd.f32 v63, v62;
	v1 =	vadd.f32 v18, v17  }
0x14b: {  	s2 =	simm.s32 $0x0;
	s28 =	simm.s32 $0x3878;
	[tilespmem:s0+$0x0] =	vst v2;
	v2 =	vadd.f32 v9, v8;
	v8 =	vld [tilespmem:s4+$0xFFFFEF78];
	v9 =	vadd.f32 v11, v10  }
.LBB2_9:
0x14c: {  	v10 =	vld [tilespmem:s28+$0xFFFFEF88]  }
0x14d: {  	v11 =	vld [tilespmem:s28+$0xFFFFF199];
	v3 =	vadd.f32 v5, v3;
	v5 =	vadd.f32 v9, v6  }
0x14e: {  	v6 =	vld [tilespmem:s28+$0xFFFFF3AA]  }
0x14f: {  	v9 =	vld [tilespmem:s28+$0xFFFFF5BB];
	v4 =	vadd.f32 v7, v4  }
0x150: {  	v7 =	vld [tilespmem:s28+$0xFFFFF7CC];
	v0 =	vadd.f32 v0, v8  }
0x151: {  	v8 =	vld [tilespmem:s28+$0xFFFFF9DD];
	v3 =	vadd.f32 v4, v3  }
0x152: {  	v4 =	vld [tilespmem:s28+$0xFFFFFBEE];
	v0 =	vadd.f32 v1, v0  }
0x153: {  	v1 =	vld [tilespmem:s28+$0xFFFFFDFF];
	v3 =	vadd.f32 v3, v5  }
0x154: {  	v5 =	vld [tilespmem:s28+$0x10];
	v0 =	vadd.f32 v2, v0  }
0x155: {  	v2 =	vld [tilespmem:s28+$0x221]  }
0x156: {  	v12 =	vld [tilespmem:s28+$0x432];
	v0 =	vadd.f32 v3, v0  }
0x157: {  	v3 =	vld [tilespmem:s28+$0x643]  }
0x158: {  	v13 =	vld [tilespmem:s28+$0x854];
	[tilespmem:s0+$0xFFFFFFF0] =	vst v0  }
0x159: {  	v14 =	vld [tilespmem:s28+$0xA65]  }
0x15a: {  	v15 =	vld [tilespmem:s28+$0xC76]  }
0x15b: {  	s2 =	sadd.s32 $0x2, s2;
	v16 =	vld [tilespmem:s28+$0xE87]  }
0x15c: {  	p0 =	slt.u32 s2, $0x1E;
	v0 =	vld [tilespmem:s28+$0xFFFFF189]  }
0x15d: {  	v10 =	vadd.f32 v11, v10;
	v6 =	vadd.f32 v9, v6;
	v17 =	vld [tilespmem:s28+$0xFFFFF39A]  }
0x15e: {  	v7 =	vadd.f32 v8, v7;
	v1 =	vadd.f32 v1, v4;
	v9 =	vld [tilespmem:s28+$0xFFFFF5AB]  }
0x15f: {  	v2 =	vadd.f32 v2, v5;
	v3 =	vadd.f32 v3, v12;
	v4 =	vld [tilespmem:s28+$0xFFFFF7BC]  }
0x160: {  	v8 =	vadd.f32 v14, v13;
	v5 =	vld [tilespmem:s28+$0xFFFFF9CD];
	v11 =	vadd.f32 v16, v15  }
0x161: {  	v6 =	vadd.f32 v6, v10;
	v7 =	vadd.f32 v1, v7;
	v12 =	vld [tilespmem:s28+$0xFFFFFBDE]  }
0x162: {  	v2 =	vadd.f32 v3, v2;
	v10 =	vld [tilespmem:s28+$0xFFFFFDEF];
	v3 =	vadd.f32 v11, v8  }
0x163: {  	v8 =	vld [tilespmem:s28+$0x0];
	v1 =	vadd.f32 v9, v17  }
0x164: {  	v6 =	vadd.f32 v7, v6;
	v9 =	vld [tilespmem:s28+$0x211];
	v2 =	vadd.f32 v3, v2  }
0x165: {  	v11 =	vld [tilespmem:s28+$0x422];
	v7 =	vadd.f32 v5, v4  }
0x166: {  	v13 =	vld [tilespmem:s28+$0x633];
	v2 =	vadd.f32 v2, v6  }
.Ltmp4:
0x167: {  	s0 =	sadd.s32 $0x20, s0;
	v3 =	vld [tilespmem:s28+$0x844];
	v10 =	vadd.f32 v10, v12;
	(pc) =	sbr.rel @p0 .LBB2_9-.Ltmp4, $4  }
0x168: {  	v5 =	vld [tilespmem:s28+$0xA55];
	[tilespmem:s0+$0x0] =	vst v2  }
0x169: {  	v4 =	vld [tilespmem:s28+$0xC66];
	v6 =	vadd.f32 v9, v8;
	v2 =	vadd.f32 v10, v7  }
0x16a: {  	v7 =	vld [tilespmem:s28+$0xE77]  }
0x16b: {  	v8 =	vld [tilespmem:s28+$0xFFFFEF78];
	v9 =	vadd.f32 v13, v11;
	s28 =	sadd.s32 $0x20, s28  }
0x16c: {  	_ =	sdelay $0x2  }
0x16d: {  	v3 =	vadd.f32 v5, v3  }
0x16e: {  	v4 =	vadd.f32 v7, v4;
	v0 =	vadd.f32 v0, v8  }
0x16f: {  	v5 =	vadd.f32 v9, v6  }
0x170: {  	v3 =	vadd.f32 v4, v3;
	v0 =	vadd.f32 v1, v0;
	_ =	sdelay $0x1  }
0x171: {  	v1 =	vadd.f32 v3, v5;
	v0 =	vadd.f32 v2, v0;
	_ =	sdelay $0x1  }
0x172: {  	v0 =	vadd.f32 v1, v0;
	_ =	sdelay $0x1  }
0x173: {  	s30 =	simm.s32 $0x8B90;
	s31 =	simm.s32 $0x3;
	[tilespmem:s0+$0xFFFFFFF0] =	vst v0  }
0x174: {  	[spmem:s25] =	stream.linear.scatter [tilespmem:s30], [sflag:$0x3], $0x200, $0x38;
	[tilespmem:$0x9DB0] =	vst v63  }
0x175: {  	_ =	swait.ge [sflag:s31], $0x200  }
0x176: {  	[sflag:s31] =	ssyncset.done $0x0  }
0x177: {  	s4 =	simm.s32 $0x5998;
	[sflag:s31] =	ssyncadd.s32 $0xFFFFFE00  }
0x178: {  	v1 =	vld [tilespmem:s4+$0xFFFFEF88]  }
0x179: {  	v2 =	vld [tilespmem:s4+$0xFFFFF199]  }
0x17a: {  	v3 =	vld [tilespmem:s4+$0xFFFFF3AA]  }
0x17b: {  	v4 =	vld [tilespmem:s4+$0xFFFFF5BB]  }
0x17c: {  	v5 =	vld [tilespmem:s4+$0xFFFFF7CC]  }
0x17d: {  	v6 =	vld [tilespmem:s4+$0xFFFFF9DD]  }
0x17e: {  	v7 =	vld [tilespmem:s4+$0xFFFFFBEE]  }
0x17f: {  	v8 =	vld [tilespmem:s4+$0xFFFFFDFF]  }
0x180: {  	v9 =	vld [tilespmem:s4+$0x10]  }
0x181: {  	v10 =	vld [tilespmem:s4+$0x221]  }
0x182: {  	v11 =	vld [tilespmem:s4+$0x432]  }
0x183: {  	v12 =	vld [tilespmem:s4+$0x643]  }
0x184: {  	v13 =	vld [tilespmem:s4+$0x854]  }
0x185: {  	v14 =	vld [tilespmem:s4+$0xA65]  }
0x186: {  	v15 =	vld [tilespmem:s4+$0xC76]  }
0x187: {  	v16 =	vld [tilespmem:s4+$0xE87]  }
0x188: {  	v0 =	vld [tilespmem:s4+$0xFFFFF189]  }
0x189: {  	v17 =	vld [tilespmem:s4+$0xFFFFF39A]  }
0x18a: {  	v18 =	vld [tilespmem:s4+$0xFFFFF5AB]  }
0x18b: {  	v19 =	vld [tilespmem:s4+$0xFFFFF7BC]  }
0x18c: {  	v62 =	vld [tilespmem:s4+$0x0];
	v1 =	vadd.f32 v2, v1;
	v2 =	vadd.f32 v4, v3  }
0x18d: {  	v63 =	vld [tilespmem:s4+$0x211];
	v3 =	vadd.f32 v6, v5;
	v5 =	vadd.f32 v8, v7  }
0x18e: {  	v4 =	vld [tilespmem:s4+$0xFFFFF9CD];
	v7 =	vadd.f32 v10, v9;
	v8 =	vadd.f32 v12, v11  }
0x18f: {  	v6 =	vld [tilespmem:s4+$0xFFFFFBDE];
	v10 =	vadd.f32 v14, v13;
	v11 =	vadd.f32 v16, v15  }
0x190: {  	v9 =	vld [tilespmem:s4+$0xFFFFFDEF];
	v1 =	vadd.f32 v2, v1;
	v2 =	vadd.f32 v5, v3  }
0x191: {  	v3 =	vadd.f32 v8, v7;
	v5 =	vadd.f32 v11, v10;
	v10 =	vld [tilespmem:s4+$0x422]  }
0x192: {  	v11 =	vld [tilespmem:s4+$0x633]  }
0x193: {  	v1 =	vadd.f32 v2, v1;
	v2 =	vadd.f32 v5, v3;
	v3 =	vld [tilespmem:s4+$0x844]  }
0x194: {  	v5 =	vld [tilespmem:s4+$0xA55];
	v8 =	vadd.f32 v4, v19  }
0x195: {  	v7 =	vld [tilespmem:s4+$0xE77];
	v9 =	vadd.f32 v9, v6;
	v2 =	vadd.f32 v2, v1  }
0x196: {  	s0 =	simm.s32 $0x8DA0;
	v4 =	vld [tilespmem:s4+$0xC66];
	v6 =	vadd.f32 v63, v62;
	v1 =	vadd.f32 v18, v17  }
0x197: {  	s2 =	simm.s32 $0x0;
	s25 =	simm.s32 $0x59B8;
	[tilespmem:s0+$0x0] =	vst v2;
	v2 =	vadd.f32 v9, v8;
	v8 =	vld [tilespmem:s4+$0xFFFFEF78];
	v9 =	vadd.f32 v11, v10  }
.LBB2_11:
0x198: {  	v10 =	vld [tilespmem:s25+$0xFFFFEF88]  }
0x199: {  	v11 =	vld [tilespmem:s25+$0xFFFFF199];
	v3 =	vadd.f32 v5, v3;
	v5 =	vadd.f32 v9, v6  }
0x19a: {  	v6 =	vld [tilespmem:s25+$0xFFFFF3AA]  }
0x19b: {  	v9 =	vld [tilespmem:s25+$0xFFFFF5BB];
	v4 =	vadd.f32 v7, v4  }
0x19c: {  	v7 =	vld [tilespmem:s25+$0xFFFFF7CC];
	v0 =	vadd.f32 v0, v8  }
0x19d: {  	v8 =	vld [tilespmem:s25+$0xFFFFF9DD];
	v3 =	vadd.f32 v4, v3  }
0x19e: {  	v4 =	vld [tilespmem:s25+$0xFFFFFBEE];
	v0 =	vadd.f32 v1, v0  }
0x19f: {  	v1 =	vld [tilespmem:s25+$0xFFFFFDFF];
	v3 =	vadd.f32 v3, v5  }
0x1a0: {  	v5 =	vld [tilespmem:s25+$0x10];
	v0 =	vadd.f32 v2, v0  }
0x1a1: {  	v2 =	vld [tilespmem:s25+$0x221]  }
0x1a2: {  	v12 =	vld [tilespmem:s25+$0x432];
	v0 =	vadd.f32 v3, v0  }
0x1a3: {  	v3 =	vld [tilespmem:s25+$0x643]  }
0x1a4: {  	v13 =	vld [tilespmem:s25+$0x854];
	[tilespmem:s0+$0xFFFFFFF0] =	vst v0  }
0x1a5: {  	v14 =	vld [tilespmem:s25+$0xA65]  }
0x1a6: {  	v15 =	vld [tilespmem:s25+$0xC76]  }
0x1a7: {  	s2 =	sadd.s32 $0x2, s2;
	v16 =	vld [tilespmem:s25+$0xE87]  }
0x1a8: {  	p0 =	slt.u32 s2, $0x1E;
	v0 =	vld [tilespmem:s25+$0xFFFFF189]  }
0x1a9: {  	v10 =	vadd.f32 v11, v10;
	v6 =	vadd.f32 v9, v6;
	v17 =	vld [tilespmem:s25+$0xFFFFF39A]  }
0x1aa: {  	v7 =	vadd.f32 v8, v7;
	v1 =	vadd.f32 v1, v4;
	v9 =	vld [tilespmem:s25+$0xFFFFF5AB]  }
0x1ab: {  	v2 =	vadd.f32 v2, v5;
	v3 =	vadd.f32 v3, v12;
	v4 =	vld [tilespmem:s25+$0xFFFFF7BC]  }
0x1ac: {  	v8 =	vadd.f32 v14, v13;
	v5 =	vld [tilespmem:s25+$0xFFFFF9CD];
	v11 =	vadd.f32 v16, v15  }
0x1ad: {  	v6 =	vadd.f32 v6, v10;
	v7 =	vadd.f32 v1, v7;
	v12 =	vld [tilespmem:s25+$0xFFFFFBDE]  }
0x1ae: {  	v2 =	vadd.f32 v3, v2;
	v10 =	vld [tilespmem:s25+$0xFFFFFDEF];
	v3 =	vadd.f32 v11, v8  }
0x1af: {  	v8 =	vld [tilespmem:s25+$0x0];
	v1 =	vadd.f32 v9, v17  }
0x1b0: {  	v6 =	vadd.f32 v7, v6;
	v9 =	vld [tilespmem:s25+$0x211];
	v2 =	vadd.f32 v3, v2  }
0x1b1: {  	v11 =	vld [tilespmem:s25+$0x422];
	v7 =	vadd.f32 v5, v4  }
0x1b2: {  	v13 =	vld [tilespmem:s25+$0x633];
	v2 =	vadd.f32 v2, v6  }
.Ltmp5:
0x1b3: {  	s0 =	sadd.s32 $0x20, s0;
	v3 =	vld [tilespmem:s25+$0x844];
	v10 =	vadd.f32 v10, v12;
	(pc) =	sbr.rel @p0 .LBB2_11-.Ltmp5, $4  }
0x1b4: {  	v5 =	vld [tilespmem:s25+$0xA55];
	[tilespmem:s0+$0x0] =	vst v2  }
0x1b5: {  	v4 =	vld [tilespmem:s25+$0xC66];
	v6 =	vadd.f32 v9, v8;
	v2 =	vadd.f32 v10, v7  }
0x1b6: {  	v7 =	vld [tilespmem:s25+$0xE77]  }
0x1b7: {  	v8 =	vld [tilespmem:s25+$0xFFFFEF78];
	v9 =	vadd.f32 v13, v11;
	s25 =	sadd.s32 $0x20, s25  }
0x1b8: {  	_ =	sdelay $0x2  }
0x1b9: {  	v3 =	vadd.f32 v5, v3  }
0x1ba: {  	v4 =	vadd.f32 v7, v4;
	v0 =	vadd.f32 v0, v8  }
0x1bb: {  	v5 =	vadd.f32 v9, v6  }
0x1bc: {  	v3 =	vadd.f32 v4, v3;
	v0 =	vadd.f32 v1, v0;
	_ =	sdelay $0x1  }
0x1bd: {  	v1 =	vadd.f32 v3, v5;
	v0 =	vadd.f32 v2, v0;
	_ =	sdelay $0x1  }
0x1be: {  	v0 =	vadd.f32 v1, v0;
	_ =	sdelay $0x1  }
0x1bf: {  	s30 =	simm.s32 $0x8D90;
	s31 =	simm.s32 $0x3;
	[tilespmem:s0+$0xFFFFFFF0] =	vst v0  }
0x1c0: {  	[spmem:s24] =	stream.linear.scatter [tilespmem:s30], [sflag:$0x3], $0x200, $0x38;
	[tilespmem:$0x9DB0] =	vst v63  }
0x1c1: {  	_ =	swait.ge [sflag:s31], $0x200  }
0x1c2: {  	[sflag:s31] =	ssyncset.done $0x0  }
0x1c3: {  	s4 =	simm.s32 $0x7AD8;
	[sflag:s31] =	ssyncadd.s32 $0xFFFFFE00  }
0x1c4: {  	v1 =	vld [tilespmem:s4+$0xFFFFEF88]  }
0x1c5: {  	v2 =	vld [tilespmem:s4+$0xFFFFF199]  }
0x1c6: {  	v3 =	vld [tilespmem:s4+$0xFFFFF3AA]  }
0x1c7: {  	v4 =	vld [tilespmem:s4+$0xFFFFF5BB]  }
0x1c8: {  	v5 =	vld [tilespmem:s4+$0xFFFFF7CC]  }
0x1c9: {  	v6 =	vld [tilespmem:s4+$0xFFFFF9DD]  }
0x1ca: {  	v7 =	vld [tilespmem:s4+$0xFFFFFBEE]  }
0x1cb: {  	v8 =	vld [tilespmem:s4+$0xFFFFFDFF]  }
0x1cc: {  	v9 =	vld [tilespmem:s4+$0x10]  }
0x1cd: {  	v10 =	vld [tilespmem:s4+$0x221]  }
0x1ce: {  	v11 =	vld [tilespmem:s4+$0x432]  }
0x1cf: {  	v12 =	vld [tilespmem:s4+$0x643]  }
0x1d0: {  	v13 =	vld [tilespmem:s4+$0x854]  }
0x1d1: {  	v14 =	vld [tilespmem:s4+$0xA65]  }
0x1d2: {  	v15 =	vld [tilespmem:s4+$0xC76]  }
0x1d3: {  	v16 =	vld [tilespmem:s4+$0xE87]  }
0x1d4: {  	v0 =	vld [tilespmem:s4+$0xFFFFF189]  }
0x1d5: {  	v17 =	vld [tilespmem:s4+$0xFFFFF39A]  }
0x1d6: {  	v18 =	vld [tilespmem:s4+$0xFFFFF5AB]  }
0x1d7: {  	v19 =	vld [tilespmem:s4+$0xFFFFF7BC]  }
0x1d8: {  	v62 =	vld [tilespmem:s4+$0x0];
	v1 =	vadd.f32 v2, v1;
	v2 =	vadd.f32 v4, v3  }
0x1d9: {  	v63 =	vld [tilespmem:s4+$0x211];
	v3 =	vadd.f32 v6, v5;
	v5 =	vadd.f32 v8, v7  }
0x1da: {  	v4 =	vld [tilespmem:s4+$0xFFFFF9CD];
	v7 =	vadd.f32 v10, v9;
	v8 =	vadd.f32 v12, v11  }
0x1db: {  	v6 =	vld [tilespmem:s4+$0xFFFFFBDE];
	v10 =	vadd.f32 v14, v13;
	v11 =	vadd.f32 v16, v15  }
0x1dc: {  	v9 =	vld [tilespmem:s4+$0xFFFFFDEF];
	v1 =	vadd.f32 v2, v1;
	v2 =	vadd.f32 v5, v3  }
0x1dd: {  	v3 =	vadd.f32 v8, v7;
	v5 =	vadd.f32 v11, v10;
	v10 =	vld [tilespmem:s4+$0x422]  }
0x1de: {  	v11 =	vld [tilespmem:s4+$0x633]  }
0x1df: {  	v1 =	vadd.f32 v2, v1;
	v2 =	vadd.f32 v5, v3;
	v3 =	vld [tilespmem:s4+$0x844]  }
0x1e0: {  	v5 =	vld [tilespmem:s4+$0xA55];
	v8 =	vadd.f32 v4, v19  }
0x1e1: {  	v7 =	vld [tilespmem:s4+$0xE77];
	v9 =	vadd.f32 v9, v6;
	v2 =	vadd.f32 v2, v1  }
0x1e2: {  	s0 =	simm.s32 $0x8FA0;
	v4 =	vld [tilespmem:s4+$0xC66];
	v6 =	vadd.f32 v63, v62;
	v1 =	vadd.f32 v18, v17  }
0x1e3: {  	s2 =	simm.s32 $0x0;
	s24 =	simm.s32 $0x7AF8;
	[tilespmem:s0+$0x0] =	vst v2;
	v2 =	vadd.f32 v9, v8;
	v8 =	vld [tilespmem:s4+$0xFFFFEF78];
	v9 =	vadd.f32 v11, v10  }
.LBB2_13:
0x1e4: {  	v10 =	vld [tilespmem:s24+$0xFFFFEF88]  }
0x1e5: {  	v11 =	vld [tilespmem:s24+$0xFFFFF199];
	v3 =	vadd.f32 v5, v3;
	v5 =	vadd.f32 v9, v6  }
0x1e6: {  	v6 =	vld [tilespmem:s24+$0xFFFFF3AA]  }
0x1e7: {  	v9 =	vld [tilespmem:s24+$0xFFFFF5BB];
	v4 =	vadd.f32 v7, v4  }
0x1e8: {  	v7 =	vld [tilespmem:s24+$0xFFFFF7CC];
	v0 =	vadd.f32 v0, v8  }
0x1e9: {  	v8 =	vld [tilespmem:s24+$0xFFFFF9DD];
	v3 =	vadd.f32 v4, v3  }
0x1ea: {  	v4 =	vld [tilespmem:s24+$0xFFFFFBEE];
	v0 =	vadd.f32 v1, v0  }
0x1eb: {  	v1 =	vld [tilespmem:s24+$0xFFFFFDFF];
	v3 =	vadd.f32 v3, v5  }
0x1ec: {  	v5 =	vld [tilespmem:s24+$0x10];
	v0 =	vadd.f32 v2, v0  }
0x1ed: {  	v2 =	vld [tilespmem:s24+$0x221]  }
0x1ee: {  	v12 =	vld [tilespmem:s24+$0x432];
	v0 =	vadd.f32 v3, v0  }
0x1ef: {  	v3 =	vld [tilespmem:s24+$0x643]  }
0x1f0: {  	v13 =	vld [tilespmem:s24+$0x854];
	[tilespmem:s0+$0xFFFFFFF0] =	vst v0  }
0x1f1: {  	v14 =	vld [tilespmem:s24+$0xA65]  }
0x1f2: {  	v15 =	vld [tilespmem:s24+$0xC76]  }
0x1f3: {  	s2 =	sadd.s32 $0x2, s2;
	v16 =	vld [tilespmem:s24+$0xE87]  }
0x1f4: {  	p0 =	slt.u32 s2, $0x1E;
	v0 =	vld [tilespmem:s24+$0xFFFFF189]  }
0x1f5: {  	v10 =	vadd.f32 v11, v10;
	v6 =	vadd.f32 v9, v6;
	v17 =	vld [tilespmem:s24+$0xFFFFF39A]  }
0x1f6: {  	v7 =	vadd.f32 v8, v7;
	v1 =	vadd.f32 v1, v4;
	v9 =	vld [tilespmem:s24+$0xFFFFF5AB]  }
0x1f7: {  	v2 =	vadd.f32 v2, v5;
	v3 =	vadd.f32 v3, v12;
	v4 =	vld [tilespmem:s24+$0xFFFFF7BC]  }
0x1f8: {  	v8 =	vadd.f32 v14, v13;
	v5 =	vld [tilespmem:s24+$0xFFFFF9CD];
	v11 =	vadd.f32 v16, v15  }
0x1f9: {  	v6 =	vadd.f32 v6, v10;
	v7 =	vadd.f32 v1, v7;
	v12 =	vld [tilespmem:s24+$0xFFFFFBDE]  }
0x1fa: {  	v2 =	vadd.f32 v3, v2;
	v10 =	vld [tilespmem:s24+$0xFFFFFDEF];
	v3 =	vadd.f32 v11, v8  }
0x1fb: {  	v8 =	vld [tilespmem:s24+$0x0];
	v1 =	vadd.f32 v9, v17  }
0x1fc: {  	v6 =	vadd.f32 v7, v6;
	v9 =	vld [tilespmem:s24+$0x211];
	v2 =	vadd.f32 v3, v2  }
0x1fd: {  	v11 =	vld [tilespmem:s24+$0x422];
	v7 =	vadd.f32 v5, v4  }
0x1fe: {  	v13 =	vld [tilespmem:s24+$0x633];
	v2 =	vadd.f32 v2, v6  }
.Ltmp6:
0x1ff: {  	s0 =	sadd.s32 $0x20, s0;
	v3 =	vld [tilespmem:s24+$0x844];
	v10 =	vadd.f32 v10, v12;
	(pc) =	sbr.rel @p0 .LBB2_13-.Ltmp6, $4  }
0x200: {  	v5 =	vld [tilespmem:s24+$0xA55];
	[tilespmem:s0+$0x0] =	vst v2  }
0x201: {  	v4 =	vld [tilespmem:s24+$0xC66];
	v6 =	vadd.f32 v9, v8;
	v2 =	vadd.f32 v10, v7  }
0x202: {  	v7 =	vld [tilespmem:s24+$0xE77]  }
0x203: {  	v8 =	vld [tilespmem:s24+$0xFFFFEF78];
	v9 =	vadd.f32 v13, v11;
	s24 =	sadd.s32 $0x20, s24  }
0x204: {  	_ =	sdelay $0x2  }
0x205: {  	v3 =	vadd.f32 v5, v3  }
0x206: {  	v4 =	vadd.f32 v7, v4;
	v0 =	vadd.f32 v0, v8  }
0x207: {  	v33 =	vadd.f32 v9, v6  }
0x208: {  	v3 =	vadd.f32 v4, v3;
	v0 =	vadd.f32 v1, v0;
	_ =	sdelay $0x1  }
0x209: {  	v34 =	vadd.f32 v3, v33;
	v0 =	vadd.f32 v2, v0;
	_ =	sdelay $0x1  }
0x20a: {  	v0 =	vadd.f32 v34, v0;
	_ =	sdelay $0x1  }
0x20b: {  	[tilespmem:s0+$0xFFFFFFF0] =	vst v0  }
0x20c: {  	s2 =	sld [smem:$0x7F3];
	_ =	sdelay $0x1  }
0x20d: {  	s6 =	simm.s32 $0x8F90;
	s24 =	simm.s32 $0x3  }
0x20e: {  	[spmem:s2] =	stream.linear.scatter [tilespmem:s6], [sflag:$0x3], $0x200, $0x38;
	[tilespmem:$0x9DB0] =	vst v63  }
0x20f: {  	_ =	swait.ge [sflag:s24], $0x200  }
0x210: {  	[sflag:s24] =	ssyncset.done $0x0  }
0x211: {  	[sflag:s24] =	ssyncadd.s32 $0xFFFFFE00  }
0x212: {  	[bflag:$0x0] =	sbarrier.arrive $0xFFFF  }
0x213: {  	s25 =	simm.s32 $0x9190;
	v35 =	vld [tilespmem:$0x25B0]  }
0x214: {  	v36 =	vld [tilespmem:$0x25C0];
	[tilespmem:s25], [sflag:$0x1] =	stream.linear.gather [spmem:s26], $0x20, $0x38  }
0x215: {  	s29 =	rddreg [dreg:$0x17]  }
0x216: {  	s28 =	simm.s32 $0x91B0;
	s31 =	rddreg [dreg:$0x11]  }
0x217: {  	[tilespmem:s28], [sflag:$0x1] =	stream.linear.gather [spmem:s29], $0x20, $0x38;
	[tilespmem:$0x9DB0] =	vst v63  }
0x218: {  	s30 =	simm.s32 $0x91D0;
	s5 =	rddreg [dreg:$0x18]  }
0x219: {  	[tilespmem:s30], [sflag:$0x1] =	stream.linear.gather [spmem:s31], $0x20, $0x38;
	[tilespmem:$0x9DB0] =	vst v63  }
0x21a: {  	s4 =	simm.s32 $0x91F0;
	s24 =	rddreg [dreg:$0x12]  }
0x21b: {  	[tilespmem:s4], [sflag:$0x1] =	stream.linear.gather [spmem:s5], $0x20, $0x38;
	[tilespmem:$0x9DB0] =	vst v63  }
0x21c: {  	s6 =	simm.s32 $0x9210;
	s26 =	rddreg [dreg:$0x19]  }
0x21d: {  	[tilespmem:s6], [sflag:$0x1] =	stream.linear.gather [spmem:s24], $0x20, $0x38;
	[tilespmem:$0x9DB0] =	vst v63  }
0x21e: {  	s25 =	simm.s32 $0x9230;
	s29 =	rddreg [dreg:$0x13]  }
0x21f: {  	[tilespmem:s25], [sflag:$0x1] =	stream.linear.gather [spmem:s26], $0x20, $0x38;
	[tilespmem:$0x9DB0] =	vst v63  }
0x220: {  	s28 =	simm.s32 $0x9250;
	s31 =	rddreg [dreg:$0x1a]  }
0x221: {  	[tilespmem:s28], [sflag:$0x1] =	stream.linear.gather [spmem:s29], $0x20, $0x38;
	[tilespmem:$0x9DB0] =	vst v63  }
0x222: {  	s30 =	simm.s32 $0x9270;
	s5 =	rddreg [dreg:$0x14]  }
0x223: {  	[tilespmem:s30], [sflag:$0x1] =	stream.linear.gather [spmem:s31], $0x20, $0x38;
	[tilespmem:$0x9DB0] =	vst v63  }
0x224: {  	s4 =	simm.s32 $0x9290;
	s24 =	rddreg [dreg:$0x15]  }
0x225: {  	[tilespmem:s4], [sflag:$0x1] =	stream.linear.gather [spmem:s5], $0x20, $0x38;
	[tilespmem:$0x9DB0] =	vst v63  }
0x226: {  	s6 =	simm.s32 $0x92B0;
	s26 =	rddreg [dreg:$0x10]  }
0x227: {  	[tilespmem:s6], [sflag:$0x1] =	stream.linear.gather [spmem:s24], $0x20, $0x38;
	[tilespmem:$0x9DB0] =	vst v63  }
0x228: {  	s25 =	simm.s32 $0x92D0;
	s29 =	rddreg [dreg:$0x1e]  }
0x229: {  	[tilespmem:s25], [sflag:$0x1] =	stream.linear.gather [spmem:s26], $0x20, $0x38;
	[tilespmem:$0x9DB0] =	vst v63  }
0x22a: {  	s28 =	simm.s32 $0x92F0;
	s31 =	sld [smem:$0x7F4]  }
0x22b: {  	[tilespmem:s28], [sflag:$0x1] =	stream.linear.gather [spmem:s29], $0x20, $0x38;
	[tilespmem:$0x9DB0] =	vst v63  }
0x22c: {  	s30 =	simm.s32 $0x9310;
	s5 =	sld [smem:$0x7F5]  }
0x22d: {  	[tilespmem:s30], [sflag:$0x1] =	stream.linear.gather [spmem:s31], $0x20, $0x38;
	[tilespmem:$0x9DB0] =	vst v63  }
0x22e: {  	s4 =	simm.s32 $0x9330;
	s24 =	rddreg [dreg:$0x1f]  }
0x22f: {  	[tilespmem:s4], [sflag:$0x1] =	stream.linear.gather [spmem:s5], $0x20, $0x38;
	[tilespmem:$0x9DB0] =	vst v63  }
0x230: {  	s6 =	simm.s32 $0x9350;
	s26 =	rddreg [dreg:$0x1b]  }
0x231: {  	[tilespmem:s6], [sflag:$0x1] =	stream.linear.gather [spmem:s24], $0x20, $0x38;
	[tilespmem:$0x9DB0] =	vst v63  }
0x232: {  	s25 =	simm.s32 $0x9370;
	s29 =	sld [smem:$0x7F6]  }
0x233: {  	[tilespmem:s25], [sflag:$0x1] =	stream.linear.gather [spmem:s26], $0x20, $0x38;
	[tilespmem:$0x9DB0] =	vst v63  }
0x234: {  	s28 =	simm.s32 $0x9390;
	s31 =	sld [smem:$0x7F7]  }
0x235: {  	[tilespmem:s28], [sflag:$0x1] =	stream.linear.gather [spmem:s29], $0x20, $0x38;
	[tilespmem:$0x9DB0] =	vst v63  }
0x236: {  	s30 =	simm.s32 $0x93B0;
	s5 =	sld [smem:$0x7F8]  }
0x237: {  	[tilespmem:s30], [sflag:$0x1] =	stream.linear.gather [spmem:s31], $0x20, $0x38;
	[tilespmem:$0x9DB0] =	vst v63  }
0x238: {  	s4 =	simm.s32 $0x93D0;
	s24 =	sld [smem:$0x7F9]  }
0x239: {  	[tilespmem:s4], [sflag:$0x1] =	stream.linear.gather [spmem:s5], $0x20, $0x38;
	[tilespmem:$0x9DB0] =	vst v63  }
0x23a: {  	s6 =	simm.s32 $0x93F0;
	s26 =	sld [smem:$0x7FA]  }
0x23b: {  	[tilespmem:s6], [sflag:$0x1] =	stream.linear.gather [spmem:s24], $0x20, $0x38;
	[tilespmem:$0x9DB0] =	vst v63  }
0x23c: {  	s25 =	simm.s32 $0x9410;
	s29 =	sld [smem:$0x7FB]  }
0x23d: {  	[tilespmem:s25], [sflag:$0x1] =	stream.linear.gather [spmem:s26], $0x20, $0x38;
	[tilespmem:$0x9DB0] =	vst v63  }
0x23e: {  	s28 =	simm.s32 $0x9430;
	s31 =	sld [smem:$0x7FC]  }
0x23f: {  	[tilespmem:s28], [sflag:$0x1] =	stream.linear.gather [spmem:s29], $0x20, $0x38;
	[tilespmem:$0x9DB0] =	vst v63  }
0x240: {  	s30 =	simm.s32 $0x9450;
	s5 =	sld [smem:$0x7FD]  }
0x241: {  	[tilespmem:s30], [sflag:$0x1] =	stream.linear.gather [spmem:s31], $0x20, $0x38;
	[tilespmem:$0x9DB0] =	vst v63  }
0x242: {  	s4 =	simm.s32 $0x9470  }
0x243: {  	[tilespmem:s4], [sflag:$0x1] =	stream.linear.gather [spmem:s5], $0x20, $0x38;
	[tilespmem:$0x9DB0] =	vst v63  }
0x244: {  	s6 =	simm.s32 $0x9490;
	s24 =	rddreg [dreg:$0x1c]  }
0x245: {  	[tilespmem:s6], [sflag:$0x1] =	stream.linear.gather [spmem:s24], $0x20, $0x38;
	[tilespmem:$0x9DB0] =	vst v63  }
0x246: {  	vm0 =	vmmov $0x1;
	s25 =	simm.s32 $0x94B0;
	s26 =	rddreg [dreg:$0x1d]  }
0x247: {  	v0 =	vnsel vm0, $0x0, v35;
	[tilespmem:s25], [sflag:$0x1] =	stream.linear.gather [spmem:s26], $0x20, $0x38;
	[tilespmem:$0x9DB0] =	vst v63  }
0x248: {  	(xrf2) =	vadd.scan.msk.f32 $0xffff, v0;
	s28 =	simm.s32 $0x94D0;
	s29 =	rddreg [dreg:$0x16]  }
0x249: {  	[tilespmem:s28], [sflag:$0x1] =	stream.linear.gather [spmem:s29], $0x20, $0x38;
	[tilespmem:$0x9DB0] =	vst v63  }
0x24a: {  	s30 =	simm.s32 $0x94F0;
	s31 =	rddreg [dreg:$0xd]  }
0x24b: {  	[tilespmem:s30], [sflag:$0x1] =	stream.linear.gather [spmem:s31], $0x20, $0x38;
	[tilespmem:$0x9DB0] =	vst v63  }
0x24c: {  	s4 =	simm.s32 $0x9510;
	s5 =	rddreg [dreg:$0xe]  }
0x24d: {  	[tilespmem:s4], [sflag:$0x1] =	stream.linear.gather [spmem:s5], $0x20, $0x38;
	[tilespmem:$0x9DB0] =	vst v63  }
0x24e: {  	s6 =	simm.s32 $0x9530  }
0x24f: {  	[tilespmem:s6], [sflag:$0x1] =	stream.linear.gather [spmem:s23], $0x20, $0x38;
	[tilespmem:$0x9DB0] =	vst v63  }
0x250: {  	s24 =	simm.s32 $0x9550;
	s25 =	rddreg [dreg:$0xf]  }
0x251: {  	[tilespmem:s24], [sflag:$0x1] =	stream.linear.gather [spmem:s25], $0x20, $0x38;
	[tilespmem:$0x9DB0] =	vst v63  }
0x252: {  	v0, _, _ =	vpop (xrf2);
	s26 =	simm.s32 $0x9570;
	s28 =	rddreg [dreg:$0xb]  }
0x253: {  	v0 =	vadd.f32 $5.413248540e-01, v0;
	[tilespmem:s26], [sflag:$0x1] =	stream.linear.gather [spmem:s28], $0x20, $0x38;
	[tilespmem:$0x9DB0] =	vst v63  }
0x254: {  	s29 =	simm.s32 $0x9590;
	s30 =	rddreg [dreg:$0xc]  }
0x255: {  	v0 =	vbroadcast v0, $0xF;
	[tilespmem:s29], [sflag:$0x1] =	stream.linear.gather [spmem:s30], $0x20, $0x38;
	[tilespmem:$0x9DB0] =	vst v63  }
0x256: {  	s31 =	simm.s32 $0x95B0  }
0x257: {  	v37 =	vand.u32 $0x7FFFFFFF, v0;
	[tilespmem:s31], [sflag:$0x1] =	stream.linear.gather [spmem:s22], $0x20, $0x38;
	[tilespmem:$0x9DB0] =	vst v63  }
0x258: {  	s2 =	simm.s32 $0x95D0;
	v2 =	vsub.f32 $0.0e+00, v37  }
0x259: {  	[tilespmem:s2], [sflag:$0x1] =	stream.linear.gather [spmem:s21], $0x20, $0x38;
	[tilespmem:$0x9DB0] =	vst v63  }
0x25a: {  	v2 =	vmul.f32 $1.442695020e+00, v2;
	s4 =	simm.s32 $0x95F0  }
0x25b: {  	[tilespmem:s4], [sflag:$0x1] =	stream.linear.gather [spmem:s20], $0x20, $0x38;
	[tilespmem:$0x9DB0] =	vst v63  }
0x25c: {  	(erf) = vpow2.f32 v2;
	s5 =	simm.s32 $0x9610  }
0x25d: {  	[tilespmem:s5], [sflag:$0x1] =	stream.linear.gather [spmem:s19], $0x20, $0x38;
	[tilespmem:$0x9DB0] =	vst v63  }
0x25e: {  	s6 =	simm.s32 $0x9630  }
0x25f: {  	[tilespmem:s6], [sflag:$0x1] =	stream.linear.gather [spmem:s17], $0x20, $0x38;
	[tilespmem:$0x9DB0] =	vst v63  }
0x260: {  	s17 =	simm.s32 $0x9650  }
0x261: {  	[tilespmem:s17], [sflag:$0x1] =	stream.linear.gather [spmem:s18], $0x20, $0x38;
	[tilespmem:$0x9DB0] =	vst v63  }
0x262: {  	s18 =	simm.s32 $0x9670  }
0x263: {  	[tilespmem:s18], [sflag:$0x1] =	stream.linear.gather [spmem:s16], $0x20, $0x38;
	[tilespmem:$0x9DB0] =	vst v63  }
0x264: {  	s19 =	simm.s32 $0x9690  }
0x265: {  	v2 =	vpop (erf);
	[tilespmem:s19], [sflag:$0x1] =	stream.linear.gather [spmem:s14], $0x20, $0x38;
	[tilespmem:$0x9DB0] =	vst v63  }
0x266: {  	v2 =	vadd.f32 $1.000000000e+00, v2;
	s20 =	simm.s32 $0x96B0  }
0x267: {  	v1 =	vnsel vm0, $0x0, v36;
	[tilespmem:s20], [sflag:$0x1] =	stream.linear.gather [spmem:s15], $0x20, $0x38;
	[tilespmem:$0x9DB0] =	vst v63  }
0x268: {  	(xrf2) =	vadd.scan.msk.f32 $0xffff, v1;
	v38 =	vadd.f32 $1.000000000e+00, v2;
	s21 =	simm.s32 $0x96D0  }
0x269: {  	[tilespmem:s21], [sflag:$0x1] =	stream.linear.gather [spmem:s13], $0x20, $0x38;
	[tilespmem:$0x9DB0] =	vst v63  }
0x26a: {  	(erf) = vrcp.f32 v38;
	s22 =	simm.s32 $0x96F0  }
0x26b: {  	[tilespmem:s22], [sflag:$0x1] =	stream.linear.gather [spmem:s12], $0x20, $0x38;
	[tilespmem:$0x9DB0] =	vst v63  }
0x26c: {  	s23 =	simm.s32 $0x9710  }
0x26d: {  	[tilespmem:s23], [sflag:$0x1] =	stream.linear.gather [spmem:s11], $0x20, $0x38;
	[tilespmem:$0x9DB0] =	vst v63  }
0x26e: {  	s24 =	simm.s32 $0x9730  }
0x26f: {  	[tilespmem:s24], [sflag:$0x1] =	stream.linear.gather [spmem:s10], $0x20, $0x38;
	[tilespmem:$0x9DB0] =	vst v63  }
0x270: {  	s25 =	simm.s32 $0x9750  }
0x271: {  	[tilespmem:s25], [sflag:$0x1] =	stream.linear.gather [spmem:s8], $0x20, $0x38;
	[tilespmem:$0x9DB0] =	vst v63  }
0x272: {  	v1, _, _ =	vpop (xrf2);
	s26 =	simm.s32 $0x9770;
	s28 =	simm.s32 $0x1  }
0x273: {  	v3 =	vpop (erf);
	[tilespmem:s26], [sflag:$0x1] =	stream.linear.gather [spmem:s9], $0x20, $0x38;
	[tilespmem:$0x9DB0] =	vst v63  }
0x274: {  	_ =	swait.ge [sflag:s28], $0x20  }
0x275: {  	[sflag:s28] =	ssyncset.done $0x0  }
0x276: {  	[sflag:s28] =	ssyncadd.s32 $0xFFFFFFE0  }
0x277: {  	_ =	swait.ge [sflag:s28], $0x20  }
0x278: {  	[sflag:s28] =	ssyncset.done $0x0  }
0x279: {  	[sflag:s28] =	ssyncadd.s32 $0xFFFFFFE0  }
0x27a: {  	_ =	swait.ge [sflag:s28], $0x20  }
0x27b: {  	[sflag:s28] =	ssyncset.done $0x0  }
0x27c: {  	[sflag:s28] =	ssyncadd.s32 $0xFFFFFFE0  }
0x27d: {  	_ =	swait.ge [sflag:s28], $0x20  }
0x27e: {  	[sflag:s28] =	ssyncset.done $0x0  }
0x27f: {  	[sflag:s28] =	ssyncadd.s32 $0xFFFFFFE0  }
0x280: {  	_ =	swait.ge [sflag:s28], $0x20  }
0x281: {  	[sflag:s28] =	ssyncset.done $0x0  }
0x282: {  	[sflag:s28] =	ssyncadd.s32 $0xFFFFFFE0  }
0x283: {  	_ =	swait.ge [sflag:s28], $0x20  }
0x284: {  	[sflag:s28] =	ssyncset.done $0x0  }
0x285: {  	[sflag:s28] =	ssyncadd.s32 $0xFFFFFFE0  }
0x286: {  	_ =	swait.ge [sflag:s28], $0x20  }
0x287: {  	[sflag:s28] =	ssyncset.done $0x0  }
0x288: {  	[sflag:s28] =	ssyncadd.s32 $0xFFFFFFE0  }
0x289: {  	_ =	swait.ge [sflag:s28], $0x20  }
0x28a: {  	[sflag:s28] =	ssyncset.done $0x0  }
0x28b: {  	[sflag:s28] =	ssyncadd.s32 $0xFFFFFFE0  }
0x28c: {  	_ =	swait.ge [sflag:s28], $0x20  }
0x28d: {  	[sflag:s28] =	ssyncset.done $0x0  }
0x28e: {  	[sflag:s28] =	ssyncadd.s32 $0xFFFFFFE0  }
0x28f: {  	_ =	swait.ge [sflag:s28], $0x20  }
0x290: {  	[sflag:s28] =	ssyncset.done $0x0  }
0x291: {  	[sflag:s28] =	ssyncadd.s32 $0xFFFFFFE0  }
0x292: {  	_ =	swait.ge [sflag:s28], $0x20  }
0x293: {  	[sflag:s28] =	ssyncset.done $0x0  }
0x294: {  	[sflag:s28] =	ssyncadd.s32 $0xFFFFFFE0  }
0x295: {  	_ =	swait.ge [sflag:s28], $0x20  }
0x296: {  	[sflag:s28] =	ssyncset.done $0x0  }
0x297: {  	[sflag:s28] =	ssyncadd.s32 $0xFFFFFFE0  }
0x298: {  	_ =	swait.ge [sflag:s28], $0x20  }
0x299: {  	[sflag:s28] =	ssyncset.done $0x0  }
0x29a: {  	[sflag:s28] =	ssyncadd.s32 $0xFFFFFFE0  }
0x29b: {  	_ =	swait.ge [sflag:s28], $0x20  }
0x29c: {  	[sflag:s28] =	ssyncset.done $0x0  }
0x29d: {  	[sflag:s28] =	ssyncadd.s32 $0xFFFFFFE0  }
0x29e: {  	_ =	swait.ge [sflag:s28], $0x20  }
0x29f: {  	[sflag:s28] =	ssyncset.done $0x0  }
0x2a0: {  	[sflag:s28] =	ssyncadd.s32 $0xFFFFFFE0  }
0x2a1: {  	_ =	swait.ge [sflag:s28], $0x20  }
0x2a2: {  	[sflag:s28] =	ssyncset.done $0x0  }
0x2a3: {  	[sflag:s28] =	ssyncadd.s32 $0xFFFFFFE0  }
0x2a4: {  	_ =	swait.ge [sflag:s28], $0x20  }
0x2a5: {  	[sflag:s28] =	ssyncset.done $0x0  }
0x2a6: {  	[sflag:s28] =	ssyncadd.s32 $0xFFFFFFE0  }
0x2a7: {  	_ =	swait.ge [sflag:s28], $0x20  }
0x2a8: {  	[sflag:s28] =	ssyncset.done $0x0  }
0x2a9: {  	[sflag:s28] =	ssyncadd.s32 $0xFFFFFFE0  }
0x2aa: {  	_ =	swait.ge [sflag:s28], $0x20  }
0x2ab: {  	[sflag:s28] =	ssyncset.done $0x0  }
0x2ac: {  	[sflag:s28] =	ssyncadd.s32 $0xFFFFFFE0  }
0x2ad: {  	_ =	swait.ge [sflag:s28], $0x20  }
0x2ae: {  	[sflag:s28] =	ssyncset.done $0x0  }
0x2af: {  	[sflag:s28] =	ssyncadd.s32 $0xFFFFFFE0  }
0x2b0: {  	_ =	swait.ge [sflag:s28], $0x20  }
0x2b1: {  	[sflag:s28] =	ssyncset.done $0x0  }
0x2b2: {  	[sflag:s28] =	ssyncadd.s32 $0xFFFFFFE0  }
0x2b3: {  	_ =	swait.ge [sflag:s28], $0x20  }
0x2b4: {  	[sflag:s28] =	ssyncset.done $0x0  }
0x2b5: {  	[sflag:s28] =	ssyncadd.s32 $0xFFFFFFE0  }
0x2b6: {  	_ =	swait.ge [sflag:s28], $0x20  }
0x2b7: {  	[sflag:s28] =	ssyncset.done $0x0  }
0x2b8: {  	[sflag:s28] =	ssyncadd.s32 $0xFFFFFFE0  }
0x2b9: {  	_ =	swait.ge [sflag:s28], $0x20  }
0x2ba: {  	[sflag:s28] =	ssyncset.done $0x0  }
0x2bb: {  	[sflag:s28] =	ssyncadd.s32 $0xFFFFFFE0  }
0x2bc: {  	_ =	swait.ge [sflag:s28], $0x20  }
0x2bd: {  	[sflag:s28] =	ssyncset.done $0x0  }
0x2be: {  	[sflag:s28] =	ssyncadd.s32 $0xFFFFFFE0  }
0x2bf: {  	_ =	swait.ge [sflag:s28], $0x20  }
0x2c0: {  	[sflag:s28] =	ssyncset.done $0x0  }
0x2c1: {  	[sflag:s28] =	ssyncadd.s32 $0xFFFFFFE0  }
0x2c2: {  	_ =	swait.ge [sflag:s28], $0x20  }
0x2c3: {  	[sflag:s28] =	ssyncset.done $0x0  }
0x2c4: {  	[sflag:s28] =	ssyncadd.s32 $0xFFFFFFE0  }
0x2c5: {  	_ =	swait.ge [sflag:s28], $0x20  }
0x2c6: {  	[sflag:s28] =	ssyncset.done $0x0  }
0x2c7: {  	[sflag:s28] =	ssyncadd.s32 $0xFFFFFFE0  }
0x2c8: {  	_ =	swait.ge [sflag:s28], $0x20  }
0x2c9: {  	[sflag:s28] =	ssyncset.done $0x0  }
0x2ca: {  	[sflag:s28] =	ssyncadd.s32 $0xFFFFFFE0  }
0x2cb: {  	_ =	swait.ge [sflag:s28], $0x20  }
0x2cc: {  	[sflag:s28] =	ssyncset.done $0x0  }
0x2cd: {  	[sflag:s28] =	ssyncadd.s32 $0xFFFFFFE0  }
0x2ce: {  	_ =	swait.ge [sflag:s28], $0x20  }
0x2cf: {  	[sflag:s28] =	ssyncset.done $0x0  }
0x2d0: {  	[sflag:s28] =	ssyncadd.s32 $0xFFFFFFE0  }
0x2d1: {  	_ =	swait.ge [sflag:s28], $0x20  }
0x2d2: {  	[sflag:s28] =	ssyncset.done $0x0  }
0x2d3: {  	[sflag:s28] =	ssyncadd.s32 $0xFFFFFFE0  }
0x2d4: {  	_ =	swait.ge [sflag:s28], $0x20  }
0x2d5: {  	[sflag:s28] =	ssyncset.done $0x0  }
0x2d6: {  	[sflag:s28] =	ssyncadd.s32 $0xFFFFFFE0  }
0x2d7: {  	_ =	swait.ge [sflag:s28], $0x20  }
0x2d8: {  	[sflag:s28] =	ssyncset.done $0x0  }
0x2d9: {  	[sflag:s28] =	ssyncadd.s32 $0xFFFFFFE0  }
0x2da: {  	_ =	swait.ge [sflag:s28], $0x20  }
0x2db: {  	[sflag:s28] =	ssyncset.done $0x0  }
0x2dc: {  	[sflag:s28] =	ssyncadd.s32 $0xFFFFFFE0  }
0x2dd: {  	_ =	swait.ge [sflag:s28], $0x20  }
0x2de: {  	[sflag:s28] =	ssyncset.done $0x0  }
0x2df: {  	[sflag:s28] =	ssyncadd.s32 $0xFFFFFFE0  }
0x2e0: {  	_ =	swait.ge [sflag:s28], $0x20  }
0x2e1: {  	[sflag:s28] =	ssyncset.done $0x0  }
0x2e2: {  	[sflag:s28] =	ssyncadd.s32 $0xFFFFFFE0  }
0x2e3: {  	_ =	swait.ge [sflag:s28], $0x20  }
0x2e4: {  	[sflag:s28] =	ssyncset.done $0x0  }
0x2e5: {  	[sflag:s28] =	ssyncadd.s32 $0xFFFFFFE0  }
0x2e6: {  	_ =	swait.ge [sflag:s28], $0x20  }
0x2e7: {  	[sflag:s28] =	ssyncset.done $0x0  }
0x2e8: {  	[sflag:s28] =	ssyncadd.s32 $0xFFFFFFE0  }
0x2e9: {  	_ =	swait.ge [sflag:s28], $0x20  }
0x2ea: {  	[sflag:s28] =	ssyncset.done $0x0  }
0x2eb: {  	[sflag:s28] =	ssyncadd.s32 $0xFFFFFFE0  }
0x2ec: {  	_ =	swait.ge [sflag:s28], $0x20  }
0x2ed: {  	[sflag:s28] =	ssyncset.done $0x0  }
0x2ee: {  	[sflag:s28] =	ssyncadd.s32 $0xFFFFFFE0  }
0x2ef: {  	_ =	swait.ge [sflag:s28], $0x20  }
0x2f0: {  	[sflag:s28] =	ssyncset.done $0x0  }
0x2f1: {  	[sflag:s28] =	ssyncadd.s32 $0xFFFFFFE0  }
0x2f2: {  	_ =	swait.ge [sflag:s28], $0x20  }
0x2f3: {  	[sflag:s28] =	ssyncset.done $0x0  }
0x2f4: {  	[sflag:s28] =	ssyncadd.s32 $0xFFFFFFE0  }
0x2f5: {  	_ =	swait.ge [sflag:s28], $0x20  }
0x2f6: {  	[sflag:s28] =	ssyncset.done $0x0  }
0x2f7: {  	[sflag:s28] =	ssyncadd.s32 $0xFFFFFFE0  }
0x2f8: {  	_ =	swait.ge [sflag:s28], $0x20  }
0x2f9: {  	[sflag:s28] =	ssyncset.done $0x0  }
0x2fa: {  	[sflag:s28] =	ssyncadd.s32 $0xFFFFFFE0  }
0x2fb: {  	_ =	swait.ge [sflag:s28], $0x20  }
0x2fc: {  	[sflag:s28] =	ssyncset.done $0x0  }
0x2fd: {  	[sflag:s28] =	ssyncadd.s32 $0xFFFFFFE0  }
0x2fe: {  	_ =	swait.ge [sflag:s28], $0x20  }
0x2ff: {  	[sflag:s28] =	ssyncset.done $0x0  }
0x300: {  	[sflag:s28] =	ssyncadd.s32 $0xFFFFFFE0  }
0x301: {  	_ =	swait.ge [sflag:s28], $0x20  }
0x302: {  	[sflag:s28] =	ssyncset.done $0x0  }
0x303: {  	[sflag:s28] =	ssyncadd.s32 $0xFFFFFFE0  }
0x304: {  	v39 =	vld [tilespmem:$0x9190]  }
0x305: {  	v40 =	vld [tilespmem:$0x91B0]  }
0x306: {  	v41 =	vld [tilespmem:$0x91D0]  }
0x307: {  	v42 =	vld [tilespmem:$0x91F0]  }
0x308: {  	v43 =	vld [tilespmem:$0x9210]  }
0x309: {  	v44 =	vld [tilespmem:$0x9230]  }
0x30a: {  	v10 =	vld [tilespmem:$0x9250]  }
0x30b: {  	v11 =	vld [tilespmem:$0x9270]  }
0x30c: {  	v12 =	vld [tilespmem:$0x9290]  }
0x30d: {  	v13 =	vld [tilespmem:$0x92B0]  }
0x30e: {  	v14 =	vld [tilespmem:$0x92D0]  }
0x30f: {  	v15 =	vld [tilespmem:$0x92F0]  }
0x310: {  	v16 =	vld [tilespmem:$0x9310]  }
0x311: {  	v17 =	vld [tilespmem:$0x9330]  }
0x312: {  	v18 =	vld [tilespmem:$0x9350]  }
0x313: {  	v19 =	vld [tilespmem:$0x9370];
	_ =	sdelay $0x1  }
0x314: {  	v4 =	vadd.f32 v40, v39;
	v45 =	vadd.f32 v42, v41  }
0x315: {  	v52 =	vld [tilespmem:$0x91A0];
	v46 =	vadd.f32 v44, v43;
	v47 =	vadd.f32 v11, v10  }
0x316: {  	v54 =	vld [tilespmem:$0x91C0];
	v48 =	vadd.f32 v13, v12;
	v49 =	vadd.f32 v15, v14  }
0x317: {  	v57 =	vld [tilespmem:$0x91E0];
	v50 =	vadd.f32 v17, v16;
	v51 =	vadd.f32 v19, v18  }
0x318: {  	v58 =	vld [tilespmem:$0x9200];
	v4 =	vadd.f32 v45, v4;
	v53 =	vadd.f32 v47, v46  }
0x319: {  	v60 =	vld [tilespmem:$0x9220];
	v55 =	vadd.f32 v49, v48;
	v56 =	vadd.f32 v51, v50  }
0x31a: {  	v61 =	vld [tilespmem:$0x9240]  }
0x31b: {  	v62 =	vld [tilespmem:$0x9260];
	v4 =	vadd.f32 v53, v4;
	v59 =	vadd.f32 v56, v55  }
0x31c: {  	v63 =	vld [tilespmem:$0x9280]  }
0x31d: {  	v32 =	vld [tilespmem:$0x92A0];
	v4 =	vadd.f32 v59, v4  }
0x31e: {  	v33 =	vld [tilespmem:$0x92C0]  }
0x31f: {  	v34 =	vld [tilespmem:$0x92E0];
	v4 =	vadd.f32 $5.413248540e-01, v4  }
0x320: {  	v36 =	vld [tilespmem:$0x9300]  }
0x321: {  	v37 =	vld [tilespmem:$0x9320];
	v35 =	vand.u32 $0x7FFFFFFF, v4  }
0x322: {  	v38 =	vld [tilespmem:$0x9340];
	v16 =	vsub.f32 $0.0e+00, v35  }
0x323: {  	v20 =	vld [tilespmem:$0x9360]  }
0x324: {  	v21 =	vld [tilespmem:$0x9380];
	v16 =	vmul.f32 $1.442695020e+00, v16  }
0x325: {  	v22 =	vld [tilespmem:$0x93B0]  }
0x326: {  	v23 =	vld [tilespmem:$0x93D0];
	(erf) = vpow2.f32 v16  }
0x327: {  	v24 =	vld [tilespmem:$0x93F0]  }
0x328: {  	v25 =	vld [tilespmem:$0x9410]  }
0x329: {  	v26 =	vld [tilespmem:$0x9430]  }
0x32a: {  	v27 =	vld [tilespmem:$0x9450]  }
0x32b: {  	v28 =	vld [tilespmem:$0x9470]  }
0x32c: {  	v31 =	vld [tilespmem:$0x95B0]  }
0x32d: {  	v39 =	vld [tilespmem:$0x9390]  }
0x32e: {  	v6 =	vadd.f32 v54, v52;
	v9 =	vadd.f32 v58, v57;
	v40 =	vld [tilespmem:$0x9490]  }
0x32f: {  	v7 =	vadd.f32 v61, v60;
	v42 =	vld [tilespmem:$0x94B0];
	v5 =	vadd.f32 v63, v62;
	v41 =	vpop (erf)  }
0x330: {  	v43 =	vadd.f32 v33, v32;
	v44 =	vld [tilespmem:$0x94D0];
	v12 =	vadd.f32 $1.000000000e+00, v41  }
0x331: {  	v18 =	vadd.f32 v38, v37;
	v54 =	vld [tilespmem:$0x9570];
	v45 =	vadd.f32 v36, v34  }
0x332: {  	v58 =	vld [tilespmem:$0x9590];
	v48 =	vadd.f32 v21, v20;
	v47 =	vadd.f32 $1.000000000e+00, v12  }
0x333: {  	v61 =	vld [tilespmem:$0x95D0];
	v6 =	vadd.f32 v9, v6;
	v5 =	vadd.f32 v5, v7  }
0x334: {  	v32 =	vld [tilespmem:$0x95F0];
	v51 =	vadd.f32 v45, v43;
	v52 =	vadd.f32 v48, v18;
	(erf) = vrcp.f32 v47  }
0x335: {  	v63 =	vld [tilespmem:$0x9610]  }
0x336: {  	v37 =	vld [tilespmem:$0x9670];
	v55 =	vadd.f32 v5, v6;
	v7 =	vadd.f32 v52, v51  }
0x337: {  	v46 =	vld [tilespmem:$0x94F0]  }
0x338: {  	v56 =	vld [tilespmem:s3+$0x25D0];
	v11 =	vadd.f32 v7, v55  }
0x339: {  	v49 =	vld [tilespmem:$0x9510]  }
0x33a: {  	v57 =	vadd.f32 $-1.000000000e+00, v2;
	v50 =	vld [tilespmem:$0x9530];
	v2 =	vadd.f32 $5.413248540e-01, v11  }
0x33b: {  	v21 =	vld [tilespmem:$0x9400]  }
0x33c: {  	v34 =	vld [tilespmem:$0x9630];
	v30 =	vand.u32 $0x7FFFFFFF, v2;
	v12 =	vadd.f32 $-1.000000000e+00, v12  }
0x33d: {  	v3 =	vmul.f32 v3, v57;
	v36 =	vld [tilespmem:$0x9650];
	v18 =	vcvt.s32.f32 v56;
	v59 =	vsub.f32 $0.0e+00, v30;
	v29 =	vpop (erf)  }
0x33e: {  	v23 =	vadd.f32 v24, v23;
	v25 =	vadd.f32 v26, v25;
	v57 =	vld [tilespmem:$0x94C0];
	v12 =	vmul.f32 v29, v12  }
0x33f: {  	v53 =	vld [tilespmem:$0x9550];
	v60 =	vmul.f32 v3, v3;
	v18 =	vmax.f32 v18, $1.000000000e+00;
	v29 =	vmul.f32 $1.442695020e+00, v59  }
0x340: {  	v27 =	vadd.f32 v28, v27;
	v5 =	vld [tilespmem:$0x93A0];
	(erf) = vrcp.f32 v18;
	v33 =	vmul.f32 v12, v12  }
0x341: {  	v6 =	vld [tilespmem:$0x93C0];
	v3 =	vadd.f32 v3, v3;
	v62 =	vmul.f32 $1.111111120e-01, v60;
	(erf) = vpow2.f32 v29  }
0x342: {  	v43 =	vld [tilespmem:$0x96D0];
	v8 =	vadd.f32 v42, v40;
	v42 =	vadd.f32 v27, v25;
	v35 =	vmul.f32 $1.111111120e-01, v33  }
0x343: {  	v19 =	vadd.f32 v31, v58;
	v51 =	vld [tilespmem:$0x9770];
	v24 =	vadd.f32 $1.428571490e-01, v62  }
0x344: {  	v13 =	vadd.f32 v46, v44;
	v44 =	vld [tilespmem:$0x96F0];
	v29 =	vadd.f32 $1.428571490e-01, v35  }
0x345: {  	v9 =	vadd.f32 v50, v49;
	v49 =	vld [tilespmem:$0x9750];
	v10 =	vadd.f32 v37, v36;
	v38 =	vmul.f32 v24, v60  }
0x346: {  	v48 =	vld [tilespmem:$0x9730];
	v14 =	vadd.f32 v54, v53;
	v16 =	vadd.f32 v22, v39;
	v41 =	vmul.f32 v29, v33  }
0x347: {  	v40 =	vld [tilespmem:$0x96B0];
	v8 =	vadd.f32 v13, v8;
	v15 =	vadd.f32 $2.000000030e-01, v38  }
0x348: {  	v58 =	vld [tilespmem:$0x94E0];
	v16 =	vadd.f32 v23, v16;
	v23 =	vadd.f32 $2.000000030e-01, v41  }
0x349: {  	v46 =	vld [tilespmem:$0x9710];
	v9 =	vadd.f32 v14, v9;
	v13 =	vadd.f32 v44, v43;
	v47 =	vpop (erf)  }
0x34a: {  	v28 =	vadd.f32 v51, v49;
	v15 =	vmul.f32 v15, v60;
	v39 =	vld [tilespmem:$0x9690];
	v50 =	vpop (erf);
	v23 =	vmul.f32 v23, v33  }
0x34b: {  	v52 =	vld [tilespmem:$0x9440];
	v22 =	vadd.f32 v32, v61;
	v26 =	vadd.f32 $1.000000000e+00, v50  }
0x34c: {  	v36 =	vld [tilespmem:$0x95E0];
	v15 =	vadd.f32 $3.333333430e-01, v15;
	v23 =	vadd.f32 $3.333333430e-01, v23  }
0x34d: {  	v37 =	vld [tilespmem:$0x9600];
	v19 =	vadd.f32 v22, v19;
	v54 =	vadd.f32 $1.000000000e+00, v26  }
0x34e: {  	v7 =	vld [tilespmem:$0x93E0];
	v45 =	vadd.f32 v42, v16;
	v16 =	vadd.f32 v48, v46;
	v23 =	vmul.f32 v23, v33  }
0x34f: {  	v55 =	vld [tilespmem:$0x9480];
	v17 =	vadd.f32 v40, v39;
	v18 =	vadd.f32 v34, v63;
	(erf) = vrcp.f32 v54  }
0x350: {  	v62 =	vld [tilespmem:$0x9560];
	v15 =	vmul.f32 v15, v60;
	v12 =	vadd.f32 v12, v12;
	v23 =	vadd.f32 $1.000000000e+00, v23  }
0x351: {  	v53 =	vld [tilespmem:$0x9460];
	v16 =	vadd.f32 v28, v16;
	v13 =	vadd.f32 v13, v17  }
0x352: {  	v56 =	vld [tilespmem:$0x94A0];
	v15 =	vadd.f32 $1.000000000e+00, v15;
	v10 =	vadd.f32 v10, v18;
	v12 =	vmul.f32 v23, v12  }
0x353: {  	v11 =	vld [tilespmem:$0x9420];
	v4 =	vmax.f32 v4, $0.0e+00;
	v8 =	vadd.f32 v9, v8;
	v13 =	vadd.f32 v16, v13  }
0x354: {  	v38 =	vld [tilespmem:$0x9620];
	v3 =	vmul.f32 v15, v3;
	v10 =	vadd.f32 v10, v19;
	v4 =	vadd.f32 v12, v4  }
0x355: {  	v0 =	vmax.f32 v0, $0.0e+00;
	v43 =	vld [tilespmem:$0x9680];
	v8 =	vadd.f32 v8, v45  }
0x356: {  	v44 =	vld [tilespmem:$0x96A0];
	v0 =	vadd.f32 v3, v0;
	v10 =	vadd.f32 v13, v10;
	v4 =	vmul.f32 v47, v4  }
0x357: {  	v1 =	vbroadcast v1, $0xF;
	v49 =	vld [tilespmem:$0x9700];
	v8 =	vmul.f32 v47, v8;
	v33 =	vadd.f32 $-1.000000000e+00, v26  }
0x358: {  	v25 =	vadd.f32 v55, v53;
	v55 =	vld [tilespmem:$0x9780];
	v10 =	vmul.f32 v47, v10;
	v35 =	vpop (erf);
	v4 =	vmul.f32 v4, v0  }
0x359: {  	v61 =	vld [tilespmem:$0x9540];
	v15 =	vmul.f32 v35, v33  }
0x35a: {  	v32 =	vld [tilespmem:$0x95A0];
	v8 =	vadd.f32 v8, v1;
	v4 =	vmul.f32 v4, v10  }
0x35b: {  	v60 =	vld [tilespmem:$0x9520];
	v39 =	vmul.f32 v15, v15  }
0x35c: {  	v48 =	vld [tilespmem:$0x96E0];
	v4 =	vadd.f32 v4, v8  }
0x35d: {  	v45 =	vld [tilespmem:$0x96C0];
	v42 =	vmul.f32 $1.111111120e-01, v39  }
0x35e: {  	v5 =	vadd.f32 v6, v5;
	v63 =	vld [tilespmem:$0x9580];
	[tilespmem:$0x9790] =	vst v4  }
0x35f: {  	v7 =	vadd.f32 v21, v7;
	v26 =	vadd.f32 $1.428571490e-01, v42;
	v4 =	vld [tilespmem:s3+$0x25E0]  }
0x360: {  	v11 =	vadd.f32 v52, v11;
	v34 =	vld [tilespmem:$0x95C0]  }
0x361: {  	v5 =	vadd.f32 v7, v5;
	v59 =	vld [tilespmem:$0x9500];
	v46 =	vmul.f32 v26, v39  }
0x362: {  	v52 =	vld [tilespmem:$0x9740];
	v51 =	vadd.f32 v25, v11;
	v9 =	vadd.f32 v61, v60  }
0x363: {  	v3 =	vadd.f32 v63, v62;
	v50 =	vld [tilespmem:$0x9720];
	v21 =	vadd.f32 $2.000000030e-01, v46  }
0x364: {  	v5 =	vadd.f32 v51, v5;
	v40 =	vld [tilespmem:$0x9640];
	v6 =	vadd.f32 v45, v44;
	v4 =	vcvt.s32.f32 v4  }
0x365: {  	v13 =	vadd.f32 v34, v32;
	v3 =	vadd.f32 v3, v9;
	v41 =	vld [tilespmem:$0x9660];
	v53 =	vmul.f32 v21, v39  }
0x366: {  	v18 =	vadd.f32 v59, v58;
	v58 =	vadd.f32 v49, v48;
	v54 =	vld [tilespmem:$0x9760];
	v4 =	vmax.f32 v4, $1.000000000e+00  }
0x367: {  	v47 =	vadd.f32 v57, v56;
	v56 =	vadd.f32 $3.333333430e-01, v53;
	(erf) = vrcp.f32 v4  }
0x368: {  	v11 =	vadd.f32 v52, v50;
	v57 =	vadd.f32 v37, v36  }
0x369: {  	v18 =	vadd.f32 v18, v47;
	v10 =	vadd.f32 v40, v38;
	v7 =	vmul.f32 v56, v39  }
0x36a: {  	v15 =	vadd.f32 v15, v15;
	v8 =	vadd.f32 v43, v41  }
0x36b: {  	v4 =	vadd.f32 v55, v54;
	v7 =	vadd.f32 $1.000000000e+00, v7  }
0x36c: {  	v59 =	vadd.f32 v57, v13;
	v8 =	vadd.f32 v8, v10  }
0x36d: {  	v6 =	vadd.f32 v58, v6;
	v4 =	vadd.f32 v4, v11;
	v7 =	vmul.f32 v7, v15  }
0x36e: {  	v2 =	vmax.f32 v2, $0.0e+00;
	v3 =	vadd.f32 v3, v18;
	v60 =	vadd.f32 v8, v59  }
0x36f: {  	v4 =	vadd.f32 v4, v6;
	v2 =	vadd.f32 v7, v2  }
0x370: {  	v3 =	vadd.f32 v3, v5;
	v61 =	vpop (erf)  }
0x371: {  	v4 =	vadd.f32 v4, v60;
	v2 =	vmul.f32 v61, v2  }
0x372: {  	v62 =	vmul.f32 v61, v3  }
0x373: {  	v63 =	vmul.f32 v61, v4;
	v0 =	vmul.f32 v2, v0;
	_ =	sdelay $0x1  }
0x374: {  	v1 =	vadd.f32 v62, v1;
	v0 =	vmul.f32 v0, v63;
	_ =	sdelay $0x1  }
0x375: {  	v0 =	vadd.f32 v0, v1;
	_ =	sdelay $0x1  }
0x376: {  	s29 =	simm.s32 $0x0;
	s30 =	simm.s32 $0x9790;
	s31 =	simm.s32 $0x2;
	[tilespmem:$0x97A0] =	vst v0  }
0x377: {  	[hbm4b:s7+s29] =	stream.linear.scatter [tilespmem:s30], [sflag:$0x2], $0x20, $0x38;
	[tilespmem:$0x9DB0] =	vst v63  }
0x378: {  	_ =	swait.ge [sflag:s31], $0x20  }
0x379: {  	[sflag:s31] =	ssyncset.done $0x0  }
0x37a: {  	[sflag:s31] =	ssyncadd.s32 $0xFFFFFFE0  }
0x37b: {  	_ =	sfence.sel $0x180000  }
0x37c: {  	[bflag:$0x0] =	sbarrier.arrive $0xFFFF  }
0x37d: {  	_ =	strace $0x90000047  }
0x37e: {  	[bflag:$0x2] =	sbarrier.arrive $0xFFFF  }
0x37f: {  	p0 =	sne.s32 s1, $0x0;
	s0 =	rddreg [dreg:$0xa]  }
0x380: {  	s0 =	sadd.s32 @!p0 $0x100000, s0  }
0x381: {  	[sflag:s0] =	ssyncadd.tile.s32 @!p0 $0x1;
	_ =	shalt  }
.Lfunc_end2:
_tile_overlayer_lowered:
.L_overlay_start_2:
0x382: {  	(tag) =	ssettag $0x2  }
0x383: {  	s0 =	rddreg [dreg:$0x0];
	s2 =	stileid.u32  }
0x384: {  	s1 =	rddreg [dreg:$0x1];
	p0 =	sne.s32 s2, $0x0  }
0x385: {  	s3 =	rddreg [dreg:$0x2];
	[bflag:$0x3] =	sbarrier.arrive $0xFFFF;
	s2 =	simm.s32 @!p0 $0x1C03  }
0x386: {  	[timem:s3], [sflag:s2] =	dma.local @!p0 [hbm:s0], s1  }
0x387: {  	s0 =	simm.s32 @!p0 $0x3  }
0x388: {  	_ =	swait.ge @!p0 [sflag:s0], s1  }
0x389: {  	s1 =	ssub.s32 @!p0 $0x0, s1;
	[sflag:s0] =	ssyncset.done @!p0 $0x0  }
0x38a: {  	[sflag:s0] =	ssyncadd.s32 @!p0 s1  }
0x38b: {  	[bflag:$0x3] =	sbarrier.arrive $0xFFFF  }
0x38c: {  	_ =	shalt  }

</sc_bundles>
